<compile_context>
chip_gen: v7x
topology: tpu7x:2x2x1
jax: 0.10.2.dev20260603
libtpu: 0.0.44.dev20260713+nightly
codegen_flags: <defaults>
</compile_context>

<pallas_src>
import functools

import jax
import jax.numpy as jnp
from jax import lax
from jax.experimental import pallas as pl
from jax.experimental.pallas import tpu as pltpu
from jax.experimental.pallas import tpu_sc as plsc

N = 10000
D = 128
H = 128
E = 320000

NC = 2
NS = 16
K = 96
G = 9
NG = 12
CHUNKS = NG * G
EPAD = NC * NS * CHUNKS * K
TRASH = N
NPAD = 10112
STRIPE = NPAD // NS
NPAD_D = 10240
STRIPE_D = NPAD_D // NS

_mesh = plsc.VectorSubcoreMesh(core_axis_name="c", subcore_axis_name="s")

def _zero_tile_rows(buf):
    z16 = jnp.zeros((16,), jnp.float32)

    @pl.loop(0, buf.shape[0])
    def _(r):
        @pl.loop(0, buf.shape[1] // 16)
        def _(c):
            buf[r, pl.ds(c * 16, 16)] = z16


@functools.partial(
    pl.kernel,
    out_type=jax.ShapeDtypeStruct((NC, NPAD_D), jnp.float32),
    mesh=_mesh,
    scratch_types=[
        pltpu.VMEM((CHUNKS, K), jnp.int32),
        pltpu.VMEM((K,), jnp.float32),
        pltpu.VMEM((STRIPE_D,), jnp.float32),
        pltpu.VMEM_SHARED((NPAD_D,), jnp.float32),
    ],
)
def _sc_deg(dsts_hbm, out_hbm, dst_v, ones_v, zb_v, acc_sh):
    cid = lax.axis_index("c")
    sid = lax.axis_index("s")
    pltpu.sync_copy(dsts_hbm.at[cid, sid], dst_v)

    one16 = jnp.ones((16,), jnp.float32)
    z16 = jnp.zeros((16,), jnp.float32)

    @pl.loop(0, K // 16)
    def _(i):
        ones_v[pl.ds(i * 16, 16)] = one16

    @pl.loop(0, STRIPE_D // 16)
    def _(i):
        zb_v[pl.ds(i * 16, 16)] = z16

    pltpu.sync_copy(zb_v, acc_sh.at[pl.ds(sid * STRIPE_D, STRIPE_D)])
    plsc.subcore_barrier()

    @pl.loop(0, CHUNKS)
    def _(j):
        pltpu.sync_copy(ones_v, acc_sh.at[dst_v.at[j]], add=True)

    plsc.subcore_barrier()
    pltpu.sync_copy(
        acc_sh.at[pl.ds(sid * STRIPE_D, STRIPE_D)],
        out_hbm.at[cid, pl.ds(sid * STRIPE_D, STRIPE_D)],
    )


@functools.partial(
    pl.kernel,
    out_type=jax.ShapeDtypeStruct((NC, NPAD, H), jnp.float32),
    mesh=_mesh,
    scratch_types=[
        pltpu.VMEM((G, 2, K), jnp.int32),
        pltpu.VMEM((G, 2, K), jnp.int32),
        pltpu.VMEM((K, H), jnp.float32),
        pltpu.VMEM((K, H), jnp.float32),
        pltpu.VMEM((K, H), jnp.float32),
        pltpu.VMEM_SHARED((NPAD, H), jnp.float32),
        pltpu.SemaphoreType.DMA,
        pltpu.SemaphoreType.DMA,
        pltpu.SemaphoreType.DMA,
        pltpu.SemaphoreType.DMA,
    ],
)
def _sc_agg(y_hbm, idx_hbm, out_hbm, ig_a, ig_b, rows_a, rows_b, rows_c,
            acc_sh, sem_a, sem_b, sem_c, sem_ig):
    cid = lax.axis_index("c")
    sid = lax.axis_index("s")

    _zero_tile_rows(rows_a)

    @pl.loop(0, STRIPE // K)
    def _(i):
        pltpu.sync_copy(rows_a, acc_sh.at[pl.ds(sid * STRIPE + i * K, K)])

    pltpu.sync_copy(
        rows_a.at[pl.ds(0, STRIPE % K)],
        acc_sh.at[pl.ds(sid * STRIPE + (STRIPE // K) * K, STRIPE % K)],
    )
    plsc.subcore_barrier()

    dummy_rows = y_hbm.at[pl.ds(0, K)]
    dummy_ig = idx_hbm.at[cid, sid, 0]
    bufs = (rows_a, rows_b, rows_c)
    sems = (sem_a, sem_b, sem_c)

    pltpu.sync_copy(idx_hbm.at[cid, sid, 0], ig_a)
    pltpu.async_copy(y_hbm.at[ig_a.at[0, 0]], rows_a, sem_a)
    pltpu.async_copy(y_hbm.at[ig_a.at[1, 0]], rows_b, sem_b)

    def group_body(g, cur, nxt):
        pltpu.async_copy(
            idx_hbm.at[cid, sid, jnp.minimum(g + 1, NG - 1)], nxt, sem_ig)
        for i in range(G):
            if i == G - 2:
                pltpu.make_async_copy(dummy_ig, nxt, sem_ig).wait()
            nxt_idx = cur.at[i + 2, 0] if i + 2 < G else nxt.at[i + 2 - G, 0]
            buf, fbuf = bufs[i % 3], bufs[(i + 2) % 3]
            pltpu.make_async_copy(dummy_rows, buf, sems[i % 3]).wait()
            pltpu.async_copy(y_hbm.at[nxt_idx], fbuf, sems[(i + 2) % 3])
            pltpu.sync_copy(buf, acc_sh.at[cur.at[i, 1]], add=True)

    @pl.loop(0, NG // 2)
    def _(p):
        group_body(p * 2, ig_a, ig_b)
        group_body(p * 2 + 1, ig_b, ig_a)

    pltpu.make_async_copy(dummy_rows, rows_a, sem_a).wait()
    pltpu.make_async_copy(dummy_rows, rows_b, sem_b).wait()

    plsc.subcore_barrier()
    pltpu.sync_copy(
        acc_sh.at[pl.ds(sid * STRIPE, STRIPE)],
        out_hbm.at[cid, pl.ds(sid * STRIPE, STRIPE)],
    )



BM = 2048
GRID = (N + BM - 1) // BM


def _tc_mm_kernel(x_ref, w_ref, o_ref):
    o_ref[...] = jnp.dot(x_ref[...], w_ref[...],
                         preferred_element_type=jnp.float32)


def _tc_scale_kernel(degp_ref, z_ref, y_ref, dinv_ref):
    d = degp_ref[...]
    dv = lax.rsqrt(d[0:1, :] + d[1:2, :] + 1.0)
    dcol = jnp.transpose(dv, (1, 0))
    dinv_ref[...] = dcol
    y_ref[...] = dcol * z_ref[...]


def _tc_layer_kernel(dinv_ref, a0_ref, a1_ref, y_ref, b_ref, w_ref, o_ref):
    dinv = dinv_ref[...]
    h = jnp.maximum(dinv * (a0_ref[0] + a1_ref[0] + y_ref[...])
                    + b_ref[...], 0.0)
    o_ref[...] = dinv * jnp.dot(h, w_ref[...],
                                preferred_element_type=jnp.float32)


def _tc_head_kernel(dinv_ref, a0_ref, a1_ref, y_ref, b_ref, wl_ref, bl_ref,
                    o_ref):
    dinv = dinv_ref[...]
    h = jnp.maximum(dinv * (a0_ref[0] + a1_ref[0] + y_ref[...])
                    + b_ref[...], 0.0)
    o_ref[...] = jnp.dot(h, wl_ref[...],
                         preferred_element_type=jnp.float32) + bl_ref[...]


def _tc_mm(x, w):
    return pl.pallas_call(
        _tc_mm_kernel,
        grid=(GRID,),
        in_specs=[
            pl.BlockSpec((BM, D), lambda i: (i, 0)),
            pl.BlockSpec((D, H), lambda i: (0, 0)),
        ],
        out_specs=pl.BlockSpec((BM, H), lambda i: (i, 0)),
        out_shape=jax.ShapeDtypeStruct((N, H), jnp.float32),
    )(x, w)


def _tc_scale(degp, z):
    return pl.pallas_call(
        _tc_scale_kernel,
        grid=(GRID,),
        in_specs=[
            pl.BlockSpec((2, BM), lambda i: (0, i)),
            pl.BlockSpec((BM, H), lambda i: (i, 0)),
        ],
        out_specs=[
            pl.BlockSpec((BM, H), lambda i: (i, 0)),
            pl.BlockSpec((BM, 1), lambda i: (i, 0)),
        ],
        out_shape=[
            jax.ShapeDtypeStruct((N, H), jnp.float32),
            jax.ShapeDtypeStruct((N, 1), jnp.float32),
        ],
    )(degp, z)


def _acc_specs():
    return [
        pl.BlockSpec((1, BM, H), lambda i: (0, i, 0)),
        pl.BlockSpec((1, BM, H), lambda i: (1, i, 0)),
    ]


def _tc_layer(dinv, acc, y, b, w):
    return pl.pallas_call(
        _tc_layer_kernel,
        grid=(GRID,),
        in_specs=[pl.BlockSpec((BM, 1), lambda i: (i, 0))] + _acc_specs() + [
            pl.BlockSpec((BM, H), lambda i: (i, 0)),
            pl.BlockSpec((1, H), lambda i: (0, 0)),
            pl.BlockSpec((H, H), lambda i: (0, 0)),
        ],
        out_specs=pl.BlockSpec((BM, H), lambda i: (i, 0)),
        out_shape=jax.ShapeDtypeStruct((N, H), jnp.float32),
    )(dinv, acc, acc, y, b.reshape(1, H), w)


def _tc_head(dinv, acc, y, b, wl, bl):
    no = wl.shape[1]
    return pl.pallas_call(
        _tc_head_kernel,
        grid=(GRID,),
        in_specs=[pl.BlockSpec((BM, 1), lambda i: (i, 0))] + _acc_specs() + [
            pl.BlockSpec((BM, H), lambda i: (i, 0)),
            pl.BlockSpec((1, H), lambda i: (0, 0)),
            pl.BlockSpec((H, no), lambda i: (0, 0)),
            pl.BlockSpec((1, no), lambda i: (0, 0)),
        ],
        out_specs=pl.BlockSpec((BM, no), lambda i: (i, 0)),
        out_shape=jax.ShapeDtypeStruct((N, no), jnp.float32),
    )(dinv, acc, acc, y, b.reshape(1, H), wl, bl.reshape(1, no))


def kernel(x, edge_index, edge_attr, W1, b1, W2, b2, Wl, bl):
    src = edge_index[0]
    dst = edge_index[1]
    pad = EPAD - E
    ar = jnp.arange(pad, dtype=jnp.int32)
    srcp = jnp.concatenate([src, ar % N])
    srcp = srcp.reshape(NC, NS, CHUNKS, K)
    dstp = jnp.concatenate([dst, TRASH + ar % (NPAD - TRASH)])
    dstp = dstp.reshape(NC, NS, CHUNKS, K)
    pairs = jnp.stack([srcp, dstp], axis=3)
    pairs = pairs.reshape(NC, NS, NG, G, 2, K)

    degp = _sc_deg(dstp)
    z1 = _tc_mm(x, W1)
    y1, dinv = _tc_scale(degp, z1)
    acc1 = _sc_agg(y1, pairs)
    y2 = _tc_layer(dinv, acc1, y1, b1, W2)
    acc2 = _sc_agg(y2, pairs)
    out = _tc_head(dinv, acc2, y2, b2, Wl, bl)
    return out

# --- scband reference (transcript-rebuilt; emitter-appended) ---
"""Pipeline reference for scband-gnnmodel-7155415515616 (READ-ONLY COPY).

The authoritative reference and input builder live on the scoring server;
editing this copy changes nothing except your own understanding.
"""

import jax, jax.numpy as jnp
import numpy as np

N = 10000
E = 320000
D = 128
H = 128


def _gcn_conv(x, src, dst, W, b, n):
    # GCNConv: x' = D^{-1/2} (A + I) D^{-1/2} X W + b (self-loops already in src/dst)
    xw = x @ W
    deg = jax.ops.segment_sum(jnp.ones_like(src, dtype=x.dtype), dst, num_segments=n)
    dinv = jnp.where(deg > 0, 1.0 / jnp.sqrt(deg), 0.0)
    norm = dinv[src] * dinv[dst]
    msg = xw[src] * norm[:, None]
    return jax.ops.segment_sum(msg, dst, num_segments=n) + b


def setup_inputs(seed: int = 0) -> dict:
    key = jax.random.key(seed)
    ks = jax.random.split(key, 10)
    x = jax.random.normal(ks[0], (N, D), dtype=jnp.float32)
    edge_index = jax.random.randint(ks[1], (2, E), 0, N, dtype=jnp.int32)
    edge_attr = jax.random.normal(ks[2], (E, 4), dtype=jnp.float32)
    W1 = jax.random.normal(ks[3], (D, H), dtype=jnp.float32) * (1.0 / np.sqrt(D))
    b1 = jnp.zeros((H,), dtype=jnp.float32)
    W2 = jax.random.normal(ks[4], (H, H), dtype=jnp.float32) * (1.0 / np.sqrt(H))
    b2 = jnp.zeros((H,), dtype=jnp.float32)
    Wl = jax.random.normal(ks[5], (H, 2), dtype=jnp.float32) * (1.0 / np.sqrt(H))
    bl = jnp.zeros((2,), dtype=jnp.float32)
    return {"x": x, "edge_index": edge_index, "edge_attr": edge_attr,
            "W1": W1, "b1": b1, "W2": W2, "b2": b2, "Wl": Wl, "bl": bl}


def reference(x, edge_index, edge_attr, W1, b1, W2, b2, Wl, bl):
    n = x.shape[0]
    loop = jnp.arange(n, dtype=edge_index.dtype)
    src = jnp.concatenate([edge_index[0], loop])
    dst = jnp.concatenate([edge_index[1], loop])
    h = _gcn_conv(x, src, dst, W1, b1, n)
    h = jax.nn.relu(h)
    h = _gcn_conv(h, src, dst, W2, b2, n)
    h = jax.nn.relu(h)
    out = h @ Wl + bl
    return out

if __name__ == "__main__":
    import jax
    _d = setup_inputs()
    print(jax.jit(kernel)(*tuple(_d.values())))

</pallas_src>

<mosaic_0001>
#map = affine_map<(d0, d1) -> (0, 0, 0, 0)>
#map1 = affine_map<(d0, d1) -> (0, 0)>
module attributes {stable_mosaic.version = 14 : i64} {
  func.func @_sc_deg(%arg0: i32, %arg1: i32, %arg2: memref<2x16x108x96xi32, #tpu.memory_space<hbm>>, %arg3: memref<2x10240xf32, #tpu.memory_space<hbm>>, %arg4: memref<108x96xi32, #tpu.memory_space<vmem>>, %arg5: memref<96xf32, #tpu.memory_space<vmem>>, %arg6: memref<640xf32, #tpu.memory_space<vmem>>, %arg7: memref<10240xf32, #tpu.memory_space<vmem_shared>>) attributes {dimension_semantics = [#tpu.dimension_semantics<core_parallel>, #tpu.dimension_semantics<subcore_parallel>], iteration_bounds = array<i64: 2, 16>, scalar_prefetch = 0 : i64, scratch_operands = 4 : i64, tpu.core_type = #tpu.core_type<sc_vector_subcore>, window_params = [{transform_indices = #map}, {transform_indices = #map1}]} {
    "tpu.region"() ({
      %run_scoped3A = tpu.sem_alloc : memref<!tpu.dma_semaphore, #tpu.memory_space<semaphore_mem>>
      %dma_start3A = arith.constant 0 : i32
      %dma_start3A_23 = arith.constant 0 : i32
      %dma_start3A_24 = tpu.memref_slice %arg2[%arg0, %arg1, %dma_start3A, %dma_start3A_23] : memref<2x16x108x96xi32, #tpu.memory_space<hbm>> -> memref<1x1x108x96xi32, #tpu.memory_space<hbm>>
      %dma_start3A_25 = tpu.memref_squeeze %dma_start3A_24 : memref<1x1x108x96xi32, #tpu.memory_space<hbm>> -> memref<108x96xi32, #tpu.memory_space<hbm>>
      %dma_start3A_26 = arith.constant 0 : i32
      %dma_start3A_27 = arith.constant 0 : i32
      %dma_start3A_28 = tpu.memref_slice %arg2[%arg0, %arg1, %dma_start3A_26, %dma_start3A_27] : memref<2x16x108x96xi32, #tpu.memory_space<hbm>> -> memref<1x1x108x96xi32, #tpu.memory_space<hbm>>
      %dma_start3A_29 = tpu.memref_squeeze %dma_start3A_28 : memref<1x1x108x96xi32, #tpu.memory_space<hbm>> -> memref<108x96xi32, #tpu.memory_space<hbm>>
      tpu.enqueue_dma source(%dma_start3A_29 : memref<108x96xi32, #tpu.memory_space<hbm>>) target(%arg4 : memref<108x96xi32, #tpu.memory_space<vmem>>) target_semaphore(%run_scoped3A : memref<!tpu.dma_semaphore, #tpu.memory_space<semaphore_mem>>)
      %dma_wait3A = arith.constant 0 : i32
      %dma_wait3A_30 = arith.constant 0 : i32
      %dma_wait3A_31 = tpu.memref_slice %arg2[%arg0, %arg1, %dma_wait3A, %dma_wait3A_30] : memref<2x16x108x96xi32, #tpu.memory_space<hbm>> -> memref<1x1x108x96xi32, #tpu.memory_space<hbm>>
      %dma_wait3A_32 = tpu.memref_squeeze %dma_wait3A_31 : memref<1x1x108x96xi32, #tpu.memory_space<hbm>> -> memref<108x96xi32, #tpu.memory_space<hbm>>
      %dma_wait3A_33 = arith.constant 0 : i32
      %dma_wait3A_34 = arith.constant 0 : i32
      %dma_wait3A_35 = tpu.memref_slice %arg2[%arg0, %arg1, %dma_wait3A_33, %dma_wait3A_34] : memref<2x16x108x96xi32, #tpu.memory_space<hbm>> -> memref<1x1x108x96xi32, #tpu.memory_space<hbm>>
      %dma_wait3A_36 = tpu.memref_squeeze %dma_wait3A_35 : memref<1x1x108x96xi32, #tpu.memory_space<hbm>> -> memref<108x96xi32, #tpu.memory_space<hbm>>
      tpu.wait_dma2 semaphore(%run_scoped3A : memref<!tpu.dma_semaphore, #tpu.memory_space<semaphore_mem>>) src(%dma_wait3A_36 : memref<108x96xi32, #tpu.memory_space<hbm>>) dst(%arg4 : memref<108x96xi32, #tpu.memory_space<vmem>>)
      tpu.yield
    }) : () -> ()
    %broadcast_in_dim3A = arith.constant 1.000000e+00 : f32
    %broadcast_in_dim3A_0 = vector.broadcast %broadcast_in_dim3A : f32 to vector<16xf32>
    %broadcast_in_dim3A_1 = arith.constant 0.000000e+00 : f32
    %broadcast_in_dim3A_2 = vector.broadcast %broadcast_in_dim3A_1 : f32 to vector<16xf32>
    %scan3A = arith.constant 0 : i32
    %scan3A_3 = arith.constant 6 : i32
    %scan3A_4 = arith.addi %scan3A, %scan3A_3 : i32
    %scan3A_5 = arith.constant 1 : i32
    scf.for %scan3A_23 = %scan3A to %scan3A_4 step %scan3A_5  : i32 {
      %mul3A_24 = arith.constant 1 : i32
      %mul3A_25 = arith.muli %scan3A_23, %mul3A_24 : i32
      %add3A = arith.constant 0 : i32
      %add3A_26 = arith.addi %add3A, %mul3A_25 : i32
      %mul3A_27 = arith.constant 16 : i32
      %mul3A_28 = arith.muli %add3A_26, %mul3A_27 : i32
      %swap3A = arith.index_cast %mul3A_28 : i32 to index
      %swap3A_29 = tpu.vector_load %arg5[%swap3A] {strides = array<i32>} : memref<96xf32, #tpu.memory_space<vmem>>, vector<16xf32>,
      %swap3A_30 = vector.shape_cast %swap3A_29 : vector<16xf32> to vector<16xf32>
      %swap3A_31 = vector.shape_cast %broadcast_in_dim3A_0 : vector<16xf32> to vector<16xf32>
      tpu.vector_store %arg5[%swap3A], %swap3A_31 {strides = array<i32>} : memref<96xf32, #tpu.memory_space<vmem>>, vector<16xf32>,
    }
    %scan3A_6 = arith.constant 6 : i32
    %scan3A_7 = arith.constant 0 : i32
    %scan3A_8 = arith.constant 40 : i32
    %scan3A_9 = arith.addi %scan3A_7, %scan3A_8 : i32
    %scan3A_10 = arith.constant 1 : i32
    scf.for %scan3A_23 = %scan3A_7 to %scan3A_9 step %scan3A_10  : i32 {
      %mul3A_24 = arith.constant 1 : i32
      %mul3A_25 = arith.muli %scan3A_23, %mul3A_24 : i32
      %add3A = arith.constant 0 : i32
      %add3A_26 = arith.addi %add3A, %mul3A_25 : i32
      %mul3A_27 = arith.constant 16 : i32
      %mul3A_28 = arith.muli %add3A_26, %mul3A_27 : i32
      %swap3A = arith.index_cast %mul3A_28 : i32 to index
      %swap3A_29 = tpu.vector_load %arg6[%swap3A] {strides = array<i32>} : memref<640xf32, #tpu.memory_space<vmem>>, vector<16xf32>,
      %swap3A_30 = vector.shape_cast %swap3A_29 : vector<16xf32> to vector<16xf32>
      %swap3A_31 = vector.shape_cast %broadcast_in_dim3A_2 : vector<16xf32> to vector<16xf32>
      tpu.vector_store %arg6[%swap3A], %swap3A_31 {strides = array<i32>} : memref<640xf32, #tpu.memory_space<vmem>>, vector<16xf32>,
    }
    %scan3A_11 = arith.constant 40 : i32
    %mul3A = arith.constant 640 : i32
    %mul3A_12 = arith.muli %arg1, %mul3A : i32
    "tpu.region"() ({
      %run_scoped3A = tpu.sem_alloc : memref<!tpu.dma_semaphore, #tpu.memory_space<semaphore_mem>>
      %dma_start3A = tpu.memref_slice %arg7[%mul3A_12] : memref<10240xf32, #tpu.memory_space<vmem_shared>> -> memref<640xf32, #tpu.memory_space<vmem_shared>>
      %dma_start3A_23 = tpu.memref_slice %arg7[%mul3A_12] : memref<10240xf32, #tpu.memory_space<vmem_shared>> -> memref<640xf32, #tpu.memory_space<vmem_shared>>
      tpu.enqueue_dma source(%arg6 : memref<640xf32, #tpu.memory_space<vmem>>) target(%dma_start3A_23 : memref<640xf32, #tpu.memory_space<vmem_shared>>) target_semaphore(%run_scoped3A : memref<!tpu.dma_semaphore, #tpu.memory_space<semaphore_mem>>)
      %dma_wait3A = tpu.memref_slice %arg7[%mul3A_12] : memref<10240xf32, #tpu.memory_space<vmem_shared>> -> memref<640xf32, #tpu.memory_space<vmem_shared>>
      %dma_wait3A_24 = tpu.memref_slice %arg7[%mul3A_12] : memref<10240xf32, #tpu.memory_space<vmem_shared>> -> memref<640xf32, #tpu.memory_space<vmem_shared>>
      tpu.wait_dma2 semaphore(%run_scoped3A : memref<!tpu.dma_semaphore, #tpu.memory_space<semaphore_mem>>) src(%arg6 : memref<640xf32, #tpu.memory_space<vmem>>) dst(%dma_wait3A_24 : memref<640xf32, #tpu.memory_space<vmem_shared>>)
      tpu.yield
    }) : () -> ()
    %barrier3A = arith.constant 0 : index
    tpu.barrier barrier_id(%barrier3A)
    %scan3A_13 = arith.constant 0 : i32
    %scan3A_14 = arith.constant 108 : i32
    %scan3A_15 = arith.addi %scan3A_13, %scan3A_14 : i32
    %scan3A_16 = arith.constant 1 : i32
    scf.for %scan3A_23 = %scan3A_13 to %scan3A_15 step %scan3A_16  : i32 {
      %mul3A_24 = arith.constant 1 : i32
      %mul3A_25 = arith.muli %scan3A_23, %mul3A_24 : i32
      %add3A = arith.constant 0 : i32
      %add3A_26 = arith.addi %add3A, %mul3A_25 : i32
      "tpu.region"() ({
        %run_scoped3A = tpu.sem_alloc : memref<!tpu.dma_semaphore, #tpu.memory_space<semaphore_mem>>
        %dma_start3A = arith.constant 0 : i32
        %dma_start3A_27 = tpu.memref_slice %arg4[%add3A_26, %dma_start3A] : memref<108x96xi32, #tpu.memory_space<vmem>> -> memref<1x96xi32, #tpu.memory_space<vmem>>
        %dma_start3A_28 = tpu.memref_squeeze %dma_start3A_27 : memref<1x96xi32, #tpu.memory_space<vmem>> -> memref<96xi32, #tpu.memory_space<vmem>>
        %dma_start3A_29 = arith.constant 0 : i32
        %dma_start3A_30 = tpu.memref_slice %arg7[%dma_start3A_29] : memref<10240xf32, #tpu.memory_space<vmem_shared>> -> memref<10240xf32, #tpu.memory_space<vmem_shared>>
        tpu.enqueue_indirect_dma source(%arg5 : memref<96xf32, #tpu.memory_space<vmem>>) target(%dma_start3A_30 : memref<10240xf32, #tpu.memory_space<vmem_shared>>) offsets(%dma_start3A_28 : memref<96xi32, #tpu.memory_space<vmem>>) semaphore(%run_scoped3A : memref<!tpu.dma_semaphore, #tpu.memory_space<semaphore_mem>>) {add = true}
        %dma_wait3A = arith.constant 0 : i32
        %dma_wait3A_31 = tpu.memref_slice %arg4[%add3A_26, %dma_wait3A] : memref<108x96xi32, #tpu.memory_space<vmem>> -> memref<1x96xi32, #tpu.memory_space<vmem>>
        %dma_wait3A_32 = tpu.memref_squeeze %dma_wait3A_31 : memref<1x96xi32, #tpu.memory_space<vmem>> -> memref<96xi32, #tpu.memory_space<vmem>>
        %dma_wait3A_33 = arith.constant 0 : i32
        %dma_wait3A_34 = tpu.memref_slice %arg7[%dma_wait3A_33] : memref<10240xf32, #tpu.memory_space<vmem_shared>> -> memref<10240xf32, #tpu.memory_space<vmem_shared>>
        tpu.wait_indirect_dma semaphore(%run_scoped3A : memref<!tpu.dma_semaphore, #tpu.memory_space<semaphore_mem>>) src(%arg5 : memref<96xf32, #tpu.memory_space<vmem>>) dst(%dma_wait3A_34 : memref<10240xf32, #tpu.memory_space<vmem_shared>>)
        tpu.yield
      }) : () -> ()
    }
    %scan3A_17 = arith.constant 108 : i32
    %barrier3A_18 = arith.constant 0 : index
    tpu.barrier barrier_id(%barrier3A_18)
    %mul3A_19 = arith.constant 640 : i32
    %mul3A_20 = arith.muli %arg1, %mul3A_19 : i32
    %mul3A_21 = arith.constant 640 : i32
    %mul3A_22 = arith.muli %arg1, %mul3A_21 : i32
    "tpu.region"() ({
      %run_scoped3A = tpu.sem_alloc : memref<!tpu.dma_semaphore, #tpu.memory_space<semaphore_mem>>
      %dma_start3A = tpu.memref_slice %arg3[%arg0, %mul3A_22] : memref<2x10240xf32, #tpu.memory_space<hbm>> -> memref<1x640xf32, #tpu.memory_space<hbm>>
      %dma_start3A_23 = tpu.memref_squeeze %dma_start3A : memref<1x640xf32, #tpu.memory_space<hbm>> -> memref<640xf32, #tpu.memory_space<hbm>>
      %dma_start3A_24 = tpu.memref_slice %arg7[%mul3A_20] : memref<10240xf32, #tpu.memory_space<vmem_shared>> -> memref<640xf32, #tpu.memory_space<vmem_shared>>
      tpu.enqueue_dma source(%dma_start3A_24 : memref<640xf32, #tpu.memory_space<vmem_shared>>) target(%dma_start3A_23 : memref<640xf32, #tpu.memory_space<hbm>>) target_semaphore(%run_scoped3A : memref<!tpu.dma_semaphore, #tpu.memory_space<semaphore_mem>>)
      %dma_wait3A = tpu.memref_slice %arg3[%arg0, %mul3A_22] : memref<2x10240xf32, #tpu.memory_space<hbm>> -> memref<1x640xf32, #tpu.memory_space<hbm>>
      %dma_wait3A_25 = tpu.memref_squeeze %dma_wait3A : memref<1x640xf32, #tpu.memory_space<hbm>> -> memref<640xf32, #tpu.memory_space<hbm>>
      %dma_wait3A_26 = tpu.memref_slice %arg7[%mul3A_20] : memref<10240xf32, #tpu.memory_space<vmem_shared>> -> memref<640xf32, #tpu.memory_space<vmem_shared>>
      tpu.wait_dma2 semaphore(%run_scoped3A : memref<!tpu.dma_semaphore, #tpu.memory_space<semaphore_mem>>) src(%dma_wait3A_26 : memref<640xf32, #tpu.memory_space<vmem_shared>>) dst(%dma_wait3A_25 : memref<640xf32, #tpu.memory_space<hbm>>)
      tpu.yield
    }) : () -> ()
    return
  }
}

#map = affine_map<(d0, d1) -> (0, 0)>
#map1 = affine_map<(d0, d1) -> (0, 0, 0, 0, 0, 0)>
#map2 = affine_map<(d0, d1) -> (0, 0, 0)>
module attributes {stable_mosaic.version = 14 : i64} {
  func.func @_sc_agg(%arg0: i32, %arg1: i32, %arg2: memref<10000x128xf32, #tpu.memory_space<hbm>>, %arg3: memref<2x16x12x9x2x96xi32, #tpu.memory_space<hbm>>, %arg4: memref<2x10112x128xf32, #tpu.memory_space<hbm>>, %arg5: memref<9x2x96xi32, #tpu.memory_space<vmem>>, %arg6: memref<9x2x96xi32, #tpu.memory_space<vmem>>, %arg7: memref<96x128xf32, #tpu.memory_space<vmem>>, %arg8: memref<96x128xf32, #tpu.memory_space<vmem>>, %arg9: memref<96x128xf32, #tpu.memory_space<vmem>>, %arg10: memref<10112x128xf32, #tpu.memory_space<vmem_shared>>, %arg11: memref<!tpu.dma_semaphore, #tpu.memory_space<semaphore_mem>>, %arg12: memref<!tpu.dma_semaphore, #tpu.memory_space<semaphore_mem>>, %arg13: memref<!tpu.dma_semaphore, #tpu.memory_space<semaphore_mem>>, %arg14: memref<!tpu.dma_semaphore, #tpu.memory_space<semaphore_mem>>) attributes {dimension_semantics = [#tpu.dimension_semantics<core_parallel>, #tpu.dimension_semantics<subcore_parallel>], iteration_bounds = array<i64: 2, 16>, scalar_prefetch = 0 : i64, scratch_operands = 10 : i64, tpu.core_type = #tpu.core_type<sc_vector_subcore>, window_params = [{transform_indices = #map}, {transform_indices = #map1}, {transform_indices = #map2}]} {
    %broadcast_in_dim3A = arith.constant 0.000000e+00 : f32
    %broadcast_in_dim3A_0 = vector.broadcast %broadcast_in_dim3A : f32 to vector<16xf32>
    %scan3A = arith.constant 0 : i32
    %scan3A_1 = arith.constant 96 : i32
    %scan3A_2 = arith.addi %scan3A, %scan3A_1 : i32
    %scan3A_3 = arith.constant 1 : i32
    scf.for %scan3A_49 = %scan3A to %scan3A_2 step %scan3A_3  : i32 {
      %mul3A_50 = arith.constant 1 : i32
      %mul3A_51 = arith.muli %scan3A_49, %mul3A_50 : i32
      %add3A_52 = arith.constant 0 : i32
      %add3A_53 = arith.addi %add3A_52, %mul3A_51 : i32
      %scan3A_54 = arith.constant 0 : i32
      %scan3A_55 = arith.constant 8 : i32
      %scan3A_56 = arith.addi %scan3A_54, %scan3A_55 : i32
      %scan3A_57 = arith.constant 1 : i32
      scf.for %scan3A_59 = %scan3A_54 to %scan3A_56 step %scan3A_57  : i32 {
        %mul3A_60 = arith.constant 1 : i32
        %mul3A_61 = arith.muli %scan3A_59, %mul3A_60 : i32
        %add3A_62 = arith.constant 0 : i32
        %add3A_63 = arith.addi %add3A_62, %mul3A_61 : i32
        %mul3A_64 = arith.constant 16 : i32
        %mul3A_65 = arith.muli %add3A_63, %mul3A_64 : i32
        %swap3A = arith.index_cast %add3A_53 : i32 to index
        %swap3A_66 = arith.index_cast %mul3A_65 : i32 to index
        %swap3A_67 = tpu.vector_load %arg7[%swap3A, %swap3A_66] {strides = array<i32>} : memref<96x128xf32, #tpu.memory_space<vmem>>, vector<1x16xf32>,
        %swap3A_68 = vector.shape_cast %swap3A_67 : vector<1x16xf32> to vector<16xf32>
        %swap3A_69 = vector.shape_cast %broadcast_in_dim3A_0 : vector<16xf32> to vector<1x16xf32>
        tpu.vector_store %arg7[%swap3A, %swap3A_66], %swap3A_69 {strides = array<i32>} : memref<96x128xf32, #tpu.memory_space<vmem>>, vector<1x16xf32>,
      }
      %scan3A_58 = arith.constant 8 : i32
    }
    %scan3A_4 = arith.constant 96 : i32
    %scan3A_5 = arith.constant 0 : i32
    %scan3A_6 = arith.constant 6 : i32
    %scan3A_7 = arith.addi %scan3A_5, %scan3A_6 : i32
    %scan3A_8 = arith.constant 1 : i32
    scf.for %scan3A_49 = %scan3A_5 to %scan3A_7 step %scan3A_8  : i32 {
      %mul3A_50 = arith.constant 1 : i32
      %mul3A_51 = arith.muli %scan3A_49, %mul3A_50 : i32
      %add3A_52 = arith.constant 0 : i32
      %add3A_53 = arith.addi %add3A_52, %mul3A_51 : i32
      %mul3A_54 = arith.constant 632 : i32
      %mul3A_55 = arith.muli %arg1, %mul3A_54 : i32
      %mul3A_56 = arith.constant 96 : i32
      %mul3A_57 = arith.muli %add3A_53, %mul3A_56 : i32
      %add3A_58 = arith.addi %mul3A_55, %mul3A_57 : i32
      "tpu.region"() ({
        %run_scoped3A_59 = tpu.sem_alloc : memref<!tpu.dma_semaphore, #tpu.memory_space<semaphore_mem>>
        %dma_start3A_60 = arith.constant 0 : i32
        %dma_start3A_61 = tpu.memref_slice %arg10[%add3A_58, %dma_start3A_60] : memref<10112x128xf32, #tpu.memory_space<vmem_shared>> -> memref<96x128xf32, #tpu.memory_space<vmem_shared>>
        %dma_start3A_62 = arith.constant 0 : i32
        %dma_start3A_63 = tpu.memref_slice %arg10[%add3A_58, %dma_start3A_62] : memref<10112x128xf32, #tpu.memory_space<vmem_shared>> -> memref<96x128xf32, #tpu.memory_space<vmem_shared>>
        tpu.enqueue_dma source(%arg7 : memref<96x128xf32, #tpu.memory_space<vmem>>) target(%dma_start3A_63 : memref<96x128xf32, #tpu.memory_space<vmem_shared>>) target_semaphore(%run_scoped3A_59 : memref<!tpu.dma_semaphore, #tpu.memory_space<semaphore_mem>>)
        %dma_wait3A_64 = arith.constant 0 : i32
        %dma_wait3A_65 = tpu.memref_slice %arg10[%add3A_58, %dma_wait3A_64] : memref<10112x128xf32, #tpu.memory_space<vmem_shared>> -> memref<96x128xf32, #tpu.memory_space<vmem_shared>>
        %dma_wait3A_66 = arith.constant 0 : i32
        %dma_wait3A_67 = tpu.memref_slice %arg10[%add3A_58, %dma_wait3A_66] : memref<10112x128xf32, #tpu.memory_space<vmem_shared>> -> memref<96x128xf32, #tpu.memory_space<vmem_shared>>
        tpu.wait_dma2 semaphore(%run_scoped3A_59 : memref<!tpu.dma_semaphore, #tpu.memory_space<semaphore_mem>>) src(%arg7 : memref<96x128xf32, #tpu.memory_space<vmem>>) dst(%dma_wait3A_67 : memref<96x128xf32, #tpu.memory_space<vmem_shared>>)
        tpu.yield
      }) : () -> ()
    }
    %scan3A_9 = arith.constant 6 : i32
    %mul3A = arith.constant 632 : i32
    %mul3A_10 = arith.muli %arg1, %mul3A : i32
    %add3A = arith.constant 576 : i32
    %add3A_11 = arith.addi %mul3A_10, %add3A : i32
    "tpu.region"() ({
      %run_scoped3A_49 = tpu.sem_alloc : memref<!tpu.dma_semaphore, #tpu.memory_space<semaphore_mem>>
      %dma_start3A_50 = arith.constant 0 : i32
      %dma_start3A_51 = arith.constant 0 : i32
      %dma_start3A_52 = tpu.memref_slice %arg7[%dma_start3A_50, %dma_start3A_51] : memref<96x128xf32, #tpu.memory_space<vmem>> -> memref<56x128xf32, #tpu.memory_space<vmem>>
      %dma_start3A_53 = arith.constant 0 : i32
      %dma_start3A_54 = tpu.memref_slice %arg10[%add3A_11, %dma_start3A_53] : memref<10112x128xf32, #tpu.memory_space<vmem_shared>> -> memref<56x128xf32, #tpu.memory_space<vmem_shared>>
      %dma_start3A_55 = arith.constant 0 : i32
      %dma_start3A_56 = tpu.memref_slice %arg10[%add3A_11, %dma_start3A_55] : memref<10112x128xf32, #tpu.memory_space<vmem_shared>> -> memref<56x128xf32, #tpu.memory_space<vmem_shared>>
      %dma_start3A_57 = arith.constant 0 : i32
      %dma_start3A_58 = arith.constant 0 : i32
      %dma_start3A_59 = tpu.memref_slice %arg7[%dma_start3A_57, %dma_start3A_58] : memref<96x128xf32, #tpu.memory_space<vmem>> -> memref<56x128xf32, #tpu.memory_space<vmem>>
      tpu.enqueue_dma source(%dma_start3A_59 : memref<56x128xf32, #tpu.memory_space<vmem>>) target(%dma_start3A_56 : memref<56x128xf32, #tpu.memory_space<vmem_shared>>) target_semaphore(%run_scoped3A_49 : memref<!tpu.dma_semaphore, #tpu.memory_space<semaphore_mem>>)
      %dma_wait3A_60 = arith.constant 0 : i32
      %dma_wait3A_61 = arith.constant 0 : i32
      %dma_wait3A_62 = tpu.memref_slice %arg7[%dma_wait3A_60, %dma_wait3A_61] : memref<96x128xf32, #tpu.memory_space<vmem>> -> memref<56x128xf32, #tpu.memory_space<vmem>>
      %dma_wait3A_63 = arith.constant 0 : i32
      %dma_wait3A_64 = tpu.memref_slice %arg10[%add3A_11, %dma_wait3A_63] : memref<10112x128xf32, #tpu.memory_space<vmem_shared>> -> memref<56x128xf32, #tpu.memory_space<vmem_shared>>
      %dma_wait3A_65 = arith.constant 0 : i32
      %dma_wait3A_66 = tpu.memref_slice %arg10[%add3A_11, %dma_wait3A_65] : memref<10112x128xf32, #tpu.memory_space<vmem_shared>> -> memref<56x128xf32, #tpu.memory_space<vmem_shared>>
      %dma_wait3A_67 = arith.constant 0 : i32
      %dma_wait3A_68 = arith.constant 0 : i32
      %dma_wait3A_69 = tpu.memref_slice %arg7[%dma_wait3A_67, %dma_wait3A_68] : memref<96x128xf32, #tpu.memory_space<vmem>> -> memref<56x128xf32, #tpu.memory_space<vmem>>
      tpu.wait_dma2 semaphore(%run_scoped3A_49 : memref<!tpu.dma_semaphore, #tpu.memory_space<semaphore_mem>>) src(%dma_wait3A_69 : memref<56x128xf32, #tpu.memory_space<vmem>>) dst(%dma_wait3A_66 : memref<56x128xf32, #tpu.memory_space<vmem_shared>>)
      tpu.yield
    }) : () -> ()
    %barrier3A = arith.constant 0 : index
    tpu.barrier barrier_id(%barrier3A)
    %run_scoped3A = arith.constant 0 : i32
    "tpu.region"() ({
      %run_scoped3A_49 = tpu.sem_alloc : memref<!tpu.dma_semaphore, #tpu.memory_space<semaphore_mem>>
      %dma_start3A_50 = arith.constant 0 : i32
      %dma_start3A_51 = arith.constant 0 : i32
      %dma_start3A_52 = arith.constant 0 : i32
      %dma_start3A_53 = tpu.memref_slice %arg3[%arg0, %arg1, %run_scoped3A, %dma_start3A_50, %dma_start3A_51, %dma_start3A_52] : memref<2x16x12x9x2x96xi32, #tpu.memory_space<hbm>> -> memref<1x1x1x9x2x96xi32, #tpu.memory_space<hbm>>
      %dma_start3A_54 = tpu.memref_squeeze %dma_start3A_53 : memref<1x1x1x9x2x96xi32, #tpu.memory_space<hbm>> -> memref<9x2x96xi32, #tpu.memory_space<hbm>>
      %dma_start3A_55 = arith.constant 0 : i32
      %dma_start3A_56 = arith.constant 0 : i32
      %dma_start3A_57 = arith.constant 0 : i32
      %dma_start3A_58 = tpu.memref_slice %arg3[%arg0, %arg1, %run_scoped3A, %dma_start3A_55, %dma_start3A_56, %dma_start3A_57] : memref<2x16x12x9x2x96xi32, #tpu.memory_space<hbm>> -> memref<1x1x1x9x2x96xi32, #tpu.memory_space<hbm>>
      %dma_start3A_59 = tpu.memref_squeeze %dma_start3A_58 : memref<1x1x1x9x2x96xi32, #tpu.memory_space<hbm>> -> memref<9x2x96xi32, #tpu.memory_space<hbm>>
      tpu.enqueue_dma source(%dma_start3A_59 : memref<9x2x96xi32, #tpu.memory_space<hbm>>) target(%arg5 : memref<9x2x96xi32, #tpu.memory_space<vmem>>) target_semaphore(%run_scoped3A_49 : memref<!tpu.dma_semaphore, #tpu.memory_space<semaphore_mem>>)
      %dma_wait3A_60 = arith.constant 0 : i32
      %dma_wait3A_61 = arith.constant 0 : i32
      %dma_wait3A_62 = arith.constant 0 : i32
      %dma_wait3A_63 = tpu.memref_slice %arg3[%arg0, %arg1, %run_scoped3A, %dma_wait3A_60, %dma_wait3A_61, %dma_wait3A_62] : memref<2x16x12x9x2x96xi32, #tpu.memory_space<hbm>> -> memref<1x1x1x9x2x96xi32, #tpu.memory_space<hbm>>
      %dma_wait3A_64 = tpu.memref_squeeze %dma_wait3A_63 : memref<1x1x1x9x2x96xi32, #tpu.memory_space<hbm>> -> memref<9x2x96xi32, #tpu.memory_space<hbm>>
      %dma_wait3A_65 = arith.constant 0 : i32
      %dma_wait3A_66 = arith.constant 0 : i32
      %dma_wait3A_67 = arith.constant 0 : i32
      %dma_wait3A_68 = tpu.memref_slice %arg3[%arg0, %arg1, %run_scoped3A, %dma_wait3A_65, %dma_wait3A_66, %dma_wait3A_67] : memref<2x16x12x9x2x96xi32, #tpu.memory_space<hbm>> -> memref<1x1x1x9x2x96xi32, #tpu.memory_space<hbm>>
      %dma_wait3A_69 = tpu.memref_squeeze %dma_wait3A_68 : memref<1x1x1x9x2x96xi32, #tpu.memory_space<hbm>> -> memref<9x2x96xi32, #tpu.memory_space<hbm>>
      tpu.wait_dma2 semaphore(%run_scoped3A_49 : memref<!tpu.dma_semaphore, #tpu.memory_space<semaphore_mem>>) src(%dma_wait3A_69 : memref<9x2x96xi32, #tpu.memory_space<hbm>>) dst(%arg5 : memref<9x2x96xi32, #tpu.memory_space<vmem>>)
      tpu.yield
    }) : () -> ()
    %dma_start3A = arith.constant 0 : i32
    %dma_start3A_12 = arith.constant 0 : i32
    %dma_start3A_13 = arith.constant 0 : i32
    %dma_start3A_14 = tpu.memref_slice %arg5[%dma_start3A, %dma_start3A_12, %dma_start3A_13] : memref<9x2x96xi32, #tpu.memory_space<vmem>> -> memref<1x1x96xi32, #tpu.memory_space<vmem>>
    %dma_start3A_15 = tpu.memref_squeeze %dma_start3A_14 : memref<1x1x96xi32, #tpu.memory_space<vmem>> -> memref<96xi32, #tpu.memory_space<vmem>>
    %dma_start3A_16 = arith.constant 0 : i32
    %dma_start3A_17 = arith.constant 0 : i32
    %dma_start3A_18 = tpu.memref_slice %arg2[%dma_start3A_16, %dma_start3A_17] : memref<10000x128xf32, #tpu.memory_space<hbm>> -> memref<10000x128xf32, #tpu.memory_space<hbm>>
    tpu.enqueue_indirect_dma source(%dma_start3A_18 : memref<10000x128xf32, #tpu.memory_space<hbm>>) target(%arg7 : memref<96x128xf32, #tpu.memory_space<vmem>>) offsets(%dma_start3A_15 : memref<96xi32, #tpu.memory_space<vmem>>) semaphore(%arg11 : memref<!tpu.dma_semaphore, #tpu.memory_space<semaphore_mem>>)
    %dma_start3A_19 = arith.constant 1 : i32
    %dma_start3A_20 = arith.constant 0 : i32
    %dma_start3A_21 = arith.constant 0 : i32
    %dma_start3A_22 = tpu.memref_slice %arg5[%dma_start3A_19, %dma_start3A_20, %dma_start3A_21] : memref<9x2x96xi32, #tpu.memory_space<vmem>> -> memref<1x1x96xi32, #tpu.memory_space<vmem>>
    %dma_start3A_23 = tpu.memref_squeeze %dma_start3A_22 : memref<1x1x96xi32, #tpu.memory_space<vmem>> -> memref<96xi32, #tpu.memory_space<vmem>>
    %dma_start3A_24 = arith.constant 0 : i32
    %dma_start3A_25 = arith.constant 0 : i32
    %dma_start3A_26 = tpu.memref_slice %arg2[%dma_start3A_24, %dma_start3A_25] : memref<10000x128xf32, #tpu.memory_space<hbm>> -> memref<10000x128xf32, #tpu.memory_space<hbm>>
    tpu.enqueue_indirect_dma source(%dma_start3A_26 : memref<10000x128xf32, #tpu.memory_space<hbm>>) target(%arg8 : memref<96x128xf32, #tpu.memory_space<vmem>>) offsets(%dma_start3A_23 : memref<96xi32, #tpu.memory_space<vmem>>) semaphore(%arg12 : memref<!tpu.dma_semaphore, #tpu.memory_space<semaphore_mem>>)
    %scan3A_27 = arith.constant 0 : i32
    %scan3A_28 = arith.constant 0 : i32
    %scan3A_29 = arith.constant 6 : i32
    %scan3A_30 = arith.addi %scan3A_28, %scan3A_29 : i32
    %scan3A_31 = arith.constant 1 : i32
    scf.for %scan3A_49 = %scan3A_28 to %scan3A_30 step %scan3A_31  : i32 {
      %mul3A_50 = arith.constant 1 : i32
      %mul3A_51 = arith.muli %scan3A_49, %mul3A_50 : i32
      %add3A_52 = arith.constant 0 : i32
      %add3A_53 = arith.addi %add3A_52, %mul3A_51 : i32
      %mul3A_54 = arith.constant 2 : i32
      %mul3A_55 = arith.muli %add3A_53, %mul3A_54 : i32
      %add3A_56 = arith.constant 1 : i32
      %add3A_57 = arith.addi %mul3A_55, %add3A_56 : i32
      %min3A = arith.constant 11 : i32
      %min3A_58 = arith.minsi %add3A_57, %min3A : i32
      %dma_start3A_59 = arith.constant 0 : i32
      %dma_start3A_60 = arith.constant 0 : i32
      %dma_start3A_61 = arith.constant 0 : i32
      %dma_start3A_62 = tpu.memref_slice %arg3[%arg0, %arg1, %min3A_58, %dma_start3A_59, %dma_start3A_60, %dma_start3A_61] : memref<2x16x12x9x2x96xi32, #tpu.memory_space<hbm>> -> memref<1x1x1x9x2x96xi32, #tpu.memory_space<hbm>>
      %dma_start3A_63 = tpu.memref_squeeze %dma_start3A_62 : memref<1x1x1x9x2x96xi32, #tpu.memory_space<hbm>> -> memref<9x2x96xi32, #tpu.memory_space<hbm>>
      %dma_start3A_64 = arith.constant 0 : i32
      %dma_start3A_65 = arith.constant 0 : i32
      %dma_start3A_66 = arith.constant 0 : i32
      %dma_start3A_67 = tpu.memref_slice %arg3[%arg0, %arg1, %min3A_58, %dma_start3A_64, %dma_start3A_65, %dma_start3A_66] : memref<2x16x12x9x2x96xi32, #tpu.memory_space<hbm>> -> memref<1x1x1x9x2x96xi32, #tpu.memory_space<hbm>>
      %dma_start3A_68 = tpu.memref_squeeze %dma_start3A_67 : memref<1x1x1x9x2x96xi32, #tpu.memory_space<hbm>> -> memref<9x2x96xi32, #tpu.memory_space<hbm>>
      tpu.enqueue_dma source(%dma_start3A_68 : memref<9x2x96xi32, #tpu.memory_space<hbm>>) target(%arg6 : memref<9x2x96xi32, #tpu.memory_space<vmem>>) target_semaphore(%arg14 : memref<!tpu.dma_semaphore, #tpu.memory_space<semaphore_mem>>)
      %dma_wait3A_69 = arith.constant 0 : i32
      %dma_wait3A_70 = arith.constant 0 : i32
      %dma_wait3A_71 = tpu.memref_slice %arg2[%dma_wait3A_69, %dma_wait3A_70] : memref<10000x128xf32, #tpu.memory_space<hbm>> -> memref<96x128xf32, #tpu.memory_space<hbm>>
      %dma_wait3A_72 = arith.constant 0 : i32
      %dma_wait3A_73 = arith.constant 0 : i32
      %dma_wait3A_74 = tpu.memref_slice %arg2[%dma_wait3A_72, %dma_wait3A_73] : memref<10000x128xf32, #tpu.memory_space<hbm>> -> memref<96x128xf32, #tpu.memory_space<hbm>>
      tpu.wait_dma2 semaphore(%arg11 : memref<!tpu.dma_semaphore, #tpu.memory_space<semaphore_mem>>) src(%dma_wait3A_74 : memref<96x128xf32, #tpu.memory_space<hbm>>) dst(%arg7 : memref<96x128xf32, #tpu.memory_space<vmem>>)
      %dma_start3A_75 = arith.constant 2 : i32
      %dma_start3A_76 = arith.constant 0 : i32
      %dma_start3A_77 = arith.constant 0 : i32
      %dma_start3A_78 = tpu.memref_slice %arg5[%dma_start3A_75, %dma_start3A_76, %dma_start3A_77] : memref<9x2x96xi32, #tpu.memory_space<vmem>> -> memref<1x1x96xi32, #tpu.memory_space<vmem>>
      %dma_start3A_79 = tpu.memref_squeeze %dma_start3A_78 : memref<1x1x96xi32, #tpu.memory_space<vmem>> -> memref<96xi32, #tpu.memory_space<vmem>>
      %dma_start3A_80 = arith.constant 0 : i32
      %dma_start3A_81 = arith.constant 0 : i32
      %dma_start3A_82 = tpu.memref_slice %arg2[%dma_start3A_80, %dma_start3A_81] : memref<10000x128xf32, #tpu.memory_space<hbm>> -> memref<10000x128xf32, #tpu.memory_space<hbm>>
      tpu.enqueue_indirect_dma source(%dma_start3A_82 : memref<10000x128xf32, #tpu.memory_space<hbm>>) target(%arg9 : memref<96x128xf32, #tpu.memory_space<vmem>>) offsets(%dma_start3A_79 : memref<96xi32, #tpu.memory_space<vmem>>) semaphore(%arg13 : memref<!tpu.dma_semaphore, #tpu.memory_space<semaphore_mem>>)
      %run_scoped3A_83 = arith.constant 0 : i32
      %run_scoped3A_84 = arith.constant 1 : i32
      "tpu.region"() ({
        %run_scoped3A_395 = tpu.sem_alloc : memref<!tpu.dma_semaphore, #tpu.memory_space<semaphore_mem>>
        %dma_start3A_396 = arith.constant 0 : i32
        %dma_start3A_397 = tpu.memref_slice %arg5[%run_scoped3A_83, %run_scoped3A_84, %dma_start3A_396] : memref<9x2x96xi32, #tpu.memory_space<vmem>> -> memref<1x1x96xi32, #tpu.memory_space<vmem>>
        %dma_start3A_398 = tpu.memref_squeeze %dma_start3A_397 : memref<1x1x96xi32, #tpu.memory_space<vmem>> -> memref<96xi32, #tpu.memory_space<vmem>>
        %dma_start3A_399 = arith.constant 0 : i32
        %dma_start3A_400 = arith.constant 0 : i32
        %dma_start3A_401 = tpu.memref_slice %arg10[%dma_start3A_399, %dma_start3A_400] : memref<10112x128xf32, #tpu.memory_space<vmem_shared>> -> memref<10112x128xf32, #tpu.memory_space<vmem_shared>>
        tpu.enqueue_indirect_dma source(%arg7 : memref<96x128xf32, #tpu.memory_space<vmem>>) target(%dma_start3A_401 : memref<10112x128xf32, #tpu.memory_space<vmem_shared>>) offsets(%dma_start3A_398 : memref<96xi32, #tpu.memory_space<vmem>>) semaphore(%run_scoped3A_395 : memref<!tpu.dma_semaphore, #tpu.memory_space<semaphore_mem>>) {add = true}
        %dma_wait3A_402 = arith.constant 0 : i32
        %dma_wait3A_403 = tpu.memref_slice %arg5[%run_scoped3A_83, %run_scoped3A_84, %dma_wait3A_402] : memref<9x2x96xi32, #tpu.memory_space<vmem>> -> memref<1x1x96xi32, #tpu.memory_space<vmem>>
        %dma_wait3A_404 = tpu.memref_squeeze %dma_wait3A_403 : memref<1x1x96xi32, #tpu.memory_space<vmem>> -> memref<96xi32, #tpu.memory_space<vmem>>
        %dma_wait3A_405 = arith.constant 0 : i32
        %dma_wait3A_406 = arith.constant 0 : i32
        %dma_wait3A_407 = tpu.memref_slice %arg10[%dma_wait3A_405, %dma_wait3A_406] : memref<10112x128xf32, #tpu.memory_space<vmem_shared>> -> memref<10112x128xf32, #tpu.memory_space<vmem_shared>>
        tpu.wait_indirect_dma semaphore(%run_scoped3A_395 : memref<!tpu.dma_semaphore, #tpu.memory_space<semaphore_mem>>) src(%arg7 : memref<96x128xf32, #tpu.memory_space<vmem>>) dst(%dma_wait3A_407 : memref<10112x128xf32, #tpu.memory_space<vmem_shared>>)
        tpu.yield
      }) : () -> ()
      %dma_wait3A_85 = arith.constant 0 : i32
      %dma_wait3A_86 = arith.constant 0 : i32
      %dma_wait3A_87 = tpu.memref_slice %arg2[%dma_wait3A_85, %dma_wait3A_86] : memref<10000x128xf32, #tpu.memory_space<hbm>> -> memref<96x128xf32, #tpu.memory_space<hbm>>
      %dma_wait3A_88 = arith.constant 0 : i32
      %dma_wait3A_89 = arith.constant 0 : i32
      %dma_wait3A_90 = tpu.memref_slice %arg2[%dma_wait3A_88, %dma_wait3A_89] : memref<10000x128xf32, #tpu.memory_space<hbm>> -> memref<96x128xf32, #tpu.memory_space<hbm>>
      tpu.wait_dma2 semaphore(%arg12 : memref<!tpu.dma_semaphore, #tpu.memory_space<semaphore_mem>>) src(%dma_wait3A_90 : memref<96x128xf32, #tpu.memory_space<hbm>>) dst(%arg8 : memref<96x128xf32, #tpu.memory_space<vmem>>)
      %dma_start3A_91 = arith.constant 3 : i32
      %dma_start3A_92 = arith.constant 0 : i32
      %dma_start3A_93 = arith.constant 0 : i32
      %dma_start3A_94 = tpu.memref_slice %arg5[%dma_start3A_91, %dma_start3A_92, %dma_start3A_93] : memref<9x2x96xi32, #tpu.memory_space<vmem>> -> memref<1x1x96xi32, #tpu.memory_space<vmem>>
      %dma_start3A_95 = tpu.memref_squeeze %dma_start3A_94 : memref<1x1x96xi32, #tpu.memory_space<vmem>> -> memref<96xi32, #tpu.memory_space<vmem>>
      %dma_start3A_96 = arith.constant 0 : i32
      %dma_start3A_97 = arith.constant 0 : i32
      %dma_start3A_98 = tpu.memref_slice %arg2[%dma_start3A_96, %dma_start3A_97] : memref<10000x128xf32, #tpu.memory_space<hbm>> -> memref<10000x128xf32, #tpu.memory_space<hbm>>
      tpu.enqueue_indirect_dma source(%dma_start3A_98 : memref<10000x128xf32, #tpu.memory_space<hbm>>) target(%arg7 : memref<96x128xf32, #tpu.memory_space<vmem>>) offsets(%dma_start3A_95 : memref<96xi32, #tpu.memory_space<vmem>>) semaphore(%arg11 : memref<!tpu.dma_semaphore, #tpu.memory_space<semaphore_mem>>)
      %run_scoped3A_99 = arith.constant 1 : i32
      %run_scoped3A_100 = arith.constant 1 : i32
      "tpu.region"() ({
        %run_scoped3A_395 = tpu.sem_alloc : memref<!tpu.dma_semaphore, #tpu.memory_space<semaphore_mem>>
        %dma_start3A_396 = arith.constant 0 : i32
        %dma_start3A_397 = tpu.memref_slice %arg5[%run_scoped3A_99, %run_scoped3A_100, %dma_start3A_396] : memref<9x2x96xi32, #tpu.memory_space<vmem>> -> memref<1x1x96xi32, #tpu.memory_space<vmem>>
        %dma_start3A_398 = tpu.memref_squeeze %dma_start3A_397 : memref<1x1x96xi32, #tpu.memory_space<vmem>> -> memref<96xi32, #tpu.memory_space<vmem>>
        %dma_start3A_399 = arith.constant 0 : i32
        %dma_start3A_400 = arith.constant 0 : i32
        %dma_start3A_401 = tpu.memref_slice %arg10[%dma_start3A_399, %dma_start3A_400] : memref<10112x128xf32, #tpu.memory_space<vmem_shared>> -> memref<10112x128xf32, #tpu.memory_space<vmem_shared>>
        tpu.enqueue_indirect_dma source(%arg8 : memref<96x128xf32, #tpu.memory_space<vmem>>) target(%dma_start3A_401 : memref<10112x128xf32, #tpu.memory_space<vmem_shared>>) offsets(%dma_start3A_398 : memref<96xi32, #tpu.memory_space<vmem>>) semaphore(%run_scoped3A_395 : memref<!tpu.dma_semaphore, #tpu.memory_space<semaphore_mem>>) {add = true}
        %dma_wait3A_402 = arith.constant 0 : i32
        %dma_wait3A_403 = tpu.memref_slice %arg5[%run_scoped3A_99, %run_scoped3A_100, %dma_wait3A_402] : memref<9x2x96xi32, #tpu.memory_space<vmem>> -> memref<1x1x96xi32, #tpu.memory_space<vmem>>
        %dma_wait3A_404 = tpu.memref_squeeze %dma_wait3A_403 : memref<1x1x96xi32, #tpu.memory_space<vmem>> -> memref<96xi32, #tpu.memory_space<vmem>>
        %dma_wait3A_405 = arith.constant 0 : i32
        %dma_wait3A_406 = arith.constant 0 : i32
        %dma_wait3A_407 = tpu.memref_slice %arg10[%dma_wait3A_405, %dma_wait3A_406] : memref<10112x128xf32, #tpu.memory_space<vmem_shared>> -> memref<10112x128xf32, #tpu.memory_space<vmem_shared>>
        tpu.wait_indirect_dma semaphore(%run_scoped3A_395 : memref<!tpu.dma_semaphore, #tpu.memory_space<semaphore_mem>>) src(%arg8 : memref<96x128xf32, #tpu.memory_space<vmem>>) dst(%dma_wait3A_407 : memref<10112x128xf32, #tpu.memory_space<vmem_shared>>)
        tpu.yield
      }) : () -> ()
      %dma_wait3A_101 = arith.constant 0 : i32
      %dma_wait3A_102 = arith.constant 0 : i32
      %dma_wait3A_103 = tpu.memref_slice %arg2[%dma_wait3A_101, %dma_wait3A_102] : memref<10000x128xf32, #tpu.memory_space<hbm>> -> memref<96x128xf32, #tpu.memory_space<hbm>>
      %dma_wait3A_104 = arith.constant 0 : i32
      %dma_wait3A_105 = arith.constant 0 : i32
      %dma_wait3A_106 = tpu.memref_slice %arg2[%dma_wait3A_104, %dma_wait3A_105] : memref<10000x128xf32, #tpu.memory_space<hbm>> -> memref<96x128xf32, #tpu.memory_space<hbm>>
      tpu.wait_dma2 semaphore(%arg13 : memref<!tpu.dma_semaphore, #tpu.memory_space<semaphore_mem>>) src(%dma_wait3A_106 : memref<96x128xf32, #tpu.memory_space<hbm>>) dst(%arg9 : memref<96x128xf32, #tpu.memory_space<vmem>>)
      %dma_start3A_107 = arith.constant 4 : i32
      %dma_start3A_108 = arith.constant 0 : i32
      %dma_start3A_109 = arith.constant 0 : i32
      %dma_start3A_110 = tpu.memref_slice %arg5[%dma_start3A_107, %dma_start3A_108, %dma_start3A_109] : memref<9x2x96xi32, #tpu.memory_space<vmem>> -> memref<1x1x96xi32, #tpu.memory_space<vmem>>
      %dma_start3A_111 = tpu.memref_squeeze %dma_start3A_110 : memref<1x1x96xi32, #tpu.memory_space<vmem>> -> memref<96xi32, #tpu.memory_space<vmem>>
      %dma_start3A_112 = arith.constant 0 : i32
      %dma_start3A_113 = arith.constant 0 : i32
      %dma_start3A_114 = tpu.memref_slice %arg2[%dma_start3A_112, %dma_start3A_113] : memref<10000x128xf32, #tpu.memory_space<hbm>> -> memref<10000x128xf32, #tpu.memory_space<hbm>>
      tpu.enqueue_indirect_dma source(%dma_start3A_114 : memref<10000x128xf32, #tpu.memory_space<hbm>>) target(%arg8 : memref<96x128xf32, #tpu.memory_space<vmem>>) offsets(%dma_start3A_111 : memref<96xi32, #tpu.memory_space<vmem>>) semaphore(%arg12 : memref<!tpu.dma_semaphore, #tpu.memory_space<semaphore_mem>>)
      %run_scoped3A_115 = arith.constant 2 : i32
      %run_scoped3A_116 = arith.constant 1 : i32
      "tpu.region"() ({
        %run_scoped3A_395 = tpu.sem_alloc : memref<!tpu.dma_semaphore, #tpu.memory_space<semaphore_mem>>
        %dma_start3A_396 = arith.constant 0 : i32
        %dma_start3A_397 = tpu.memref_slice %arg5[%run_scoped3A_115, %run_scoped3A_116, %dma_start3A_396] : memref<9x2x96xi32, #tpu.memory_space<vmem>> -> memref<1x1x96xi32, #tpu.memory_space<vmem>>
        %dma_start3A_398 = tpu.memref_squeeze %dma_start3A_397 : memref<1x1x96xi32, #tpu.memory_space<vmem>> -> memref<96xi32, #tpu.memory_space<vmem>>
        %dma_start3A_399 = arith.constant 0 : i32
        %dma_start3A_400 = arith.constant 0 : i32
        %dma_start3A_401 = tpu.memref_slice %arg10[%dma_start3A_399, %dma_start3A_400] : memref<10112x128xf32, #tpu.memory_space<vmem_shared>> -> memref<10112x128xf32, #tpu.memory_space<vmem_shared>>
        tpu.enqueue_indirect_dma source(%arg9 : memref<96x128xf32, #tpu.memory_space<vmem>>) target(%dma_start3A_401 : memref<10112x128xf32, #tpu.memory_space<vmem_shared>>) offsets(%dma_start3A_398 : memref<96xi32, #tpu.memory_space<vmem>>) semaphore(%run_scoped3A_395 : memref<!tpu.dma_semaphore, #tpu.memory_space<semaphore_mem>>) {add = true}
        %dma_wait3A_402 = arith.constant 0 : i32
        %dma_wait3A_403 = tpu.memref_slice %arg5[%run_scoped3A_115, %run_scoped3A_116, %dma_wait3A_402] : memref<9x2x96xi32, #tpu.memory_space<vmem>> -> memref<1x1x96xi32, #tpu.memory_space<vmem>>
        %dma_wait3A_404 = tpu.memref_squeeze %dma_wait3A_403 : memref<1x1x96xi32, #tpu.memory_space<vmem>> -> memref<96xi32, #tpu.memory_space<vmem>>
        %dma_wait3A_405 = arith.constant 0 : i32
        %dma_wait3A_406 = arith.constant 0 : i32
        %dma_wait3A_407 = tpu.memref_slice %arg10[%dma_wait3A_405, %dma_wait3A_406] : memref<10112x128xf32, #tpu.memory_space<vmem_shared>> -> memref<10112x128xf32, #tpu.memory_space<vmem_shared>>
        tpu.wait_indirect_dma semaphore(%run_scoped3A_395 : memref<!tpu.dma_semaphore, #tpu.memory_space<semaphore_mem>>) src(%arg9 : memref<96x128xf32, #tpu.memory_space<vmem>>) dst(%dma_wait3A_407 : memref<10112x128xf32, #tpu.memory_space<vmem_shared>>)
        tpu.yield
      }) : () -> ()
      %dma_wait3A_117 = arith.constant 0 : i32
      %dma_wait3A_118 = arith.constant 0 : i32
      %dma_wait3A_119 = tpu.memref_slice %arg2[%dma_wait3A_117, %dma_wait3A_118] : memref<10000x128xf32, #tpu.memory_space<hbm>> -> memref<96x128xf32, #tpu.memory_space<hbm>>
      %dma_wait3A_120 = arith.constant 0 : i32
      %dma_wait3A_121 = arith.constant 0 : i32
      %dma_wait3A_122 = tpu.memref_slice %arg2[%dma_wait3A_120, %dma_wait3A_121] : memref<10000x128xf32, #tpu.memory_space<hbm>> -> memref<96x128xf32, #tpu.memory_space<hbm>>
      tpu.wait_dma2 semaphore(%arg11 : memref<!tpu.dma_semaphore, #tpu.memory_space<semaphore_mem>>) src(%dma_wait3A_122 : memref<96x128xf32, #tpu.memory_space<hbm>>) dst(%arg7 : memref<96x128xf32, #tpu.memory_space<vmem>>)
      %dma_start3A_123 = arith.constant 5 : i32
      %dma_start3A_124 = arith.constant 0 : i32
      %dma_start3A_125 = arith.constant 0 : i32
      %dma_start3A_126 = tpu.memref_slice %arg5[%dma_start3A_123, %dma_start3A_124, %dma_start3A_125] : memref<9x2x96xi32, #tpu.memory_space<vmem>> -> memref<1x1x96xi32, #tpu.memory_space<vmem>>
      %dma_start3A_127 = tpu.memref_squeeze %dma_start3A_126 : memref<1x1x96xi32, #tpu.memory_space<vmem>> -> memref<96xi32, #tpu.memory_space<vmem>>
      %dma_start3A_128 = arith.constant 0 : i32
      %dma_start3A_129 = arith.constant 0 : i32
      %dma_start3A_130 = tpu.memref_slice %arg2[%dma_start3A_128, %dma_start3A_129] : memref<10000x128xf32, #tpu.memory_space<hbm>> -> memref<10000x128xf32, #tpu.memory_space<hbm>>
      tpu.enqueue_indirect_dma source(%dma_start3A_130 : memref<10000x128xf32, #tpu.memory_space<hbm>>) target(%arg9 : memref<96x128xf32, #tpu.memory_space<vmem>>) offsets(%dma_start3A_127 : memref<96xi32, #tpu.memory_space<vmem>>) semaphore(%arg13 : memref<!tpu.dma_semaphore, #tpu.memory_space<semaphore_mem>>)
      %run_scoped3A_131 = arith.constant 3 : i32
      %run_scoped3A_132 = arith.constant 1 : i32
      "tpu.region"() ({
        %run_scoped3A_395 = tpu.sem_alloc : memref<!tpu.dma_semaphore, #tpu.memory_space<semaphore_mem>>
        %dma_start3A_396 = arith.constant 0 : i32
        %dma_start3A_397 = tpu.memref_slice %arg5[%run_scoped3A_131, %run_scoped3A_132, %dma_start3A_396] : memref<9x2x96xi32, #tpu.memory_space<vmem>> -> memref<1x1x96xi32, #tpu.memory_space<vmem>>
        %dma_start3A_398 = tpu.memref_squeeze %dma_start3A_397 : memref<1x1x96xi32, #tpu.memory_space<vmem>> -> memref<96xi32, #tpu.memory_space<vmem>>
        %dma_start3A_399 = arith.constant 0 : i32
        %dma_start3A_400 = arith.constant 0 : i32
        %dma_start3A_401 = tpu.memref_slice %arg10[%dma_start3A_399, %dma_start3A_400] : memref<10112x128xf32, #tpu.memory_space<vmem_shared>> -> memref<10112x128xf32, #tpu.memory_space<vmem_shared>>
        tpu.enqueue_indirect_dma source(%arg7 : memref<96x128xf32, #tpu.memory_space<vmem>>) target(%dma_start3A_401 : memref<10112x128xf32, #tpu.memory_space<vmem_shared>>) offsets(%dma_start3A_398 : memref<96xi32, #tpu.memory_space<vmem>>) semaphore(%run_scoped3A_395 : memref<!tpu.dma_semaphore, #tpu.memory_space<semaphore_mem>>) {add = true}
        %dma_wait3A_402 = arith.constant 0 : i32
        %dma_wait3A_403 = tpu.memref_slice %arg5[%run_scoped3A_131, %run_scoped3A_132, %dma_wait3A_402] : memref<9x2x96xi32, #tpu.memory_space<vmem>> -> memref<1x1x96xi32, #tpu.memory_space<vmem>>
        %dma_wait3A_404 = tpu.memref_squeeze %dma_wait3A_403 : memref<1x1x96xi32, #tpu.memory_space<vmem>> -> memref<96xi32, #tpu.memory_space<vmem>>
        %dma_wait3A_405 = arith.constant 0 : i32
        %dma_wait3A_406 = arith.constant 0 : i32
        %dma_wait3A_407 = tpu.memref_slice %arg10[%dma_wait3A_405, %dma_wait3A_406] : memref<10112x128xf32, #tpu.memory_space<vmem_shared>> -> memref<10112x128xf32, #tpu.memory_space<vmem_shared>>
        tpu.wait_indirect_dma semaphore(%run_scoped3A_395 : memref<!tpu.dma_semaphore, #tpu.memory_space<semaphore_mem>>) src(%arg7 : memref<96x128xf32, #tpu.memory_space<vmem>>) dst(%dma_wait3A_407 : memref<10112x128xf32, #tpu.memory_space<vmem_shared>>)
        tpu.yield
      }) : () -> ()
      %dma_wait3A_133 = arith.constant 0 : i32
      %dma_wait3A_134 = arith.constant 0 : i32
      %dma_wait3A_135 = tpu.memref_slice %arg2[%dma_wait3A_133, %dma_wait3A_134] : memref<10000x128xf32, #tpu.memory_space<hbm>> -> memref<96x128xf32, #tpu.memory_space<hbm>>
      %dma_wait3A_136 = arith.constant 0 : i32
      %dma_wait3A_137 = arith.constant 0 : i32
      %dma_wait3A_138 = tpu.memref_slice %arg2[%dma_wait3A_136, %dma_wait3A_137] : memref<10000x128xf32, #tpu.memory_space<hbm>> -> memref<96x128xf32, #tpu.memory_space<hbm>>
      tpu.wait_dma2 semaphore(%arg12 : memref<!tpu.dma_semaphore, #tpu.memory_space<semaphore_mem>>) src(%dma_wait3A_138 : memref<96x128xf32, #tpu.memory_space<hbm>>) dst(%arg8 : memref<96x128xf32, #tpu.memory_space<vmem>>)
      %dma_start3A_139 = arith.constant 6 : i32
      %dma_start3A_140 = arith.constant 0 : i32
      %dma_start3A_141 = arith.constant 0 : i32
      %dma_start3A_142 = tpu.memref_slice %arg5[%dma_start3A_139, %dma_start3A_140, %dma_start3A_141] : memref<9x2x96xi32, #tpu.memory_space<vmem>> -> memref<1x1x96xi32, #tpu.memory_space<vmem>>
      %dma_start3A_143 = tpu.memref_squeeze %dma_start3A_142 : memref<1x1x96xi32, #tpu.memory_space<vmem>> -> memref<96xi32, #tpu.memory_space<vmem>>
      %dma_start3A_144 = arith.constant 0 : i32
      %dma_start3A_145 = arith.constant 0 : i32
      %dma_start3A_146 = tpu.memref_slice %arg2[%dma_start3A_144, %dma_start3A_145] : memref<10000x128xf32, #tpu.memory_space<hbm>> -> memref<10000x128xf32, #tpu.memory_space<hbm>>
      tpu.enqueue_indirect_dma source(%dma_start3A_146 : memref<10000x128xf32, #tpu.memory_space<hbm>>) target(%arg7 : memref<96x128xf32, #tpu.memory_space<vmem>>) offsets(%dma_start3A_143 : memref<96xi32, #tpu.memory_space<vmem>>) semaphore(%arg11 : memref<!tpu.dma_semaphore, #tpu.memory_space<semaphore_mem>>)
      %run_scoped3A_147 = arith.constant 4 : i32
      %run_scoped3A_148 = arith.constant 1 : i32
      "tpu.region"() ({
        %run_scoped3A_395 = tpu.sem_alloc : memref<!tpu.dma_semaphore, #tpu.memory_space<semaphore_mem>>
        %dma_start3A_396 = arith.constant 0 : i32
        %dma_start3A_397 = tpu.memref_slice %arg5[%run_scoped3A_147, %run_scoped3A_148, %dma_start3A_396] : memref<9x2x96xi32, #tpu.memory_space<vmem>> -> memref<1x1x96xi32, #tpu.memory_space<vmem>>
        %dma_start3A_398 = tpu.memref_squeeze %dma_start3A_397 : memref<1x1x96xi32, #tpu.memory_space<vmem>> -> memref<96xi32, #tpu.memory_space<vmem>>
        %dma_start3A_399 = arith.constant 0 : i32
        %dma_start3A_400 = arith.constant 0 : i32
        %dma_start3A_401 = tpu.memref_slice %arg10[%dma_start3A_399, %dma_start3A_400] : memref<10112x128xf32, #tpu.memory_space<vmem_shared>> -> memref<10112x128xf32, #tpu.memory_space<vmem_shared>>
        tpu.enqueue_indirect_dma source(%arg8 : memref<96x128xf32, #tpu.memory_space<vmem>>) target(%dma_start3A_401 : memref<10112x128xf32, #tpu.memory_space<vmem_shared>>) offsets(%dma_start3A_398 : memref<96xi32, #tpu.memory_space<vmem>>) semaphore(%run_scoped3A_395 : memref<!tpu.dma_semaphore, #tpu.memory_space<semaphore_mem>>) {add = true}
        %dma_wait3A_402 = arith.constant 0 : i32
        %dma_wait3A_403 = tpu.memref_slice %arg5[%run_scoped3A_147, %run_scoped3A_148, %dma_wait3A_402] : memref<9x2x96xi32, #tpu.memory_space<vmem>> -> memref<1x1x96xi32, #tpu.memory_space<vmem>>
        %dma_wait3A_404 = tpu.memref_squeeze %dma_wait3A_403 : memref<1x1x96xi32, #tpu.memory_space<vmem>> -> memref<96xi32, #tpu.memory_space<vmem>>
        %dma_wait3A_405 = arith.constant 0 : i32
        %dma_wait3A_406 = arith.constant 0 : i32
        %dma_wait3A_407 = tpu.memref_slice %arg10[%dma_wait3A_405, %dma_wait3A_406] : memref<10112x128xf32, #tpu.memory_space<vmem_shared>> -> memref<10112x128xf32, #tpu.memory_space<vmem_shared>>
        tpu.wait_indirect_dma semaphore(%run_scoped3A_395 : memref<!tpu.dma_semaphore, #tpu.memory_space<semaphore_mem>>) src(%arg8 : memref<96x128xf32, #tpu.memory_space<vmem>>) dst(%dma_wait3A_407 : memref<10112x128xf32, #tpu.memory_space<vmem_shared>>)
        tpu.yield
      }) : () -> ()
      %dma_wait3A_149 = arith.constant 0 : i32
      %dma_wait3A_150 = arith.constant 0 : i32
      %dma_wait3A_151 = tpu.memref_slice %arg2[%dma_wait3A_149, %dma_wait3A_150] : memref<10000x128xf32, #tpu.memory_space<hbm>> -> memref<96x128xf32, #tpu.memory_space<hbm>>
      %dma_wait3A_152 = arith.constant 0 : i32
      %dma_wait3A_153 = arith.constant 0 : i32
      %dma_wait3A_154 = tpu.memref_slice %arg2[%dma_wait3A_152, %dma_wait3A_153] : memref<10000x128xf32, #tpu.memory_space<hbm>> -> memref<96x128xf32, #tpu.memory_space<hbm>>
      tpu.wait_dma2 semaphore(%arg13 : memref<!tpu.dma_semaphore, #tpu.memory_space<semaphore_mem>>) src(%dma_wait3A_154 : memref<96x128xf32, #tpu.memory_space<hbm>>) dst(%arg9 : memref<96x128xf32, #tpu.memory_space<vmem>>)
      %dma_start3A_155 = arith.constant 7 : i32
      %dma_start3A_156 = arith.constant 0 : i32
      %dma_start3A_157 = arith.constant 0 : i32
      %dma_start3A_158 = tpu.memref_slice %arg5[%dma_start3A_155, %dma_start3A_156, %dma_start3A_157] : memref<9x2x96xi32, #tpu.memory_space<vmem>> -> memref<1x1x96xi32, #tpu.memory_space<vmem>>
      %dma_start3A_159 = tpu.memref_squeeze %dma_start3A_158 : memref<1x1x96xi32, #tpu.memory_space<vmem>> -> memref<96xi32, #tpu.memory_space<vmem>>
      %dma_start3A_160 = arith.constant 0 : i32
      %dma_start3A_161 = arith.constant 0 : i32
      %dma_start3A_162 = tpu.memref_slice %arg2[%dma_start3A_160, %dma_start3A_161] : memref<10000x128xf32, #tpu.memory_space<hbm>> -> memref<10000x128xf32, #tpu.memory_space<hbm>>
      tpu.enqueue_indirect_dma source(%dma_start3A_162 : memref<10000x128xf32, #tpu.memory_space<hbm>>) target(%arg8 : memref<96x128xf32, #tpu.memory_space<vmem>>) offsets(%dma_start3A_159 : memref<96xi32, #tpu.memory_space<vmem>>) semaphore(%arg12 : memref<!tpu.dma_semaphore, #tpu.memory_space<semaphore_mem>>)
      %run_scoped3A_163 = arith.constant 5 : i32
      %run_scoped3A_164 = arith.constant 1 : i32
      "tpu.region"() ({
        %run_scoped3A_395 = tpu.sem_alloc : memref<!tpu.dma_semaphore, #tpu.memory_space<semaphore_mem>>
        %dma_start3A_396 = arith.constant 0 : i32
        %dma_start3A_397 = tpu.memref_slice %arg5[%run_scoped3A_163, %run_scoped3A_164, %dma_start3A_396] : memref<9x2x96xi32, #tpu.memory_space<vmem>> -> memref<1x1x96xi32, #tpu.memory_space<vmem>>
        %dma_start3A_398 = tpu.memref_squeeze %dma_start3A_397 : memref<1x1x96xi32, #tpu.memory_space<vmem>> -> memref<96xi32, #tpu.memory_space<vmem>>
        %dma_start3A_399 = arith.constant 0 : i32
        %dma_start3A_400 = arith.constant 0 : i32
        %dma_start3A_401 = tpu.memref_slice %arg10[%dma_start3A_399, %dma_start3A_400] : memref<10112x128xf32, #tpu.memory_space<vmem_shared>> -> memref<10112x128xf32, #tpu.memory_space<vmem_shared>>
        tpu.enqueue_indirect_dma source(%arg9 : memref<96x128xf32, #tpu.memory_space<vmem>>) target(%dma_start3A_401 : memref<10112x128xf32, #tpu.memory_space<vmem_shared>>) offsets(%dma_start3A_398 : memref<96xi32, #tpu.memory_space<vmem>>) semaphore(%run_scoped3A_395 : memref<!tpu.dma_semaphore, #tpu.memory_space<semaphore_mem>>) {add = true}
        %dma_wait3A_402 = arith.constant 0 : i32
        %dma_wait3A_403 = tpu.memref_slice %arg5[%run_scoped3A_163, %run_scoped3A_164, %dma_wait3A_402] : memref<9x2x96xi32, #tpu.memory_space<vmem>> -> memref<1x1x96xi32, #tpu.memory_space<vmem>>
        %dma_wait3A_404 = tpu.memref_squeeze %dma_wait3A_403 : memref<1x1x96xi32, #tpu.memory_space<vmem>> -> memref<96xi32, #tpu.memory_space<vmem>>
        %dma_wait3A_405 = arith.constant 0 : i32
        %dma_wait3A_406 = arith.constant 0 : i32
        %dma_wait3A_407 = tpu.memref_slice %arg10[%dma_wait3A_405, %dma_wait3A_406] : memref<10112x128xf32, #tpu.memory_space<vmem_shared>> -> memref<10112x128xf32, #tpu.memory_space<vmem_shared>>
        tpu.wait_indirect_dma semaphore(%run_scoped3A_395 : memref<!tpu.dma_semaphore, #tpu.memory_space<semaphore_mem>>) src(%arg9 : memref<96x128xf32, #tpu.memory_space<vmem>>) dst(%dma_wait3A_407 : memref<10112x128xf32, #tpu.memory_space<vmem_shared>>)
        tpu.yield
      }) : () -> ()
      %dma_wait3A_165 = arith.constant 0 : i32
      %dma_wait3A_166 = arith.constant 0 : i32
      %dma_wait3A_167 = tpu.memref_slice %arg2[%dma_wait3A_165, %dma_wait3A_166] : memref<10000x128xf32, #tpu.memory_space<hbm>> -> memref<96x128xf32, #tpu.memory_space<hbm>>
      %dma_wait3A_168 = arith.constant 0 : i32
      %dma_wait3A_169 = arith.constant 0 : i32
      %dma_wait3A_170 = tpu.memref_slice %arg2[%dma_wait3A_168, %dma_wait3A_169] : memref<10000x128xf32, #tpu.memory_space<hbm>> -> memref<96x128xf32, #tpu.memory_space<hbm>>
      tpu.wait_dma2 semaphore(%arg11 : memref<!tpu.dma_semaphore, #tpu.memory_space<semaphore_mem>>) src(%dma_wait3A_170 : memref<96x128xf32, #tpu.memory_space<hbm>>) dst(%arg7 : memref<96x128xf32, #tpu.memory_space<vmem>>)
      %dma_start3A_171 = arith.constant 8 : i32
      %dma_start3A_172 = arith.constant 0 : i32
      %dma_start3A_173 = arith.constant 0 : i32
      %dma_start3A_174 = tpu.memref_slice %arg5[%dma_start3A_171, %dma_start3A_172, %dma_start3A_173] : memref<9x2x96xi32, #tpu.memory_space<vmem>> -> memref<1x1x96xi32, #tpu.memory_space<vmem>>
      %dma_start3A_175 = tpu.memref_squeeze %dma_start3A_174 : memref<1x1x96xi32, #tpu.memory_space<vmem>> -> memref<96xi32, #tpu.memory_space<vmem>>
      %dma_start3A_176 = arith.constant 0 : i32
      %dma_start3A_177 = arith.constant 0 : i32
      %dma_start3A_178 = tpu.memref_slice %arg2[%dma_start3A_176, %dma_start3A_177] : memref<10000x128xf32, #tpu.memory_space<hbm>> -> memref<10000x128xf32, #tpu.memory_space<hbm>>
      tpu.enqueue_indirect_dma source(%dma_start3A_178 : memref<10000x128xf32, #tpu.memory_space<hbm>>) target(%arg9 : memref<96x128xf32, #tpu.memory_space<vmem>>) offsets(%dma_start3A_175 : memref<96xi32, #tpu.memory_space<vmem>>) semaphore(%arg13 : memref<!tpu.dma_semaphore, #tpu.memory_space<semaphore_mem>>)
      %run_scoped3A_179 = arith.constant 6 : i32
      %run_scoped3A_180 = arith.constant 1 : i32
      "tpu.region"() ({
        %run_scoped3A_395 = tpu.sem_alloc : memref<!tpu.dma_semaphore, #tpu.memory_space<semaphore_mem>>
        %dma_start3A_396 = arith.constant 0 : i32
        %dma_start3A_397 = tpu.memref_slice %arg5[%run_scoped3A_179, %run_scoped3A_180, %dma_start3A_396] : memref<9x2x96xi32, #tpu.memory_space<vmem>> -> memref<1x1x96xi32, #tpu.memory_space<vmem>>
        %dma_start3A_398 = tpu.memref_squeeze %dma_start3A_397 : memref<1x1x96xi32, #tpu.memory_space<vmem>> -> memref<96xi32, #tpu.memory_space<vmem>>
        %dma_start3A_399 = arith.constant 0 : i32
        %dma_start3A_400 = arith.constant 0 : i32
        %dma_start3A_401 = tpu.memref_slice %arg10[%dma_start3A_399, %dma_start3A_400] : memref<10112x128xf32, #tpu.memory_space<vmem_shared>> -> memref<10112x128xf32, #tpu.memory_space<vmem_shared>>
        tpu.enqueue_indirect_dma source(%arg7 : memref<96x128xf32, #tpu.memory_space<vmem>>) target(%dma_start3A_401 : memref<10112x128xf32, #tpu.memory_space<vmem_shared>>) offsets(%dma_start3A_398 : memref<96xi32, #tpu.memory_space<vmem>>) semaphore(%run_scoped3A_395 : memref<!tpu.dma_semaphore, #tpu.memory_space<semaphore_mem>>) {add = true}
        %dma_wait3A_402 = arith.constant 0 : i32
        %dma_wait3A_403 = tpu.memref_slice %arg5[%run_scoped3A_179, %run_scoped3A_180, %dma_wait3A_402] : memref<9x2x96xi32, #tpu.memory_space<vmem>> -> memref<1x1x96xi32, #tpu.memory_space<vmem>>
        %dma_wait3A_404 = tpu.memref_squeeze %dma_wait3A_403 : memref<1x1x96xi32, #tpu.memory_space<vmem>> -> memref<96xi32, #tpu.memory_space<vmem>>
        %dma_wait3A_405 = arith.constant 0 : i32
        %dma_wait3A_406 = arith.constant 0 : i32
        %dma_wait3A_407 = tpu.memref_slice %arg10[%dma_wait3A_405, %dma_wait3A_406] : memref<10112x128xf32, #tpu.memory_space<vmem_shared>> -> memref<10112x128xf32, #tpu.memory_space<vmem_shared>>
        tpu.wait_indirect_dma semaphore(%run_scoped3A_395 : memref<!tpu.dma_semaphore, #tpu.memory_space<semaphore_mem>>) src(%arg7 : memref<96x128xf32, #tpu.memory_space<vmem>>) dst(%dma_wait3A_407 : memref<10112x128xf32, #tpu.memory_space<vmem_shared>>)
        tpu.yield
      }) : () -> ()
      %dma_wait3A_181 = arith.constant 0 : i32
      %dma_wait3A_182 = arith.constant 0 : i32
      %dma_wait3A_183 = arith.constant 0 : i32
      %dma_wait3A_184 = tpu.memref_slice %arg3[%arg0, %arg1, %scan3A_27, %dma_wait3A_181, %dma_wait3A_182, %dma_wait3A_183] : memref<2x16x12x9x2x96xi32, #tpu.memory_space<hbm>> -> memref<1x1x1x9x2x96xi32, #tpu.memory_space<hbm>>
      %dma_wait3A_185 = tpu.memref_squeeze %dma_wait3A_184 : memref<1x1x1x9x2x96xi32, #tpu.memory_space<hbm>> -> memref<9x2x96xi32, #tpu.memory_space<hbm>>
      %dma_wait3A_186 = arith.constant 0 : i32
      %dma_wait3A_187 = arith.constant 0 : i32
      %dma_wait3A_188 = arith.constant 0 : i32
      %dma_wait3A_189 = tpu.memref_slice %arg3[%arg0, %arg1, %scan3A_27, %dma_wait3A_186, %dma_wait3A_187, %dma_wait3A_188] : memref<2x16x12x9x2x96xi32, #tpu.memory_space<hbm>> -> memref<1x1x1x9x2x96xi32, #tpu.memory_space<hbm>>
      %dma_wait3A_190 = tpu.memref_squeeze %dma_wait3A_189 : memref<1x1x1x9x2x96xi32, #tpu.memory_space<hbm>> -> memref<9x2x96xi32, #tpu.memory_space<hbm>>
      tpu.wait_dma2 semaphore(%arg14 : memref<!tpu.dma_semaphore, #tpu.memory_space<semaphore_mem>>) src(%dma_wait3A_190 : memref<9x2x96xi32, #tpu.memory_space<hbm>>) dst(%arg6 : memref<9x2x96xi32, #tpu.memory_space<vmem>>)
      %dma_wait3A_191 = arith.constant 0 : i32
      %dma_wait3A_192 = arith.constant 0 : i32
      %dma_wait3A_193 = tpu.memref_slice %arg2[%dma_wait3A_191, %dma_wait3A_192] : memref<10000x128xf32, #tpu.memory_space<hbm>> -> memref<96x128xf32, #tpu.memory_space<hbm>>
      %dma_wait3A_194 = arith.constant 0 : i32
      %dma_wait3A_195 = arith.constant 0 : i32
      %dma_wait3A_196 = tpu.memref_slice %arg2[%dma_wait3A_194, %dma_wait3A_195] : memref<10000x128xf32, #tpu.memory_space<hbm>> -> memref<96x128xf32, #tpu.memory_space<hbm>>
      tpu.wait_dma2 semaphore(%arg12 : memref<!tpu.dma_semaphore, #tpu.memory_space<semaphore_mem>>) src(%dma_wait3A_196 : memref<96x128xf32, #tpu.memory_space<hbm>>) dst(%arg8 : memref<96x128xf32, #tpu.memory_space<vmem>>)
      %dma_start3A_197 = arith.constant 0 : i32
      %dma_start3A_198 = arith.constant 0 : i32
      %dma_start3A_199 = arith.constant 0 : i32
      %dma_start3A_200 = tpu.memref_slice %arg6[%dma_start3A_197, %dma_start3A_198, %dma_start3A_199] : memref<9x2x96xi32, #tpu.memory_space<vmem>> -> memref<1x1x96xi32, #tpu.memory_space<vmem>>
      %dma_start3A_201 = tpu.memref_squeeze %dma_start3A_200 : memref<1x1x96xi32, #tpu.memory_space<vmem>> -> memref<96xi32, #tpu.memory_space<vmem>>
      %dma_start3A_202 = arith.constant 0 : i32
      %dma_start3A_203 = arith.constant 0 : i32
      %dma_start3A_204 = tpu.memref_slice %arg2[%dma_start3A_202, %dma_start3A_203] : memref<10000x128xf32, #tpu.memory_space<hbm>> -> memref<10000x128xf32, #tpu.memory_space<hbm>>
      tpu.enqueue_indirect_dma source(%dma_start3A_204 : memref<10000x128xf32, #tpu.memory_space<hbm>>) target(%arg7 : memref<96x128xf32, #tpu.memory_space<vmem>>) offsets(%dma_start3A_201 : memref<96xi32, #tpu.memory_space<vmem>>) semaphore(%arg11 : memref<!tpu.dma_semaphore, #tpu.memory_space<semaphore_mem>>)
      %run_scoped3A_205 = arith.constant 7 : i32
      %run_scoped3A_206 = arith.constant 1 : i32
      "tpu.region"() ({
        %run_scoped3A_395 = tpu.sem_alloc : memref<!tpu.dma_semaphore, #tpu.memory_space<semaphore_mem>>
        %dma_start3A_396 = arith.constant 0 : i32
        %dma_start3A_397 = tpu.memref_slice %arg5[%run_scoped3A_205, %run_scoped3A_206, %dma_start3A_396] : memref<9x2x96xi32, #tpu.memory_space<vmem>> -> memref<1x1x96xi32, #tpu.memory_space<vmem>>
        %dma_start3A_398 = tpu.memref_squeeze %dma_start3A_397 : memref<1x1x96xi32, #tpu.memory_space<vmem>> -> memref<96xi32, #tpu.memory_space<vmem>>
        %dma_start3A_399 = arith.constant 0 : i32
        %dma_start3A_400 = arith.constant 0 : i32
        %dma_start3A_401 = tpu.memref_slice %arg10[%dma_start3A_399, %dma_start3A_400] : memref<10112x128xf32, #tpu.memory_space<vmem_shared>> -> memref<10112x128xf32, #tpu.memory_space<vmem_shared>>
        tpu.enqueue_indirect_dma source(%arg8 : memref<96x128xf32, #tpu.memory_space<vmem>>) target(%dma_start3A_401 : memref<10112x128xf32, #tpu.memory_space<vmem_shared>>) offsets(%dma_start3A_398 : memref<96xi32, #tpu.memory_space<vmem>>) semaphore(%run_scoped3A_395 : memref<!tpu.dma_semaphore, #tpu.memory_space<semaphore_mem>>) {add = true}
        %dma_wait3A_402 = arith.constant 0 : i32
        %dma_wait3A_403 = tpu.memref_slice %arg5[%run_scoped3A_205, %run_scoped3A_206, %dma_wait3A_402] : memref<9x2x96xi32, #tpu.memory_space<vmem>> -> memref<1x1x96xi32, #tpu.memory_space<vmem>>
        %dma_wait3A_404 = tpu.memref_squeeze %dma_wait3A_403 : memref<1x1x96xi32, #tpu.memory_space<vmem>> -> memref<96xi32, #tpu.memory_space<vmem>>
        %dma_wait3A_405 = arith.constant 0 : i32
        %dma_wait3A_406 = arith.constant 0 : i32
        %dma_wait3A_407 = tpu.memref_slice %arg10[%dma_wait3A_405, %dma_wait3A_406] : memref<10112x128xf32, #tpu.memory_space<vmem_shared>> -> memref<10112x128xf32, #tpu.memory_space<vmem_shared>>
        tpu.wait_indirect_dma semaphore(%run_scoped3A_395 : memref<!tpu.dma_semaphore, #tpu.memory_space<semaphore_mem>>) src(%arg8 : memref<96x128xf32, #tpu.memory_space<vmem>>) dst(%dma_wait3A_407 : memref<10112x128xf32, #tpu.memory_space<vmem_shared>>)
        tpu.yield
      }) : () -> ()
      %dma_wait3A_207 = arith.constant 0 : i32
      %dma_wait3A_208 = arith.constant 0 : i32
      %dma_wait3A_209 = tpu.memref_slice %arg2[%dma_wait3A_207, %dma_wait3A_208] : memref<10000x128xf32, #tpu.memory_space<hbm>> -> memref<96x128xf32, #tpu.memory_space<hbm>>
      %dma_wait3A_210 = arith.constant 0 : i32
      %dma_wait3A_211 = arith.constant 0 : i32
      %dma_wait3A_212 = tpu.memref_slice %arg2[%dma_wait3A_210, %dma_wait3A_211] : memref<10000x128xf32, #tpu.memory_space<hbm>> -> memref<96x128xf32, #tpu.memory_space<hbm>>
      tpu.wait_dma2 semaphore(%arg13 : memref<!tpu.dma_semaphore, #tpu.memory_space<semaphore_mem>>) src(%dma_wait3A_212 : memref<96x128xf32, #tpu.memory_space<hbm>>) dst(%arg9 : memref<96x128xf32, #tpu.memory_space<vmem>>)
      %dma_start3A_213 = arith.constant 1 : i32
      %dma_start3A_214 = arith.constant 0 : i32
      %dma_start3A_215 = arith.constant 0 : i32
      %dma_start3A_216 = tpu.memref_slice %arg6[%dma_start3A_213, %dma_start3A_214, %dma_start3A_215] : memref<9x2x96xi32, #tpu.memory_space<vmem>> -> memref<1x1x96xi32, #tpu.memory_space<vmem>>
      %dma_start3A_217 = tpu.memref_squeeze %dma_start3A_216 : memref<1x1x96xi32, #tpu.memory_space<vmem>> -> memref<96xi32, #tpu.memory_space<vmem>>
      %dma_start3A_218 = arith.constant 0 : i32
      %dma_start3A_219 = arith.constant 0 : i32
      %dma_start3A_220 = tpu.memref_slice %arg2[%dma_start3A_218, %dma_start3A_219] : memref<10000x128xf32, #tpu.memory_space<hbm>> -> memref<10000x128xf32, #tpu.memory_space<hbm>>
      tpu.enqueue_indirect_dma source(%dma_start3A_220 : memref<10000x128xf32, #tpu.memory_space<hbm>>) target(%arg8 : memref<96x128xf32, #tpu.memory_space<vmem>>) offsets(%dma_start3A_217 : memref<96xi32, #tpu.memory_space<vmem>>) semaphore(%arg12 : memref<!tpu.dma_semaphore, #tpu.memory_space<semaphore_mem>>)
      %run_scoped3A_221 = arith.constant 8 : i32
      %run_scoped3A_222 = arith.constant 1 : i32
      "tpu.region"() ({
        %run_scoped3A_395 = tpu.sem_alloc : memref<!tpu.dma_semaphore, #tpu.memory_space<semaphore_mem>>
        %dma_start3A_396 = arith.constant 0 : i32
        %dma_start3A_397 = tpu.memref_slice %arg5[%run_scoped3A_221, %run_scoped3A_222, %dma_start3A_396] : memref<9x2x96xi32, #tpu.memory_space<vmem>> -> memref<1x1x96xi32, #tpu.memory_space<vmem>>
        %dma_start3A_398 = tpu.memref_squeeze %dma_start3A_397 : memref<1x1x96xi32, #tpu.memory_space<vmem>> -> memref<96xi32, #tpu.memory_space<vmem>>
        %dma_start3A_399 = arith.constant 0 : i32
        %dma_start3A_400 = arith.constant 0 : i32
        %dma_start3A_401 = tpu.memref_slice %arg10[%dma_start3A_399, %dma_start3A_400] : memref<10112x128xf32, #tpu.memory_space<vmem_shared>> -> memref<10112x128xf32, #tpu.memory_space<vmem_shared>>
        tpu.enqueue_indirect_dma source(%arg9 : memref<96x128xf32, #tpu.memory_space<vmem>>) target(%dma_start3A_401 : memref<10112x128xf32, #tpu.memory_space<vmem_shared>>) offsets(%dma_start3A_398 : memref<96xi32, #tpu.memory_space<vmem>>) semaphore(%run_scoped3A_395 : memref<!tpu.dma_semaphore, #tpu.memory_space<semaphore_mem>>) {add = true}
        %dma_wait3A_402 = arith.constant 0 : i32
        %dma_wait3A_403 = tpu.memref_slice %arg5[%run_scoped3A_221, %run_scoped3A_222, %dma_wait3A_402] : memref<9x2x96xi32, #tpu.memory_space<vmem>> -> memref<1x1x96xi32, #tpu.memory_space<vmem>>
        %dma_wait3A_404 = tpu.memref_squeeze %dma_wait3A_403 : memref<1x1x96xi32, #tpu.memory_space<vmem>> -> memref<96xi32, #tpu.memory_space<vmem>>
        %dma_wait3A_405 = arith.constant 0 : i32
        %dma_wait3A_406 = arith.constant 0 : i32
        %dma_wait3A_407 = tpu.memref_slice %arg10[%dma_wait3A_405, %dma_wait3A_406] : memref<10112x128xf32, #tpu.memory_space<vmem_shared>> -> memref<10112x128xf32, #tpu.memory_space<vmem_shared>>
        tpu.wait_indirect_dma semaphore(%run_scoped3A_395 : memref<!tpu.dma_semaphore, #tpu.memory_space<semaphore_mem>>) src(%arg9 : memref<96x128xf32, #tpu.memory_space<vmem>>) dst(%dma_wait3A_407 : memref<10112x128xf32, #tpu.memory_space<vmem_shared>>)
        tpu.yield
      }) : () -> ()
      %mul3A_223 = arith.constant 2 : i32
      %mul3A_224 = arith.muli %add3A_53, %mul3A_223 : i32
      %add3A_225 = arith.constant 1 : i32
      %add3A_226 = arith.addi %mul3A_224, %add3A_225 : i32
      %add3A_227 = arith.constant 1 : i32
      %add3A_228 = arith.addi %add3A_226, %add3A_227 : i32
      %min3A_229 = arith.constant 11 : i32
      %min3A_230 = arith.minsi %add3A_228, %min3A_229 : i32
      %dma_start3A_231 = arith.constant 0 : i32
      %dma_start3A_232 = arith.constant 0 : i32
      %dma_start3A_233 = arith.constant 0 : i32
      %dma_start3A_234 = tpu.memref_slice %arg3[%arg0, %arg1, %min3A_230, %dma_start3A_231, %dma_start3A_232, %dma_start3A_233] : memref<2x16x12x9x2x96xi32, #tpu.memory_space<hbm>> -> memref<1x1x1x9x2x96xi32, #tpu.memory_space<hbm>>
      %dma_start3A_235 = tpu.memref_squeeze %dma_start3A_234 : memref<1x1x1x9x2x96xi32, #tpu.memory_space<hbm>> -> memref<9x2x96xi32, #tpu.memory_space<hbm>>
      %dma_start3A_236 = arith.constant 0 : i32
      %dma_start3A_237 = arith.constant 0 : i32
      %dma_start3A_238 = arith.constant 0 : i32
      %dma_start3A_239 = tpu.memref_slice %arg3[%arg0, %arg1, %min3A_230, %dma_start3A_236, %dma_start3A_237, %dma_start3A_238] : memref<2x16x12x9x2x96xi32, #tpu.memory_space<hbm>> -> memref<1x1x1x9x2x96xi32, #tpu.memory_space<hbm>>
      %dma_start3A_240 = tpu.memref_squeeze %dma_start3A_239 : memref<1x1x1x9x2x96xi32, #tpu.memory_space<hbm>> -> memref<9x2x96xi32, #tpu.memory_space<hbm>>
      tpu.enqueue_dma source(%dma_start3A_240 : memref<9x2x96xi32, #tpu.memory_space<hbm>>) target(%arg5 : memref<9x2x96xi32, #tpu.memory_space<vmem>>) target_semaphore(%arg14 : memref<!tpu.dma_semaphore, #tpu.memory_space<semaphore_mem>>)
      %dma_wait3A_241 = arith.constant 0 : i32
      %dma_wait3A_242 = arith.constant 0 : i32
      %dma_wait3A_243 = tpu.memref_slice %arg2[%dma_wait3A_241, %dma_wait3A_242] : memref<10000x128xf32, #tpu.memory_space<hbm>> -> memref<96x128xf32, #tpu.memory_space<hbm>>
      %dma_wait3A_244 = arith.constant 0 : i32
      %dma_wait3A_245 = arith.constant 0 : i32
      %dma_wait3A_246 = tpu.memref_slice %arg2[%dma_wait3A_244, %dma_wait3A_245] : memref<10000x128xf32, #tpu.memory_space<hbm>> -> memref<96x128xf32, #tpu.memory_space<hbm>>
      tpu.wait_dma2 semaphore(%arg11 : memref<!tpu.dma_semaphore, #tpu.memory_space<semaphore_mem>>) src(%dma_wait3A_246 : memref<96x128xf32, #tpu.memory_space<hbm>>) dst(%arg7 : memref<96x128xf32, #tpu.memory_space<vmem>>)
      %dma_start3A_247 = arith.constant 2 : i32
      %dma_start3A_248 = arith.constant 0 : i32
      %dma_start3A_249 = arith.constant 0 : i32
      %dma_start3A_250 = tpu.memref_slice %arg6[%dma_start3A_247, %dma_start3A_248, %dma_start3A_249] : memref<9x2x96xi32, #tpu.memory_space<vmem>> -> memref<1x1x96xi32, #tpu.memory_space<vmem>>
      %dma_start3A_251 = tpu.memref_squeeze %dma_start3A_250 : memref<1x1x96xi32, #tpu.memory_space<vmem>> -> memref<96xi32, #tpu.memory_space<vmem>>
      %dma_start3A_252 = arith.constant 0 : i32
      %dma_start3A_253 = arith.constant 0 : i32
      %dma_start3A_254 = tpu.memref_slice %arg2[%dma_start3A_252, %dma_start3A_253] : memref<10000x128xf32, #tpu.memory_space<hbm>> -> memref<10000x128xf32, #tpu.memory_space<hbm>>
      tpu.enqueue_indirect_dma source(%dma_start3A_254 : memref<10000x128xf32, #tpu.memory_space<hbm>>) target(%arg9 : memref<96x128xf32, #tpu.memory_space<vmem>>) offsets(%dma_start3A_251 : memref<96xi32, #tpu.memory_space<vmem>>) semaphore(%arg13 : memref<!tpu.dma_semaphore, #tpu.memory_space<semaphore_mem>>)
      %run_scoped3A_255 = arith.constant 0 : i32
      %run_scoped3A_256 = arith.constant 1 : i32
      "tpu.region"() ({
        %run_scoped3A_395 = tpu.sem_alloc : memref<!tpu.dma_semaphore, #tpu.memory_space<semaphore_mem>>
        %dma_start3A_396 = arith.constant 0 : i32
        %dma_start3A_397 = tpu.memref_slice %arg6[%run_scoped3A_255, %run_scoped3A_256, %dma_start3A_396] : memref<9x2x96xi32, #tpu.memory_space<vmem>> -> memref<1x1x96xi32, #tpu.memory_space<vmem>>
        %dma_start3A_398 = tpu.memref_squeeze %dma_start3A_397 : memref<1x1x96xi32, #tpu.memory_space<vmem>> -> memref<96xi32, #tpu.memory_space<vmem>>
        %dma_start3A_399 = arith.constant 0 : i32
        %dma_start3A_400 = arith.constant 0 : i32
        %dma_start3A_401 = tpu.memref_slice %arg10[%dma_start3A_399, %dma_start3A_400] : memref<10112x128xf32, #tpu.memory_space<vmem_shared>> -> memref<10112x128xf32, #tpu.memory_space<vmem_shared>>
        tpu.enqueue_indirect_dma source(%arg7 : memref<96x128xf32, #tpu.memory_space<vmem>>) target(%dma_start3A_401 : memref<10112x128xf32, #tpu.memory_space<vmem_shared>>) offsets(%dma_start3A_398 : memref<96xi32, #tpu.memory_space<vmem>>) semaphore(%run_scoped3A_395 : memref<!tpu.dma_semaphore, #tpu.memory_space<semaphore_mem>>) {add = true}
        %dma_wait3A_402 = arith.constant 0 : i32
        %dma_wait3A_403 = tpu.memref_slice %arg6[%run_scoped3A_255, %run_scoped3A_256, %dma_wait3A_402] : memref<9x2x96xi32, #tpu.memory_space<vmem>> -> memref<1x1x96xi32, #tpu.memory_space<vmem>>
        %dma_wait3A_404 = tpu.memref_squeeze %dma_wait3A_403 : memref<1x1x96xi32, #tpu.memory_space<vmem>> -> memref<96xi32, #tpu.memory_space<vmem>>
        %dma_wait3A_405 = arith.constant 0 : i32
        %dma_wait3A_406 = arith.constant 0 : i32
        %dma_wait3A_407 = tpu.memref_slice %arg10[%dma_wait3A_405, %dma_wait3A_406] : memref<10112x128xf32, #tpu.memory_space<vmem_shared>> -> memref<10112x128xf32, #tpu.memory_space<vmem_shared>>
        tpu.wait_indirect_dma semaphore(%run_scoped3A_395 : memref<!tpu.dma_semaphore, #tpu.memory_space<semaphore_mem>>) src(%arg7 : memref<96x128xf32, #tpu.memory_space<vmem>>) dst(%dma_wait3A_407 : memref<10112x128xf32, #tpu.memory_space<vmem_shared>>)
        tpu.yield
      }) : () -> ()
      %dma_wait3A_257 = arith.constant 0 : i32
      %dma_wait3A_258 = arith.constant 0 : i32
      %dma_wait3A_259 = tpu.memref_slice %arg2[%dma_wait3A_257, %dma_wait3A_258] : memref<10000x128xf32, #tpu.memory_space<hbm>> -> memref<96x128xf32, #tpu.memory_space<hbm>>
      %dma_wait3A_260 = arith.constant 0 : i32
      %dma_wait3A_261 = arith.constant 0 : i32
      %dma_wait3A_262 = tpu.memref_slice %arg2[%dma_wait3A_260, %dma_wait3A_261] : memref<10000x128xf32, #tpu.memory_space<hbm>> -> memref<96x128xf32, #tpu.memory_space<hbm>>
      tpu.wait_dma2 semaphore(%arg12 : memref<!tpu.dma_semaphore, #tpu.memory_space<semaphore_mem>>) src(%dma_wait3A_262 : memref<96x128xf32, #tpu.memory_space<hbm>>) dst(%arg8 : memref<96x128xf32, #tpu.memory_space<vmem>>)
      %dma_start3A_263 = arith.constant 3 : i32
      %dma_start3A_264 = arith.constant 0 : i32
      %dma_start3A_265 = arith.constant 0 : i32
      %dma_start3A_266 = tpu.memref_slice %arg6[%dma_start3A_263, %dma_start3A_264, %dma_start3A_265] : memref<9x2x96xi32, #tpu.memory_space<vmem>> -> memref<1x1x96xi32, #tpu.memory_space<vmem>>
      %dma_start3A_267 = tpu.memref_squeeze %dma_start3A_266 : memref<1x1x96xi32, #tpu.memory_space<vmem>> -> memref<96xi32, #tpu.memory_space<vmem>>
      %dma_start3A_268 = arith.constant 0 : i32
      %dma_start3A_269 = arith.constant 0 : i32
      %dma_start3A_270 = tpu.memref_slice %arg2[%dma_start3A_268, %dma_start3A_269] : memref<10000x128xf32, #tpu.memory_space<hbm>> -> memref<10000x128xf32, #tpu.memory_space<hbm>>
      tpu.enqueue_indirect_dma source(%dma_start3A_270 : memref<10000x128xf32, #tpu.memory_space<hbm>>) target(%arg7 : memref<96x128xf32, #tpu.memory_space<vmem>>) offsets(%dma_start3A_267 : memref<96xi32, #tpu.memory_space<vmem>>) semaphore(%arg11 : memref<!tpu.dma_semaphore, #tpu.memory_space<semaphore_mem>>)
      %run_scoped3A_271 = arith.constant 1 : i32
      %run_scoped3A_272 = arith.constant 1 : i32
      "tpu.region"() ({
        %run_scoped3A_395 = tpu.sem_alloc : memref<!tpu.dma_semaphore, #tpu.memory_space<semaphore_mem>>
        %dma_start3A_396 = arith.constant 0 : i32
        %dma_start3A_397 = tpu.memref_slice %arg6[%run_scoped3A_271, %run_scoped3A_272, %dma_start3A_396] : memref<9x2x96xi32, #tpu.memory_space<vmem>> -> memref<1x1x96xi32, #tpu.memory_space<vmem>>
        %dma_start3A_398 = tpu.memref_squeeze %dma_start3A_397 : memref<1x1x96xi32, #tpu.memory_space<vmem>> -> memref<96xi32, #tpu.memory_space<vmem>>
        %dma_start3A_399 = arith.constant 0 : i32
        %dma_start3A_400 = arith.constant 0 : i32
        %dma_start3A_401 = tpu.memref_slice %arg10[%dma_start3A_399, %dma_start3A_400] : memref<10112x128xf32, #tpu.memory_space<vmem_shared>> -> memref<10112x128xf32, #tpu.memory_space<vmem_shared>>
        tpu.enqueue_indirect_dma source(%arg8 : memref<96x128xf32, #tpu.memory_space<vmem>>) target(%dma_start3A_401 : memref<10112x128xf32, #tpu.memory_space<vmem_shared>>) offsets(%dma_start3A_398 : memref<96xi32, #tpu.memory_space<vmem>>) semaphore(%run_scoped3A_395 : memref<!tpu.dma_semaphore, #tpu.memory_space<semaphore_mem>>) {add = true}
        %dma_wait3A_402 = arith.constant 0 : i32
        %dma_wait3A_403 = tpu.memref_slice %arg6[%run_scoped3A_271, %run_scoped3A_272, %dma_wait3A_402] : memref<9x2x96xi32, #tpu.memory_space<vmem>> -> memref<1x1x96xi32, #tpu.memory_space<vmem>>
        %dma_wait3A_404 = tpu.memref_squeeze %dma_wait3A_403 : memref<1x1x96xi32, #tpu.memory_space<vmem>> -> memref<96xi32, #tpu.memory_space<vmem>>
        %dma_wait3A_405 = arith.constant 0 : i32
        %dma_wait3A_406 = arith.constant 0 : i32
        %dma_wait3A_407 = tpu.memref_slice %arg10[%dma_wait3A_405, %dma_wait3A_406] : memref<10112x128xf32, #tpu.memory_space<vmem_shared>> -> memref<10112x128xf32, #tpu.memory_space<vmem_shared>>
        tpu.wait_indirect_dma semaphore(%run_scoped3A_395 : memref<!tpu.dma_semaphore, #tpu.memory_space<semaphore_mem>>) src(%arg8 : memref<96x128xf32, #tpu.memory_space<vmem>>) dst(%dma_wait3A_407 : memref<10112x128xf32, #tpu.memory_space<vmem_shared>>)
        tpu.yield
      }) : () -> ()
      %dma_wait3A_273 = arith.constant 0 : i32
      %dma_wait3A_274 = arith.constant 0 : i32
      %dma_wait3A_275 = tpu.memref_slice %arg2[%dma_wait3A_273, %dma_wait3A_274] : memref<10000x128xf32, #tpu.memory_space<hbm>> -> memref<96x128xf32, #tpu.memory_space<hbm>>
      %dma_wait3A_276 = arith.constant 0 : i32
      %dma_wait3A_277 = arith.constant 0 : i32
      %dma_wait3A_278 = tpu.memref_slice %arg2[%dma_wait3A_276, %dma_wait3A_277] : memref<10000x128xf32, #tpu.memory_space<hbm>> -> memref<96x128xf32, #tpu.memory_space<hbm>>
      tpu.wait_dma2 semaphore(%arg13 : memref<!tpu.dma_semaphore, #tpu.memory_space<semaphore_mem>>) src(%dma_wait3A_278 : memref<96x128xf32, #tpu.memory_space<hbm>>) dst(%arg9 : memref<96x128xf32, #tpu.memory_space<vmem>>)
      %dma_start3A_279 = arith.constant 4 : i32
      %dma_start3A_280 = arith.constant 0 : i32
      %dma_start3A_281 = arith.constant 0 : i32
      %dma_start3A_282 = tpu.memref_slice %arg6[%dma_start3A_279, %dma_start3A_280, %dma_start3A_281] : memref<9x2x96xi32, #tpu.memory_space<vmem>> -> memref<1x1x96xi32, #tpu.memory_space<vmem>>
      %dma_start3A_283 = tpu.memref_squeeze %dma_start3A_282 : memref<1x1x96xi32, #tpu.memory_space<vmem>> -> memref<96xi32, #tpu.memory_space<vmem>>
      %dma_start3A_284 = arith.constant 0 : i32
      %dma_start3A_285 = arith.constant 0 : i32
      %dma_start3A_286 = tpu.memref_slice %arg2[%dma_start3A_284, %dma_start3A_285] : memref<10000x128xf32, #tpu.memory_space<hbm>> -> memref<10000x128xf32, #tpu.memory_space<hbm>>
      tpu.enqueue_indirect_dma source(%dma_start3A_286 : memref<10000x128xf32, #tpu.memory_space<hbm>>) target(%arg8 : memref<96x128xf32, #tpu.memory_space<vmem>>) offsets(%dma_start3A_283 : memref<96xi32, #tpu.memory_space<vmem>>) semaphore(%arg12 : memref<!tpu.dma_semaphore, #tpu.memory_space<semaphore_mem>>)
      %run_scoped3A_287 = arith.constant 2 : i32
      %run_scoped3A_288 = arith.constant 1 : i32
      "tpu.region"() ({
        %run_scoped3A_395 = tpu.sem_alloc : memref<!tpu.dma_semaphore, #tpu.memory_space<semaphore_mem>>
        %dma_start3A_396 = arith.constant 0 : i32
        %dma_start3A_397 = tpu.memref_slice %arg6[%run_scoped3A_287, %run_scoped3A_288, %dma_start3A_396] : memref<9x2x96xi32, #tpu.memory_space<vmem>> -> memref<1x1x96xi32, #tpu.memory_space<vmem>>
        %dma_start3A_398 = tpu.memref_squeeze %dma_start3A_397 : memref<1x1x96xi32, #tpu.memory_space<vmem>> -> memref<96xi32, #tpu.memory_space<vmem>>
        %dma_start3A_399 = arith.constant 0 : i32
        %dma_start3A_400 = arith.constant 0 : i32
        %dma_start3A_401 = tpu.memref_slice %arg10[%dma_start3A_399, %dma_start3A_400] : memref<10112x128xf32, #tpu.memory_space<vmem_shared>> -> memref<10112x128xf32, #tpu.memory_space<vmem_shared>>
        tpu.enqueue_indirect_dma source(%arg9 : memref<96x128xf32, #tpu.memory_space<vmem>>) target(%dma_start3A_401 : memref<10112x128xf32, #tpu.memory_space<vmem_shared>>) offsets(%dma_start3A_398 : memref<96xi32, #tpu.memory_space<vmem>>) semaphore(%run_scoped3A_395 : memref<!tpu.dma_semaphore, #tpu.memory_space<semaphore_mem>>) {add = true}
        %dma_wait3A_402 = arith.constant 0 : i32
        %dma_wait3A_403 = tpu.memref_slice %arg6[%run_scoped3A_287, %run_scoped3A_288, %dma_wait3A_402] : memref<9x2x96xi32, #tpu.memory_space<vmem>> -> memref<1x1x96xi32, #tpu.memory_space<vmem>>
        %dma_wait3A_404 = tpu.memref_squeeze %dma_wait3A_403 : memref<1x1x96xi32, #tpu.memory_space<vmem>> -> memref<96xi32, #tpu.memory_space<vmem>>
        %dma_wait3A_405 = arith.constant 0 : i32
        %dma_wait3A_406 = arith.constant 0 : i32
        %dma_wait3A_407 = tpu.memref_slice %arg10[%dma_wait3A_405, %dma_wait3A_406] : memref<10112x128xf32, #tpu.memory_space<vmem_shared>> -> memref<10112x128xf32, #tpu.memory_space<vmem_shared>>
        tpu.wait_indirect_dma semaphore(%run_scoped3A_395 : memref<!tpu.dma_semaphore, #tpu.memory_space<semaphore_mem>>) src(%arg9 : memref<96x128xf32, #tpu.memory_space<vmem>>) dst(%dma_wait3A_407 : memref<10112x128xf32, #tpu.memory_space<vmem_shared>>)
        tpu.yield
      }) : () -> ()
      %dma_wait3A_289 = arith.constant 0 : i32
      %dma_wait3A_290 = arith.constant 0 : i32
      %dma_wait3A_291 = tpu.memref_slice %arg2[%dma_wait3A_289, %dma_wait3A_290] : memref<10000x128xf32, #tpu.memory_space<hbm>> -> memref<96x128xf32, #tpu.memory_space<hbm>>
      %dma_wait3A_292 = arith.constant 0 : i32
      %dma_wait3A_293 = arith.constant 0 : i32
      %dma_wait3A_294 = tpu.memref_slice %arg2[%dma_wait3A_292, %dma_wait3A_293] : memref<10000x128xf32, #tpu.memory_space<hbm>> -> memref<96x128xf32, #tpu.memory_space<hbm>>
      tpu.wait_dma2 semaphore(%arg11 : memref<!tpu.dma_semaphore, #tpu.memory_space<semaphore_mem>>) src(%dma_wait3A_294 : memref<96x128xf32, #tpu.memory_space<hbm>>) dst(%arg7 : memref<96x128xf32, #tpu.memory_space<vmem>>)
      %dma_start3A_295 = arith.constant 5 : i32
      %dma_start3A_296 = arith.constant 0 : i32
      %dma_start3A_297 = arith.constant 0 : i32
      %dma_start3A_298 = tpu.memref_slice %arg6[%dma_start3A_295, %dma_start3A_296, %dma_start3A_297] : memref<9x2x96xi32, #tpu.memory_space<vmem>> -> memref<1x1x96xi32, #tpu.memory_space<vmem>>
      %dma_start3A_299 = tpu.memref_squeeze %dma_start3A_298 : memref<1x1x96xi32, #tpu.memory_space<vmem>> -> memref<96xi32, #tpu.memory_space<vmem>>
      %dma_start3A_300 = arith.constant 0 : i32
      %dma_start3A_301 = arith.constant 0 : i32
      %dma_start3A_302 = tpu.memref_slice %arg2[%dma_start3A_300, %dma_start3A_301] : memref<10000x128xf32, #tpu.memory_space<hbm>> -> memref<10000x128xf32, #tpu.memory_space<hbm>>
      tpu.enqueue_indirect_dma source(%dma_start3A_302 : memref<10000x128xf32, #tpu.memory_space<hbm>>) target(%arg9 : memref<96x128xf32, #tpu.memory_space<vmem>>) offsets(%dma_start3A_299 : memref<96xi32, #tpu.memory_space<vmem>>) semaphore(%arg13 : memref<!tpu.dma_semaphore, #tpu.memory_space<semaphore_mem>>)
      %run_scoped3A_303 = arith.constant 3 : i32
      %run_scoped3A_304 = arith.constant 1 : i32
      "tpu.region"() ({
        %run_scoped3A_395 = tpu.sem_alloc : memref<!tpu.dma_semaphore, #tpu.memory_space<semaphore_mem>>
        %dma_start3A_396 = arith.constant 0 : i32
        %dma_start3A_397 = tpu.memref_slice %arg6[%run_scoped3A_303, %run_scoped3A_304, %dma_start3A_396] : memref<9x2x96xi32, #tpu.memory_space<vmem>> -> memref<1x1x96xi32, #tpu.memory_space<vmem>>
        %dma_start3A_398 = tpu.memref_squeeze %dma_start3A_397 : memref<1x1x96xi32, #tpu.memory_space<vmem>> -> memref<96xi32, #tpu.memory_space<vmem>>
        %dma_start3A_399 = arith.constant 0 : i32
        %dma_start3A_400 = arith.constant 0 : i32
        %dma_start3A_401 = tpu.memref_slice %arg10[%dma_start3A_399, %dma_start3A_400] : memref<10112x128xf32, #tpu.memory_space<vmem_shared>> -> memref<10112x128xf32, #tpu.memory_space<vmem_shared>>
        tpu.enqueue_indirect_dma source(%arg7 : memref<96x128xf32, #tpu.memory_space<vmem>>) target(%dma_start3A_401 : memref<10112x128xf32, #tpu.memory_space<vmem_shared>>) offsets(%dma_start3A_398 : memref<96xi32, #tpu.memory_space<vmem>>) semaphore(%run_scoped3A_395 : memref<!tpu.dma_semaphore, #tpu.memory_space<semaphore_mem>>) {add = true}
        %dma_wait3A_402 = arith.constant 0 : i32
        %dma_wait3A_403 = tpu.memref_slice %arg6[%run_scoped3A_303, %run_scoped3A_304, %dma_wait3A_402] : memref<9x2x96xi32, #tpu.memory_space<vmem>> -> memref<1x1x96xi32, #tpu.memory_space<vmem>>
        %dma_wait3A_404 = tpu.memref_squeeze %dma_wait3A_403 : memref<1x1x96xi32, #tpu.memory_space<vmem>> -> memref<96xi32, #tpu.memory_space<vmem>>
        %dma_wait3A_405 = arith.constant 0 : i32
        %dma_wait3A_406 = arith.constant 0 : i32
        %dma_wait3A_407 = tpu.memref_slice %arg10[%dma_wait3A_405, %dma_wait3A_406] : memref<10112x128xf32, #tpu.memory_space<vmem_shared>> -> memref<10112x128xf32, #tpu.memory_space<vmem_shared>>
        tpu.wait_indirect_dma semaphore(%run_scoped3A_395 : memref<!tpu.dma_semaphore, #tpu.memory_space<semaphore_mem>>) src(%arg7 : memref<96x128xf32, #tpu.memory_space<vmem>>) dst(%dma_wait3A_407 : memref<10112x128xf32, #tpu.memory_space<vmem_shared>>)
        tpu.yield
      }) : () -> ()
      %dma_wait3A_305 = arith.constant 0 : i32
      %dma_wait3A_306 = arith.constant 0 : i32
      %dma_wait3A_307 = tpu.memref_slice %arg2[%dma_wait3A_305, %dma_wait3A_306] : memref<10000x128xf32, #tpu.memory_space<hbm>> -> memref<96x128xf32, #tpu.memory_space<hbm>>
      %dma_wait3A_308 = arith.constant 0 : i32
      %dma_wait3A_309 = arith.constant 0 : i32
      %dma_wait3A_310 = tpu.memref_slice %arg2[%dma_wait3A_308, %dma_wait3A_309] : memref<10000x128xf32, #tpu.memory_space<hbm>> -> memref<96x128xf32, #tpu.memory_space<hbm>>
      tpu.wait_dma2 semaphore(%arg12 : memref<!tpu.dma_semaphore, #tpu.memory_space<semaphore_mem>>) src(%dma_wait3A_310 : memref<96x128xf32, #tpu.memory_space<hbm>>) dst(%arg8 : memref<96x128xf32, #tpu.memory_space<vmem>>)
      %dma_start3A_311 = arith.constant 6 : i32
      %dma_start3A_312 = arith.constant 0 : i32
      %dma_start3A_313 = arith.constant 0 : i32
      %dma_start3A_314 = tpu.memref_slice %arg6[%dma_start3A_311, %dma_start3A_312, %dma_start3A_313] : memref<9x2x96xi32, #tpu.memory_space<vmem>> -> memref<1x1x96xi32, #tpu.memory_space<vmem>>
      %dma_start3A_315 = tpu.memref_squeeze %dma_start3A_314 : memref<1x1x96xi32, #tpu.memory_space<vmem>> -> memref<96xi32, #tpu.memory_space<vmem>>
      %dma_start3A_316 = arith.constant 0 : i32
      %dma_start3A_317 = arith.constant 0 : i32
      %dma_start3A_318 = tpu.memref_slice %arg2[%dma_start3A_316, %dma_start3A_317] : memref<10000x128xf32, #tpu.memory_space<hbm>> -> memref<10000x128xf32, #tpu.memory_space<hbm>>
      tpu.enqueue_indirect_dma source(%dma_start3A_318 : memref<10000x128xf32, #tpu.memory_space<hbm>>) target(%arg7 : memref<96x128xf32, #tpu.memory_space<vmem>>) offsets(%dma_start3A_315 : memref<96xi32, #tpu.memory_space<vmem>>) semaphore(%arg11 : memref<!tpu.dma_semaphore, #tpu.memory_space<semaphore_mem>>)
      %run_scoped3A_319 = arith.constant 4 : i32
      %run_scoped3A_320 = arith.constant 1 : i32
      "tpu.region"() ({
        %run_scoped3A_395 = tpu.sem_alloc : memref<!tpu.dma_semaphore, #tpu.memory_space<semaphore_mem>>
        %dma_start3A_396 = arith.constant 0 : i32
        %dma_start3A_397 = tpu.memref_slice %arg6[%run_scoped3A_319, %run_scoped3A_320, %dma_start3A_396] : memref<9x2x96xi32, #tpu.memory_space<vmem>> -> memref<1x1x96xi32, #tpu.memory_space<vmem>>
        %dma_start3A_398 = tpu.memref_squeeze %dma_start3A_397 : memref<1x1x96xi32, #tpu.memory_space<vmem>> -> memref<96xi32, #tpu.memory_space<vmem>>
        %dma_start3A_399 = arith.constant 0 : i32
        %dma_start3A_400 = arith.constant 0 : i32
        %dma_start3A_401 = tpu.memref_slice %arg10[%dma_start3A_399, %dma_start3A_400] : memref<10112x128xf32, #tpu.memory_space<vmem_shared>> -> memref<10112x128xf32, #tpu.memory_space<vmem_shared>>
        tpu.enqueue_indirect_dma source(%arg8 : memref<96x128xf32, #tpu.memory_space<vmem>>) target(%dma_start3A_401 : memref<10112x128xf32, #tpu.memory_space<vmem_shared>>) offsets(%dma_start3A_398 : memref<96xi32, #tpu.memory_space<vmem>>) semaphore(%run_scoped3A_395 : memref<!tpu.dma_semaphore, #tpu.memory_space<semaphore_mem>>) {add = true}
        %dma_wait3A_402 = arith.constant 0 : i32
        %dma_wait3A_403 = tpu.memref_slice %arg6[%run_scoped3A_319, %run_scoped3A_320, %dma_wait3A_402] : memref<9x2x96xi32, #tpu.memory_space<vmem>> -> memref<1x1x96xi32, #tpu.memory_space<vmem>>
        %dma_wait3A_404 = tpu.memref_squeeze %dma_wait3A_403 : memref<1x1x96xi32, #tpu.memory_space<vmem>> -> memref<96xi32, #tpu.memory_space<vmem>>
        %dma_wait3A_405 = arith.constant 0 : i32
        %dma_wait3A_406 = arith.constant 0 : i32
        %dma_wait3A_407 = tpu.memref_slice %arg10[%dma_wait3A_405, %dma_wait3A_406] : memref<10112x128xf32, #tpu.memory_space<vmem_shared>> -> memref<10112x128xf32, #tpu.memory_space<vmem_shared>>
        tpu.wait_indirect_dma semaphore(%run_scoped3A_395 : memref<!tpu.dma_semaphore, #tpu.memory_space<semaphore_mem>>) src(%arg8 : memref<96x128xf32, #tpu.memory_space<vmem>>) dst(%dma_wait3A_407 : memref<10112x128xf32, #tpu.memory_space<vmem_shared>>)
        tpu.yield
      }) : () -> ()
      %dma_wait3A_321 = arith.constant 0 : i32
      %dma_wait3A_322 = arith.constant 0 : i32
      %dma_wait3A_323 = tpu.memref_slice %arg2[%dma_wait3A_321, %dma_wait3A_322] : memref<10000x128xf32, #tpu.memory_space<hbm>> -> memref<96x128xf32, #tpu.memory_space<hbm>>
      %dma_wait3A_324 = arith.constant 0 : i32
      %dma_wait3A_325 = arith.constant 0 : i32
      %dma_wait3A_326 = tpu.memref_slice %arg2[%dma_wait3A_324, %dma_wait3A_325] : memref<10000x128xf32, #tpu.memory_space<hbm>> -> memref<96x128xf32, #tpu.memory_space<hbm>>
      tpu.wait_dma2 semaphore(%arg13 : memref<!tpu.dma_semaphore, #tpu.memory_space<semaphore_mem>>) src(%dma_wait3A_326 : memref<96x128xf32, #tpu.memory_space<hbm>>) dst(%arg9 : memref<96x128xf32, #tpu.memory_space<vmem>>)
      %dma_start3A_327 = arith.constant 7 : i32
      %dma_start3A_328 = arith.constant 0 : i32
      %dma_start3A_329 = arith.constant 0 : i32
      %dma_start3A_330 = tpu.memref_slice %arg6[%dma_start3A_327, %dma_start3A_328, %dma_start3A_329] : memref<9x2x96xi32, #tpu.memory_space<vmem>> -> memref<1x1x96xi32, #tpu.memory_space<vmem>>
      %dma_start3A_331 = tpu.memref_squeeze %dma_start3A_330 : memref<1x1x96xi32, #tpu.memory_space<vmem>> -> memref<96xi32, #tpu.memory_space<vmem>>
      %dma_start3A_332 = arith.constant 0 : i32
      %dma_start3A_333 = arith.constant 0 : i32
      %dma_start3A_334 = tpu.memref_slice %arg2[%dma_start3A_332, %dma_start3A_333] : memref<10000x128xf32, #tpu.memory_space<hbm>> -> memref<10000x128xf32, #tpu.memory_space<hbm>>
      tpu.enqueue_indirect_dma source(%dma_start3A_334 : memref<10000x128xf32, #tpu.memory_space<hbm>>) target(%arg8 : memref<96x128xf32, #tpu.memory_space<vmem>>) offsets(%dma_start3A_331 : memref<96xi32, #tpu.memory_space<vmem>>) semaphore(%arg12 : memref<!tpu.dma_semaphore, #tpu.memory_space<semaphore_mem>>)
      %run_scoped3A_335 = arith.constant 5 : i32
      %run_scoped3A_336 = arith.constant 1 : i32
      "tpu.region"() ({
        %run_scoped3A_395 = tpu.sem_alloc : memref<!tpu.dma_semaphore, #tpu.memory_space<semaphore_mem>>
        %dma_start3A_396 = arith.constant 0 : i32
        %dma_start3A_397 = tpu.memref_slice %arg6[%run_scoped3A_335, %run_scoped3A_336, %dma_start3A_396] : memref<9x2x96xi32, #tpu.memory_space<vmem>> -> memref<1x1x96xi32, #tpu.memory_space<vmem>>
        %dma_start3A_398 = tpu.memref_squeeze %dma_start3A_397 : memref<1x1x96xi32, #tpu.memory_space<vmem>> -> memref<96xi32, #tpu.memory_space<vmem>>
        %dma_start3A_399 = arith.constant 0 : i32
        %dma_start3A_400 = arith.constant 0 : i32
        %dma_start3A_401 = tpu.memref_slice %arg10[%dma_start3A_399, %dma_start3A_400] : memref<10112x128xf32, #tpu.memory_space<vmem_shared>> -> memref<10112x128xf32, #tpu.memory_space<vmem_shared>>
        tpu.enqueue_indirect_dma source(%arg9 : memref<96x128xf32, #tpu.memory_space<vmem>>) target(%dma_start3A_401 : memref<10112x128xf32, #tpu.memory_space<vmem_shared>>) offsets(%dma_start3A_398 : memref<96xi32, #tpu.memory_space<vmem>>) semaphore(%run_scoped3A_395 : memref<!tpu.dma_semaphore, #tpu.memory_space<semaphore_mem>>) {add = true}
        %dma_wait3A_402 = arith.constant 0 : i32
        %dma_wait3A_403 = tpu.memref_slice %arg6[%run_scoped3A_335, %run_scoped3A_336, %dma_wait3A_402] : memref<9x2x96xi32, #tpu.memory_space<vmem>> -> memref<1x1x96xi32, #tpu.memory_space<vmem>>
        %dma_wait3A_404 = tpu.memref_squeeze %dma_wait3A_403 : memref<1x1x96xi32, #tpu.memory_space<vmem>> -> memref<96xi32, #tpu.memory_space<vmem>>
        %dma_wait3A_405 = arith.constant 0 : i32
        %dma_wait3A_406 = arith.constant 0 : i32
        %dma_wait3A_407 = tpu.memref_slice %arg10[%dma_wait3A_405, %dma_wait3A_406] : memref<10112x128xf32, #tpu.memory_space<vmem_shared>> -> memref<10112x128xf32, #tpu.memory_space<vmem_shared>>
        tpu.wait_indirect_dma semaphore(%run_scoped3A_395 : memref<!tpu.dma_semaphore, #tpu.memory_space<semaphore_mem>>) src(%arg9 : memref<96x128xf32, #tpu.memory_space<vmem>>) dst(%dma_wait3A_407 : memref<10112x128xf32, #tpu.memory_space<vmem_shared>>)
        tpu.yield
      }) : () -> ()
      %dma_wait3A_337 = arith.constant 0 : i32
      %dma_wait3A_338 = arith.constant 0 : i32
      %dma_wait3A_339 = tpu.memref_slice %arg2[%dma_wait3A_337, %dma_wait3A_338] : memref<10000x128xf32, #tpu.memory_space<hbm>> -> memref<96x128xf32, #tpu.memory_space<hbm>>
      %dma_wait3A_340 = arith.constant 0 : i32
      %dma_wait3A_341 = arith.constant 0 : i32
      %dma_wait3A_342 = tpu.memref_slice %arg2[%dma_wait3A_340, %dma_wait3A_341] : memref<10000x128xf32, #tpu.memory_space<hbm>> -> memref<96x128xf32, #tpu.memory_space<hbm>>
      tpu.wait_dma2 semaphore(%arg11 : memref<!tpu.dma_semaphore, #tpu.memory_space<semaphore_mem>>) src(%dma_wait3A_342 : memref<96x128xf32, #tpu.memory_space<hbm>>) dst(%arg7 : memref<96x128xf32, #tpu.memory_space<vmem>>)
      %dma_start3A_343 = arith.constant 8 : i32
      %dma_start3A_344 = arith.constant 0 : i32
      %dma_start3A_345 = arith.constant 0 : i32
      %dma_start3A_346 = tpu.memref_slice %arg6[%dma_start3A_343, %dma_start3A_344, %dma_start3A_345] : memref<9x2x96xi32, #tpu.memory_space<vmem>> -> memref<1x1x96xi32, #tpu.memory_space<vmem>>
      %dma_start3A_347 = tpu.memref_squeeze %dma_start3A_346 : memref<1x1x96xi32, #tpu.memory_space<vmem>> -> memref<96xi32, #tpu.memory_space<vmem>>
      %dma_start3A_348 = arith.constant 0 : i32
      %dma_start3A_349 = arith.constant 0 : i32
      %dma_start3A_350 = tpu.memref_slice %arg2[%dma_start3A_348, %dma_start3A_349] : memref<10000x128xf32, #tpu.memory_space<hbm>> -> memref<10000x128xf32, #tpu.memory_space<hbm>>
      tpu.enqueue_indirect_dma source(%dma_start3A_350 : memref<10000x128xf32, #tpu.memory_space<hbm>>) target(%arg9 : memref<96x128xf32, #tpu.memory_space<vmem>>) offsets(%dma_start3A_347 : memref<96xi32, #tpu.memory_space<vmem>>) semaphore(%arg13 : memref<!tpu.dma_semaphore, #tpu.memory_space<semaphore_mem>>)
      %run_scoped3A_351 = arith.constant 6 : i32
      %run_scoped3A_352 = arith.constant 1 : i32
      "tpu.region"() ({
        %run_scoped3A_395 = tpu.sem_alloc : memref<!tpu.dma_semaphore, #tpu.memory_space<semaphore_mem>>
        %dma_start3A_396 = arith.constant 0 : i32
        %dma_start3A_397 = tpu.memref_slice %arg6[%run_scoped3A_351, %run_scoped3A_352, %dma_start3A_396] : memref<9x2x96xi32, #tpu.memory_space<vmem>> -> memref<1x1x96xi32, #tpu.memory_space<vmem>>
        %dma_start3A_398 = tpu.memref_squeeze %dma_start3A_397 : memref<1x1x96xi32, #tpu.memory_space<vmem>> -> memref<96xi32, #tpu.memory_space<vmem>>
        %dma_start3A_399 = arith.constant 0 : i32
        %dma_start3A_400 = arith.constant 0 : i32
        %dma_start3A_401 = tpu.memref_slice %arg10[%dma_start3A_399, %dma_start3A_400] : memref<10112x128xf32, #tpu.memory_space<vmem_shared>> -> memref<10112x128xf32, #tpu.memory_space<vmem_shared>>
        tpu.enqueue_indirect_dma source(%arg7 : memref<96x128xf32, #tpu.memory_space<vmem>>) target(%dma_start3A_401 : memref<10112x128xf32, #tpu.memory_space<vmem_shared>>) offsets(%dma_start3A_398 : memref<96xi32, #tpu.memory_space<vmem>>) semaphore(%run_scoped3A_395 : memref<!tpu.dma_semaphore, #tpu.memory_space<semaphore_mem>>) {add = true}
        %dma_wait3A_402 = arith.constant 0 : i32
        %dma_wait3A_403 = tpu.memref_slice %arg6[%run_scoped3A_351, %run_scoped3A_352, %dma_wait3A_402] : memref<9x2x96xi32, #tpu.memory_space<vmem>> -> memref<1x1x96xi32, #tpu.memory_space<vmem>>
        %dma_wait3A_404 = tpu.memref_squeeze %dma_wait3A_403 : memref<1x1x96xi32, #tpu.memory_space<vmem>> -> memref<96xi32, #tpu.memory_space<vmem>>
        %dma_wait3A_405 = arith.constant 0 : i32
        %dma_wait3A_406 = arith.constant 0 : i32
        %dma_wait3A_407 = tpu.memref_slice %arg10[%dma_wait3A_405, %dma_wait3A_406] : memref<10112x128xf32, #tpu.memory_space<vmem_shared>> -> memref<10112x128xf32, #tpu.memory_space<vmem_shared>>
        tpu.wait_indirect_dma semaphore(%run_scoped3A_395 : memref<!tpu.dma_semaphore, #tpu.memory_space<semaphore_mem>>) src(%arg7 : memref<96x128xf32, #tpu.memory_space<vmem>>) dst(%dma_wait3A_407 : memref<10112x128xf32, #tpu.memory_space<vmem_shared>>)
        tpu.yield
      }) : () -> ()
      %dma_wait3A_353 = arith.constant 0 : i32
      %dma_wait3A_354 = arith.constant 0 : i32
      %dma_wait3A_355 = arith.constant 0 : i32
      %dma_wait3A_356 = tpu.memref_slice %arg3[%arg0, %arg1, %scan3A_27, %dma_wait3A_353, %dma_wait3A_354, %dma_wait3A_355] : memref<2x16x12x9x2x96xi32, #tpu.memory_space<hbm>> -> memref<1x1x1x9x2x96xi32, #tpu.memory_space<hbm>>
      %dma_wait3A_357 = tpu.memref_squeeze %dma_wait3A_356 : memref<1x1x1x9x2x96xi32, #tpu.memory_space<hbm>> -> memref<9x2x96xi32, #tpu.memory_space<hbm>>
      %dma_wait3A_358 = arith.constant 0 : i32
      %dma_wait3A_359 = arith.constant 0 : i32
      %dma_wait3A_360 = arith.constant 0 : i32
      %dma_wait3A_361 = tpu.memref_slice %arg3[%arg0, %arg1, %scan3A_27, %dma_wait3A_358, %dma_wait3A_359, %dma_wait3A_360] : memref<2x16x12x9x2x96xi32, #tpu.memory_space<hbm>> -> memref<1x1x1x9x2x96xi32, #tpu.memory_space<hbm>>
      %dma_wait3A_362 = tpu.memref_squeeze %dma_wait3A_361 : memref<1x1x1x9x2x96xi32, #tpu.memory_space<hbm>> -> memref<9x2x96xi32, #tpu.memory_space<hbm>>
      tpu.wait_dma2 semaphore(%arg14 : memref<!tpu.dma_semaphore, #tpu.memory_space<semaphore_mem>>) src(%dma_wait3A_362 : memref<9x2x96xi32, #tpu.memory_space<hbm>>) dst(%arg5 : memref<9x2x96xi32, #tpu.memory_space<vmem>>)
      %dma_wait3A_363 = arith.constant 0 : i32
      %dma_wait3A_364 = arith.constant 0 : i32
      %dma_wait3A_365 = tpu.memref_slice %arg2[%dma_wait3A_363, %dma_wait3A_364] : memref<10000x128xf32, #tpu.memory_space<hbm>> -> memref<96x128xf32, #tpu.memory_space<hbm>>
      %dma_wait3A_366 = arith.constant 0 : i32
      %dma_wait3A_367 = arith.constant 0 : i32
      %dma_wait3A_368 = tpu.memref_slice %arg2[%dma_wait3A_366, %dma_wait3A_367] : memref<10000x128xf32, #tpu.memory_space<hbm>> -> memref<96x128xf32, #tpu.memory_space<hbm>>
      tpu.wait_dma2 semaphore(%arg12 : memref<!tpu.dma_semaphore, #tpu.memory_space<semaphore_mem>>) src(%dma_wait3A_368 : memref<96x128xf32, #tpu.memory_space<hbm>>) dst(%arg8 : memref<96x128xf32, #tpu.memory_space<vmem>>)
      %dma_start3A_369 = arith.constant 0 : i32
      %dma_start3A_370 = arith.constant 0 : i32
      %dma_start3A_371 = arith.constant 0 : i32
      %dma_start3A_372 = tpu.memref_slice %arg5[%dma_start3A_369, %dma_start3A_370, %dma_start3A_371] : memref<9x2x96xi32, #tpu.memory_space<vmem>> -> memref<1x1x96xi32, #tpu.memory_space<vmem>>
      %dma_start3A_373 = tpu.memref_squeeze %dma_start3A_372 : memref<1x1x96xi32, #tpu.memory_space<vmem>> -> memref<96xi32, #tpu.memory_space<vmem>>
      %dma_start3A_374 = arith.constant 0 : i32
      %dma_start3A_375 = arith.constant 0 : i32
      %dma_start3A_376 = tpu.memref_slice %arg2[%dma_start3A_374, %dma_start3A_375] : memref<10000x128xf32, #tpu.memory_space<hbm>> -> memref<10000x128xf32, #tpu.memory_space<hbm>>
      tpu.enqueue_indirect_dma source(%dma_start3A_376 : memref<10000x128xf32, #tpu.memory_space<hbm>>) target(%arg7 : memref<96x128xf32, #tpu.memory_space<vmem>>) offsets(%dma_start3A_373 : memref<96xi32, #tpu.memory_space<vmem>>) semaphore(%arg11 : memref<!tpu.dma_semaphore, #tpu.memory_space<semaphore_mem>>)
      %run_scoped3A_377 = arith.constant 7 : i32
      %run_scoped3A_378 = arith.constant 1 : i32
      "tpu.region"() ({
        %run_scoped3A_395 = tpu.sem_alloc : memref<!tpu.dma_semaphore, #tpu.memory_space<semaphore_mem>>
        %dma_start3A_396 = arith.constant 0 : i32
        %dma_start3A_397 = tpu.memref_slice %arg6[%run_scoped3A_377, %run_scoped3A_378, %dma_start3A_396] : memref<9x2x96xi32, #tpu.memory_space<vmem>> -> memref<1x1x96xi32, #tpu.memory_space<vmem>>
        %dma_start3A_398 = tpu.memref_squeeze %dma_start3A_397 : memref<1x1x96xi32, #tpu.memory_space<vmem>> -> memref<96xi32, #tpu.memory_space<vmem>>
        %dma_start3A_399 = arith.constant 0 : i32
        %dma_start3A_400 = arith.constant 0 : i32
        %dma_start3A_401 = tpu.memref_slice %arg10[%dma_start3A_399, %dma_start3A_400] : memref<10112x128xf32, #tpu.memory_space<vmem_shared>> -> memref<10112x128xf32, #tpu.memory_space<vmem_shared>>
        tpu.enqueue_indirect_dma source(%arg8 : memref<96x128xf32, #tpu.memory_space<vmem>>) target(%dma_start3A_401 : memref<10112x128xf32, #tpu.memory_space<vmem_shared>>) offsets(%dma_start3A_398 : memref<96xi32, #tpu.memory_space<vmem>>) semaphore(%run_scoped3A_395 : memref<!tpu.dma_semaphore, #tpu.memory_space<semaphore_mem>>) {add = true}
        %dma_wait3A_402 = arith.constant 0 : i32
        %dma_wait3A_403 = tpu.memref_slice %arg6[%run_scoped3A_377, %run_scoped3A_378, %dma_wait3A_402] : memref<9x2x96xi32, #tpu.memory_space<vmem>> -> memref<1x1x96xi32, #tpu.memory_space<vmem>>
        %dma_wait3A_404 = tpu.memref_squeeze %dma_wait3A_403 : memref<1x1x96xi32, #tpu.memory_space<vmem>> -> memref<96xi32, #tpu.memory_space<vmem>>
        %dma_wait3A_405 = arith.constant 0 : i32
        %dma_wait3A_406 = arith.constant 0 : i32
        %dma_wait3A_407 = tpu.memref_slice %arg10[%dma_wait3A_405, %dma_wait3A_406] : memref<10112x128xf32, #tpu.memory_space<vmem_shared>> -> memref<10112x128xf32, #tpu.memory_space<vmem_shared>>
        tpu.wait_indirect_dma semaphore(%run_scoped3A_395 : memref<!tpu.dma_semaphore, #tpu.memory_space<semaphore_mem>>) src(%arg8 : memref<96x128xf32, #tpu.memory_space<vmem>>) dst(%dma_wait3A_407 : memref<10112x128xf32, #tpu.memory_space<vmem_shared>>)
        tpu.yield
      }) : () -> ()
      %dma_wait3A_379 = arith.constant 0 : i32
      %dma_wait3A_380 = arith.constant 0 : i32
      %dma_wait3A_381 = tpu.memref_slice %arg2[%dma_wait3A_379, %dma_wait3A_380] : memref<10000x128xf32, #tpu.memory_space<hbm>> -> memref<96x128xf32, #tpu.memory_space<hbm>>
      %dma_wait3A_382 = arith.constant 0 : i32
      %dma_wait3A_383 = arith.constant 0 : i32
      %dma_wait3A_384 = tpu.memref_slice %arg2[%dma_wait3A_382, %dma_wait3A_383] : memref<10000x128xf32, #tpu.memory_space<hbm>> -> memref<96x128xf32, #tpu.memory_space<hbm>>
      tpu.wait_dma2 semaphore(%arg13 : memref<!tpu.dma_semaphore, #tpu.memory_space<semaphore_mem>>) src(%dma_wait3A_384 : memref<96x128xf32, #tpu.memory_space<hbm>>) dst(%arg9 : memref<96x128xf32, #tpu.memory_space<vmem>>)
      %dma_start3A_385 = arith.constant 1 : i32
      %dma_start3A_386 = arith.constant 0 : i32
      %dma_start3A_387 = arith.constant 0 : i32
      %dma_start3A_388 = tpu.memref_slice %arg5[%dma_start3A_385, %dma_start3A_386, %dma_start3A_387] : memref<9x2x96xi32, #tpu.memory_space<vmem>> -> memref<1x1x96xi32, #tpu.memory_space<vmem>>
      %dma_start3A_389 = tpu.memref_squeeze %dma_start3A_388 : memref<1x1x96xi32, #tpu.memory_space<vmem>> -> memref<96xi32, #tpu.memory_space<vmem>>
      %dma_start3A_390 = arith.constant 0 : i32
      %dma_start3A_391 = arith.constant 0 : i32
      %dma_start3A_392 = tpu.memref_slice %arg2[%dma_start3A_390, %dma_start3A_391] : memref<10000x128xf32, #tpu.memory_space<hbm>> -> memref<10000x128xf32, #tpu.memory_space<hbm>>
      tpu.enqueue_indirect_dma source(%dma_start3A_392 : memref<10000x128xf32, #tpu.memory_space<hbm>>) target(%arg8 : memref<96x128xf32, #tpu.memory_space<vmem>>) offsets(%dma_start3A_389 : memref<96xi32, #tpu.memory_space<vmem>>) semaphore(%arg12 : memref<!tpu.dma_semaphore, #tpu.memory_space<semaphore_mem>>)
      %run_scoped3A_393 = arith.constant 8 : i32
      %run_scoped3A_394 = arith.constant 1 : i32
      "tpu.region"() ({
        %run_scoped3A_395 = tpu.sem_alloc : memref<!tpu.dma_semaphore, #tpu.memory_space<semaphore_mem>>
        %dma_start3A_396 = arith.constant 0 : i32
        %dma_start3A_397 = tpu.memref_slice %arg6[%run_scoped3A_393, %run_scoped3A_394, %dma_start3A_396] : memref<9x2x96xi32, #tpu.memory_space<vmem>> -> memref<1x1x96xi32, #tpu.memory_space<vmem>>
        %dma_start3A_398 = tpu.memref_squeeze %dma_start3A_397 : memref<1x1x96xi32, #tpu.memory_space<vmem>> -> memref<96xi32, #tpu.memory_space<vmem>>
        %dma_start3A_399 = arith.constant 0 : i32
        %dma_start3A_400 = arith.constant 0 : i32
        %dma_start3A_401 = tpu.memref_slice %arg10[%dma_start3A_399, %dma_start3A_400] : memref<10112x128xf32, #tpu.memory_space<vmem_shared>> -> memref<10112x128xf32, #tpu.memory_space<vmem_shared>>
        tpu.enqueue_indirect_dma source(%arg9 : memref<96x128xf32, #tpu.memory_space<vmem>>) target(%dma_start3A_401 : memref<10112x128xf32, #tpu.memory_space<vmem_shared>>) offsets(%dma_start3A_398 : memref<96xi32, #tpu.memory_space<vmem>>) semaphore(%run_scoped3A_395 : memref<!tpu.dma_semaphore, #tpu.memory_space<semaphore_mem>>) {add = true}
        %dma_wait3A_402 = arith.constant 0 : i32
        %dma_wait3A_403 = tpu.memref_slice %arg6[%run_scoped3A_393, %run_scoped3A_394, %dma_wait3A_402] : memref<9x2x96xi32, #tpu.memory_space<vmem>> -> memref<1x1x96xi32, #tpu.memory_space<vmem>>
        %dma_wait3A_404 = tpu.memref_squeeze %dma_wait3A_403 : memref<1x1x96xi32, #tpu.memory_space<vmem>> -> memref<96xi32, #tpu.memory_space<vmem>>
        %dma_wait3A_405 = arith.constant 0 : i32
        %dma_wait3A_406 = arith.constant 0 : i32
        %dma_wait3A_407 = tpu.memref_slice %arg10[%dma_wait3A_405, %dma_wait3A_406] : memref<10112x128xf32, #tpu.memory_space<vmem_shared>> -> memref<10112x128xf32, #tpu.memory_space<vmem_shared>>
        tpu.wait_indirect_dma semaphore(%run_scoped3A_395 : memref<!tpu.dma_semaphore, #tpu.memory_space<semaphore_mem>>) src(%arg9 : memref<96x128xf32, #tpu.memory_space<vmem>>) dst(%dma_wait3A_407 : memref<10112x128xf32, #tpu.memory_space<vmem_shared>>)
        tpu.yield
      }) : () -> ()
    }
    %scan3A_32 = arith.constant 6 : i32
    %dma_wait3A = arith.constant 0 : i32
    %dma_wait3A_33 = arith.constant 0 : i32
    %dma_wait3A_34 = tpu.memref_slice %arg2[%dma_wait3A, %dma_wait3A_33] : memref<10000x128xf32, #tpu.memory_space<hbm>> -> memref<96x128xf32, #tpu.memory_space<hbm>>
    %dma_wait3A_35 = arith.constant 0 : i32
    %dma_wait3A_36 = arith.constant 0 : i32
    %dma_wait3A_37 = tpu.memref_slice %arg2[%dma_wait3A_35, %dma_wait3A_36] : memref<10000x128xf32, #tpu.memory_space<hbm>> -> memref<96x128xf32, #tpu.memory_space<hbm>>
    tpu.wait_dma2 semaphore(%arg11 : memref<!tpu.dma_semaphore, #tpu.memory_space<semaphore_mem>>) src(%dma_wait3A_37 : memref<96x128xf32, #tpu.memory_space<hbm>>) dst(%arg7 : memref<96x128xf32, #tpu.memory_space<vmem>>)
    %dma_wait3A_38 = arith.constant 0 : i32
    %dma_wait3A_39 = arith.constant 0 : i32
    %dma_wait3A_40 = tpu.memref_slice %arg2[%dma_wait3A_38, %dma_wait3A_39] : memref<10000x128xf32, #tpu.memory_space<hbm>> -> memref<96x128xf32, #tpu.memory_space<hbm>>
    %dma_wait3A_41 = arith.constant 0 : i32
    %dma_wait3A_42 = arith.constant 0 : i32
    %dma_wait3A_43 = tpu.memref_slice %arg2[%dma_wait3A_41, %dma_wait3A_42] : memref<10000x128xf32, #tpu.memory_space<hbm>> -> memref<96x128xf32, #tpu.memory_space<hbm>>
    tpu.wait_dma2 semaphore(%arg12 : memref<!tpu.dma_semaphore, #tpu.memory_space<semaphore_mem>>) src(%dma_wait3A_43 : memref<96x128xf32, #tpu.memory_space<hbm>>) dst(%arg8 : memref<96x128xf32, #tpu.memory_space<vmem>>)
    %barrier3A_44 = arith.constant 0 : index
    tpu.barrier barrier_id(%barrier3A_44)
    %mul3A_45 = arith.constant 632 : i32
    %mul3A_46 = arith.muli %arg1, %mul3A_45 : i32
    %mul3A_47 = arith.constant 632 : i32
    %mul3A_48 = arith.muli %arg1, %mul3A_47 : i32
    "tpu.region"() ({
      %run_scoped3A_49 = tpu.sem_alloc : memref<!tpu.dma_semaphore, #tpu.memory_space<semaphore_mem>>
      %dma_start3A_50 = arith.constant 0 : i32
      %dma_start3A_51 = tpu.memref_slice %arg4[%arg0, %mul3A_48, %dma_start3A_50] : memref<2x10112x128xf32, #tpu.memory_space<hbm>> -> memref<1x632x128xf32, #tpu.memory_space<hbm>>
      %dma_start3A_52 = tpu.memref_squeeze %dma_start3A_51 : memref<1x632x128xf32, #tpu.memory_space<hbm>> -> memref<632x128xf32, #tpu.memory_space<hbm>>
      %dma_start3A_53 = arith.constant 0 : i32
      %dma_start3A_54 = tpu.memref_slice %arg10[%mul3A_46, %dma_start3A_53] : memref<10112x128xf32, #tpu.memory_space<vmem_shared>> -> memref<632x128xf32, #tpu.memory_space<vmem_shared>>
      tpu.enqueue_dma source(%dma_start3A_54 : memref<632x128xf32, #tpu.memory_space<vmem_shared>>) target(%dma_start3A_52 : memref<632x128xf32, #tpu.memory_space<hbm>>) target_semaphore(%run_scoped3A_49 : memref<!tpu.dma_semaphore, #tpu.memory_space<semaphore_mem>>)
      %dma_wait3A_55 = arith.constant 0 : i32
      %dma_wait3A_56 = tpu.memref_slice %arg4[%arg0, %mul3A_48, %dma_wait3A_55] : memref<2x10112x128xf32, #tpu.memory_space<hbm>> -> memref<1x632x128xf32, #tpu.memory_space<hbm>>
      %dma_wait3A_57 = tpu.memref_squeeze %dma_wait3A_56 : memref<1x632x128xf32, #tpu.memory_space<hbm>> -> memref<632x128xf32, #tpu.memory_space<hbm>>
      %dma_wait3A_58 = arith.constant 0 : i32
      %dma_wait3A_59 = tpu.memref_slice %arg10[%mul3A_46, %dma_wait3A_58] : memref<10112x128xf32, #tpu.memory_space<vmem_shared>> -> memref<632x128xf32, #tpu.memory_space<vmem_shared>>
      tpu.wait_dma2 semaphore(%run_scoped3A_49 : memref<!tpu.dma_semaphore, #tpu.memory_space<semaphore_mem>>) src(%dma_wait3A_59 : memref<632x128xf32, #tpu.memory_space<vmem_shared>>) dst(%dma_wait3A_57 : memref<632x128xf32, #tpu.memory_space<hbm>>)
      tpu.yield
    }) : () -> ()
    return
  }
}

#map = affine_map<(d0, d1) -> (0, 0)>
#map1 = affine_map<(d0, d1) -> (0, 0, 0, 0, 0, 0)>
#map2 = affine_map<(d0, d1) -> (0, 0, 0)>
module attributes {stable_mosaic.version = 14 : i64} {
  func.func @_sc_agg(%arg0: i32, %arg1: i32, %arg2: memref<10000x128xf32, #tpu.memory_space<hbm>>, %arg3: memref<2x16x12x9x2x96xi32, #tpu.memory_space<hbm>>, %arg4: memref<2x10112x128xf32, #tpu.memory_space<hbm>>, %arg5: memref<9x2x96xi32, #tpu.memory_space<vmem>>, %arg6: memref<9x2x96xi32, #tpu.memory_space<vmem>>, %arg7: memref<96x128xf32, #tpu.memory_space<vmem>>, %arg8: memref<96x128xf32, #tpu.memory_space<vmem>>, %arg9: memref<96x128xf32, #tpu.memory_space<vmem>>, %arg10: memref<10112x128xf32, #tpu.memory_space<vmem_shared>>, %arg11: memref<!tpu.dma_semaphore, #tpu.memory_space<semaphore_mem>>, %arg12: memref<!tpu.dma_semaphore, #tpu.memory_space<semaphore_mem>>, %arg13: memref<!tpu.dma_semaphore, #tpu.memory_space<semaphore_mem>>, %arg14: memref<!tpu.dma_semaphore, #tpu.memory_space<semaphore_mem>>) attributes {dimension_semantics = [#tpu.dimension_semantics<core_parallel>, #tpu.dimension_semantics<subcore_parallel>], iteration_bounds = array<i64: 2, 16>, scalar_prefetch = 0 : i64, scratch_operands = 10 : i64, tpu.core_type = #tpu.core_type<sc_vector_subcore>, window_params = [{transform_indices = #map}, {transform_indices = #map1}, {transform_indices = #map2}]} {
    %broadcast_in_dim3A = arith.constant 0.000000e+00 : f32
    %broadcast_in_dim3A_0 = vector.broadcast %broadcast_in_dim3A : f32 to vector<16xf32>
    %scan3A = arith.constant 0 : i32
    %scan3A_1 = arith.constant 96 : i32
    %scan3A_2 = arith.addi %scan3A, %scan3A_1 : i32
    %scan3A_3 = arith.constant 1 : i32
    scf.for %scan3A_49 = %scan3A to %scan3A_2 step %scan3A_3  : i32 {
      %mul3A_50 = arith.constant 1 : i32
      %mul3A_51 = arith.muli %scan3A_49, %mul3A_50 : i32
      %add3A_52 = arith.constant 0 : i32
      %add3A_53 = arith.addi %add3A_52, %mul3A_51 : i32
      %scan3A_54 = arith.constant 0 : i32
      %scan3A_55 = arith.constant 8 : i32
      %scan3A_56 = arith.addi %scan3A_54, %scan3A_55 : i32
      %scan3A_57 = arith.constant 1 : i32
      scf.for %scan3A_59 = %scan3A_54 to %scan3A_56 step %scan3A_57  : i32 {
        %mul3A_60 = arith.constant 1 : i32
        %mul3A_61 = arith.muli %scan3A_59, %mul3A_60 : i32
        %add3A_62 = arith.constant 0 : i32
        %add3A_63 = arith.addi %add3A_62, %mul3A_61 : i32
        %mul3A_64 = arith.constant 16 : i32
        %mul3A_65 = arith.muli %add3A_63, %mul3A_64 : i32
        %swap3A = arith.index_cast %add3A_53 : i32 to index
        %swap3A_66 = arith.index_cast %mul3A_65 : i32 to index
        %swap3A_67 = tpu.vector_load %arg7[%swap3A, %swap3A_66] {strides = array<i32>} : memref<96x128xf32, #tpu.memory_space<vmem>>, vector<1x16xf32>,
        %swap3A_68 = vector.shape_cast %swap3A_67 : vector<1x16xf32> to vector<16xf32>
        %swap3A_69 = vector.shape_cast %broadcast_in_dim3A_0 : vector<16xf32> to vector<1x16xf32>
        tpu.vector_store %arg7[%swap3A, %swap3A_66], %swap3A_69 {strides = array<i32>} : memref<96x128xf32, #tpu.memory_space<vmem>>, vector<1x16xf32>,
      }
      %scan3A_58 = arith.constant 8 : i32
    }
    %scan3A_4 = arith.constant 96 : i32
    %scan3A_5 = arith.constant 0 : i32
    %scan3A_6 = arith.constant 6 : i32
    %scan3A_7 = arith.addi %scan3A_5, %scan3A_6 : i32
    %scan3A_8 = arith.constant 1 : i32
    scf.for %scan3A_49 = %scan3A_5 to %scan3A_7 step %scan3A_8  : i32 {
      %mul3A_50 = arith.constant 1 : i32
      %mul3A_51 = arith.muli %scan3A_49, %mul3A_50 : i32
      %add3A_52 = arith.constant 0 : i32
      %add3A_53 = arith.addi %add3A_52, %mul3A_51 : i32
      %mul3A_54 = arith.constant 632 : i32
      %mul3A_55 = arith.muli %arg1, %mul3A_54 : i32
      %mul3A_56 = arith.constant 96 : i32
      %mul3A_57 = arith.muli %add3A_53, %mul3A_56 : i32
      %add3A_58 = arith.addi %mul3A_55, %mul3A_57 : i32
      "tpu.region"() ({
        %run_scoped3A_59 = tpu.sem_alloc : memref<!tpu.dma_semaphore, #tpu.memory_space<semaphore_mem>>
        %dma_start3A_60 = arith.constant 0 : i32
        %dma_start3A_61 = tpu.memref_slice %arg10[%add3A_58, %dma_start3A_60] : memref<10112x128xf32, #tpu.memory_space<vmem_shared>> -> memref<96x128xf32, #tpu.memory_space<vmem_shared>>
        %dma_start3A_62 = arith.constant 0 : i32
        %dma_start3A_63 = tpu.memref_slice %arg10[%add3A_58, %dma_start3A_62] : memref<10112x128xf32, #tpu.memory_space<vmem_shared>> -> memref<96x128xf32, #tpu.memory_space<vmem_shared>>
        tpu.enqueue_dma source(%arg7 : memref<96x128xf32, #tpu.memory_space<vmem>>) target(%dma_start3A_63 : memref<96x128xf32, #tpu.memory_space<vmem_shared>>) target_semaphore(%run_scoped3A_59 : memref<!tpu.dma_semaphore, #tpu.memory_space<semaphore_mem>>)
        %dma_wait3A_64 = arith.constant 0 : i32
        %dma_wait3A_65 = tpu.memref_slice %arg10[%add3A_58, %dma_wait3A_64] : memref<10112x128xf32, #tpu.memory_space<vmem_shared>> -> memref<96x128xf32, #tpu.memory_space<vmem_shared>>
        %dma_wait3A_66 = arith.constant 0 : i32
        %dma_wait3A_67 = tpu.memref_slice %arg10[%add3A_58, %dma_wait3A_66] : memref<10112x128xf32, #tpu.memory_space<vmem_shared>> -> memref<96x128xf32, #tpu.memory_space<vmem_shared>>
        tpu.wait_dma2 semaphore(%run_scoped3A_59 : memref<!tpu.dma_semaphore, #tpu.memory_space<semaphore_mem>>) src(%arg7 : memref<96x128xf32, #tpu.memory_space<vmem>>) dst(%dma_wait3A_67 : memref<96x128xf32, #tpu.memory_space<vmem_shared>>)
        tpu.yield
      }) : () -> ()
    }
    %scan3A_9 = arith.constant 6 : i32
    %mul3A = arith.constant 632 : i32
    %mul3A_10 = arith.muli %arg1, %mul3A : i32
    %add3A = arith.constant 576 : i32
    %add3A_11 = arith.addi %mul3A_10, %add3A : i32
    "tpu.region"() ({
      %run_scoped3A_49 = tpu.sem_alloc : memref<!tpu.dma_semaphore, #tpu.memory_space<semaphore_mem>>
      %dma_start3A_50 = arith.constant 0 : i32
      %dma_start3A_51 = arith.constant 0 : i32
      %dma_start3A_52 = tpu.memref_slice %arg7[%dma_start3A_50, %dma_start3A_51] : memref<96x128xf32, #tpu.memory_space<vmem>> -> memref<56x128xf32, #tpu.memory_space<vmem>>
      %dma_start3A_53 = arith.constant 0 : i32
      %dma_start3A_54 = tpu.memref_slice %arg10[%add3A_11, %dma_start3A_53] : memref<10112x128xf32, #tpu.memory_space<vmem_shared>> -> memref<56x128xf32, #tpu.memory_space<vmem_shared>>
      %dma_start3A_55 = arith.constant 0 : i32
      %dma_start3A_56 = tpu.memref_slice %arg10[%add3A_11, %dma_start3A_55] : memref<10112x128xf32, #tpu.memory_space<vmem_shared>> -> memref<56x128xf32, #tpu.memory_space<vmem_shared>>
      %dma_start3A_57 = arith.constant 0 : i32
      %dma_start3A_58 = arith.constant 0 : i32
      %dma_start3A_59 = tpu.memref_slice %arg7[%dma_start3A_57, %dma_start3A_58] : memref<96x128xf32, #tpu.memory_space<vmem>> -> memref<56x128xf32, #tpu.memory_space<vmem>>
      tpu.enqueue_dma source(%dma_start3A_59 : memref<56x128xf32, #tpu.memory_space<vmem>>) target(%dma_start3A_56 : memref<56x128xf32, #tpu.memory_space<vmem_shared>>) target_semaphore(%run_scoped3A_49 : memref<!tpu.dma_semaphore, #tpu.memory_space<semaphore_mem>>)
      %dma_wait3A_60 = arith.constant 0 : i32
      %dma_wait3A_61 = arith.constant 0 : i32
      %dma_wait3A_62 = tpu.memref_slice %arg7[%dma_wait3A_60, %dma_wait3A_61] : memref<96x128xf32, #tpu.memory_space<vmem>> -> memref<56x128xf32, #tpu.memory_space<vmem>>
      %dma_wait3A_63 = arith.constant 0 : i32
      %dma_wait3A_64 = tpu.memref_slice %arg10[%add3A_11, %dma_wait3A_63] : memref<10112x128xf32, #tpu.memory_space<vmem_shared>> -> memref<56x128xf32, #tpu.memory_space<vmem_shared>>
      %dma_wait3A_65 = arith.constant 0 : i32
      %dma_wait3A_66 = tpu.memref_slice %arg10[%add3A_11, %dma_wait3A_65] : memref<10112x128xf32, #tpu.memory_space<vmem_shared>> -> memref<56x128xf32, #tpu.memory_space<vmem_shared>>
      %dma_wait3A_67 = arith.constant 0 : i32
      %dma_wait3A_68 = arith.constant 0 : i32
      %dma_wait3A_69 = tpu.memref_slice %arg7[%dma_wait3A_67, %dma_wait3A_68] : memref<96x128xf32, #tpu.memory_space<vmem>> -> memref<56x128xf32, #tpu.memory_space<vmem>>
      tpu.wait_dma2 semaphore(%run_scoped3A_49 : memref<!tpu.dma_semaphore, #tpu.memory_space<semaphore_mem>>) src(%dma_wait3A_69 : memref<56x128xf32, #tpu.memory_space<vmem>>) dst(%dma_wait3A_66 : memref<56x128xf32, #tpu.memory_space<vmem_shared>>)
      tpu.yield
    }) : () -> ()
    %barrier3A = arith.constant 0 : index
    tpu.barrier barrier_id(%barrier3A)
    %run_scoped3A = arith.constant 0 : i32
    "tpu.region"() ({
      %run_scoped3A_49 = tpu.sem_alloc : memref<!tpu.dma_semaphore, #tpu.memory_space<semaphore_mem>>
      %dma_start3A_50 = arith.constant 0 : i32
      %dma_start3A_51 = arith.constant 0 : i32
      %dma_start3A_52 = arith.constant 0 : i32
      %dma_start3A_53 = tpu.memref_slice %arg3[%arg0, %arg1, %run_scoped3A, %dma_start3A_50, %dma_start3A_51, %dma_start3A_52] : memref<2x16x12x9x2x96xi32, #tpu.memory_space<hbm>> -> memref<1x1x1x9x2x96xi32, #tpu.memory_space<hbm>>
      %dma_start3A_54 = tpu.memref_squeeze %dma_start3A_53 : memref<1x1x1x9x2x96xi32, #tpu.memory_space<hbm>> -> memref<9x2x96xi32, #tpu.memory_space<hbm>>
      %dma_start3A_55 = arith.constant 0 : i32
      %dma_start3A_56 = arith.constant 0 : i32
      %dma_start3A_57 = arith.constant 0 : i32
      %dma_start3A_58 = tpu.memref_slice %arg3[%arg0, %arg1, %run_scoped3A, %dma_start3A_55, %dma_start3A_56, %dma_start3A_57] : memref<2x16x12x9x2x96xi32, #tpu.memory_space<hbm>> -> memref<1x1x1x9x2x96xi32, #tpu.memory_space<hbm>>
      %dma_start3A_59 = tpu.memref_squeeze %dma_start3A_58 : memref<1x1x1x9x2x96xi32, #tpu.memory_space<hbm>> -> memref<9x2x96xi32, #tpu.memory_space<hbm>>
      tpu.enqueue_dma source(%dma_start3A_59 : memref<9x2x96xi32, #tpu.memory_space<hbm>>) target(%arg5 : memref<9x2x96xi32, #tpu.memory_space<vmem>>) target_semaphore(%run_scoped3A_49 : memref<!tpu.dma_semaphore, #tpu.memory_space<semaphore_mem>>)
      %dma_wait3A_60 = arith.constant 0 : i32
      %dma_wait3A_61 = arith.constant 0 : i32
      %dma_wait3A_62 = arith.constant 0 : i32
      %dma_wait3A_63 = tpu.memref_slice %arg3[%arg0, %arg1, %run_scoped3A, %dma_wait3A_60, %dma_wait3A_61, %dma_wait3A_62] : memref<2x16x12x9x2x96xi32, #tpu.memory_space<hbm>> -> memref<1x1x1x9x2x96xi32, #tpu.memory_space<hbm>>
      %dma_wait3A_64 = tpu.memref_squeeze %dma_wait3A_63 : memref<1x1x1x9x2x96xi32, #tpu.memory_space<hbm>> -> memref<9x2x96xi32, #tpu.memory_space<hbm>>
      %dma_wait3A_65 = arith.constant 0 : i32
      %dma_wait3A_66 = arith.constant 0 : i32
      %dma_wait3A_67 = arith.constant 0 : i32
      %dma_wait3A_68 = tpu.memref_slice %arg3[%arg0, %arg1, %run_scoped3A, %dma_wait3A_65, %dma_wait3A_66, %dma_wait3A_67] : memref<2x16x12x9x2x96xi32, #tpu.memory_space<hbm>> -> memref<1x1x1x9x2x96xi32, #tpu.memory_space<hbm>>
      %dma_wait3A_69 = tpu.memref_squeeze %dma_wait3A_68 : memref<1x1x1x9x2x96xi32, #tpu.memory_space<hbm>> -> memref<9x2x96xi32, #tpu.memory_space<hbm>>
      tpu.wait_dma2 semaphore(%run_scoped3A_49 : memref<!tpu.dma_semaphore, #tpu.memory_space<semaphore_mem>>) src(%dma_wait3A_69 : memref<9x2x96xi32, #tpu.memory_space<hbm>>) dst(%arg5 : memref<9x2x96xi32, #tpu.memory_space<vmem>>)
      tpu.yield
    }) : () -> ()
    %dma_start3A = arith.constant 0 : i32
    %dma_start3A_12 = arith.constant 0 : i32
    %dma_start3A_13 = arith.constant 0 : i32
    %dma_start3A_14 = tpu.memref_slice %arg5[%dma_start3A, %dma_start3A_12, %dma_start3A_13] : memref<9x2x96xi32, #tpu.memory_space<vmem>> -> memref<1x1x96xi32, #tpu.memory_space<vmem>>
    %dma_start3A_15 = tpu.memref_squeeze %dma_start3A_14 : memref<1x1x96xi32, #tpu.memory_space<vmem>> -> memref<96xi32, #tpu.memory_space<vmem>>
    %dma_start3A_16 = arith.constant 0 : i32
    %dma_start3A_17 = arith.constant 0 : i32
    %dma_start3A_18 = tpu.memref_slice %arg2[%dma_start3A_16, %dma_start3A_17] : memref<10000x128xf32, #tpu.memory_space<hbm>> -> memref<10000x128xf32, #tpu.memory_space<hbm>>
    tpu.enqueue_indirect_dma source(%dma_start3A_18 : memref<10000x128xf32, #tpu.memory_space<hbm>>) target(%arg7 : memref<96x128xf32, #tpu.memory_space<vmem>>) offsets(%dma_start3A_15 : memref<96xi32, #tpu.memory_space<vmem>>) semaphore(%arg11 : memref<!tpu.dma_semaphore, #tpu.memory_space<semaphore_mem>>)
    %dma_start3A_19 = arith.constant 1 : i32
    %dma_start3A_20 = arith.constant 0 : i32
    %dma_start3A_21 = arith.constant 0 : i32
    %dma_start3A_22 = tpu.memref_slice %arg5[%dma_start3A_19, %dma_start3A_20, %dma_start3A_21] : memref<9x2x96xi32, #tpu.memory_space<vmem>> -> memref<1x1x96xi32, #tpu.memory_space<vmem>>
    %dma_start3A_23 = tpu.memref_squeeze %dma_start3A_22 : memref<1x1x96xi32, #tpu.memory_space<vmem>> -> memref<96xi32, #tpu.memory_space<vmem>>
    %dma_start3A_24 = arith.constant 0 : i32
    %dma_start3A_25 = arith.constant 0 : i32
    %dma_start3A_26 = tpu.memref_slice %arg2[%dma_start3A_24, %dma_start3A_25] : memref<10000x128xf32, #tpu.memory_space<hbm>> -> memref<10000x128xf32, #tpu.memory_space<hbm>>
    tpu.enqueue_indirect_dma source(%dma_start3A_26 : memref<10000x128xf32, #tpu.memory_space<hbm>>) target(%arg8 : memref<96x128xf32, #tpu.memory_space<vmem>>) offsets(%dma_start3A_23 : memref<96xi32, #tpu.memory_space<vmem>>) semaphore(%arg12 : memref<!tpu.dma_semaphore, #tpu.memory_space<semaphore_mem>>)
    %scan3A_27 = arith.constant 0 : i32
    %scan3A_28 = arith.constant 0 : i32
    %scan3A_29 = arith.constant 6 : i32
    %scan3A_30 = arith.addi %scan3A_28, %scan3A_29 : i32
    %scan3A_31 = arith.constant 1 : i32
    scf.for %scan3A_49 = %scan3A_28 to %scan3A_30 step %scan3A_31  : i32 {
      %mul3A_50 = arith.constant 1 : i32
      %mul3A_51 = arith.muli %scan3A_49, %mul3A_50 : i32
      %add3A_52 = arith.constant 0 : i32
      %add3A_53 = arith.addi %add3A_52, %mul3A_51 : i32
      %mul3A_54 = arith.constant 2 : i32
      %mul3A_55 = arith.muli %add3A_53, %mul3A_54 : i32
      %add3A_56 = arith.constant 1 : i32
      %add3A_57 = arith.addi %mul3A_55, %add3A_56 : i32
      %min3A = arith.constant 11 : i32
      %min3A_58 = arith.minsi %add3A_57, %min3A : i32
      %dma_start3A_59 = arith.constant 0 : i32
      %dma_start3A_60 = arith.constant 0 : i32
      %dma_start3A_61 = arith.constant 0 : i32
      %dma_start3A_62 = tpu.memref_slice %arg3[%arg0, %arg1, %min3A_58, %dma_start3A_59, %dma_start3A_60, %dma_start3A_61] : memref<2x16x12x9x2x96xi32, #tpu.memory_space<hbm>> -> memref<1x1x1x9x2x96xi32, #tpu.memory_space<hbm>>
      %dma_start3A_63 = tpu.memref_squeeze %dma_start3A_62 : memref<1x1x1x9x2x96xi32, #tpu.memory_space<hbm>> -> memref<9x2x96xi32, #tpu.memory_space<hbm>>
      %dma_start3A_64 = arith.constant 0 : i32
      %dma_start3A_65 = arith.constant 0 : i32
      %dma_start3A_66 = arith.constant 0 : i32
      %dma_start3A_67 = tpu.memref_slice %arg3[%arg0, %arg1, %min3A_58, %dma_start3A_64, %dma_start3A_65, %dma_start3A_66] : memref<2x16x12x9x2x96xi32, #tpu.memory_space<hbm>> -> memref<1x1x1x9x2x96xi32, #tpu.memory_space<hbm>>
      %dma_start3A_68 = tpu.memref_squeeze %dma_start3A_67 : memref<1x1x1x9x2x96xi32, #tpu.memory_space<hbm>> -> memref<9x2x96xi32, #tpu.memory_space<hbm>>
      tpu.enqueue_dma source(%dma_start3A_68 : memref<9x2x96xi32, #tpu.memory_space<hbm>>) target(%arg6 : memref<9x2x96xi32, #tpu.memory_space<vmem>>) target_semaphore(%arg14 : memref<!tpu.dma_semaphore, #tpu.memory_space<semaphore_mem>>)
      %dma_wait3A_69 = arith.constant 0 : i32
      %dma_wait3A_70 = arith.constant 0 : i32
      %dma_wait3A_71 = tpu.memref_slice %arg2[%dma_wait3A_69, %dma_wait3A_70] : memref<10000x128xf32, #tpu.memory_space<hbm>> -> memref<96x128xf32, #tpu.memory_space<hbm>>
      %dma_wait3A_72 = arith.constant 0 : i32
      %dma_wait3A_73 = arith.constant 0 : i32
      %dma_wait3A_74 = tpu.memref_slice %arg2[%dma_wait3A_72, %dma_wait3A_73] : memref<10000x128xf32, #tpu.memory_space<hbm>> -> memref<96x128xf32, #tpu.memory_space<hbm>>
      tpu.wait_dma2 semaphore(%arg11 : memref<!tpu.dma_semaphore, #tpu.memory_space<semaphore_mem>>) src(%dma_wait3A_74 : memref<96x128xf32, #tpu.memory_space<hbm>>) dst(%arg7 : memref<96x128xf32, #tpu.memory_space<vmem>>)
      %dma_start3A_75 = arith.constant 2 : i32
      %dma_start3A_76 = arith.constant 0 : i32
      %dma_start3A_77 = arith.constant 0 : i32
      %dma_start3A_78 = tpu.memref_slice %arg5[%dma_start3A_75, %dma_start3A_76, %dma_start3A_77] : memref<9x2x96xi32, #tpu.memory_space<vmem>> -> memref<1x1x96xi32, #tpu.memory_space<vmem>>
      %dma_start3A_79 = tpu.memref_squeeze %dma_start3A_78 : memref<1x1x96xi32, #tpu.memory_space<vmem>> -> memref<96xi32, #tpu.memory_space<vmem>>
      %dma_start3A_80 = arith.constant 0 : i32
      %dma_start3A_81 = arith.constant 0 : i32
      %dma_start3A_82 = tpu.memref_slice %arg2[%dma_start3A_80, %dma_start3A_81] : memref<10000x128xf32, #tpu.memory_space<hbm>> -> memref<10000x128xf32, #tpu.memory_space<hbm>>
      tpu.enqueue_indirect_dma source(%dma_start3A_82 : memref<10000x128xf32, #tpu.memory_space<hbm>>) target(%arg9 : memref<96x128xf32, #tpu.memory_space<vmem>>) offsets(%dma_start3A_79 : memref<96xi32, #tpu.memory_space<vmem>>) semaphore(%arg13 : memref<!tpu.dma_semaphore, #tpu.memory_space<semaphore_mem>>)
      %run_scoped3A_83 = arith.constant 0 : i32
      %run_scoped3A_84 = arith.constant 1 : i32
      "tpu.region"() ({
        %run_scoped3A_395 = tpu.sem_alloc : memref<!tpu.dma_semaphore, #tpu.memory_space<semaphore_mem>>
        %dma_start3A_396 = arith.constant 0 : i32
        %dma_start3A_397 = tpu.memref_slice %arg5[%run_scoped3A_83, %run_scoped3A_84, %dma_start3A_396] : memref<9x2x96xi32, #tpu.memory_space<vmem>> -> memref<1x1x96xi32, #tpu.memory_space<vmem>>
        %dma_start3A_398 = tpu.memref_squeeze %dma_start3A_397 : memref<1x1x96xi32, #tpu.memory_space<vmem>> -> memref<96xi32, #tpu.memory_space<vmem>>
        %dma_start3A_399 = arith.constant 0 : i32
        %dma_start3A_400 = arith.constant 0 : i32
        %dma_start3A_401 = tpu.memref_slice %arg10[%dma_start3A_399, %dma_start3A_400] : memref<10112x128xf32, #tpu.memory_space<vmem_shared>> -> memref<10112x128xf32, #tpu.memory_space<vmem_shared>>
        tpu.enqueue_indirect_dma source(%arg7 : memref<96x128xf32, #tpu.memory_space<vmem>>) target(%dma_start3A_401 : memref<10112x128xf32, #tpu.memory_space<vmem_shared>>) offsets(%dma_start3A_398 : memref<96xi32, #tpu.memory_space<vmem>>) semaphore(%run_scoped3A_395 : memref<!tpu.dma_semaphore, #tpu.memory_space<semaphore_mem>>) {add = true}
        %dma_wait3A_402 = arith.constant 0 : i32
        %dma_wait3A_403 = tpu.memref_slice %arg5[%run_scoped3A_83, %run_scoped3A_84, %dma_wait3A_402] : memref<9x2x96xi32, #tpu.memory_space<vmem>> -> memref<1x1x96xi32, #tpu.memory_space<vmem>>
        %dma_wait3A_404 = tpu.memref_squeeze %dma_wait3A_403 : memref<1x1x96xi32, #tpu.memory_space<vmem>> -> memref<96xi32, #tpu.memory_space<vmem>>
        %dma_wait3A_405 = arith.constant 0 : i32
        %dma_wait3A_406 = arith.constant 0 : i32
        %dma_wait3A_407 = tpu.memref_slice %arg10[%dma_wait3A_405, %dma_wait3A_406] : memref<10112x128xf32, #tpu.memory_space<vmem_shared>> -> memref<10112x128xf32, #tpu.memory_space<vmem_shared>>
        tpu.wait_indirect_dma semaphore(%run_scoped3A_395 : memref<!tpu.dma_semaphore, #tpu.memory_space<semaphore_mem>>) src(%arg7 : memref<96x128xf32, #tpu.memory_space<vmem>>) dst(%dma_wait3A_407 : memref<10112x128xf32, #tpu.memory_space<vmem_shared>>)
        tpu.yield
      }) : () -> ()
      %dma_wait3A_85 = arith.constant 0 : i32
      %dma_wait3A_86 = arith.constant 0 : i32
      %dma_wait3A_87 = tpu.memref_slice %arg2[%dma_wait3A_85, %dma_wait3A_86] : memref<10000x128xf32, #tpu.memory_space<hbm>> -> memref<96x128xf32, #tpu.memory_space<hbm>>
      %dma_wait3A_88 = arith.constant 0 : i32
      %dma_wait3A_89 = arith.constant 0 : i32
      %dma_wait3A_90 = tpu.memref_slice %arg2[%dma_wait3A_88, %dma_wait3A_89] : memref<10000x128xf32, #tpu.memory_space<hbm>> -> memref<96x128xf32, #tpu.memory_space<hbm>>
      tpu.wait_dma2 semaphore(%arg12 : memref<!tpu.dma_semaphore, #tpu.memory_space<semaphore_mem>>) src(%dma_wait3A_90 : memref<96x128xf32, #tpu.memory_space<hbm>>) dst(%arg8 : memref<96x128xf32, #tpu.memory_space<vmem>>)
      %dma_start3A_91 = arith.constant 3 : i32
      %dma_start3A_92 = arith.constant 0 : i32
      %dma_start3A_93 = arith.constant 0 : i32
      %dma_start3A_94 = tpu.memref_slice %arg5[%dma_start3A_91, %dma_start3A_92, %dma_start3A_93] : memref<9x2x96xi32, #tpu.memory_space<vmem>> -> memref<1x1x96xi32, #tpu.memory_space<vmem>>
      %dma_start3A_95 = tpu.memref_squeeze %dma_start3A_94 : memref<1x1x96xi32, #tpu.memory_space<vmem>> -> memref<96xi32, #tpu.memory_space<vmem>>
      %dma_start3A_96 = arith.constant 0 : i32
      %dma_start3A_97 = arith.constant 0 : i32
      %dma_start3A_98 = tpu.memref_slice %arg2[%dma_start3A_96, %dma_start3A_97] : memref<10000x128xf32, #tpu.memory_space<hbm>> -> memref<10000x128xf32, #tpu.memory_space<hbm>>
      tpu.enqueue_indirect_dma source(%dma_start3A_98 : memref<10000x128xf32, #tpu.memory_space<hbm>>) target(%arg7 : memref<96x128xf32, #tpu.memory_space<vmem>>) offsets(%dma_start3A_95 : memref<96xi32, #tpu.memory_space<vmem>>) semaphore(%arg11 : memref<!tpu.dma_semaphore, #tpu.memory_space<semaphore_mem>>)
      %run_scoped3A_99 = arith.constant 1 : i32
      %run_scoped3A_100 = arith.constant 1 : i32
      "tpu.region"() ({
        %run_scoped3A_395 = tpu.sem_alloc : memref<!tpu.dma_semaphore, #tpu.memory_space<semaphore_mem>>
        %dma_start3A_396 = arith.constant 0 : i32
        %dma_start3A_397 = tpu.memref_slice %arg5[%run_scoped3A_99, %run_scoped3A_100, %dma_start3A_396] : memref<9x2x96xi32, #tpu.memory_space<vmem>> -> memref<1x1x96xi32, #tpu.memory_space<vmem>>
        %dma_start3A_398 = tpu.memref_squeeze %dma_start3A_397 : memref<1x1x96xi32, #tpu.memory_space<vmem>> -> memref<96xi32, #tpu.memory_space<vmem>>
        %dma_start3A_399 = arith.constant 0 : i32
        %dma_start3A_400 = arith.constant 0 : i32
        %dma_start3A_401 = tpu.memref_slice %arg10[%dma_start3A_399, %dma_start3A_400] : memref<10112x128xf32, #tpu.memory_space<vmem_shared>> -> memref<10112x128xf32, #tpu.memory_space<vmem_shared>>
        tpu.enqueue_indirect_dma source(%arg8 : memref<96x128xf32, #tpu.memory_space<vmem>>) target(%dma_start3A_401 : memref<10112x128xf32, #tpu.memory_space<vmem_shared>>) offsets(%dma_start3A_398 : memref<96xi32, #tpu.memory_space<vmem>>) semaphore(%run_scoped3A_395 : memref<!tpu.dma_semaphore, #tpu.memory_space<semaphore_mem>>) {add = true}
        %dma_wait3A_402 = arith.constant 0 : i32
        %dma_wait3A_403 = tpu.memref_slice %arg5[%run_scoped3A_99, %run_scoped3A_100, %dma_wait3A_402] : memref<9x2x96xi32, #tpu.memory_space<vmem>> -> memref<1x1x96xi32, #tpu.memory_space<vmem>>
        %dma_wait3A_404 = tpu.memref_squeeze %dma_wait3A_403 : memref<1x1x96xi32, #tpu.memory_space<vmem>> -> memref<96xi32, #tpu.memory_space<vmem>>
        %dma_wait3A_405 = arith.constant 0 : i32
        %dma_wait3A_406 = arith.constant 0 : i32
        %dma_wait3A_407 = tpu.memref_slice %arg10[%dma_wait3A_405, %dma_wait3A_406] : memref<10112x128xf32, #tpu.memory_space<vmem_shared>> -> memref<10112x128xf32, #tpu.memory_space<vmem_shared>>
        tpu.wait_indirect_dma semaphore(%run_scoped3A_395 : memref<!tpu.dma_semaphore, #tpu.memory_space<semaphore_mem>>) src(%arg8 : memref<96x128xf32, #tpu.memory_space<vmem>>) dst(%dma_wait3A_407 : memref<10112x128xf32, #tpu.memory_space<vmem_shared>>)
        tpu.yield
      }) : () -> ()
      %dma_wait3A_101 = arith.constant 0 : i32
      %dma_wait3A_102 = arith.constant 0 : i32
      %dma_wait3A_103 = tpu.memref_slice %arg2[%dma_wait3A_101, %dma_wait3A_102] : memref<10000x128xf32, #tpu.memory_space<hbm>> -> memref<96x128xf32, #tpu.memory_space<hbm>>
      %dma_wait3A_104 = arith.constant 0 : i32
      %dma_wait3A_105 = arith.constant 0 : i32
      %dma_wait3A_106 = tpu.memref_slice %arg2[%dma_wait3A_104, %dma_wait3A_105] : memref<10000x128xf32, #tpu.memory_space<hbm>> -> memref<96x128xf32, #tpu.memory_space<hbm>>
      tpu.wait_dma2 semaphore(%arg13 : memref<!tpu.dma_semaphore, #tpu.memory_space<semaphore_mem>>) src(%dma_wait3A_106 : memref<96x128xf32, #tpu.memory_space<hbm>>) dst(%arg9 : memref<96x128xf32, #tpu.memory_space<vmem>>)
      %dma_start3A_107 = arith.constant 4 : i32
      %dma_start3A_108 = arith.constant 0 : i32
      %dma_start3A_109 = arith.constant 0 : i32
      %dma_start3A_110 = tpu.memref_slice %arg5[%dma_start3A_107, %dma_start3A_108, %dma_start3A_109] : memref<9x2x96xi32, #tpu.memory_space<vmem>> -> memref<1x1x96xi32, #tpu.memory_space<vmem>>
      %dma_start3A_111 = tpu.memref_squeeze %dma_start3A_110 : memref<1x1x96xi32, #tpu.memory_space<vmem>> -> memref<96xi32, #tpu.memory_space<vmem>>
      %dma_start3A_112 = arith.constant 0 : i32
      %dma_start3A_113 = arith.constant 0 : i32
      %dma_start3A_114 = tpu.memref_slice %arg2[%dma_start3A_112, %dma_start3A_113] : memref<10000x128xf32, #tpu.memory_space<hbm>> -> memref<10000x128xf32, #tpu.memory_space<hbm>>
      tpu.enqueue_indirect_dma source(%dma_start3A_114 : memref<10000x128xf32, #tpu.memory_space<hbm>>) target(%arg8 : memref<96x128xf32, #tpu.memory_space<vmem>>) offsets(%dma_start3A_111 : memref<96xi32, #tpu.memory_space<vmem>>) semaphore(%arg12 : memref<!tpu.dma_semaphore, #tpu.memory_space<semaphore_mem>>)
      %run_scoped3A_115 = arith.constant 2 : i32
      %run_scoped3A_116 = arith.constant 1 : i32
      "tpu.region"() ({
        %run_scoped3A_395 = tpu.sem_alloc : memref<!tpu.dma_semaphore, #tpu.memory_space<semaphore_mem>>
        %dma_start3A_396 = arith.constant 0 : i32
        %dma_start3A_397 = tpu.memref_slice %arg5[%run_scoped3A_115, %run_scoped3A_116, %dma_start3A_396] : memref<9x2x96xi32, #tpu.memory_space<vmem>> -> memref<1x1x96xi32, #tpu.memory_space<vmem>>
        %dma_start3A_398 = tpu.memref_squeeze %dma_start3A_397 : memref<1x1x96xi32, #tpu.memory_space<vmem>> -> memref<96xi32, #tpu.memory_space<vmem>>
        %dma_start3A_399 = arith.constant 0 : i32
        %dma_start3A_400 = arith.constant 0 : i32
        %dma_start3A_401 = tpu.memref_slice %arg10[%dma_start3A_399, %dma_start3A_400] : memref<10112x128xf32, #tpu.memory_space<vmem_shared>> -> memref<10112x128xf32, #tpu.memory_space<vmem_shared>>
        tpu.enqueue_indirect_dma source(%arg9 : memref<96x128xf32, #tpu.memory_space<vmem>>) target(%dma_start3A_401 : memref<10112x128xf32, #tpu.memory_space<vmem_shared>>) offsets(%dma_start3A_398 : memref<96xi32, #tpu.memory_space<vmem>>) semaphore(%run_scoped3A_395 : memref<!tpu.dma_semaphore, #tpu.memory_space<semaphore_mem>>) {add = true}
        %dma_wait3A_402 = arith.constant 0 : i32
        %dma_wait3A_403 = tpu.memref_slice %arg5[%run_scoped3A_115, %run_scoped3A_116, %dma_wait3A_402] : memref<9x2x96xi32, #tpu.memory_space<vmem>> -> memref<1x1x96xi32, #tpu.memory_space<vmem>>
        %dma_wait3A_404 = tpu.memref_squeeze %dma_wait3A_403 : memref<1x1x96xi32, #tpu.memory_space<vmem>> -> memref<96xi32, #tpu.memory_space<vmem>>
        %dma_wait3A_405 = arith.constant 0 : i32
        %dma_wait3A_406 = arith.constant 0 : i32
        %dma_wait3A_407 = tpu.memref_slice %arg10[%dma_wait3A_405, %dma_wait3A_406] : memref<10112x128xf32, #tpu.memory_space<vmem_shared>> -> memref<10112x128xf32, #tpu.memory_space<vmem_shared>>
        tpu.wait_indirect_dma semaphore(%run_scoped3A_395 : memref<!tpu.dma_semaphore, #tpu.memory_space<semaphore_mem>>) src(%arg9 : memref<96x128xf32, #tpu.memory_space<vmem>>) dst(%dma_wait3A_407 : memref<10112x128xf32, #tpu.memory_space<vmem_shared>>)
        tpu.yield
      }) : () -> ()
      %dma_wait3A_117 = arith.constant 0 : i32
      %dma_wait3A_118 = arith.constant 0 : i32
      %dma_wait3A_119 = tpu.memref_slice %arg2[%dma_wait3A_117, %dma_wait3A_118] : memref<10000x128xf32, #tpu.memory_space<hbm>> -> memref<96x128xf32, #tpu.memory_space<hbm>>
      %dma_wait3A_120 = arith.constant 0 : i32
      %dma_wait3A_121 = arith.constant 0 : i32
      %dma_wait3A_122 = tpu.memref_slice %arg2[%dma_wait3A_120, %dma_wait3A_121] : memref<10000x128xf32, #tpu.memory_space<hbm>> -> memref<96x128xf32, #tpu.memory_space<hbm>>
      tpu.wait_dma2 semaphore(%arg11 : memref<!tpu.dma_semaphore, #tpu.memory_space<semaphore_mem>>) src(%dma_wait3A_122 : memref<96x128xf32, #tpu.memory_space<hbm>>) dst(%arg7 : memref<96x128xf32, #tpu.memory_space<vmem>>)
      %dma_start3A_123 = arith.constant 5 : i32
      %dma_start3A_124 = arith.constant 0 : i32
      %dma_start3A_125 = arith.constant 0 : i32
      %dma_start3A_126 = tpu.memref_slice %arg5[%dma_start3A_123, %dma_start3A_124, %dma_start3A_125] : memref<9x2x96xi32, #tpu.memory_space<vmem>> -> memref<1x1x96xi32, #tpu.memory_space<vmem>>
      %dma_start3A_127 = tpu.memref_squeeze %dma_start3A_126 : memref<1x1x96xi32, #tpu.memory_space<vmem>> -> memref<96xi32, #tpu.memory_space<vmem>>
      %dma_start3A_128 = arith.constant 0 : i32
      %dma_start3A_129 = arith.constant 0 : i32
      %dma_start3A_130 = tpu.memref_slice %arg2[%dma_start3A_128, %dma_start3A_129] : memref<10000x128xf32, #tpu.memory_space<hbm>> -> memref<10000x128xf32, #tpu.memory_space<hbm>>
      tpu.enqueue_indirect_dma source(%dma_start3A_130 : memref<10000x128xf32, #tpu.memory_space<hbm>>) target(%arg9 : memref<96x128xf32, #tpu.memory_space<vmem>>) offsets(%dma_start3A_127 : memref<96xi32, #tpu.memory_space<vmem>>) semaphore(%arg13 : memref<!tpu.dma_semaphore, #tpu.memory_space<semaphore_mem>>)
      %run_scoped3A_131 = arith.constant 3 : i32
      %run_scoped3A_132 = arith.constant 1 : i32
      "tpu.region"() ({
        %run_scoped3A_395 = tpu.sem_alloc : memref<!tpu.dma_semaphore, #tpu.memory_space<semaphore_mem>>
        %dma_start3A_396 = arith.constant 0 : i32
        %dma_start3A_397 = tpu.memref_slice %arg5[%run_scoped3A_131, %run_scoped3A_132, %dma_start3A_396] : memref<9x2x96xi32, #tpu.memory_space<vmem>> -> memref<1x1x96xi32, #tpu.memory_space<vmem>>
        %dma_start3A_398 = tpu.memref_squeeze %dma_start3A_397 : memref<1x1x96xi32, #tpu.memory_space<vmem>> -> memref<96xi32, #tpu.memory_space<vmem>>
        %dma_start3A_399 = arith.constant 0 : i32
        %dma_start3A_400 = arith.constant 0 : i32
        %dma_start3A_401 = tpu.memref_slice %arg10[%dma_start3A_399, %dma_start3A_400] : memref<10112x128xf32, #tpu.memory_space<vmem_shared>> -> memref<10112x128xf32, #tpu.memory_space<vmem_shared>>
        tpu.enqueue_indirect_dma source(%arg7 : memref<96x128xf32, #tpu.memory_space<vmem>>) target(%dma_start3A_401 : memref<10112x128xf32, #tpu.memory_space<vmem_shared>>) offsets(%dma_start3A_398 : memref<96xi32, #tpu.memory_space<vmem>>) semaphore(%run_scoped3A_395 : memref<!tpu.dma_semaphore, #tpu.memory_space<semaphore_mem>>) {add = true}
        %dma_wait3A_402 = arith.constant 0 : i32
        %dma_wait3A_403 = tpu.memref_slice %arg5[%run_scoped3A_131, %run_scoped3A_132, %dma_wait3A_402] : memref<9x2x96xi32, #tpu.memory_space<vmem>> -> memref<1x1x96xi32, #tpu.memory_space<vmem>>
        %dma_wait3A_404 = tpu.memref_squeeze %dma_wait3A_403 : memref<1x1x96xi32, #tpu.memory_space<vmem>> -> memref<96xi32, #tpu.memory_space<vmem>>
        %dma_wait3A_405 = arith.constant 0 : i32
        %dma_wait3A_406 = arith.constant 0 : i32
        %dma_wait3A_407 = tpu.memref_slice %arg10[%dma_wait3A_405, %dma_wait3A_406] : memref<10112x128xf32, #tpu.memory_space<vmem_shared>> -> memref<10112x128xf32, #tpu.memory_space<vmem_shared>>
        tpu.wait_indirect_dma semaphore(%run_scoped3A_395 : memref<!tpu.dma_semaphore, #tpu.memory_space<semaphore_mem>>) src(%arg7 : memref<96x128xf32, #tpu.memory_space<vmem>>) dst(%dma_wait3A_407 : memref<10112x128xf32, #tpu.memory_space<vmem_shared>>)
        tpu.yield
      }) : () -> ()
      %dma_wait3A_133 = arith.constant 0 : i32
      %dma_wait3A_134 = arith.constant 0 : i32
      %dma_wait3A_135 = tpu.memref_slice %arg2[%dma_wait3A_133, %dma_wait3A_134] : memref<10000x128xf32, #tpu.memory_space<hbm>> -> memref<96x128xf32, #tpu.memory_space<hbm>>
      %dma_wait3A_136 = arith.constant 0 : i32
      %dma_wait3A_137 = arith.constant 0 : i32
      %dma_wait3A_138 = tpu.memref_slice %arg2[%dma_wait3A_136, %dma_wait3A_137] : memref<10000x128xf32, #tpu.memory_space<hbm>> -> memref<96x128xf32, #tpu.memory_space<hbm>>
      tpu.wait_dma2 semaphore(%arg12 : memref<!tpu.dma_semaphore, #tpu.memory_space<semaphore_mem>>) src(%dma_wait3A_138 : memref<96x128xf32, #tpu.memory_space<hbm>>) dst(%arg8 : memref<96x128xf32, #tpu.memory_space<vmem>>)
      %dma_start3A_139 = arith.constant 6 : i32
      %dma_start3A_140 = arith.constant 0 : i32
      %dma_start3A_141 = arith.constant 0 : i32
      %dma_start3A_142 = tpu.memref_slice %arg5[%dma_start3A_139, %dma_start3A_140, %dma_start3A_141] : memref<9x2x96xi32, #tpu.memory_space<vmem>> -> memref<1x1x96xi32, #tpu.memory_space<vmem>>
      %dma_start3A_143 = tpu.memref_squeeze %dma_start3A_142 : memref<1x1x96xi32, #tpu.memory_space<vmem>> -> memref<96xi32, #tpu.memory_space<vmem>>
      %dma_start3A_144 = arith.constant 0 : i32
      %dma_start3A_145 = arith.constant 0 : i32
      %dma_start3A_146 = tpu.memref_slice %arg2[%dma_start3A_144, %dma_start3A_145] : memref<10000x128xf32, #tpu.memory_space<hbm>> -> memref<10000x128xf32, #tpu.memory_space<hbm>>
      tpu.enqueue_indirect_dma source(%dma_start3A_146 : memref<10000x128xf32, #tpu.memory_space<hbm>>) target(%arg7 : memref<96x128xf32, #tpu.memory_space<vmem>>) offsets(%dma_start3A_143 : memref<96xi32, #tpu.memory_space<vmem>>) semaphore(%arg11 : memref<!tpu.dma_semaphore, #tpu.memory_space<semaphore_mem>>)
      %run_scoped3A_147 = arith.constant 4 : i32
      %run_scoped3A_148 = arith.constant 1 : i32
      "tpu.region"() ({
        %run_scoped3A_395 = tpu.sem_alloc : memref<!tpu.dma_semaphore, #tpu.memory_space<semaphore_mem>>
        %dma_start3A_396 = arith.constant 0 : i32
        %dma_start3A_397 = tpu.memref_slice %arg5[%run_scoped3A_147, %run_scoped3A_148, %dma_start3A_396] : memref<9x2x96xi32, #tpu.memory_space<vmem>> -> memref<1x1x96xi32, #tpu.memory_space<vmem>>
        %dma_start3A_398 = tpu.memref_squeeze %dma_start3A_397 : memref<1x1x96xi32, #tpu.memory_space<vmem>> -> memref<96xi32, #tpu.memory_space<vmem>>
        %dma_start3A_399 = arith.constant 0 : i32
        %dma_start3A_400 = arith.constant 0 : i32
        %dma_start3A_401 = tpu.memref_slice %arg10[%dma_start3A_399, %dma_start3A_400] : memref<10112x128xf32, #tpu.memory_space<vmem_shared>> -> memref<10112x128xf32, #tpu.memory_space<vmem_shared>>
        tpu.enqueue_indirect_dma source(%arg8 : memref<96x128xf32, #tpu.memory_space<vmem>>) target(%dma_start3A_401 : memref<10112x128xf32, #tpu.memory_space<vmem_shared>>) offsets(%dma_start3A_398 : memref<96xi32, #tpu.memory_space<vmem>>) semaphore(%run_scoped3A_395 : memref<!tpu.dma_semaphore, #tpu.memory_space<semaphore_mem>>) {add = true}
        %dma_wait3A_402 = arith.constant 0 : i32
        %dma_wait3A_403 = tpu.memref_slice %arg5[%run_scoped3A_147, %run_scoped3A_148, %dma_wait3A_402] : memref<9x2x96xi32, #tpu.memory_space<vmem>> -> memref<1x1x96xi32, #tpu.memory_space<vmem>>
        %dma_wait3A_404 = tpu.memref_squeeze %dma_wait3A_403 : memref<1x1x96xi32, #tpu.memory_space<vmem>> -> memref<96xi32, #tpu.memory_space<vmem>>
        %dma_wait3A_405 = arith.constant 0 : i32
        %dma_wait3A_406 = arith.constant 0 : i32
        %dma_wait3A_407 = tpu.memref_slice %arg10[%dma_wait3A_405, %dma_wait3A_406] : memref<10112x128xf32, #tpu.memory_space<vmem_shared>> -> memref<10112x128xf32, #tpu.memory_space<vmem_shared>>
        tpu.wait_indirect_dma semaphore(%run_scoped3A_395 : memref<!tpu.dma_semaphore, #tpu.memory_space<semaphore_mem>>) src(%arg8 : memref<96x128xf32, #tpu.memory_space<vmem>>) dst(%dma_wait3A_407 : memref<10112x128xf32, #tpu.memory_space<vmem_shared>>)
        tpu.yield
      }) : () -> ()
      %dma_wait3A_149 = arith.constant 0 : i32
      %dma_wait3A_150 = arith.constant 0 : i32
      %dma_wait3A_151 = tpu.memref_slice %arg2[%dma_wait3A_149, %dma_wait3A_150] : memref<10000x128xf32, #tpu.memory_space<hbm>> -> memref<96x128xf32, #tpu.memory_space<hbm>>
      %dma_wait3A_152 = arith.constant 0 : i32
      %dma_wait3A_153 = arith.constant 0 : i32
      %dma_wait3A_154 = tpu.memref_slice %arg2[%dma_wait3A_152, %dma_wait3A_153] : memref<10000x128xf32, #tpu.memory_space<hbm>> -> memref<96x128xf32, #tpu.memory_space<hbm>>
      tpu.wait_dma2 semaphore(%arg13 : memref<!tpu.dma_semaphore, #tpu.memory_space<semaphore_mem>>) src(%dma_wait3A_154 : memref<96x128xf32, #tpu.memory_space<hbm>>) dst(%arg9 : memref<96x128xf32, #tpu.memory_space<vmem>>)
      %dma_start3A_155 = arith.constant 7 : i32
      %dma_start3A_156 = arith.constant 0 : i32
      %dma_start3A_157 = arith.constant 0 : i32
      %dma_start3A_158 = tpu.memref_slice %arg5[%dma_start3A_155, %dma_start3A_156, %dma_start3A_157] : memref<9x2x96xi32, #tpu.memory_space<vmem>> -> memref<1x1x96xi32, #tpu.memory_space<vmem>>
      %dma_start3A_159 = tpu.memref_squeeze %dma_start3A_158 : memref<1x1x96xi32, #tpu.memory_space<vmem>> -> memref<96xi32, #tpu.memory_space<vmem>>
      %dma_start3A_160 = arith.constant 0 : i32
      %dma_start3A_161 = arith.constant 0 : i32
      %dma_start3A_162 = tpu.memref_slice %arg2[%dma_start3A_160, %dma_start3A_161] : memref<10000x128xf32, #tpu.memory_space<hbm>> -> memref<10000x128xf32, #tpu.memory_space<hbm>>
      tpu.enqueue_indirect_dma source(%dma_start3A_162 : memref<10000x128xf32, #tpu.memory_space<hbm>>) target(%arg8 : memref<96x128xf32, #tpu.memory_space<vmem>>) offsets(%dma_start3A_159 : memref<96xi32, #tpu.memory_space<vmem>>) semaphore(%arg12 : memref<!tpu.dma_semaphore, #tpu.memory_space<semaphore_mem>>)
      %run_scoped3A_163 = arith.constant 5 : i32
      %run_scoped3A_164 = arith.constant 1 : i32
      "tpu.region"() ({
        %run_scoped3A_395 = tpu.sem_alloc : memref<!tpu.dma_semaphore, #tpu.memory_space<semaphore_mem>>
        %dma_start3A_396 = arith.constant 0 : i32
        %dma_start3A_397 = tpu.memref_slice %arg5[%run_scoped3A_163, %run_scoped3A_164, %dma_start3A_396] : memref<9x2x96xi32, #tpu.memory_space<vmem>> -> memref<1x1x96xi32, #tpu.memory_space<vmem>>
        %dma_start3A_398 = tpu.memref_squeeze %dma_start3A_397 : memref<1x1x96xi32, #tpu.memory_space<vmem>> -> memref<96xi32, #tpu.memory_space<vmem>>
        %dma_start3A_399 = arith.constant 0 : i32
        %dma_start3A_400 = arith.constant 0 : i32
        %dma_start3A_401 = tpu.memref_slice %arg10[%dma_start3A_399, %dma_start3A_400] : memref<10112x128xf32, #tpu.memory_space<vmem_shared>> -> memref<10112x128xf32, #tpu.memory_space<vmem_shared>>
        tpu.enqueue_indirect_dma source(%arg9 : memref<96x128xf32, #tpu.memory_space<vmem>>) target(%dma_start3A_401 : memref<10112x128xf32, #tpu.memory_space<vmem_shared>>) offsets(%dma_start3A_398 : memref<96xi32, #tpu.memory_space<vmem>>) semaphore(%run_scoped3A_395 : memref<!tpu.dma_semaphore, #tpu.memory_space<semaphore_mem>>) {add = true}
        %dma_wait3A_402 = arith.constant 0 : i32
        %dma_wait3A_403 = tpu.memref_slice %arg5[%run_scoped3A_163, %run_scoped3A_164, %dma_wait3A_402] : memref<9x2x96xi32, #tpu.memory_space<vmem>> -> memref<1x1x96xi32, #tpu.memory_space<vmem>>
        %dma_wait3A_404 = tpu.memref_squeeze %dma_wait3A_403 : memref<1x1x96xi32, #tpu.memory_space<vmem>> -> memref<96xi32, #tpu.memory_space<vmem>>
        %dma_wait3A_405 = arith.constant 0 : i32
        %dma_wait3A_406 = arith.constant 0 : i32
        %dma_wait3A_407 = tpu.memref_slice %arg10[%dma_wait3A_405, %dma_wait3A_406] : memref<10112x128xf32, #tpu.memory_space<vmem_shared>> -> memref<10112x128xf32, #tpu.memory_space<vmem_shared>>
        tpu.wait_indirect_dma semaphore(%run_scoped3A_395 : memref<!tpu.dma_semaphore, #tpu.memory_space<semaphore_mem>>) src(%arg9 : memref<96x128xf32, #tpu.memory_space<vmem>>) dst(%dma_wait3A_407 : memref<10112x128xf32, #tpu.memory_space<vmem_shared>>)
        tpu.yield
      }) : () -> ()
      %dma_wait3A_165 = arith.constant 0 : i32
      %dma_wait3A_166 = arith.constant 0 : i32
      %dma_wait3A_167 = tpu.memref_slice %arg2[%dma_wait3A_165, %dma_wait3A_166] : memref<10000x128xf32, #tpu.memory_space<hbm>> -> memref<96x128xf32, #tpu.memory_space<hbm>>
      %dma_wait3A_168 = arith.constant 0 : i32
      %dma_wait3A_169 = arith.constant 0 : i32
      %dma_wait3A_170 = tpu.memref_slice %arg2[%dma_wait3A_168, %dma_wait3A_169] : memref<10000x128xf32, #tpu.memory_space<hbm>> -> memref<96x128xf32, #tpu.memory_space<hbm>>
      tpu.wait_dma2 semaphore(%arg11 : memref<!tpu.dma_semaphore, #tpu.memory_space<semaphore_mem>>) src(%dma_wait3A_170 : memref<96x128xf32, #tpu.memory_space<hbm>>) dst(%arg7 : memref<96x128xf32, #tpu.memory_space<vmem>>)
      %dma_start3A_171 = arith.constant 8 : i32
      %dma_start3A_172 = arith.constant 0 : i32
      %dma_start3A_173 = arith.constant 0 : i32
      %dma_start3A_174 = tpu.memref_slice %arg5[%dma_start3A_171, %dma_start3A_172, %dma_start3A_173] : memref<9x2x96xi32, #tpu.memory_space<vmem>> -> memref<1x1x96xi32, #tpu.memory_space<vmem>>
      %dma_start3A_175 = tpu.memref_squeeze %dma_start3A_174 : memref<1x1x96xi32, #tpu.memory_space<vmem>> -> memref<96xi32, #tpu.memory_space<vmem>>
      %dma_start3A_176 = arith.constant 0 : i32
      %dma_start3A_177 = arith.constant 0 : i32
      %dma_start3A_178 = tpu.memref_slice %arg2[%dma_start3A_176, %dma_start3A_177] : memref<10000x128xf32, #tpu.memory_space<hbm>> -> memref<10000x128xf32, #tpu.memory_space<hbm>>
      tpu.enqueue_indirect_dma source(%dma_start3A_178 : memref<10000x128xf32, #tpu.memory_space<hbm>>) target(%arg9 : memref<96x128xf32, #tpu.memory_space<vmem>>) offsets(%dma_start3A_175 : memref<96xi32, #tpu.memory_space<vmem>>) semaphore(%arg13 : memref<!tpu.dma_semaphore, #tpu.memory_space<semaphore_mem>>)
      %run_scoped3A_179 = arith.constant 6 : i32
      %run_scoped3A_180 = arith.constant 1 : i32
      "tpu.region"() ({
        %run_scoped3A_395 = tpu.sem_alloc : memref<!tpu.dma_semaphore, #tpu.memory_space<semaphore_mem>>
        %dma_start3A_396 = arith.constant 0 : i32
        %dma_start3A_397 = tpu.memref_slice %arg5[%run_scoped3A_179, %run_scoped3A_180, %dma_start3A_396] : memref<9x2x96xi32, #tpu.memory_space<vmem>> -> memref<1x1x96xi32, #tpu.memory_space<vmem>>
        %dma_start3A_398 = tpu.memref_squeeze %dma_start3A_397 : memref<1x1x96xi32, #tpu.memory_space<vmem>> -> memref<96xi32, #tpu.memory_space<vmem>>
        %dma_start3A_399 = arith.constant 0 : i32
        %dma_start3A_400 = arith.constant 0 : i32
        %dma_start3A_401 = tpu.memref_slice %arg10[%dma_start3A_399, %dma_start3A_400] : memref<10112x128xf32, #tpu.memory_space<vmem_shared>> -> memref<10112x128xf32, #tpu.memory_space<vmem_shared>>
        tpu.enqueue_indirect_dma source(%arg7 : memref<96x128xf32, #tpu.memory_space<vmem>>) target(%dma_start3A_401 : memref<10112x128xf32, #tpu.memory_space<vmem_shared>>) offsets(%dma_start3A_398 : memref<96xi32, #tpu.memory_space<vmem>>) semaphore(%run_scoped3A_395 : memref<!tpu.dma_semaphore, #tpu.memory_space<semaphore_mem>>) {add = true}
        %dma_wait3A_402 = arith.constant 0 : i32
        %dma_wait3A_403 = tpu.memref_slice %arg5[%run_scoped3A_179, %run_scoped3A_180, %dma_wait3A_402] : memref<9x2x96xi32, #tpu.memory_space<vmem>> -> memref<1x1x96xi32, #tpu.memory_space<vmem>>
        %dma_wait3A_404 = tpu.memref_squeeze %dma_wait3A_403 : memref<1x1x96xi32, #tpu.memory_space<vmem>> -> memref<96xi32, #tpu.memory_space<vmem>>
        %dma_wait3A_405 = arith.constant 0 : i32
        %dma_wait3A_406 = arith.constant 0 : i32
        %dma_wait3A_407 = tpu.memref_slice %arg10[%dma_wait3A_405, %dma_wait3A_406] : memref<10112x128xf32, #tpu.memory_space<vmem_shared>> -> memref<10112x128xf32, #tpu.memory_space<vmem_shared>>
        tpu.wait_indirect_dma semaphore(%run_scoped3A_395 : memref<!tpu.dma_semaphore, #tpu.memory_space<semaphore_mem>>) src(%arg7 : memref<96x128xf32, #tpu.memory_space<vmem>>) dst(%dma_wait3A_407 : memref<10112x128xf32, #tpu.memory_space<vmem_shared>>)
        tpu.yield
      }) : () -> ()
      %dma_wait3A_181 = arith.constant 0 : i32
      %dma_wait3A_182 = arith.constant 0 : i32
      %dma_wait3A_183 = arith.constant 0 : i32
      %dma_wait3A_184 = tpu.memref_slice %arg3[%arg0, %arg1, %scan3A_27, %dma_wait3A_181, %dma_wait3A_182, %dma_wait3A_183] : memref<2x16x12x9x2x96xi32, #tpu.memory_space<hbm>> -> memref<1x1x1x9x2x96xi32, #tpu.memory_space<hbm>>
      %dma_wait3A_185 = tpu.memref_squeeze %dma_wait3A_184 : memref<1x1x1x9x2x96xi32, #tpu.memory_space<hbm>> -> memref<9x2x96xi32, #tpu.memory_space<hbm>>
      %dma_wait3A_186 = arith.constant 0 : i32
      %dma_wait3A_187 = arith.constant 0 : i32
      %dma_wait3A_188 = arith.constant 0 : i32
      %dma_wait3A_189 = tpu.memref_slice %arg3[%arg0, %arg1, %scan3A_27, %dma_wait3A_186, %dma_wait3A_187, %dma_wait3A_188] : memref<2x16x12x9x2x96xi32, #tpu.memory_space<hbm>> -> memref<1x1x1x9x2x96xi32, #tpu.memory_space<hbm>>
      %dma_wait3A_190 = tpu.memref_squeeze %dma_wait3A_189 : memref<1x1x1x9x2x96xi32, #tpu.memory_space<hbm>> -> memref<9x2x96xi32, #tpu.memory_space<hbm>>
      tpu.wait_dma2 semaphore(%arg14 : memref<!tpu.dma_semaphore, #tpu.memory_space<semaphore_mem>>) src(%dma_wait3A_190 : memref<9x2x96xi32, #tpu.memory_space<hbm>>) dst(%arg6 : memref<9x2x96xi32, #tpu.memory_space<vmem>>)
      %dma_wait3A_191 = arith.constant 0 : i32
      %dma_wait3A_192 = arith.constant 0 : i32
      %dma_wait3A_193 = tpu.memref_slice %arg2[%dma_wait3A_191, %dma_wait3A_192] : memref<10000x128xf32, #tpu.memory_space<hbm>> -> memref<96x128xf32, #tpu.memory_space<hbm>>
      %dma_wait3A_194 = arith.constant 0 : i32
      %dma_wait3A_195 = arith.constant 0 : i32
      %dma_wait3A_196 = tpu.memref_slice %arg2[%dma_wait3A_194, %dma_wait3A_195] : memref<10000x128xf32, #tpu.memory_space<hbm>> -> memref<96x128xf32, #tpu.memory_space<hbm>>
      tpu.wait_dma2 semaphore(%arg12 : memref<!tpu.dma_semaphore, #tpu.memory_space<semaphore_mem>>) src(%dma_wait3A_196 : memref<96x128xf32, #tpu.memory_space<hbm>>) dst(%arg8 : memref<96x128xf32, #tpu.memory_space<vmem>>)
      %dma_start3A_197 = arith.constant 0 : i32
      %dma_start3A_198 = arith.constant 0 : i32
      %dma_start3A_199 = arith.constant 0 : i32
      %dma_start3A_200 = tpu.memref_slice %arg6[%dma_start3A_197, %dma_start3A_198, %dma_start3A_199] : memref<9x2x96xi32, #tpu.memory_space<vmem>> -> memref<1x1x96xi32, #tpu.memory_space<vmem>>
      %dma_start3A_201 = tpu.memref_squeeze %dma_start3A_200 : memref<1x1x96xi32, #tpu.memory_space<vmem>> -> memref<96xi32, #tpu.memory_space<vmem>>
      %dma_start3A_202 = arith.constant 0 : i32
      %dma_start3A_203 = arith.constant 0 : i32
      %dma_start3A_204 = tpu.memref_slice %arg2[%dma_start3A_202, %dma_start3A_203] : memref<10000x128xf32, #tpu.memory_space<hbm>> -> memref<10000x128xf32, #tpu.memory_space<hbm>>
      tpu.enqueue_indirect_dma source(%dma_start3A_204 : memref<10000x128xf32, #tpu.memory_space<hbm>>) target(%arg7 : memref<96x128xf32, #tpu.memory_space<vmem>>) offsets(%dma_start3A_201 : memref<96xi32, #tpu.memory_space<vmem>>) semaphore(%arg11 : memref<!tpu.dma_semaphore, #tpu.memory_space<semaphore_mem>>)
      %run_scoped3A_205 = arith.constant 7 : i32
      %run_scoped3A_206 = arith.constant 1 : i32
      "tpu.region"() ({
        %run_scoped3A_395 = tpu.sem_alloc : memref<!tpu.dma_semaphore, #tpu.memory_space<semaphore_mem>>
        %dma_start3A_396 = arith.constant 0 : i32
        %dma_start3A_397 = tpu.memref_slice %arg5[%run_scoped3A_205, %run_scoped3A_206, %dma_start3A_396] : memref<9x2x96xi32, #tpu.memory_space<vmem>> -> memref<1x1x96xi32, #tpu.memory_space<vmem>>
        %dma_start3A_398 = tpu.memref_squeeze %dma_start3A_397 : memref<1x1x96xi32, #tpu.memory_space<vmem>> -> memref<96xi32, #tpu.memory_space<vmem>>
        %dma_start3A_399 = arith.constant 0 : i32
        %dma_start3A_400 = arith.constant 0 : i32
        %dma_start3A_401 = tpu.memref_slice %arg10[%dma_start3A_399, %dma_start3A_400] : memref<10112x128xf32, #tpu.memory_space<vmem_shared>> -> memref<10112x128xf32, #tpu.memory_space<vmem_shared>>
        tpu.enqueue_indirect_dma source(%arg8 : memref<96x128xf32, #tpu.memory_space<vmem>>) target(%dma_start3A_401 : memref<10112x128xf32, #tpu.memory_space<vmem_shared>>) offsets(%dma_start3A_398 : memref<96xi32, #tpu.memory_space<vmem>>) semaphore(%run_scoped3A_395 : memref<!tpu.dma_semaphore, #tpu.memory_space<semaphore_mem>>) {add = true}
        %dma_wait3A_402 = arith.constant 0 : i32
        %dma_wait3A_403 = tpu.memref_slice %arg5[%run_scoped3A_205, %run_scoped3A_206, %dma_wait3A_402] : memref<9x2x96xi32, #tpu.memory_space<vmem>> -> memref<1x1x96xi32, #tpu.memory_space<vmem>>
        %dma_wait3A_404 = tpu.memref_squeeze %dma_wait3A_403 : memref<1x1x96xi32, #tpu.memory_space<vmem>> -> memref<96xi32, #tpu.memory_space<vmem>>
        %dma_wait3A_405 = arith.constant 0 : i32
        %dma_wait3A_406 = arith.constant 0 : i32
        %dma_wait3A_407 = tpu.memref_slice %arg10[%dma_wait3A_405, %dma_wait3A_406] : memref<10112x128xf32, #tpu.memory_space<vmem_shared>> -> memref<10112x128xf32, #tpu.memory_space<vmem_shared>>
        tpu.wait_indirect_dma semaphore(%run_scoped3A_395 : memref<!tpu.dma_semaphore, #tpu.memory_space<semaphore_mem>>) src(%arg8 : memref<96x128xf32, #tpu.memory_space<vmem>>) dst(%dma_wait3A_407 : memref<10112x128xf32, #tpu.memory_space<vmem_shared>>)
        tpu.yield
      }) : () -> ()
      %dma_wait3A_207 = arith.constant 0 : i32
      %dma_wait3A_208 = arith.constant 0 : i32
      %dma_wait3A_209 = tpu.memref_slice %arg2[%dma_wait3A_207, %dma_wait3A_208] : memref<10000x128xf32, #tpu.memory_space<hbm>> -> memref<96x128xf32, #tpu.memory_space<hbm>>
      %dma_wait3A_210 = arith.constant 0 : i32
      %dma_wait3A_211 = arith.constant 0 : i32
      %dma_wait3A_212 = tpu.memref_slice %arg2[%dma_wait3A_210, %dma_wait3A_211] : memref<10000x128xf32, #tpu.memory_space<hbm>> -> memref<96x128xf32, #tpu.memory_space<hbm>>
      tpu.wait_dma2 semaphore(%arg13 : memref<!tpu.dma_semaphore, #tpu.memory_space<semaphore_mem>>) src(%dma_wait3A_212 : memref<96x128xf32, #tpu.memory_space<hbm>>) dst(%arg9 : memref<96x128xf32, #tpu.memory_space<vmem>>)
      %dma_start3A_213 = arith.constant 1 : i32
      %dma_start3A_214 = arith.constant 0 : i32
      %dma_start3A_215 = arith.constant 0 : i32
      %dma_start3A_216 = tpu.memref_slice %arg6[%dma_start3A_213, %dma_start3A_214, %dma_start3A_215] : memref<9x2x96xi32, #tpu.memory_space<vmem>> -> memref<1x1x96xi32, #tpu.memory_space<vmem>>
      %dma_start3A_217 = tpu.memref_squeeze %dma_start3A_216 : memref<1x1x96xi32, #tpu.memory_space<vmem>> -> memref<96xi32, #tpu.memory_space<vmem>>
      %dma_start3A_218 = arith.constant 0 : i32
      %dma_start3A_219 = arith.constant 0 : i32
      %dma_start3A_220 = tpu.memref_slice %arg2[%dma_start3A_218, %dma_start3A_219] : memref<10000x128xf32, #tpu.memory_space<hbm>> -> memref<10000x128xf32, #tpu.memory_space<hbm>>
      tpu.enqueue_indirect_dma source(%dma_start3A_220 : memref<10000x128xf32, #tpu.memory_space<hbm>>) target(%arg8 : memref<96x128xf32, #tpu.memory_space<vmem>>) offsets(%dma_start3A_217 : memref<96xi32, #tpu.memory_space<vmem>>) semaphore(%arg12 : memref<!tpu.dma_semaphore, #tpu.memory_space<semaphore_mem>>)
      %run_scoped3A_221 = arith.constant 8 : i32
      %run_scoped3A_222 = arith.constant 1 : i32
      "tpu.region"() ({
        %run_scoped3A_395 = tpu.sem_alloc : memref<!tpu.dma_semaphore, #tpu.memory_space<semaphore_mem>>
        %dma_start3A_396 = arith.constant 0 : i32
        %dma_start3A_397 = tpu.memref_slice %arg5[%run_scoped3A_221, %run_scoped3A_222, %dma_start3A_396] : memref<9x2x96xi32, #tpu.memory_space<vmem>> -> memref<1x1x96xi32, #tpu.memory_space<vmem>>
        %dma_start3A_398 = tpu.memref_squeeze %dma_start3A_397 : memref<1x1x96xi32, #tpu.memory_space<vmem>> -> memref<96xi32, #tpu.memory_space<vmem>>
        %dma_start3A_399 = arith.constant 0 : i32
        %dma_start3A_400 = arith.constant 0 : i32
        %dma_start3A_401 = tpu.memref_slice %arg10[%dma_start3A_399, %dma_start3A_400] : memref<10112x128xf32, #tpu.memory_space<vmem_shared>> -> memref<10112x128xf32, #tpu.memory_space<vmem_shared>>
        tpu.enqueue_indirect_dma source(%arg9 : memref<96x128xf32, #tpu.memory_space<vmem>>) target(%dma_start3A_401 : memref<10112x128xf32, #tpu.memory_space<vmem_shared>>) offsets(%dma_start3A_398 : memref<96xi32, #tpu.memory_space<vmem>>) semaphore(%run_scoped3A_395 : memref<!tpu.dma_semaphore, #tpu.memory_space<semaphore_mem>>) {add = true}
        %dma_wait3A_402 = arith.constant 0 : i32
        %dma_wait3A_403 = tpu.memref_slice %arg5[%run_scoped3A_221, %run_scoped3A_222, %dma_wait3A_402] : memref<9x2x96xi32, #tpu.memory_space<vmem>> -> memref<1x1x96xi32, #tpu.memory_space<vmem>>
        %dma_wait3A_404 = tpu.memref_squeeze %dma_wait3A_403 : memref<1x1x96xi32, #tpu.memory_space<vmem>> -> memref<96xi32, #tpu.memory_space<vmem>>
        %dma_wait3A_405 = arith.constant 0 : i32
        %dma_wait3A_406 = arith.constant 0 : i32
        %dma_wait3A_407 = tpu.memref_slice %arg10[%dma_wait3A_405, %dma_wait3A_406] : memref<10112x128xf32, #tpu.memory_space<vmem_shared>> -> memref<10112x128xf32, #tpu.memory_space<vmem_shared>>
        tpu.wait_indirect_dma semaphore(%run_scoped3A_395 : memref<!tpu.dma_semaphore, #tpu.memory_space<semaphore_mem>>) src(%arg9 : memref<96x128xf32, #tpu.memory_space<vmem>>) dst(%dma_wait3A_407 : memref<10112x128xf32, #tpu.memory_space<vmem_shared>>)
        tpu.yield
      }) : () -> ()
      %mul3A_223 = arith.constant 2 : i32
      %mul3A_224 = arith.muli %add3A_53, %mul3A_223 : i32
      %add3A_225 = arith.constant 1 : i32
      %add3A_226 = arith.addi %mul3A_224, %add3A_225 : i32
      %add3A_227 = arith.constant 1 : i32
      %add3A_228 = arith.addi %add3A_226, %add3A_227 : i32
      %min3A_229 = arith.constant 11 : i32
      %min3A_230 = arith.minsi %add3A_228, %min3A_229 : i32
      %dma_start3A_231 = arith.constant 0 : i32
      %dma_start3A_232 = arith.constant 0 : i32
      %dma_start3A_233 = arith.constant 0 : i32
      %dma_start3A_234 = tpu.memref_slice %arg3[%arg0, %arg1, %min3A_230, %dma_start3A_231, %dma_start3A_232, %dma_start3A_233] : memref<2x16x12x9x2x96xi32, #tpu.memory_space<hbm>> -> memref<1x1x1x9x2x96xi32, #tpu.memory_space<hbm>>
      %dma_start3A_235 = tpu.memref_squeeze %dma_start3A_234 : memref<1x1x1x9x2x96xi32, #tpu.memory_space<hbm>> -> memref<9x2x96xi32, #tpu.memory_space<hbm>>
      %dma_start3A_236 = arith.constant 0 : i32
      %dma_start3A_237 = arith.constant 0 : i32
      %dma_start3A_238 = arith.constant 0 : i32
      %dma_start3A_239 = tpu.memref_slice %arg3[%arg0, %arg1, %min3A_230, %dma_start3A_236, %dma_start3A_237, %dma_start3A_238] : memref<2x16x12x9x2x96xi32, #tpu.memory_space<hbm>> -> memref<1x1x1x9x2x96xi32, #tpu.memory_space<hbm>>
      %dma_start3A_240 = tpu.memref_squeeze %dma_start3A_239 : memref<1x1x1x9x2x96xi32, #tpu.memory_space<hbm>> -> memref<9x2x96xi32, #tpu.memory_space<hbm>>
      tpu.enqueue_dma source(%dma_start3A_240 : memref<9x2x96xi32, #tpu.memory_space<hbm>>) target(%arg5 : memref<9x2x96xi32, #tpu.memory_space<vmem>>) target_semaphore(%arg14 : memref<!tpu.dma_semaphore, #tpu.memory_space<semaphore_mem>>)
      %dma_wait3A_241 = arith.constant 0 : i32
      %dma_wait3A_242 = arith.constant 0 : i32
      %dma_wait3A_243 = tpu.memref_slice %arg2[%dma_wait3A_241, %dma_wait3A_242] : memref<10000x128xf32, #tpu.memory_space<hbm>> -> memref<96x128xf32, #tpu.memory_space<hbm>>
      %dma_wait3A_244 = arith.constant 0 : i32
      %dma_wait3A_245 = arith.constant 0 : i32
      %dma_wait3A_246 = tpu.memref_slice %arg2[%dma_wait3A_244, %dma_wait3A_245] : memref<10000x128xf32, #tpu.memory_space<hbm>> -> memref<96x128xf32, #tpu.memory_space<hbm>>
      tpu.wait_dma2 semaphore(%arg11 : memref<!tpu.dma_semaphore, #tpu.memory_space<semaphore_mem>>) src(%dma_wait3A_246 : memref<96x128xf32, #tpu.memory_space<hbm>>) dst(%arg7 : memref<96x128xf32, #tpu.memory_space<vmem>>)
      %dma_start3A_247 = arith.constant 2 : i32
      %dma_start3A_248 = arith.constant 0 : i32
      %dma_start3A_249 = arith.constant 0 : i32
      %dma_start3A_250 = tpu.memref_slice %arg6[%dma_start3A_247, %dma_start3A_248, %dma_start3A_249] : memref<9x2x96xi32, #tpu.memory_space<vmem>> -> memref<1x1x96xi32, #tpu.memory_space<vmem>>
      %dma_start3A_251 = tpu.memref_squeeze %dma_start3A_250 : memref<1x1x96xi32, #tpu.memory_space<vmem>> -> memref<96xi32, #tpu.memory_space<vmem>>
      %dma_start3A_252 = arith.constant 0 : i32
      %dma_start3A_253 = arith.constant 0 : i32
      %dma_start3A_254 = tpu.memref_slice %arg2[%dma_start3A_252, %dma_start3A_253] : memref<10000x128xf32, #tpu.memory_space<hbm>> -> memref<10000x128xf32, #tpu.memory_space<hbm>>
      tpu.enqueue_indirect_dma source(%dma_start3A_254 : memref<10000x128xf32, #tpu.memory_space<hbm>>) target(%arg9 : memref<96x128xf32, #tpu.memory_space<vmem>>) offsets(%dma_start3A_251 : memref<96xi32, #tpu.memory_space<vmem>>) semaphore(%arg13 : memref<!tpu.dma_semaphore, #tpu.memory_space<semaphore_mem>>)
      %run_scoped3A_255 = arith.constant 0 : i32
      %run_scoped3A_256 = arith.constant 1 : i32
      "tpu.region"() ({
        %run_scoped3A_395 = tpu.sem_alloc : memref<!tpu.dma_semaphore, #tpu.memory_space<semaphore_mem>>
        %dma_start3A_396 = arith.constant 0 : i32
        %dma_start3A_397 = tpu.memref_slice %arg6[%run_scoped3A_255, %run_scoped3A_256, %dma_start3A_396] : memref<9x2x96xi32, #tpu.memory_space<vmem>> -> memref<1x1x96xi32, #tpu.memory_space<vmem>>
        %dma_start3A_398 = tpu.memref_squeeze %dma_start3A_397 : memref<1x1x96xi32, #tpu.memory_space<vmem>> -> memref<96xi32, #tpu.memory_space<vmem>>
        %dma_start3A_399 = arith.constant 0 : i32
        %dma_start3A_400 = arith.constant 0 : i32
        %dma_start3A_401 = tpu.memref_slice %arg10[%dma_start3A_399, %dma_start3A_400] : memref<10112x128xf32, #tpu.memory_space<vmem_shared>> -> memref<10112x128xf32, #tpu.memory_space<vmem_shared>>
        tpu.enqueue_indirect_dma source(%arg7 : memref<96x128xf32, #tpu.memory_space<vmem>>) target(%dma_start3A_401 : memref<10112x128xf32, #tpu.memory_space<vmem_shared>>) offsets(%dma_start3A_398 : memref<96xi32, #tpu.memory_space<vmem>>) semaphore(%run_scoped3A_395 : memref<!tpu.dma_semaphore, #tpu.memory_space<semaphore_mem>>) {add = true}
        %dma_wait3A_402 = arith.constant 0 : i32
        %dma_wait3A_403 = tpu.memref_slice %arg6[%run_scoped3A_255, %run_scoped3A_256, %dma_wait3A_402] : memref<9x2x96xi32, #tpu.memory_space<vmem>> -> memref<1x1x96xi32, #tpu.memory_space<vmem>>
        %dma_wait3A_404 = tpu.memref_squeeze %dma_wait3A_403 : memref<1x1x96xi32, #tpu.memory_space<vmem>> -> memref<96xi32, #tpu.memory_space<vmem>>
        %dma_wait3A_405 = arith.constant 0 : i32
        %dma_wait3A_406 = arith.constant 0 : i32
        %dma_wait3A_407 = tpu.memref_slice %arg10[%dma_wait3A_405, %dma_wait3A_406] : memref<10112x128xf32, #tpu.memory_space<vmem_shared>> -> memref<10112x128xf32, #tpu.memory_space<vmem_shared>>
        tpu.wait_indirect_dma semaphore(%run_scoped3A_395 : memref<!tpu.dma_semaphore, #tpu.memory_space<semaphore_mem>>) src(%arg7 : memref<96x128xf32, #tpu.memory_space<vmem>>) dst(%dma_wait3A_407 : memref<10112x128xf32, #tpu.memory_space<vmem_shared>>)
        tpu.yield
      }) : () -> ()
      %dma_wait3A_257 = arith.constant 0 : i32
      %dma_wait3A_258 = arith.constant 0 : i32
      %dma_wait3A_259 = tpu.memref_slice %arg2[%dma_wait3A_257, %dma_wait3A_258] : memref<10000x128xf32, #tpu.memory_space<hbm>> -> memref<96x128xf32, #tpu.memory_space<hbm>>
      %dma_wait3A_260 = arith.constant 0 : i32
      %dma_wait3A_261 = arith.constant 0 : i32
      %dma_wait3A_262 = tpu.memref_slice %arg2[%dma_wait3A_260, %dma_wait3A_261] : memref<10000x128xf32, #tpu.memory_space<hbm>> -> memref<96x128xf32, #tpu.memory_space<hbm>>
      tpu.wait_dma2 semaphore(%arg12 : memref<!tpu.dma_semaphore, #tpu.memory_space<semaphore_mem>>) src(%dma_wait3A_262 : memref<96x128xf32, #tpu.memory_space<hbm>>) dst(%arg8 : memref<96x128xf32, #tpu.memory_space<vmem>>)
      %dma_start3A_263 = arith.constant 3 : i32
      %dma_start3A_264 = arith.constant 0 : i32
      %dma_start3A_265 = arith.constant 0 : i32
      %dma_start3A_266 = tpu.memref_slice %arg6[%dma_start3A_263, %dma_start3A_264, %dma_start3A_265] : memref<9x2x96xi32, #tpu.memory_space<vmem>> -> memref<1x1x96xi32, #tpu.memory_space<vmem>>
      %dma_start3A_267 = tpu.memref_squeeze %dma_start3A_266 : memref<1x1x96xi32, #tpu.memory_space<vmem>> -> memref<96xi32, #tpu.memory_space<vmem>>
      %dma_start3A_268 = arith.constant 0 : i32
      %dma_start3A_269 = arith.constant 0 : i32
      %dma_start3A_270 = tpu.memref_slice %arg2[%dma_start3A_268, %dma_start3A_269] : memref<10000x128xf32, #tpu.memory_space<hbm>> -> memref<10000x128xf32, #tpu.memory_space<hbm>>
      tpu.enqueue_indirect_dma source(%dma_start3A_270 : memref<10000x128xf32, #tpu.memory_space<hbm>>) target(%arg7 : memref<96x128xf32, #tpu.memory_space<vmem>>) offsets(%dma_start3A_267 : memref<96xi32, #tpu.memory_space<vmem>>) semaphore(%arg11 : memref<!tpu.dma_semaphore, #tpu.memory_space<semaphore_mem>>)
      %run_scoped3A_271 = arith.constant 1 : i32
      %run_scoped3A_272 = arith.constant 1 : i32
      "tpu.region"() ({
        %run_scoped3A_395 = tpu.sem_alloc : memref<!tpu.dma_semaphore, #tpu.memory_space<semaphore_mem>>
        %dma_start3A_396 = arith.constant 0 : i32
        %dma_start3A_397 = tpu.memref_slice %arg6[%run_scoped3A_271, %run_scoped3A_272, %dma_start3A_396] : memref<9x2x96xi32, #tpu.memory_space<vmem>> -> memref<1x1x96xi32, #tpu.memory_space<vmem>>
        %dma_start3A_398 = tpu.memref_squeeze %dma_start3A_397 : memref<1x1x96xi32, #tpu.memory_space<vmem>> -> memref<96xi32, #tpu.memory_space<vmem>>
        %dma_start3A_399 = arith.constant 0 : i32
        %dma_start3A_400 = arith.constant 0 : i32
        %dma_start3A_401 = tpu.memref_slice %arg10[%dma_start3A_399, %dma_start3A_400] : memref<10112x128xf32, #tpu.memory_space<vmem_shared>> -> memref<10112x128xf32, #tpu.memory_space<vmem_shared>>
        tpu.enqueue_indirect_dma source(%arg8 : memref<96x128xf32, #tpu.memory_space<vmem>>) target(%dma_start3A_401 : memref<10112x128xf32, #tpu.memory_space<vmem_shared>>) offsets(%dma_start3A_398 : memref<96xi32, #tpu.memory_space<vmem>>) semaphore(%run_scoped3A_395 : memref<!tpu.dma_semaphore, #tpu.memory_space<semaphore_mem>>) {add = true}
        %dma_wait3A_402 = arith.constant 0 : i32
        %dma_wait3A_403 = tpu.memref_slice %arg6[%run_scoped3A_271, %run_scoped3A_272, %dma_wait3A_402] : memref<9x2x96xi32, #tpu.memory_space<vmem>> -> memref<1x1x96xi32, #tpu.memory_space<vmem>>
        %dma_wait3A_404 = tpu.memref_squeeze %dma_wait3A_403 : memref<1x1x96xi32, #tpu.memory_space<vmem>> -> memref<96xi32, #tpu.memory_space<vmem>>
        %dma_wait3A_405 = arith.constant 0 : i32
        %dma_wait3A_406 = arith.constant 0 : i32
        %dma_wait3A_407 = tpu.memref_slice %arg10[%dma_wait3A_405, %dma_wait3A_406] : memref<10112x128xf32, #tpu.memory_space<vmem_shared>> -> memref<10112x128xf32, #tpu.memory_space<vmem_shared>>
        tpu.wait_indirect_dma semaphore(%run_scoped3A_395 : memref<!tpu.dma_semaphore, #tpu.memory_space<semaphore_mem>>) src(%arg8 : memref<96x128xf32, #tpu.memory_space<vmem>>) dst(%dma_wait3A_407 : memref<10112x128xf32, #tpu.memory_space<vmem_shared>>)
        tpu.yield
      }) : () -> ()
      %dma_wait3A_273 = arith.constant 0 : i32
      %dma_wait3A_274 = arith.constant 0 : i32
      %dma_wait3A_275 = tpu.memref_slice %arg2[%dma_wait3A_273, %dma_wait3A_274] : memref<10000x128xf32, #tpu.memory_space<hbm>> -> memref<96x128xf32, #tpu.memory_space<hbm>>
      %dma_wait3A_276 = arith.constant 0 : i32
      %dma_wait3A_277 = arith.constant 0 : i32
      %dma_wait3A_278 = tpu.memref_slice %arg2[%dma_wait3A_276, %dma_wait3A_277] : memref<10000x128xf32, #tpu.memory_space<hbm>> -> memref<96x128xf32, #tpu.memory_space<hbm>>
      tpu.wait_dma2 semaphore(%arg13 : memref<!tpu.dma_semaphore, #tpu.memory_space<semaphore_mem>>) src(%dma_wait3A_278 : memref<96x128xf32, #tpu.memory_space<hbm>>) dst(%arg9 : memref<96x128xf32, #tpu.memory_space<vmem>>)
      %dma_start3A_279 = arith.constant 4 : i32
      %dma_start3A_280 = arith.constant 0 : i32
      %dma_start3A_281 = arith.constant 0 : i32
      %dma_start3A_282 = tpu.memref_slice %arg6[%dma_start3A_279, %dma_start3A_280, %dma_start3A_281] : memref<9x2x96xi32, #tpu.memory_space<vmem>> -> memref<1x1x96xi32, #tpu.memory_space<vmem>>
      %dma_start3A_283 = tpu.memref_squeeze %dma_start3A_282 : memref<1x1x96xi32, #tpu.memory_space<vmem>> -> memref<96xi32, #tpu.memory_space<vmem>>
      %dma_start3A_284 = arith.constant 0 : i32
      %dma_start3A_285 = arith.constant 0 : i32
      %dma_start3A_286 = tpu.memref_slice %arg2[%dma_start3A_284, %dma_start3A_285] : memref<10000x128xf32, #tpu.memory_space<hbm>> -> memref<10000x128xf32, #tpu.memory_space<hbm>>
      tpu.enqueue_indirect_dma source(%dma_start3A_286 : memref<10000x128xf32, #tpu.memory_space<hbm>>) target(%arg8 : memref<96x128xf32, #tpu.memory_space<vmem>>) offsets(%dma_start3A_283 : memref<96xi32, #tpu.memory_space<vmem>>) semaphore(%arg12 : memref<!tpu.dma_semaphore, #tpu.memory_space<semaphore_mem>>)
      %run_scoped3A_287 = arith.constant 2 : i32
      %run_scoped3A_288 = arith.constant 1 : i32
      "tpu.region"() ({
        %run_scoped3A_395 = tpu.sem_alloc : memref<!tpu.dma_semaphore, #tpu.memory_space<semaphore_mem>>
        %dma_start3A_396 = arith.constant 0 : i32
        %dma_start3A_397 = tpu.memref_slice %arg6[%run_scoped3A_287, %run_scoped3A_288, %dma_start3A_396] : memref<9x2x96xi32, #tpu.memory_space<vmem>> -> memref<1x1x96xi32, #tpu.memory_space<vmem>>
        %dma_start3A_398 = tpu.memref_squeeze %dma_start3A_397 : memref<1x1x96xi32, #tpu.memory_space<vmem>> -> memref<96xi32, #tpu.memory_space<vmem>>
        %dma_start3A_399 = arith.constant 0 : i32
        %dma_start3A_400 = arith.constant 0 : i32
        %dma_start3A_401 = tpu.memref_slice %arg10[%dma_start3A_399, %dma_start3A_400] : memref<10112x128xf32, #tpu.memory_space<vmem_shared>> -> memref<10112x128xf32, #tpu.memory_space<vmem_shared>>
        tpu.enqueue_indirect_dma source(%arg9 : memref<96x128xf32, #tpu.memory_space<vmem>>) target(%dma_start3A_401 : memref<10112x128xf32, #tpu.memory_space<vmem_shared>>) offsets(%dma_start3A_398 : memref<96xi32, #tpu.memory_space<vmem>>) semaphore(%run_scoped3A_395 : memref<!tpu.dma_semaphore, #tpu.memory_space<semaphore_mem>>) {add = true}
        %dma_wait3A_402 = arith.constant 0 : i32
        %dma_wait3A_403 = tpu.memref_slice %arg6[%run_scoped3A_287, %run_scoped3A_288, %dma_wait3A_402] : memref<9x2x96xi32, #tpu.memory_space<vmem>> -> memref<1x1x96xi32, #tpu.memory_space<vmem>>
        %dma_wait3A_404 = tpu.memref_squeeze %dma_wait3A_403 : memref<1x1x96xi32, #tpu.memory_space<vmem>> -> memref<96xi32, #tpu.memory_space<vmem>>
        %dma_wait3A_405 = arith.constant 0 : i32
        %dma_wait3A_406 = arith.constant 0 : i32
        %dma_wait3A_407 = tpu.memref_slice %arg10[%dma_wait3A_405, %dma_wait3A_406] : memref<10112x128xf32, #tpu.memory_space<vmem_shared>> -> memref<10112x128xf32, #tpu.memory_space<vmem_shared>>
        tpu.wait_indirect_dma semaphore(%run_scoped3A_395 : memref<!tpu.dma_semaphore, #tpu.memory_space<semaphore_mem>>) src(%arg9 : memref<96x128xf32, #tpu.memory_space<vmem>>) dst(%dma_wait3A_407 : memref<10112x128xf32, #tpu.memory_space<vmem_shared>>)
        tpu.yield
      }) : () -> ()
      %dma_wait3A_289 = arith.constant 0 : i32
      %dma_wait3A_290 = arith.constant 0 : i32
      %dma_wait3A_291 = tpu.memref_slice %arg2[%dma_wait3A_289, %dma_wait3A_290] : memref<10000x128xf32, #tpu.memory_space<hbm>> -> memref<96x128xf32, #tpu.memory_space<hbm>>
      %dma_wait3A_292 = arith.constant 0 : i32
      %dma_wait3A_293 = arith.constant 0 : i32
      %dma_wait3A_294 = tpu.memref_slice %arg2[%dma_wait3A_292, %dma_wait3A_293] : memref<10000x128xf32, #tpu.memory_space<hbm>> -> memref<96x128xf32, #tpu.memory_space<hbm>>
      tpu.wait_dma2 semaphore(%arg11 : memref<!tpu.dma_semaphore, #tpu.memory_space<semaphore_mem>>) src(%dma_wait3A_294 : memref<96x128xf32, #tpu.memory_space<hbm>>) dst(%arg7 : memref<96x128xf32, #tpu.memory_space<vmem>>)
      %dma_start3A_295 = arith.constant 5 : i32
      %dma_start3A_296 = arith.constant 0 : i32
      %dma_start3A_297 = arith.constant 0 : i32
      %dma_start3A_298 = tpu.memref_slice %arg6[%dma_start3A_295, %dma_start3A_296, %dma_start3A_297] : memref<9x2x96xi32, #tpu.memory_space<vmem>> -> memref<1x1x96xi32, #tpu.memory_space<vmem>>
      %dma_start3A_299 = tpu.memref_squeeze %dma_start3A_298 : memref<1x1x96xi32, #tpu.memory_space<vmem>> -> memref<96xi32, #tpu.memory_space<vmem>>
      %dma_start3A_300 = arith.constant 0 : i32
      %dma_start3A_301 = arith.constant 0 : i32
      %dma_start3A_302 = tpu.memref_slice %arg2[%dma_start3A_300, %dma_start3A_301] : memref<10000x128xf32, #tpu.memory_space<hbm>> -> memref<10000x128xf32, #tpu.memory_space<hbm>>
      tpu.enqueue_indirect_dma source(%dma_start3A_302 : memref<10000x128xf32, #tpu.memory_space<hbm>>) target(%arg9 : memref<96x128xf32, #tpu.memory_space<vmem>>) offsets(%dma_start3A_299 : memref<96xi32, #tpu.memory_space<vmem>>) semaphore(%arg13 : memref<!tpu.dma_semaphore, #tpu.memory_space<semaphore_mem>>)
      %run_scoped3A_303 = arith.constant 3 : i32
      %run_scoped3A_304 = arith.constant 1 : i32
      "tpu.region"() ({
        %run_scoped3A_395 = tpu.sem_alloc : memref<!tpu.dma_semaphore, #tpu.memory_space<semaphore_mem>>
        %dma_start3A_396 = arith.constant 0 : i32
        %dma_start3A_397 = tpu.memref_slice %arg6[%run_scoped3A_303, %run_scoped3A_304, %dma_start3A_396] : memref<9x2x96xi32, #tpu.memory_space<vmem>> -> memref<1x1x96xi32, #tpu.memory_space<vmem>>
        %dma_start3A_398 = tpu.memref_squeeze %dma_start3A_397 : memref<1x1x96xi32, #tpu.memory_space<vmem>> -> memref<96xi32, #tpu.memory_space<vmem>>
        %dma_start3A_399 = arith.constant 0 : i32
        %dma_start3A_400 = arith.constant 0 : i32
        %dma_start3A_401 = tpu.memref_slice %arg10[%dma_start3A_399, %dma_start3A_400] : memref<10112x128xf32, #tpu.memory_space<vmem_shared>> -> memref<10112x128xf32, #tpu.memory_space<vmem_shared>>
        tpu.enqueue_indirect_dma source(%arg7 : memref<96x128xf32, #tpu.memory_space<vmem>>) target(%dma_start3A_401 : memref<10112x128xf32, #tpu.memory_space<vmem_shared>>) offsets(%dma_start3A_398 : memref<96xi32, #tpu.memory_space<vmem>>) semaphore(%run_scoped3A_395 : memref<!tpu.dma_semaphore, #tpu.memory_space<semaphore_mem>>) {add = true}
        %dma_wait3A_402 = arith.constant 0 : i32
        %dma_wait3A_403 = tpu.memref_slice %arg6[%run_scoped3A_303, %run_scoped3A_304, %dma_wait3A_402] : memref<9x2x96xi32, #tpu.memory_space<vmem>> -> memref<1x1x96xi32, #tpu.memory_space<vmem>>
        %dma_wait3A_404 = tpu.memref_squeeze %dma_wait3A_403 : memref<1x1x96xi32, #tpu.memory_space<vmem>> -> memref<96xi32, #tpu.memory_space<vmem>>
        %dma_wait3A_405 = arith.constant 0 : i32
        %dma_wait3A_406 = arith.constant 0 : i32
        %dma_wait3A_407 = tpu.memref_slice %arg10[%dma_wait3A_405, %dma_wait3A_406] : memref<10112x128xf32, #tpu.memory_space<vmem_shared>> -> memref<10112x128xf32, #tpu.memory_space<vmem_shared>>
        tpu.wait_indirect_dma semaphore(%run_scoped3A_395 : memref<!tpu.dma_semaphore, #tpu.memory_space<semaphore_mem>>) src(%arg7 : memref<96x128xf32, #tpu.memory_space<vmem>>) dst(%dma_wait3A_407 : memref<10112x128xf32, #tpu.memory_space<vmem_shared>>)
        tpu.yield
      }) : () -> ()
      %dma_wait3A_305 = arith.constant 0 : i32
      %dma_wait3A_306 = arith.constant 0 : i32
      %dma_wait3A_307 = tpu.memref_slice %arg2[%dma_wait3A_305, %dma_wait3A_306] : memref<10000x128xf32, #tpu.memory_space<hbm>> -> memref<96x128xf32, #tpu.memory_space<hbm>>
      %dma_wait3A_308 = arith.constant 0 : i32
      %dma_wait3A_309 = arith.constant 0 : i32
      %dma_wait3A_310 = tpu.memref_slice %arg2[%dma_wait3A_308, %dma_wait3A_309] : memref<10000x128xf32, #tpu.memory_space<hbm>> -> memref<96x128xf32, #tpu.memory_space<hbm>>
      tpu.wait_dma2 semaphore(%arg12 : memref<!tpu.dma_semaphore, #tpu.memory_space<semaphore_mem>>) src(%dma_wait3A_310 : memref<96x128xf32, #tpu.memory_space<hbm>>) dst(%arg8 : memref<96x128xf32, #tpu.memory_space<vmem>>)
      %dma_start3A_311 = arith.constant 6 : i32
      %dma_start3A_312 = arith.constant 0 : i32
      %dma_start3A_313 = arith.constant 0 : i32
      %dma_start3A_314 = tpu.memref_slice %arg6[%dma_start3A_311, %dma_start3A_312, %dma_start3A_313] : memref<9x2x96xi32, #tpu.memory_space<vmem>> -> memref<1x1x96xi32, #tpu.memory_space<vmem>>
      %dma_start3A_315 = tpu.memref_squeeze %dma_start3A_314 : memref<1x1x96xi32, #tpu.memory_space<vmem>> -> memref<96xi32, #tpu.memory_space<vmem>>
      %dma_start3A_316 = arith.constant 0 : i32
      %dma_start3A_317 = arith.constant 0 : i32
      %dma_start3A_318 = tpu.memref_slice %arg2[%dma_start3A_316, %dma_start3A_317] : memref<10000x128xf32, #tpu.memory_space<hbm>> -> memref<10000x128xf32, #tpu.memory_space<hbm>>
      tpu.enqueue_indirect_dma source(%dma_start3A_318 : memref<10000x128xf32, #tpu.memory_space<hbm>>) target(%arg7 : memref<96x128xf32, #tpu.memory_space<vmem>>) offsets(%dma_start3A_315 : memref<96xi32, #tpu.memory_space<vmem>>) semaphore(%arg11 : memref<!tpu.dma_semaphore, #tpu.memory_space<semaphore_mem>>)
      %run_scoped3A_319 = arith.constant 4 : i32
      %run_scoped3A_320 = arith.constant 1 : i32
      "tpu.region"() ({
        %run_scoped3A_395 = tpu.sem_alloc : memref<!tpu.dma_semaphore, #tpu.memory_space<semaphore_mem>>
        %dma_start3A_396 = arith.constant 0 : i32
        %dma_start3A_397 = tpu.memref_slice %arg6[%run_scoped3A_319, %run_scoped3A_320, %dma_start3A_396] : memref<9x2x96xi32, #tpu.memory_space<vmem>> -> memref<1x1x96xi32, #tpu.memory_space<vmem>>
        %dma_start3A_398 = tpu.memref_squeeze %dma_start3A_397 : memref<1x1x96xi32, #tpu.memory_space<vmem>> -> memref<96xi32, #tpu.memory_space<vmem>>
        %dma_start3A_399 = arith.constant 0 : i32
        %dma_start3A_400 = arith.constant 0 : i32
        %dma_start3A_401 = tpu.memref_slice %arg10[%dma_start3A_399, %dma_start3A_400] : memref<10112x128xf32, #tpu.memory_space<vmem_shared>> -> memref<10112x128xf32, #tpu.memory_space<vmem_shared>>
        tpu.enqueue_indirect_dma source(%arg8 : memref<96x128xf32, #tpu.memory_space<vmem>>) target(%dma_start3A_401 : memref<10112x128xf32, #tpu.memory_space<vmem_shared>>) offsets(%dma_start3A_398 : memref<96xi32, #tpu.memory_space<vmem>>) semaphore(%run_scoped3A_395 : memref<!tpu.dma_semaphore, #tpu.memory_space<semaphore_mem>>) {add = true}
        %dma_wait3A_402 = arith.constant 0 : i32
        %dma_wait3A_403 = tpu.memref_slice %arg6[%run_scoped3A_319, %run_scoped3A_320, %dma_wait3A_402] : memref<9x2x96xi32, #tpu.memory_space<vmem>> -> memref<1x1x96xi32, #tpu.memory_space<vmem>>
        %dma_wait3A_404 = tpu.memref_squeeze %dma_wait3A_403 : memref<1x1x96xi32, #tpu.memory_space<vmem>> -> memref<96xi32, #tpu.memory_space<vmem>>
        %dma_wait3A_405 = arith.constant 0 : i32
        %dma_wait3A_406 = arith.constant 0 : i32
        %dma_wait3A_407 = tpu.memref_slice %arg10[%dma_wait3A_405, %dma_wait3A_406] : memref<10112x128xf32, #tpu.memory_space<vmem_shared>> -> memref<10112x128xf32, #tpu.memory_space<vmem_shared>>
        tpu.wait_indirect_dma semaphore(%run_scoped3A_395 : memref<!tpu.dma_semaphore, #tpu.memory_space<semaphore_mem>>) src(%arg8 : memref<96x128xf32, #tpu.memory_space<vmem>>) dst(%dma_wait3A_407 : memref<10112x128xf32, #tpu.memory_space<vmem_shared>>)
        tpu.yield
      }) : () -> ()
      %dma_wait3A_321 = arith.constant 0 : i32
      %dma_wait3A_322 = arith.constant 0 : i32
      %dma_wait3A_323 = tpu.memref_slice %arg2[%dma_wait3A_321, %dma_wait3A_322] : memref<10000x128xf32, #tpu.memory_space<hbm>> -> memref<96x128xf32, #tpu.memory_space<hbm>>
      %dma_wait3A_324 = arith.constant 0 : i32
      %dma_wait3A_325 = arith.constant 0 : i32
      %dma_wait3A_326 = tpu.memref_slice %arg2[%dma_wait3A_324, %dma_wait3A_325] : memref<10000x128xf32, #tpu.memory_space<hbm>> -> memref<96x128xf32, #tpu.memory_space<hbm>>
      tpu.wait_dma2 semaphore(%arg13 : memref<!tpu.dma_semaphore, #tpu.memory_space<semaphore_mem>>) src(%dma_wait3A_326 : memref<96x128xf32, #tpu.memory_space<hbm>>) dst(%arg9 : memref<96x128xf32, #tpu.memory_space<vmem>>)
      %dma_start3A_327 = arith.constant 7 : i32
      %dma_start3A_328 = arith.constant 0 : i32
      %dma_start3A_329 = arith.constant 0 : i32
      %dma_start3A_330 = tpu.memref_slice %arg6[%dma_start3A_327, %dma_start3A_328, %dma_start3A_329] : memref<9x2x96xi32, #tpu.memory_space<vmem>> -> memref<1x1x96xi32, #tpu.memory_space<vmem>>
      %dma_start3A_331 = tpu.memref_squeeze %dma_start3A_330 : memref<1x1x96xi32, #tpu.memory_space<vmem>> -> memref<96xi32, #tpu.memory_space<vmem>>
      %dma_start3A_332 = arith.constant 0 : i32
      %dma_start3A_333 = arith.constant 0 : i32
      %dma_start3A_334 = tpu.memref_slice %arg2[%dma_start3A_332, %dma_start3A_333] : memref<10000x128xf32, #tpu.memory_space<hbm>> -> memref<10000x128xf32, #tpu.memory_space<hbm>>
      tpu.enqueue_indirect_dma source(%dma_start3A_334 : memref<10000x128xf32, #tpu.memory_space<hbm>>) target(%arg8 : memref<96x128xf32, #tpu.memory_space<vmem>>) offsets(%dma_start3A_331 : memref<96xi32, #tpu.memory_space<vmem>>) semaphore(%arg12 : memref<!tpu.dma_semaphore, #tpu.memory_space<semaphore_mem>>)
      %run_scoped3A_335 = arith.constant 5 : i32
      %run_scoped3A_336 = arith.constant 1 : i32
      "tpu.region"() ({
        %run_scoped3A_395 = tpu.sem_alloc : memref<!tpu.dma_semaphore, #tpu.memory_space<semaphore_mem>>
        %dma_start3A_396 = arith.constant 0 : i32
        %dma_start3A_397 = tpu.memref_slice %arg6[%run_scoped3A_335, %run_scoped3A_336, %dma_start3A_396] : memref<9x2x96xi32, #tpu.memory_space<vmem>> -> memref<1x1x96xi32, #tpu.memory_space<vmem>>
        %dma_start3A_398 = tpu.memref_squeeze %dma_start3A_397 : memref<1x1x96xi32, #tpu.memory_space<vmem>> -> memref<96xi32, #tpu.memory_space<vmem>>
        %dma_start3A_399 = arith.constant 0 : i32
        %dma_start3A_400 = arith.constant 0 : i32
        %dma_start3A_401 = tpu.memref_slice %arg10[%dma_start3A_399, %dma_start3A_400] : memref<10112x128xf32, #tpu.memory_space<vmem_shared>> -> memref<10112x128xf32, #tpu.memory_space<vmem_shared>>
        tpu.enqueue_indirect_dma source(%arg9 : memref<96x128xf32, #tpu.memory_space<vmem>>) target(%dma_start3A_401 : memref<10112x128xf32, #tpu.memory_space<vmem_shared>>) offsets(%dma_start3A_398 : memref<96xi32, #tpu.memory_space<vmem>>) semaphore(%run_scoped3A_395 : memref<!tpu.dma_semaphore, #tpu.memory_space<semaphore_mem>>) {add = true}
        %dma_wait3A_402 = arith.constant 0 : i32
        %dma_wait3A_403 = tpu.memref_slice %arg6[%run_scoped3A_335, %run_scoped3A_336, %dma_wait3A_402] : memref<9x2x96xi32, #tpu.memory_space<vmem>> -> memref<1x1x96xi32, #tpu.memory_space<vmem>>
        %dma_wait3A_404 = tpu.memref_squeeze %dma_wait3A_403 : memref<1x1x96xi32, #tpu.memory_space<vmem>> -> memref<96xi32, #tpu.memory_space<vmem>>
        %dma_wait3A_405 = arith.constant 0 : i32
        %dma_wait3A_406 = arith.constant 0 : i32
        %dma_wait3A_407 = tpu.memref_slice %arg10[%dma_wait3A_405, %dma_wait3A_406] : memref<10112x128xf32, #tpu.memory_space<vmem_shared>> -> memref<10112x128xf32, #tpu.memory_space<vmem_shared>>
        tpu.wait_indirect_dma semaphore(%run_scoped3A_395 : memref<!tpu.dma_semaphore, #tpu.memory_space<semaphore_mem>>) src(%arg9 : memref<96x128xf32, #tpu.memory_space<vmem>>) dst(%dma_wait3A_407 : memref<10112x128xf32, #tpu.memory_space<vmem_shared>>)
        tpu.yield
      }) : () -> ()
      %dma_wait3A_337 = arith.constant 0 : i32
      %dma_wait3A_338 = arith.constant 0 : i32
      %dma_wait3A_339 = tpu.memref_slice %arg2[%dma_wait3A_337, %dma_wait3A_338] : memref<10000x128xf32, #tpu.memory_space<hbm>> -> memref<96x128xf32, #tpu.memory_space<hbm>>
      %dma_wait3A_340 = arith.constant 0 : i32
      %dma_wait3A_341 = arith.constant 0 : i32
      %dma_wait3A_342 = tpu.memref_slice %arg2[%dma_wait3A_340, %dma_wait3A_341] : memref<10000x128xf32, #tpu.memory_space<hbm>> -> memref<96x128xf32, #tpu.memory_space<hbm>>
      tpu.wait_dma2 semaphore(%arg11 : memref<!tpu.dma_semaphore, #tpu.memory_space<semaphore_mem>>) src(%dma_wait3A_342 : memref<96x128xf32, #tpu.memory_space<hbm>>) dst(%arg7 : memref<96x128xf32, #tpu.memory_space<vmem>>)
      %dma_start3A_343 = arith.constant 8 : i32
      %dma_start3A_344 = arith.constant 0 : i32
      %dma_start3A_345 = arith.constant 0 : i32
      %dma_start3A_346 = tpu.memref_slice %arg6[%dma_start3A_343, %dma_start3A_344, %dma_start3A_345] : memref<9x2x96xi32, #tpu.memory_space<vmem>> -> memref<1x1x96xi32, #tpu.memory_space<vmem>>
      %dma_start3A_347 = tpu.memref_squeeze %dma_start3A_346 : memref<1x1x96xi32, #tpu.memory_space<vmem>> -> memref<96xi32, #tpu.memory_space<vmem>>
      %dma_start3A_348 = arith.constant 0 : i32
      %dma_start3A_349 = arith.constant 0 : i32
      %dma_start3A_350 = tpu.memref_slice %arg2[%dma_start3A_348, %dma_start3A_349] : memref<10000x128xf32, #tpu.memory_space<hbm>> -> memref<10000x128xf32, #tpu.memory_space<hbm>>
      tpu.enqueue_indirect_dma source(%dma_start3A_350 : memref<10000x128xf32, #tpu.memory_space<hbm>>) target(%arg9 : memref<96x128xf32, #tpu.memory_space<vmem>>) offsets(%dma_start3A_347 : memref<96xi32, #tpu.memory_space<vmem>>) semaphore(%arg13 : memref<!tpu.dma_semaphore, #tpu.memory_space<semaphore_mem>>)
      %run_scoped3A_351 = arith.constant 6 : i32
      %run_scoped3A_352 = arith.constant 1 : i32
      "tpu.region"() ({
        %run_scoped3A_395 = tpu.sem_alloc : memref<!tpu.dma_semaphore, #tpu.memory_space<semaphore_mem>>
        %dma_start3A_396 = arith.constant 0 : i32
        %dma_start3A_397 = tpu.memref_slice %arg6[%run_scoped3A_351, %run_scoped3A_352, %dma_start3A_396] : memref<9x2x96xi32, #tpu.memory_space<vmem>> -> memref<1x1x96xi32, #tpu.memory_space<vmem>>
        %dma_start3A_398 = tpu.memref_squeeze %dma_start3A_397 : memref<1x1x96xi32, #tpu.memory_space<vmem>> -> memref<96xi32, #tpu.memory_space<vmem>>
        %dma_start3A_399 = arith.constant 0 : i32
        %dma_start3A_400 = arith.constant 0 : i32
        %dma_start3A_401 = tpu.memref_slice %arg10[%dma_start3A_399, %dma_start3A_400] : memref<10112x128xf32, #tpu.memory_space<vmem_shared>> -> memref<10112x128xf32, #tpu.memory_space<vmem_shared>>
        tpu.enqueue_indirect_dma source(%arg7 : memref<96x128xf32, #tpu.memory_space<vmem>>) target(%dma_start3A_401 : memref<10112x128xf32, #tpu.memory_space<vmem_shared>>) offsets(%dma_start3A_398 : memref<96xi32, #tpu.memory_space<vmem>>) semaphore(%run_scoped3A_395 : memref<!tpu.dma_semaphore, #tpu.memory_space<semaphore_mem>>) {add = true}
        %dma_wait3A_402 = arith.constant 0 : i32
        %dma_wait3A_403 = tpu.memref_slice %arg6[%run_scoped3A_351, %run_scoped3A_352, %dma_wait3A_402] : memref<9x2x96xi32, #tpu.memory_space<vmem>> -> memref<1x1x96xi32, #tpu.memory_space<vmem>>
        %dma_wait3A_404 = tpu.memref_squeeze %dma_wait3A_403 : memref<1x1x96xi32, #tpu.memory_space<vmem>> -> memref<96xi32, #tpu.memory_space<vmem>>
        %dma_wait3A_405 = arith.constant 0 : i32
        %dma_wait3A_406 = arith.constant 0 : i32
        %dma_wait3A_407 = tpu.memref_slice %arg10[%dma_wait3A_405, %dma_wait3A_406] : memref<10112x128xf32, #tpu.memory_space<vmem_shared>> -> memref<10112x128xf32, #tpu.memory_space<vmem_shared>>
        tpu.wait_indirect_dma semaphore(%run_scoped3A_395 : memref<!tpu.dma_semaphore, #tpu.memory_space<semaphore_mem>>) src(%arg7 : memref<96x128xf32, #tpu.memory_space<vmem>>) dst(%dma_wait3A_407 : memref<10112x128xf32, #tpu.memory_space<vmem_shared>>)
        tpu.yield
      }) : () -> ()
      %dma_wait3A_353 = arith.constant 0 : i32
      %dma_wait3A_354 = arith.constant 0 : i32
      %dma_wait3A_355 = arith.constant 0 : i32
      %dma_wait3A_356 = tpu.memref_slice %arg3[%arg0, %arg1, %scan3A_27, %dma_wait3A_353, %dma_wait3A_354, %dma_wait3A_355] : memref<2x16x12x9x2x96xi32, #tpu.memory_space<hbm>> -> memref<1x1x1x9x2x96xi32, #tpu.memory_space<hbm>>
      %dma_wait3A_357 = tpu.memref_squeeze %dma_wait3A_356 : memref<1x1x1x9x2x96xi32, #tpu.memory_space<hbm>> -> memref<9x2x96xi32, #tpu.memory_space<hbm>>
      %dma_wait3A_358 = arith.constant 0 : i32
      %dma_wait3A_359 = arith.constant 0 : i32
      %dma_wait3A_360 = arith.constant 0 : i32
      %dma_wait3A_361 = tpu.memref_slice %arg3[%arg0, %arg1, %scan3A_27, %dma_wait3A_358, %dma_wait3A_359, %dma_wait3A_360] : memref<2x16x12x9x2x96xi32, #tpu.memory_space<hbm>> -> memref<1x1x1x9x2x96xi32, #tpu.memory_space<hbm>>
      %dma_wait3A_362 = tpu.memref_squeeze %dma_wait3A_361 : memref<1x1x1x9x2x96xi32, #tpu.memory_space<hbm>> -> memref<9x2x96xi32, #tpu.memory_space<hbm>>
      tpu.wait_dma2 semaphore(%arg14 : memref<!tpu.dma_semaphore, #tpu.memory_space<semaphore_mem>>) src(%dma_wait3A_362 : memref<9x2x96xi32, #tpu.memory_space<hbm>>) dst(%arg5 : memref<9x2x96xi32, #tpu.memory_space<vmem>>)
      %dma_wait3A_363 = arith.constant 0 : i32
      %dma_wait3A_364 = arith.constant 0 : i32
      %dma_wait3A_365 = tpu.memref_slice %arg2[%dma_wait3A_363, %dma_wait3A_364] : memref<10000x128xf32, #tpu.memory_space<hbm>> -> memref<96x128xf32, #tpu.memory_space<hbm>>
      %dma_wait3A_366 = arith.constant 0 : i32
      %dma_wait3A_367 = arith.constant 0 : i32
      %dma_wait3A_368 = tpu.memref_slice %arg2[%dma_wait3A_366, %dma_wait3A_367] : memref<10000x128xf32, #tpu.memory_space<hbm>> -> memref<96x128xf32, #tpu.memory_space<hbm>>
      tpu.wait_dma2 semaphore(%arg12 : memref<!tpu.dma_semaphore, #tpu.memory_space<semaphore_mem>>) src(%dma_wait3A_368 : memref<96x128xf32, #tpu.memory_space<hbm>>) dst(%arg8 : memref<96x128xf32, #tpu.memory_space<vmem>>)
      %dma_start3A_369 = arith.constant 0 : i32
      %dma_start3A_370 = arith.constant 0 : i32
      %dma_start3A_371 = arith.constant 0 : i32
      %dma_start3A_372 = tpu.memref_slice %arg5[%dma_start3A_369, %dma_start3A_370, %dma_start3A_371] : memref<9x2x96xi32, #tpu.memory_space<vmem>> -> memref<1x1x96xi32, #tpu.memory_space<vmem>>
      %dma_start3A_373 = tpu.memref_squeeze %dma_start3A_372 : memref<1x1x96xi32, #tpu.memory_space<vmem>> -> memref<96xi32, #tpu.memory_space<vmem>>
      %dma_start3A_374 = arith.constant 0 : i32
      %dma_start3A_375 = arith.constant 0 : i32
      %dma_start3A_376 = tpu.memref_slice %arg2[%dma_start3A_374, %dma_start3A_375] : memref<10000x128xf32, #tpu.memory_space<hbm>> -> memref<10000x128xf32, #tpu.memory_space<hbm>>
      tpu.enqueue_indirect_dma source(%dma_start3A_376 : memref<10000x128xf32, #tpu.memory_space<hbm>>) target(%arg7 : memref<96x128xf32, #tpu.memory_space<vmem>>) offsets(%dma_start3A_373 : memref<96xi32, #tpu.memory_space<vmem>>) semaphore(%arg11 : memref<!tpu.dma_semaphore, #tpu.memory_space<semaphore_mem>>)
      %run_scoped3A_377 = arith.constant 7 : i32
      %run_scoped3A_378 = arith.constant 1 : i32
      "tpu.region"() ({
        %run_scoped3A_395 = tpu.sem_alloc : memref<!tpu.dma_semaphore, #tpu.memory_space<semaphore_mem>>
        %dma_start3A_396 = arith.constant 0 : i32
        %dma_start3A_397 = tpu.memref_slice %arg6[%run_scoped3A_377, %run_scoped3A_378, %dma_start3A_396] : memref<9x2x96xi32, #tpu.memory_space<vmem>> -> memref<1x1x96xi32, #tpu.memory_space<vmem>>
        %dma_start3A_398 = tpu.memref_squeeze %dma_start3A_397 : memref<1x1x96xi32, #tpu.memory_space<vmem>> -> memref<96xi32, #tpu.memory_space<vmem>>
        %dma_start3A_399 = arith.constant 0 : i32
        %dma_start3A_400 = arith.constant 0 : i32
        %dma_start3A_401 = tpu.memref_slice %arg10[%dma_start3A_399, %dma_start3A_400] : memref<10112x128xf32, #tpu.memory_space<vmem_shared>> -> memref<10112x128xf32, #tpu.memory_space<vmem_shared>>
        tpu.enqueue_indirect_dma source(%arg8 : memref<96x128xf32, #tpu.memory_space<vmem>>) target(%dma_start3A_401 : memref<10112x128xf32, #tpu.memory_space<vmem_shared>>) offsets(%dma_start3A_398 : memref<96xi32, #tpu.memory_space<vmem>>) semaphore(%run_scoped3A_395 : memref<!tpu.dma_semaphore, #tpu.memory_space<semaphore_mem>>) {add = true}
        %dma_wait3A_402 = arith.constant 0 : i32
        %dma_wait3A_403 = tpu.memref_slice %arg6[%run_scoped3A_377, %run_scoped3A_378, %dma_wait3A_402] : memref<9x2x96xi32, #tpu.memory_space<vmem>> -> memref<1x1x96xi32, #tpu.memory_space<vmem>>
        %dma_wait3A_404 = tpu.memref_squeeze %dma_wait3A_403 : memref<1x1x96xi32, #tpu.memory_space<vmem>> -> memref<96xi32, #tpu.memory_space<vmem>>
        %dma_wait3A_405 = arith.constant 0 : i32
        %dma_wait3A_406 = arith.constant 0 : i32
        %dma_wait3A_407 = tpu.memref_slice %arg10[%dma_wait3A_405, %dma_wait3A_406] : memref<10112x128xf32, #tpu.memory_space<vmem_shared>> -> memref<10112x128xf32, #tpu.memory_space<vmem_shared>>
        tpu.wait_indirect_dma semaphore(%run_scoped3A_395 : memref<!tpu.dma_semaphore, #tpu.memory_space<semaphore_mem>>) src(%arg8 : memref<96x128xf32, #tpu.memory_space<vmem>>) dst(%dma_wait3A_407 : memref<10112x128xf32, #tpu.memory_space<vmem_shared>>)
        tpu.yield
      }) : () -> ()
      %dma_wait3A_379 = arith.constant 0 : i32
      %dma_wait3A_380 = arith.constant 0 : i32
      %dma_wait3A_381 = tpu.memref_slice %arg2[%dma_wait3A_379, %dma_wait3A_380] : memref<10000x128xf32, #tpu.memory_space<hbm>> -> memref<96x128xf32, #tpu.memory_space<hbm>>
      %dma_wait3A_382 = arith.constant 0 : i32
      %dma_wait3A_383 = arith.constant 0 : i32
      %dma_wait3A_384 = tpu.memref_slice %arg2[%dma_wait3A_382, %dma_wait3A_383] : memref<10000x128xf32, #tpu.memory_space<hbm>> -> memref<96x128xf32, #tpu.memory_space<hbm>>
      tpu.wait_dma2 semaphore(%arg13 : memref<!tpu.dma_semaphore, #tpu.memory_space<semaphore_mem>>) src(%dma_wait3A_384 : memref<96x128xf32, #tpu.memory_space<hbm>>) dst(%arg9 : memref<96x128xf32, #tpu.memory_space<vmem>>)
      %dma_start3A_385 = arith.constant 1 : i32
      %dma_start3A_386 = arith.constant 0 : i32
      %dma_start3A_387 = arith.constant 0 : i32
      %dma_start3A_388 = tpu.memref_slice %arg5[%dma_start3A_385, %dma_start3A_386, %dma_start3A_387] : memref<9x2x96xi32, #tpu.memory_space<vmem>> -> memref<1x1x96xi32, #tpu.memory_space<vmem>>
      %dma_start3A_389 = tpu.memref_squeeze %dma_start3A_388 : memref<1x1x96xi32, #tpu.memory_space<vmem>> -> memref<96xi32, #tpu.memory_space<vmem>>
      %dma_start3A_390 = arith.constant 0 : i32
      %dma_start3A_391 = arith.constant 0 : i32
      %dma_start3A_392 = tpu.memref_slice %arg2[%dma_start3A_390, %dma_start3A_391] : memref<10000x128xf32, #tpu.memory_space<hbm>> -> memref<10000x128xf32, #tpu.memory_space<hbm>>
      tpu.enqueue_indirect_dma source(%dma_start3A_392 : memref<10000x128xf32, #tpu.memory_space<hbm>>) target(%arg8 : memref<96x128xf32, #tpu.memory_space<vmem>>) offsets(%dma_start3A_389 : memref<96xi32, #tpu.memory_space<vmem>>) semaphore(%arg12 : memref<!tpu.dma_semaphore, #tpu.memory_space<semaphore_mem>>)
      %run_scoped3A_393 = arith.constant 8 : i32
      %run_scoped3A_394 = arith.constant 1 : i32
      "tpu.region"() ({
        %run_scoped3A_395 = tpu.sem_alloc : memref<!tpu.dma_semaphore, #tpu.memory_space<semaphore_mem>>
        %dma_start3A_396 = arith.constant 0 : i32
        %dma_start3A_397 = tpu.memref_slice %arg6[%run_scoped3A_393, %run_scoped3A_394, %dma_start3A_396] : memref<9x2x96xi32, #tpu.memory_space<vmem>> -> memref<1x1x96xi32, #tpu.memory_space<vmem>>
        %dma_start3A_398 = tpu.memref_squeeze %dma_start3A_397 : memref<1x1x96xi32, #tpu.memory_space<vmem>> -> memref<96xi32, #tpu.memory_space<vmem>>
        %dma_start3A_399 = arith.constant 0 : i32
        %dma_start3A_400 = arith.constant 0 : i32
        %dma_start3A_401 = tpu.memref_slice %arg10[%dma_start3A_399, %dma_start3A_400] : memref<10112x128xf32, #tpu.memory_space<vmem_shared>> -> memref<10112x128xf32, #tpu.memory_space<vmem_shared>>
        tpu.enqueue_indirect_dma source(%arg9 : memref<96x128xf32, #tpu.memory_space<vmem>>) target(%dma_start3A_401 : memref<10112x128xf32, #tpu.memory_space<vmem_shared>>) offsets(%dma_start3A_398 : memref<96xi32, #tpu.memory_space<vmem>>) semaphore(%run_scoped3A_395 : memref<!tpu.dma_semaphore, #tpu.memory_space<semaphore_mem>>) {add = true}
        %dma_wait3A_402 = arith.constant 0 : i32
        %dma_wait3A_403 = tpu.memref_slice %arg6[%run_scoped3A_393, %run_scoped3A_394, %dma_wait3A_402] : memref<9x2x96xi32, #tpu.memory_space<vmem>> -> memref<1x1x96xi32, #tpu.memory_space<vmem>>
        %dma_wait3A_404 = tpu.memref_squeeze %dma_wait3A_403 : memref<1x1x96xi32, #tpu.memory_space<vmem>> -> memref<96xi32, #tpu.memory_space<vmem>>
        %dma_wait3A_405 = arith.constant 0 : i32
        %dma_wait3A_406 = arith.constant 0 : i32
        %dma_wait3A_407 = tpu.memref_slice %arg10[%dma_wait3A_405, %dma_wait3A_406] : memref<10112x128xf32, #tpu.memory_space<vmem_shared>> -> memref<10112x128xf32, #tpu.memory_space<vmem_shared>>
        tpu.wait_indirect_dma semaphore(%run_scoped3A_395 : memref<!tpu.dma_semaphore, #tpu.memory_space<semaphore_mem>>) src(%arg9 : memref<96x128xf32, #tpu.memory_space<vmem>>) dst(%dma_wait3A_407 : memref<10112x128xf32, #tpu.memory_space<vmem_shared>>)
        tpu.yield
      }) : () -> ()
    }
    %scan3A_32 = arith.constant 6 : i32
    %dma_wait3A = arith.constant 0 : i32
    %dma_wait3A_33 = arith.constant 0 : i32
    %dma_wait3A_34 = tpu.memref_slice %arg2[%dma_wait3A, %dma_wait3A_33] : memref<10000x128xf32, #tpu.memory_space<hbm>> -> memref<96x128xf32, #tpu.memory_space<hbm>>
    %dma_wait3A_35 = arith.constant 0 : i32
    %dma_wait3A_36 = arith.constant 0 : i32
    %dma_wait3A_37 = tpu.memref_slice %arg2[%dma_wait3A_35, %dma_wait3A_36] : memref<10000x128xf32, #tpu.memory_space<hbm>> -> memref<96x128xf32, #tpu.memory_space<hbm>>
    tpu.wait_dma2 semaphore(%arg11 : memref<!tpu.dma_semaphore, #tpu.memory_space<semaphore_mem>>) src(%dma_wait3A_37 : memref<96x128xf32, #tpu.memory_space<hbm>>) dst(%arg7 : memref<96x128xf32, #tpu.memory_space<vmem>>)
    %dma_wait3A_38 = arith.constant 0 : i32
    %dma_wait3A_39 = arith.constant 0 : i32
    %dma_wait3A_40 = tpu.memref_slice %arg2[%dma_wait3A_38, %dma_wait3A_39] : memref<10000x128xf32, #tpu.memory_space<hbm>> -> memref<96x128xf32, #tpu.memory_space<hbm>>
    %dma_wait3A_41 = arith.constant 0 : i32
    %dma_wait3A_42 = arith.constant 0 : i32
    %dma_wait3A_43 = tpu.memref_slice %arg2[%dma_wait3A_41, %dma_wait3A_42] : memref<10000x128xf32, #tpu.memory_space<hbm>> -> memref<96x128xf32, #tpu.memory_space<hbm>>
    tpu.wait_dma2 semaphore(%arg12 : memref<!tpu.dma_semaphore, #tpu.memory_space<semaphore_mem>>) src(%dma_wait3A_43 : memref<96x128xf32, #tpu.memory_space<hbm>>) dst(%arg8 : memref<96x128xf32, #tpu.memory_space<vmem>>)
    %barrier3A_44 = arith.constant 0 : index
    tpu.barrier barrier_id(%barrier3A_44)
    %mul3A_45 = arith.constant 632 : i32
    %mul3A_46 = arith.muli %arg1, %mul3A_45 : i32
    %mul3A_47 = arith.constant 632 : i32
    %mul3A_48 = arith.muli %arg1, %mul3A_47 : i32
    "tpu.region"() ({
      %run_scoped3A_49 = tpu.sem_alloc : memref<!tpu.dma_semaphore, #tpu.memory_space<semaphore_mem>>
      %dma_start3A_50 = arith.constant 0 : i32
      %dma_start3A_51 = tpu.memref_slice %arg4[%arg0, %mul3A_48, %dma_start3A_50] : memref<2x10112x128xf32, #tpu.memory_space<hbm>> -> memref<1x632x128xf32, #tpu.memory_space<hbm>>
      %dma_start3A_52 = tpu.memref_squeeze %dma_start3A_51 : memref<1x632x128xf32, #tpu.memory_space<hbm>> -> memref<632x128xf32, #tpu.memory_space<hbm>>
      %dma_start3A_53 = arith.constant 0 : i32
      %dma_start3A_54 = tpu.memref_slice %arg10[%mul3A_46, %dma_start3A_53] : memref<10112x128xf32, #tpu.memory_space<vmem_shared>> -> memref<632x128xf32, #tpu.memory_space<vmem_shared>>
      tpu.enqueue_dma source(%dma_start3A_54 : memref<632x128xf32, #tpu.memory_space<vmem_shared>>) target(%dma_start3A_52 : memref<632x128xf32, #tpu.memory_space<hbm>>) target_semaphore(%run_scoped3A_49 : memref<!tpu.dma_semaphore, #tpu.memory_space<semaphore_mem>>)
      %dma_wait3A_55 = arith.constant 0 : i32
      %dma_wait3A_56 = tpu.memref_slice %arg4[%arg0, %mul3A_48, %dma_wait3A_55] : memref<2x10112x128xf32, #tpu.memory_space<hbm>> -> memref<1x632x128xf32, #tpu.memory_space<hbm>>
      %dma_wait3A_57 = tpu.memref_squeeze %dma_wait3A_56 : memref<1x632x128xf32, #tpu.memory_space<hbm>> -> memref<632x128xf32, #tpu.memory_space<hbm>>
      %dma_wait3A_58 = arith.constant 0 : i32
      %dma_wait3A_59 = tpu.memref_slice %arg10[%mul3A_46, %dma_wait3A_58] : memref<10112x128xf32, #tpu.memory_space<vmem_shared>> -> memref<632x128xf32, #tpu.memory_space<vmem_shared>>
      tpu.wait_dma2 semaphore(%run_scoped3A_49 : memref<!tpu.dma_semaphore, #tpu.memory_space<semaphore_mem>>) src(%dma_wait3A_59 : memref<632x128xf32, #tpu.memory_space<vmem_shared>>) dst(%dma_wait3A_57 : memref<632x128xf32, #tpu.memory_space<hbm>>)
      tpu.yield
    }) : () -> ()
    return
  }
}

module attributes {stable_mosaic.version = 14 : i64} {
  func.func @_tc_mm_kernel(%arg0: i32, %arg1: memref<2048x128xf32, #tpu.memory_space<vmem>>, %arg2: memref<128x128xf32, #tpu.memory_space<vmem>>, %arg3: memref<2048x128xf32, #tpu.memory_space<vmem>>) attributes {dimension_semantics = [#tpu.dimension_semantics<arbitrary>], iteration_bounds = array<i64: 5>, scalar_prefetch = 0 : i64, scratch_operands = 0 : i64, tpu.core_type = #tpu.core_type<tc>, window_params = [{transform_indices = @transform_0, window_bounds = array<i64: 2048, 128>}, {pipeline_mode = #tpu.pipeline_mode<synchronous>, transform_indices = @transform_1, window_bounds = array<i64: 128, 128>}, {transform_indices = @transform_2, window_bounds = array<i64: 2048, 128>}]} {
    %get3A = arith.constant 0 : index
    %get3A_0 = arith.constant 0 : index
    %get3A_1 = vector.load %arg1[%get3A, %get3A_0] : memref<2048x128xf32, #tpu.memory_space<vmem>>, vector<2048x128xf32>
    %get3A_2 = arith.constant 0 : index
    %get3A_3 = arith.constant 0 : index
    %get3A_4 = vector.load %arg2[%get3A_2, %get3A_3] : memref<128x128xf32, #tpu.memory_space<vmem>>, vector<128x128xf32>
    %dot_general3A = arith.constant dense<0.000000e+00> : vector<2048x128xf32>
    %dot_general3A_5 = tpu.matmul %get3A_1, %get3A_4, %dot_general3A {dimension_numbers = #tpu.dot_dimension_numbers<[1], [0], [0], [1], [0, 0, 1, 1], [], []>, transpose_lhs_hint = false} : vector<2048x128xf32>, vector<128x128xf32>, vector<2048x128xf32> -> vector<2048x128xf32>
    %swap3A = arith.constant 0 : index
    %swap3A_6 = arith.constant 0 : index
    %swap3A_7 = vector.load %arg3[%swap3A, %swap3A_6] : memref<2048x128xf32, #tpu.memory_space<vmem>>, vector<2048x128xf32>
    tpu.vector_store %arg3[%swap3A, %swap3A_6], %dot_general3A_5 {strides = array<i32>} : memref<2048x128xf32, #tpu.memory_space<vmem>>, vector<2048x128xf32>,
    return
  }
  func.func @transform_0(%arg0: i32) -> (i32, i32) {
    %c0_i32 = arith.constant 0 : i32
    %c0_i32_0 = arith.constant 0 : i32
    return %arg0, %c0_i32 : i32, i32
  }
  func.func @transform_1(%arg0: i32) -> (i32, i32) {
    %c0_i32 = arith.constant 0 : i32
    %c0_i32_0 = arith.constant 0 : i32
    %c0_i32_1 = arith.constant 0 : i32
    return %c0_i32, %c0_i32_0 : i32, i32
  }
  func.func @transform_2(%arg0: i32) -> (i32, i32) {
    %c0_i32 = arith.constant 0 : i32
    %c0_i32_0 = arith.constant 0 : i32
    return %arg0, %c0_i32 : i32, i32
  }
}

module attributes {stable_mosaic.version = 14 : i64} {
  func.func @_tc_scale_kernel(%arg0: i32, %arg1: memref<2x2048xf32, #tpu.memory_space<vmem>>, %arg2: memref<2048x128xf32, #tpu.memory_space<vmem>>, %arg3: memref<2048x128xf32, #tpu.memory_space<vmem>>, %arg4: memref<2048x1xf32, #tpu.memory_space<vmem>>) attributes {dimension_semantics = [#tpu.dimension_semantics<arbitrary>], iteration_bounds = array<i64: 5>, scalar_prefetch = 0 : i64, scratch_operands = 0 : i64, tpu.core_type = #tpu.core_type<tc>, window_params = [{transform_indices = @transform_0, window_bounds = array<i64: 2, 2048>}, {transform_indices = @transform_1, window_bounds = array<i64: 2048, 128>}, {transform_indices = @transform_2, window_bounds = array<i64: 2048, 128>}, {transform_indices = @transform_3, window_bounds = array<i64: 2048, 1>}]} {
    %get3A = arith.constant 0 : index
    %get3A_0 = arith.constant 0 : index
    %get3A_1 = vector.load %arg1[%get3A, %get3A_0] : memref<2x2048xf32, #tpu.memory_space<vmem>>, vector<2x2048xf32>
    %slice3A = vector.extract_strided_slice %get3A_1 {offsets = [0, 0], sizes = [1, 2048], strides = [1, 1]} : vector<2x2048xf32> to vector<1x2048xf32>
    %slice3A_2 = vector.extract_strided_slice %get3A_1 {offsets = [1, 0], sizes = [1, 2048], strides = [1, 1]} : vector<2x2048xf32> to vector<1x2048xf32>
    %add3A = arith.addf %slice3A, %slice3A_2 : vector<1x2048xf32>
    %add3A_3 = arith.constant 1.000000e+00 : f32
    %add3A_4 = vector.broadcast %add3A_3 : f32 to vector<1x2048xf32>
    %add3A_5 = arith.addf %add3A, %add3A_4 : vector<1x2048xf32>
    %rsqrt3A = math.rsqrt %add3A_5 : vector<1x2048xf32>
    %transpose3A = tpu.transpose %rsqrt3A, [1, 0] : vector<1x2048xf32> -> vector<2048x1xf32>
    %swap3A = arith.constant 0 : index
    %swap3A_6 = arith.constant 0 : index
    %swap3A_7 = vector.load %arg4[%swap3A, %swap3A_6] : memref<2048x1xf32, #tpu.memory_space<vmem>>, vector<2048x1xf32>
    tpu.vector_store %arg4[%swap3A, %swap3A_6], %transpose3A {strides = array<i32>} : memref<2048x1xf32, #tpu.memory_space<vmem>>, vector<2048x1xf32>,
    %get3A_8 = arith.constant 0 : index
    %get3A_9 = arith.constant 0 : index
    %get3A_10 = vector.load %arg2[%get3A_8, %get3A_9] : memref<2048x128xf32, #tpu.memory_space<vmem>>, vector<2048x128xf32>
    %mul3A = vector.broadcast %transpose3A : vector<2048x1xf32> to vector<2048x128xf32>
    %mul3A_11 = arith.mulf %mul3A, %get3A_10 : vector<2048x128xf32>
    %swap3A_12 = arith.constant 0 : index
    %swap3A_13 = arith.constant 0 : index
    %swap3A_14 = vector.load %arg3[%swap3A_12, %swap3A_13] : memref<2048x128xf32, #tpu.memory_space<vmem>>, vector<2048x128xf32>
    tpu.vector_store %arg3[%swap3A_12, %swap3A_13], %mul3A_11 {strides = array<i32>} : memref<2048x128xf32, #tpu.memory_space<vmem>>, vector<2048x128xf32>,
    return
  }
  func.func @transform_0(%arg0: i32) -> (i32, i32) {
    %c0_i32 = arith.constant 0 : i32
    %c0_i32_0 = arith.constant 0 : i32
    return %c0_i32, %arg0 : i32, i32
  }
  func.func @transform_1(%arg0: i32) -> (i32, i32) {
    %c0_i32 = arith.constant 0 : i32
    %c0_i32_0 = arith.constant 0 : i32
    return %arg0, %c0_i32 : i32, i32
  }
  func.func @transform_2(%arg0: i32) -> (i32, i32) {
    %c0_i32 = arith.constant 0 : i32
    %c0_i32_0 = arith.constant 0 : i32
    return %arg0, %c0_i32 : i32, i32
  }
  func.func @transform_3(%arg0: i32) -> (i32, i32) {
    %c0_i32 = arith.constant 0 : i32
    %c0_i32_0 = arith.constant 0 : i32
    return %arg0, %c0_i32 : i32, i32
  }
}

module attributes {stable_mosaic.version = 14 : i64} {
  func.func @_tc_layer_kernel(%arg0: i32, %arg1: memref<2048x1xf32, #tpu.memory_space<vmem>>, %arg2: memref<1x2048x128xf32, #tpu.memory_space<vmem>>, %arg3: memref<1x2048x128xf32, #tpu.memory_space<vmem>>, %arg4: memref<2048x128xf32, #tpu.memory_space<vmem>>, %arg5: memref<1x128xf32, #tpu.memory_space<vmem>>, %arg6: memref<128x128xf32, #tpu.memory_space<vmem>>, %arg7: memref<2048x128xf32, #tpu.memory_space<vmem>>) attributes {dimension_semantics = [#tpu.dimension_semantics<arbitrary>], iteration_bounds = array<i64: 5>, scalar_prefetch = 0 : i64, scratch_operands = 0 : i64, tpu.core_type = #tpu.core_type<tc>, window_params = [{transform_indices = @transform_0, window_bounds = array<i64: 2048, 1>}, {transform_indices = @transform_1, window_bounds = array<i64: 1, 2048, 128>}, {transform_indices = @transform_2, window_bounds = array<i64: 1, 2048, 128>}, {transform_indices = @transform_3, window_bounds = array<i64: 2048, 128>}, {pipeline_mode = #tpu.pipeline_mode<synchronous>, transform_indices = @transform_4, window_bounds = array<i64: 1, 128>}, {pipeline_mode = #tpu.pipeline_mode<synchronous>, transform_indices = @transform_5, window_bounds = array<i64: 128, 128>}, {transform_indices = @transform_6, window_bounds = array<i64: 2048, 128>}]} {
    %get3A = arith.constant 0 : index
    %get3A_0 = arith.constant 0 : index
    %get3A_1 = vector.load %arg1[%get3A, %get3A_0] : memref<2048x1xf32, #tpu.memory_space<vmem>>, vector<2048x1xf32>
    %get3A_2 = arith.constant 0 : index
    %get3A_3 = arith.constant 0 : index
    %get3A_4 = arith.constant 0 : index
    %get3A_5 = vector.load %arg2[%get3A_2, %get3A_3, %get3A_4] : memref<1x2048x128xf32, #tpu.memory_space<vmem>>, vector<1x2048x128xf32>
    %get3A_6 = vector.shape_cast %get3A_5 : vector<1x2048x128xf32> to vector<2048x128xf32>
    %get3A_7 = arith.constant 0 : index
    %get3A_8 = arith.constant 0 : index
    %get3A_9 = arith.constant 0 : index
    %get3A_10 = vector.load %arg3[%get3A_7, %get3A_8, %get3A_9] : memref<1x2048x128xf32, #tpu.memory_space<vmem>>, vector<1x2048x128xf32>
    %get3A_11 = vector.shape_cast %get3A_10 : vector<1x2048x128xf32> to vector<2048x128xf32>
    %add3A = arith.addf %get3A_6, %get3A_11 : vector<2048x128xf32>
    %get3A_12 = arith.constant 0 : index
    %get3A_13 = arith.constant 0 : index
    %get3A_14 = vector.load %arg4[%get3A_12, %get3A_13] : memref<2048x128xf32, #tpu.memory_space<vmem>>, vector<2048x128xf32>
    %add3A_15 = arith.addf %add3A, %get3A_14 : vector<2048x128xf32>
    %mul3A = vector.broadcast %get3A_1 : vector<2048x1xf32> to vector<2048x128xf32>
    %mul3A_16 = arith.mulf %mul3A, %add3A_15 : vector<2048x128xf32>
    %get3A_17 = arith.constant 0 : index
    %get3A_18 = arith.constant 0 : index
    %get3A_19 = vector.load %arg5[%get3A_17, %get3A_18] : memref<1x128xf32, #tpu.memory_space<vmem>>, vector<1x128xf32>
    %add3A_20 = vector.broadcast %get3A_19 : vector<1x128xf32> to vector<2048x128xf32>
    %add3A_21 = arith.addf %mul3A_16, %add3A_20 : vector<2048x128xf32>
    %max3A = arith.constant 0.000000e+00 : f32
    %max3A_22 = vector.broadcast %max3A : f32 to vector<2048x128xf32>
    %max3A_23 = arith.maximumf %add3A_21, %max3A_22 : vector<2048x128xf32>
    %get3A_24 = arith.constant 0 : index
    %get3A_25 = arith.constant 0 : index
    %get3A_26 = vector.load %arg6[%get3A_24, %get3A_25] : memref<128x128xf32, #tpu.memory_space<vmem>>, vector<128x128xf32>
    %dot_general3A = arith.constant dense<0.000000e+00> : vector<2048x128xf32>
    %dot_general3A_27 = tpu.matmul %max3A_23, %get3A_26, %dot_general3A {dimension_numbers = #tpu.dot_dimension_numbers<[1], [0], [0], [1], [0, 0, 1, 1], [], []>, transpose_lhs_hint = false} : vector<2048x128xf32>, vector<128x128xf32>, vector<2048x128xf32> -> vector<2048x128xf32>
    %mul3A_28 = vector.broadcast %get3A_1 : vector<2048x1xf32> to vector<2048x128xf32>
    %mul3A_29 = arith.mulf %mul3A_28, %dot_general3A_27 : vector<2048x128xf32>
    %swap3A = arith.constant 0 : index
    %swap3A_30 = arith.constant 0 : index
    %swap3A_31 = vector.load %arg7[%swap3A, %swap3A_30] : memref<2048x128xf32, #tpu.memory_space<vmem>>, vector<2048x128xf32>
    tpu.vector_store %arg7[%swap3A, %swap3A_30], %mul3A_29 {strides = array<i32>} : memref<2048x128xf32, #tpu.memory_space<vmem>>, vector<2048x128xf32>,
    return
  }
  func.func @transform_0(%arg0: i32) -> (i32, i32) {
    %c0_i32 = arith.constant 0 : i32
    %c0_i32_0 = arith.constant 0 : i32
    return %arg0, %c0_i32 : i32, i32
  }
  func.func @transform_1(%arg0: i32) -> (i32, i32, i32) {
    %c0_i32 = arith.constant 0 : i32
    %c0_i32_0 = arith.constant 0 : i32
    %c0_i32_1 = arith.constant 0 : i32
    return %c0_i32, %arg0, %c0_i32_0 : i32, i32, i32
  }
  func.func @transform_2(%arg0: i32) -> (i32, i32, i32) {
    %c1_i32 = arith.constant 1 : i32
    %c0_i32 = arith.constant 0 : i32
    %c0_i32_0 = arith.constant 0 : i32
    return %c1_i32, %arg0, %c0_i32 : i32, i32, i32
  }
  func.func @transform_3(%arg0: i32) -> (i32, i32) {
    %c0_i32 = arith.constant 0 : i32
    %c0_i32_0 = arith.constant 0 : i32
    return %arg0, %c0_i32 : i32, i32
  }
  func.func @transform_4(%arg0: i32) -> (i32, i32) {
    %c0_i32 = arith.constant 0 : i32
    %c0_i32_0 = arith.constant 0 : i32
    %c0_i32_1 = arith.constant 0 : i32
    return %c0_i32, %c0_i32_0 : i32, i32
  }
  func.func @transform_5(%arg0: i32) -> (i32, i32) {
    %c0_i32 = arith.constant 0 : i32
    %c0_i32_0 = arith.constant 0 : i32
    %c0_i32_1 = arith.constant 0 : i32
    return %c0_i32, %c0_i32_0 : i32, i32
  }
  func.func @transform_6(%arg0: i32) -> (i32, i32) {
    %c0_i32 = arith.constant 0 : i32
    %c0_i32_0 = arith.constant 0 : i32
    return %arg0, %c0_i32 : i32, i32
  }
}

module attributes {stable_mosaic.version = 14 : i64} {
  func.func @_tc_head_kernel(%arg0: i32, %arg1: memref<2048x1xf32, #tpu.memory_space<vmem>>, %arg2: memref<1x2048x128xf32, #tpu.memory_space<vmem>>, %arg3: memref<1x2048x128xf32, #tpu.memory_space<vmem>>, %arg4: memref<2048x128xf32, #tpu.memory_space<vmem>>, %arg5: memref<1x128xf32, #tpu.memory_space<vmem>>, %arg6: memref<128x2xf32, #tpu.memory_space<vmem>>, %arg7: memref<1x2xf32, #tpu.memory_space<vmem>>, %arg8: memref<2048x2xf32, #tpu.memory_space<vmem>>) attributes {dimension_semantics = [#tpu.dimension_semantics<arbitrary>], iteration_bounds = array<i64: 5>, scalar_prefetch = 0 : i64, scratch_operands = 0 : i64, tpu.core_type = #tpu.core_type<tc>, window_params = [{transform_indices = @transform_0, window_bounds = array<i64: 2048, 1>}, {transform_indices = @transform_1, window_bounds = array<i64: 1, 2048, 128>}, {transform_indices = @transform_2, window_bounds = array<i64: 1, 2048, 128>}, {transform_indices = @transform_3, window_bounds = array<i64: 2048, 128>}, {pipeline_mode = #tpu.pipeline_mode<synchronous>, transform_indices = @transform_4, window_bounds = array<i64: 1, 128>}, {pipeline_mode = #tpu.pipeline_mode<synchronous>, transform_indices = @transform_5, window_bounds = array<i64: 128, 2>}, {pipeline_mode = #tpu.pipeline_mode<synchronous>, transform_indices = @transform_6, window_bounds = array<i64: 1, 2>}, {transform_indices = @transform_7, window_bounds = array<i64: 2048, 2>}]} {
    %get3A = arith.constant 0 : index
    %get3A_0 = arith.constant 0 : index
    %get3A_1 = vector.load %arg1[%get3A, %get3A_0] : memref<2048x1xf32, #tpu.memory_space<vmem>>, vector<2048x1xf32>
    %get3A_2 = arith.constant 0 : index
    %get3A_3 = arith.constant 0 : index
    %get3A_4 = arith.constant 0 : index
    %get3A_5 = vector.load %arg2[%get3A_2, %get3A_3, %get3A_4] : memref<1x2048x128xf32, #tpu.memory_space<vmem>>, vector<1x2048x128xf32>
    %get3A_6 = vector.shape_cast %get3A_5 : vector<1x2048x128xf32> to vector<2048x128xf32>
    %get3A_7 = arith.constant 0 : index
    %get3A_8 = arith.constant 0 : index
    %get3A_9 = arith.constant 0 : index
    %get3A_10 = vector.load %arg3[%get3A_7, %get3A_8, %get3A_9] : memref<1x2048x128xf32, #tpu.memory_space<vmem>>, vector<1x2048x128xf32>
    %get3A_11 = vector.shape_cast %get3A_10 : vector<1x2048x128xf32> to vector<2048x128xf32>
    %add3A = arith.addf %get3A_6, %get3A_11 : vector<2048x128xf32>
    %get3A_12 = arith.constant 0 : index
    %get3A_13 = arith.constant 0 : index
    %get3A_14 = vector.load %arg4[%get3A_12, %get3A_13] : memref<2048x128xf32, #tpu.memory_space<vmem>>, vector<2048x128xf32>
    %add3A_15 = arith.addf %add3A, %get3A_14 : vector<2048x128xf32>
    %mul3A = vector.broadcast %get3A_1 : vector<2048x1xf32> to vector<2048x128xf32>
    %mul3A_16 = arith.mulf %mul3A, %add3A_15 : vector<2048x128xf32>
    %get3A_17 = arith.constant 0 : index
    %get3A_18 = arith.constant 0 : index
    %get3A_19 = vector.load %arg5[%get3A_17, %get3A_18] : memref<1x128xf32, #tpu.memory_space<vmem>>, vector<1x128xf32>
    %add3A_20 = vector.broadcast %get3A_19 : vector<1x128xf32> to vector<2048x128xf32>
    %add3A_21 = arith.addf %mul3A_16, %add3A_20 : vector<2048x128xf32>
    %max3A = arith.constant 0.000000e+00 : f32
    %max3A_22 = vector.broadcast %max3A : f32 to vector<2048x128xf32>
    %max3A_23 = arith.maximumf %add3A_21, %max3A_22 : vector<2048x128xf32>
    %get3A_24 = arith.constant 0 : index
    %get3A_25 = arith.constant 0 : index
    %get3A_26 = vector.load %arg6[%get3A_24, %get3A_25] : memref<128x2xf32, #tpu.memory_space<vmem>>, vector<128x2xf32>
    %dot_general3A = arith.constant dense<0.000000e+00> : vector<2048x2xf32>
    %dot_general3A_27 = tpu.matmul %max3A_23, %get3A_26, %dot_general3A {dimension_numbers = #tpu.dot_dimension_numbers<[1], [0], [0], [1], [0, 0, 1, 1], [], []>, transpose_lhs_hint = false} : vector<2048x128xf32>, vector<128x2xf32>, vector<2048x2xf32> -> vector<2048x2xf32>
    %get3A_28 = arith.constant 0 : index
    %get3A_29 = arith.constant 0 : index
    %get3A_30 = vector.load %arg7[%get3A_28, %get3A_29] : memref<1x2xf32, #tpu.memory_space<vmem>>, vector<1x2xf32>
    %add3A_31 = vector.broadcast %get3A_30 : vector<1x2xf32> to vector<2048x2xf32>
    %add3A_32 = arith.addf %dot_general3A_27, %add3A_31 : vector<2048x2xf32>
    %swap3A = arith.constant 0 : index
    %swap3A_33 = arith.constant 0 : index
    %swap3A_34 = vector.load %arg8[%swap3A, %swap3A_33] : memref<2048x2xf32, #tpu.memory_space<vmem>>, vector<2048x2xf32>
    tpu.vector_store %arg8[%swap3A, %swap3A_33], %add3A_32 {strides = array<i32>} : memref<2048x2xf32, #tpu.memory_space<vmem>>, vector<2048x2xf32>,
    return
  }
  func.func @transform_0(%arg0: i32) -> (i32, i32) {
    %c0_i32 = arith.constant 0 : i32
    %c0_i32_0 = arith.constant 0 : i32
    return %arg0, %c0_i32 : i32, i32
  }
  func.func @transform_1(%arg0: i32) -> (i32, i32, i32) {
    %c0_i32 = arith.constant 0 : i32
    %c0_i32_0 = arith.constant 0 : i32
    %c0_i32_1 = arith.constant 0 : i32
    return %c0_i32, %arg0, %c0_i32_0 : i32, i32, i32
  }
  func.func @transform_2(%arg0: i32) -> (i32, i32, i32) {
    %c1_i32 = arith.constant 1 : i32
    %c0_i32 = arith.constant 0 : i32
    %c0_i32_0 = arith.constant 0 : i32
    return %c1_i32, %arg0, %c0_i32 : i32, i32, i32
  }
  func.func @transform_3(%arg0: i32) -> (i32, i32) {
    %c0_i32 = arith.constant 0 : i32
    %c0_i32_0 = arith.constant 0 : i32
    return %arg0, %c0_i32 : i32, i32
  }
  func.func @transform_4(%arg0: i32) -> (i32, i32) {
    %c0_i32 = arith.constant 0 : i32
    %c0_i32_0 = arith.constant 0 : i32
    %c0_i32_1 = arith.constant 0 : i32
    return %c0_i32, %c0_i32_0 : i32, i32
  }
  func.func @transform_5(%arg0: i32) -> (i32, i32) {
    %c0_i32 = arith.constant 0 : i32
    %c0_i32_0 = arith.constant 0 : i32
    %c0_i32_1 = arith.constant 0 : i32
    return %c0_i32, %c0_i32_0 : i32, i32
  }
  func.func @transform_6(%arg0: i32) -> (i32, i32) {
    %c0_i32 = arith.constant 0 : i32
    %c0_i32_0 = arith.constant 0 : i32
    %c0_i32_1 = arith.constant 0 : i32
    return %c0_i32, %c0_i32_0 : i32, i32
  }
  func.func @transform_7(%arg0: i32) -> (i32, i32) {
    %c0_i32 = arith.constant 0 : i32
    %c0_i32_0 = arith.constant 0 : i32
    return %arg0, %c0_i32 : i32, i32
  }
}

</mosaic_0001>

<sc_bundles>
// kernel: kernel.12.cloned.1.call-start
scs
__scs_entry_jumppad:
0x0: {  	(pc) =	sbr.rel $0x88, $3  }
0x1: {  	(tag) =	ssettag $0x0;
	lr =	simm.s32 $0x1  }
0x2: {  	[smem:$0x3F99] =	sst lr;
	_ =	strace $0xD0000000  }
0x3: {  	_ = 	snop  }
0x4: {  	_ = 	snop  }
0x5: {  	_ = 	snop  }
0x6: {  	_ = 	snop  }
0x7: {  	_ = 	snop  }
__scs_overlays_trampoline_lowered:
0x8: {  	[smem:$0x3FA8] =	sst s0  }
0x9: {  	[smem:$0x3FA9] =	sst s1  }
0xa: {  	[smem:$0x3FAA] =	sst s2  }
0xb: {  	[smem:$0x3FAB] =	sst s3  }
0xc: {  	[smem:$0x3FAC] =	sst s4  }
0xd: {  	[smem:$0x3FAD] =	sst s5  }
0xe: {  	[smem:$0x3FAE] =	sst s6  }
0xf: {  	[smem:$0x3FAF] =	sst s7  }
0x10: {  	[smem:$0x3FB0] =	sst s8  }
0x11: {  	[smem:$0x3FB1] =	sst s9;
	s0 =	simm.s32 @!p0 $0x0  }
0x12: {  	s1 =	sld [smem:$0x3F97];
	s0 =	simm.s32 @p0 $0x1  }
0x13: {  	[smem:$0x3FB2] =	sst s0;
	s0 =	simm.s32 @!p1 $0x0  }
0x14: {  	s2 =	sld [smem:$0x3F96];
	s0 =	simm.s32 @p1 $0x1  }
0x15: {  	[smem:$0x3FB3] =	sst s0;
	s0 =	simm.s32 @!p2 $0x0  }
0x16: {  	s3 =	sld [smem:$0x3FDB];
	s0 =	simm.s32 @p2 $0x1  }
0x17: {  	s4 =	simm.s32 $0x1BF5;
	[smem:$0x3FB5] =	sst s0  }
0x18: {  	s0 =	sld [smem:$0x3F98];
	_ =	swait.ge [sflag:s4], $0x0  }
0x19: {  	s7 =	sld [smem:$0x3F99]  }
0x1a: {  	s8 =	sadd.s32 $0xFFFFE003, lr  }
0x1b: {  	s9 =	sadd.s32 $0xFFFFFEF7, lr;
	s5 =	simm.s32 $0xFFFFFFFF;
	p2 =	slt.u32 s8, $0xFFFFF086  }
0x1c: {  	p1 =	slt.u32 s9, $0xF7A;
	s5 =	simm.s32 @!p2 $0x0  }
0x1d: {  	s5 =	simm.s32 @p1 $0x1;
	p0 =	seq.s32 s7, s2  }
0x1e: {  	s7 =	smul.u32 @!p0 $0xF7A, s2;
	p2 =	seq.s32 @!p0 s5, $0x0  }
0x1f: {  	s9 =	smul.u32 $0xF7A, s1;
	s8 =	simm.s32 @!p0 $0x1BF5;
	p2 =	por !p2, p0  }
0x20: {  	[sflag:s8] =	ssyncset.s32 @!p0 $0xFFFFF086;
	s6 =	sadd.s32 @!p0 s3, s7;
	s7 =	simm.s32 @!p0 $0x108  }
0x21: {  	s3 =	sadd.s32 s3, s9;
	s6 =	sadd.s32 @!p0 $0x88, s6;
	s7 =	simm.s32 @p2 $0x1082  }
0x22: {  	[simem:s7], [sflag:s8] =	dma.local @!p0 [hbm:s6], $0xF7A  }
0x23: {  	s9 =	sor.u32 $0xD0000000, s2;
	s6 =	simm.s32 $0x108;
	_ =	swait.ge @!p0 [sflag:s8], $0x0  }
0x24: {  	s3 =	sadd.s32 $0x88, s3;
	s6 =	simm.s32 @!p1 $0x1082;
	[sflag:s4] =	ssyncset.s32 $0xFFFFF086  }
0x25: {  	[simem:s6], [sflag:s4] =	dma.local [hbm:s3], $0xF7A  }
0x26: {  	[smem:$0x3F99] =	sst s1;
	(tag) =	ssettag s2;
	_ =	strace s9  }
0x27: {  	s1 =	sld [smem:$0x3FA9]  }
0x28: {  	s2 =	sld [smem:$0x3FAA]  }
0x29: {  	s4 =	sld [smem:$0x3FAC]  }
0x2a: {  	p0 =	seq.s32 s5, $0x0;
	s5 =	sld [smem:$0x3FAD]  }
0x2b: {  	s6 =	sld [smem:$0x3FAE]  }
0x2c: {  	s7 =	sld [smem:$0x3FAF]  }
0x2d: {  	s3 =	simm.s32 $0x108;
	s8 =	sld [smem:$0x3FB0]  }
0x2e: {  	s3 =	simm.s32 @!p0 $0x1082;
	s9 =	sld [smem:$0x3FB1]  }
0x2f: {  	lr =	sadd.s32 s0, s3;
	s0 =	sld [smem:$0x3FA8]  }
0x30: {  	s3 =	sld [smem:$0x3FAB]  }
0x31: {  	[smem:$0x3FB4] =	sst s10  }
0x32: {  	s10 =	sld [smem:$0x3FB2];
	_ =	sdelay $0x3  }
0x33: {  	p0 =	seq.s32 s10, $0x1;
	s10 =	sld [smem:$0x3FB4];
	_ =	sdelay $0x3  }
0x34: {  	[smem:$0x3FB4] =	sst s10  }
0x35: {  	s10 =	sld [smem:$0x3FB3];
	_ =	sdelay $0x3  }
0x36: {  	p1 =	seq.s32 s10, $0x1;
	s10 =	sld [smem:$0x3FB4];
	_ =	sdelay $0x3  }
0x37: {  	[smem:$0x3FB4] =	sst s10  }
0x38: {  	s10 =	sld [smem:$0x3FB5]  }
0x39: {  	_ = 	snop;
	(pc) =	sbr.ind lr, $3  }
0x3a: {  	_ = 	snop  }
0x3b: {  	_ = 	snop  }
0x3c: {  	p2 =	seq.s32 s10, $0x1;
	s10 =	sld [smem:$0x3FB4]  }
0x3d: {  	_ =	shalt  }
0x3e: {  	_ =	shalt  }
0x3f: {  	_ =	shalt  }
0x40: {  	_ =	shalt  }
0x41: {  	_ =	shalt  }
0x42: {  	_ =	shalt  }
0x43: {  	_ =	shalt  }
0x44: {  	_ =	shalt  }
0x45: {  	_ =	shalt  }
0x46: {  	_ =	shalt  }
0x47: {  	_ =	shalt  }
0x48: {  	_ =	shalt  }
0x49: {  	_ =	shalt  }
0x4a: {  	_ =	shalt  }
0x4b: {  	_ =	shalt  }
0x4c: {  	_ =	shalt  }
0x4d: {  	_ =	shalt  }
0x4e: {  	_ =	shalt  }
0x4f: {  	_ =	shalt  }
0x50: {  	_ =	shalt  }
0x51: {  	_ =	shalt  }
0x52: {  	_ =	shalt  }
0x53: {  	_ =	shalt  }
0x54: {  	_ =	shalt  }
0x55: {  	_ =	shalt  }
0x56: {  	_ =	shalt  }
0x57: {  	_ =	shalt  }
0x58: {  	_ =	shalt  }
0x59: {  	_ =	shalt  }
0x5a: {  	_ =	shalt  }
0x5b: {  	_ =	shalt  }
0x5c: {  	_ =	shalt  }
0x5d: {  	_ =	shalt  }
0x5e: {  	_ =	shalt  }
0x5f: {  	_ =	shalt  }
0x60: {  	_ =	shalt  }
0x61: {  	_ =	shalt  }
0x62: {  	_ =	shalt  }
0x63: {  	_ =	shalt  }
0x64: {  	_ =	shalt  }
0x65: {  	_ =	shalt  }
0x66: {  	_ =	shalt  }
0x67: {  	_ =	shalt  }
0x68: {  	_ =	shalt  }
0x69: {  	_ =	shalt  }
0x6a: {  	_ =	shalt  }
0x6b: {  	_ =	shalt  }
0x6c: {  	_ =	shalt  }
0x6d: {  	_ =	shalt  }
0x6e: {  	_ =	shalt  }
0x6f: {  	_ =	shalt  }
0x70: {  	_ =	shalt  }
0x71: {  	_ =	shalt  }
0x72: {  	_ =	shalt  }
0x73: {  	_ =	shalt  }
0x74: {  	_ =	shalt  }
0x75: {  	_ =	shalt  }
0x76: {  	_ =	shalt  }
0x77: {  	_ =	shalt  }
0x78: {  	_ =	shalt  }
0x79: {  	_ =	shalt  }
0x7a: {  	_ =	shalt  }
0x7b: {  	_ =	shalt  }
0x7c: {  	_ =	shalt  }
0x7d: {  	_ =	shalt  }
0x7e: {  	_ =	shalt  }
0x7f: {  	_ =	shalt  }
0x80: {  	_ =	shalt  }
0x81: {  	_ =	shalt  }
0x82: {  	_ =	shalt  }
0x83: {  	_ =	shalt  }
0x84: {  	_ =	shalt  }
0x85: {  	_ =	shalt  }
0x86: {  	_ =	shalt  }
0x87: {  	_ =	shalt  }
.Lfunc_end0:
.L_simem_size_0:
called_computation.1_lowered:
.L_overlay_start_0:
0x88: {  	s2 =	sld [smem:$0x3FD9]  }
0x89: {  	s3 =	sld [smem:$0x3FFE];
	_ =	sdelay $0x1  }
0x8a: {  	s1 =	srdreg.scid  }
0x8b: {  	s0 =	sand.u32 $0x1, s1  }
0x8c: {  	s16 =	sshll.u32 s0, $0xA;
	s2 =	sadd.s32 s3, s2  }
0x8d: {  	s2 =	sadd.s32 s2, s16  }
0x8e: {  	[smem:$0x3FC0] =	sst s2  }
0x8f: {  	_ = 	snop  }
0x90: {  	(tm) =	ssettm $0x1  }
0x91: {  	s17 =	sld [smem:$0x3FFB];
	_ =	sdelay $0x3  }
0x92: {  	_ =	strace s17  }
0x93: {  	s2 =	sld [smem:$0x3FFC];
	_ =	sdelay $0x3  }
0x94: {  	_ =	strace s2  }
0x95: {  	s2 =	sld [smem:$0x3FFD];
	_ =	sdelay $0x3  }
0x96: {  	_ =	strace s2  }
0x97: {  	_ =	strace $0x8FFFFFFF  }
0x98: {  	s18 =	sld [smem:$0x3FDB];
	_ =	sdelay $0x1  }
0x99: {  	s19 =	simm.s32 $_scs_section_size  }
0x9a: {  	s4 =	simm.s32 $_size__tile_overlayer_lowered;
	s5 =	simm.s32 $_tile_overlayer_lowered  }
0x9b: {  	s22 =	simm.s32 $0x1BFF;
	s21 =	sshll.u32 s5, $0x1;
	s2 =	sadd.s32 s19, s18  }
0x9c: {  	s6 =	simm.s32 $0x0;
	s20 =	sshll.u32 s4, $0x1;
	s4 =	sadd.s32 s21, s2  }
0x9d: {  	[timem:s6], [sflag:s22] =	dma.local [hbm:s4], s20  }
0x9e: {  	_ =	swait.ge [sflag:s22], s20  }
0x9f: {  	s3 =	ssub.s32 $0x0, s20;
	[sflag:s22] =	ssyncset.done $0x0  }
0xa0: {  	[sflag:s22] =	ssyncadd.s32 s3;
	_ =	sdelay $0x1  }
0xa1: {  	s23 =	simm.s32 $0x1B8B  }
0xa2: {  	_ =	swait.ge [sflag:s23], $0x1  }
0xa3: {  	[sflag:s23] =	ssyncset.done $0x0  }
0xa4: {  	s25 =	simm.s32 $0x1B8E;
	s24 =	sld [smem:$0x3FFE];
	[sflag:s23] =	ssyncadd.s32 $0xFFFFFFFF  }
0xa5: {  	s26 =	simm.s32 $execute0_lowered;
	[smem:$0x3FD2] =	sst s25  }
0xa6: {  	s4 =	sshll.u32 s26, $0x1;
	_ =	strace $0x80000049;
	[dreg:$0x1] =	wrdreg $0xFFFFFFFF  }
0xa7: {  	s28 =	simm.s32 $_size_execute0_lowered;
	s2 =	sadd.s32 s2, s4;
	[dreg:$0x0] =	wrdreg $0x0  }
0xa8: {  	s4 =	sshll.u32 s28, $0x1;
	[dreg:$0x2] =	wrdreg s2  }
0xa9: {  	[dreg:$0x3] =	wrdreg s4  }
0xaa: {  	[dreg:$0x4] =	wrdreg $0xC0  }
0xab: {  	_ =	task [dreg:s6], $0x5FFFF  }
0xac: {  	[dreg:$0x1] =	wrdreg $0xFFFFFFFF  }
0xad: {  	[dreg:$0x0] =	wrdreg $0x60  }
0xae: {  	[dreg:$0x2] =	wrdreg s24  }
0xaf: {  	[dreg:$0x3] =	wrdreg $0xA2000  }
0xb0: {  	[dreg:$0x4] =	wrdreg $0x9  }
0xb1: {  	_ =	task.clear_ibuf [dreg:s6], $0x5FFFF;
	_ =	strace $0x90000049  }
0xb2: {  	s29 =	simm.s32 $0x9;
	_ =	strace $0x8000004B  }
0xb3: {  	_ =	swait.ge [sflag:s29], $0x1  }
0xb4: {  	[sflag:s29] =	ssyncadd.s32 $0xFFFFFFFF  }
0xb5: {  	_ =	strace $0x9000004B  }
0xb6: {  	_ =	sfence  }
0xb7: {  	s30 =	sld [smem:$0x0];
	_ =	sdelay $0x2  }
0xb8: {  	s31 =	sshll.u32 s1, $0xD;
	s1 =	sshrl.u32 s1, $0x2  }
0xb9: {  	s3 =	sand.u32 $0x4000, s31;
	s1 =	sadd.s32 s1, s30  }
0xba: {  	s0 =	sor.u32 s3, s0;
	s1 =	sshll.u32 s1, $0x11  }
0xbb: {  	s0 =	sor.u32 s1, s0  }
0xbc: {  	s0 =	sadd.s32 $0x8F2B, s0  }
0xbd: {  	[sflag:s0] =	ssyncadd.remote.s32 $0x1  }
0xbe: {  	_ =	sfence.sel $0xFFFF  }
0xbf: {  	[dreg:$0x0] =	wrdreg $0xFFFFFFFF;
	(pc) =	sbr.abs _section_cstart, $3  }
0xc0: {  	[dreg:$0x1] =	wrdreg $0xFFFFFFFF  }
0xc1: {  	_ =	task.clear_ibuf [dreg:s6], $0x2FFFF;
	_ =	strace $0x9FFFFFFF  }
0xc2: {  	(tm) =	ssettm $0x7FFFFFFF  }
0xc3: {  	_ =	shalt  }
tec
execute0_lowered:
.L_overlay_start_1:
0x0: {  	(tag) =	ssettag $0x1  }
0x1: {  	s1 =	rddreg [dreg:$0x0]  }
0x2: {  	s0 =	srdreg.scid;
	s2 =	rddreg [dreg:$0x1];
	s3 =	simm.s32 $0x0  }
0x3: {  	s9 =	stileid.u32;
	s11 =	simm.s32 $0x200;
	[smem:$0x7FF] =	sst s3  }
0x4: {  	s13 =	simm.s32 $0x80;
	_ =	strace $0x8000004A;
	[dreg:$0x4] =	wrdreg s11  }
0x5: {  	s14 =	simm.s32 $0x300;
	s15 =	simm.s32 $0x180;
	[dreg:$0x5] =	wrdreg s13  }
0x6: {  	s17 =	simm.s32 $0x400;
	s18 =	simm.s32 $0x280;
	[dreg:$0x6] =	wrdreg s14  }
0x7: {  	s20 =	simm.s32 $0x500;
	s22 =	simm.s32 $0x380;
	[dreg:$0x7] =	wrdreg s15  }
0x8: {  	s23 =	simm.s32 $0x600;
	s24 =	simm.s32 $0x480;
	[dreg:$0x8] =	wrdreg s17  }
0x9: {  	s25 =	simm.s32 $0x700;
	s10 =	simm.s32 $0x800;
	[dreg:$0x9] =	wrdreg s18  }
0xa: {  	s28 =	simm.s32 $0x4;
	s5 =	smul.u32 $0x13C00, s9;
	[dreg:$0xa] =	wrdreg s20  }
0xb: {  	s29 =	simm.s32 $0xF00;
	s7 =	smul.u32 $0x6C00, s9;
	[dreg:$0xb] =	wrdreg s22  }
0xc: {  	s0 =	sand.u32 $0x1, s0;
	s9 =	smul.u32 $0x4F000, s9;
	[dreg:$0xc] =	wrdreg s23  }
0xd: {  	s30 =	simm.s32 $0xD80;
	s4 =	smul.u32 $0x13C000, s0;
	[dreg:$0xd] =	wrdreg s24  }
0xe: {  	s31 =	simm.s32 $0x1000;
	s6 =	smul.u32 $0x6C000, s0;
	[dreg:$0xe] =	wrdreg s25  }
0xf: {  	s0 =	ssub.s32 $0x2, s0;
	[dreg:$0x10] =	wrdreg s10;
	s14 =	simm.s32 $0x780  }
0x10: {  	s18 =	simm.s32 $0x880;
	s20 =	simm.s32 $0x980;
	[dreg:$0x12] =	wrdreg s14  }
0x11: {  	s22 =	simm.s32 $0xA80;
	s23 =	simm.s32 $0xD00;
	[dreg:$0x14] =	wrdreg s18  }
0x12: {  	s24 =	simm.s32 $0xB80;
	s25 =	simm.s32 $0xE00;
	[dreg:$0x16] =	wrdreg s20  }
0x13: {  	s10 =	simm.s32 $0x0;
	s12 =	sshrl.u32 s0, $0x1;
	[dreg:$0x18] =	wrdreg s22  }
0x14: {  	s16 =	sshrl.u32 s9, $0x2;
	s18 =	simm.s32 $0x5;
	[dreg:$0x19] =	wrdreg s23  }
0x15: {  	s20 =	simm.s32 $0x100;
	[dreg:$0x1a] =	wrdreg s24;
	s22 =	simm.s32 $0x900  }
0x16: {  	[dreg:$0x1b] =	wrdreg s25;
	s5 =	sadd.s32 s5, s4;
	s7 =	sadd.s32 s7, s6  }
0x17: {  	s0 =	ssub.s32 s0, s12;
	s12 =	simm.s32 $0x680;
	s8 =	sshrl.u32 s5, $0x3  }
0x18: {  	s5 =	sadd.s32 $0x11600, s1;
	s6 =	sadd.s32 $0x1200, s7;
	[dreg:$0x11] =	wrdreg s12  }
0x19: {  	s21 =	sshrl.u32 s7, $0x3;
	s0 =	smax.u32 s0, $0x1;
	[dreg:$0x3] =	wrdreg s6  }
0x1a: {  	s4 =	sadd.s32 $0x2C600, s1;
	s9 =	sadd.s32 s5, s21;
	[smem:$0x7F8] =	sst s0  }
0x1b: {  	s1 =	sadd.s32 s8, s1;
	s8 =	simm.s32 $0x580;
	[dreg:$0x1e] =	wrdreg s9  }
0x1c: {  	s6 =	sadd.s32 s16, s2;
	s16 =	simm.s32 $0xA00;
	[dreg:$0xf] =	wrdreg s8  }
0x1d: {  	s23 =	simm.s32 $0x1;
	s21 =	simm.s32 $0xC00;
	[dreg:$0x13] =	wrdreg s16  }
0x1e: {  	s24 =	simm.s32 $0x7200;
	s19 =	sadd.s32 $0x12000, s6;
	[dreg:$0x17] =	wrdreg s21  }
0x1f: {  	s25 =	simm.s32 $0x2;
	s1 =	sadd.s32 $0x53800, s1;
	[dreg:$0x1d] =	wrdreg s19  }
0x20: {  	s17 =	sadd.s32 $0x900, s7;
	s26 =	sadd.s32 $0x3000, s6;
	[dreg:$0x1f] =	wrdreg s1  }
0x21: {  	s7 =	simm.s32 $0xF80;
	s9 =	sadd.s32 $0x6000, s6;
	[smem:$0x7F9] =	sst s26  }
0x22: {  	s0 =	simm.s32 $0x1100;
	s11 =	sadd.s32 $0x9000, s6;
	[smem:$0x7FA] =	sst s9  }
0x23: {  	s13 =	sadd.s32 $0xC000, s6;
	s15 =	sadd.s32 $0xF000, s6;
	[smem:$0x7FB] =	sst s11  }
0x24: {  	s21 =	simm.s32 $0x4200;
	s8 =	simm.s32 $0x1080;
	[smem:$0x7FC] =	sst s13  }
0x25: {  	[smem:$0x7FD] =	sst s15;
	s1 =	sshrl.u32 s17, $0x3;
	s19 =	simm.s32 $0xB00  }
0x26: {  	s17 =	simm.s32 $0x1200;
	s26 =	simm.s32 $0xC80;
	s9 =	simm.s32 $0x1180  }
0x27: {  	s12 =	sadd.s32 s1, s5;
	[dreg:$0x15] =	wrdreg s19;
	s19 =	simm.s32 $0x60  }
0x28: {  	v0 =	vimm.f32 $0.0e+00;
	[dreg:$0x1c] =	wrdreg s26;
	s26 =	simm.s32 $0x3;
	s1 =	simm.s32 $0xE80  }
.LBB2_1:
0x29: {  	s11 =	simm.s32 $0x70;
	s13 =	simm.s32 $0x3C0  }
.LBB2_2:
0x2a: {  	p0 =	sne.s32 s13, $0xBFC0;
	[tilespmem:s11+$0x1200] =	vst v0  }
0x2b: {  	[tilespmem:s11+$0x1190] =	vst v0  }
0x2c: {  	[tilespmem:s11+$0x11A0] =	vst v0  }
.Ltmp0:
0x2d: {  	[tilespmem:s11+$0x11B0] =	vst v0;
	(pc) =	sbr.rel @p0 .LBB2_2-.Ltmp0, $4  }
0x2e: {  	[tilespmem:s11+$0x11C0] =	vst v0  }
0x2f: {  	[tilespmem:s11+$0x11D0] =	vst v0  }
0x30: {  	[tilespmem:s11+$0x11E0] =	vst v0  }
0x31: {  	[tilespmem:s11+$0x11F0] =	vst v0;
	s11 =	sshra.s32 s13, $0x2;
	s13 =	sadd.s32 $0x200, s13  }
0x32: {  	[tilespmem:s11+$0x1200] =	vst v0  }
0x33: {  	[tilespmem:s11+$0x1190] =	vst v0  }
0x34: {  	[tilespmem:s11+$0x11A0] =	vst v0  }
0x35: {  	[tilespmem:s11+$0x11B0] =	vst v0  }
0x36: {  	[tilespmem:s11+$0x11C0] =	vst v0  }
0x37: {  	[tilespmem:s11+$0x11D0] =	vst v0  }
0x38: {  	[tilespmem:s11+$0x11E0] =	vst v0  }
0x39: {  	[tilespmem:s11+$0x11F0] =	vst v0  }
0x3a: {  	[spmem:s6] =	stream.linear.scatter [tilespmem:s17], [sflag:$0x5], $0x3000, $0x38;
	[tilespmem:$0x1DE00] =	vst v63  }
0x3b: {  	_ =	swait.ge [sflag:s18], $0x3000  }
0x3c: {  	s13 =	sld [smem:$0x7F9]  }
0x3d: {  	[sflag:s18] =	ssyncset.done $0x0  }
0x3e: {  	[sflag:s18] =	ssyncadd.s32 $0xFFFFD000  }
0x3f: {  	[spmem:s13] =	stream.linear.scatter [tilespmem:s17], [sflag:$0x5], $0x3000, $0x38;
	[tilespmem:$0x1DE00] =	vst v63  }
0x40: {  	_ =	swait.ge [sflag:s18], $0x3000  }
0x41: {  	s14 =	sld [smem:$0x7FA]  }
0x42: {  	[sflag:s18] =	ssyncset.done $0x0  }
0x43: {  	[sflag:s18] =	ssyncadd.s32 $0xFFFFD000  }
0x44: {  	[spmem:s14] =	stream.linear.scatter [tilespmem:s17], [sflag:$0x5], $0x3000, $0x38;
	[tilespmem:$0x1DE00] =	vst v63  }
0x45: {  	_ =	swait.ge [sflag:s18], $0x3000  }
0x46: {  	s15 =	sld [smem:$0x7FB]  }
0x47: {  	[sflag:s18] =	ssyncset.done $0x0  }
0x48: {  	[sflag:s18] =	ssyncadd.s32 $0xFFFFD000  }
0x49: {  	[spmem:s15] =	stream.linear.scatter [tilespmem:s17], [sflag:$0x5], $0x3000, $0x38;
	[tilespmem:$0x1DE00] =	vst v63  }
0x4a: {  	_ =	swait.ge [sflag:s18], $0x3000  }
0x4b: {  	s16 =	sld [smem:$0x7FC]  }
0x4c: {  	[sflag:s18] =	ssyncset.done $0x0  }
0x4d: {  	[sflag:s18] =	ssyncadd.s32 $0xFFFFD000  }
0x4e: {  	[spmem:s16] =	stream.linear.scatter [tilespmem:s17], [sflag:$0x5], $0x3000, $0x38;
	[tilespmem:$0x1DE00] =	vst v63  }
0x4f: {  	_ =	swait.ge [sflag:s18], $0x3000  }
0x50: {  	s13 =	sld [smem:$0x7FD]  }
0x51: {  	[sflag:s18] =	ssyncset.done $0x0  }
0x52: {  	[sflag:s18] =	ssyncadd.s32 $0xFFFFD000  }
0x53: {  	[spmem:s13] =	stream.linear.scatter [tilespmem:s17], [sflag:$0x5], $0x3000, $0x38;
	[tilespmem:$0x1DE00] =	vst v63  }
0x54: {  	_ =	swait.ge [sflag:s18], $0x3000  }
0x55: {  	[sflag:s18] =	ssyncset.done $0x0  }
0x56: {  	s14 =	rddreg [dreg:$0x1d];
	[sflag:s18] =	ssyncadd.s32 $0xFFFFD000  }
0x57: {  	[spmem:s14] =	stream.linear.scatter [tilespmem:s17], [sflag:$0x5], $0x1C00, $0x38;
	[tilespmem:$0x1DE00] =	vst v63  }
0x58: {  	_ =	swait.ge [sflag:s18], $0x1C00  }
0x59: {  	[sflag:s18] =	ssyncset.done $0x0  }
0x5a: {  	[sflag:s18] =	ssyncadd.s32 $0xFFFFE400  }
0x5b: {  	[bflag:$0x0] =	sbarrier.arrive $0xFFFF  }
0x5c: {  	s11 =	simm.s32 $0x0;
	s13 =	rddreg [dreg:$0x1e]  }
0x5d: {  	[tilespmem:s11], [sflag:$0x5] =	stream.linear.gather [hbm4b:s13+s11], $0x900, $0x38;
	[tilespmem:$0x1DE00] =	vst v63  }
0x5e: {  	_ =	swait.ge [sflag:s18], $0x900  }
0x5f: {  	[sflag:s18] =	ssyncset.done $0x0  }
0x60: {  	[sflag:s18] =	ssyncadd.s32 $0xFFFFF700  }
0x61: {  	[tilespmem:s17], [sflag:$0x1] =	stream.indirect.gather [hbm4b:s4+s19], $0x80, s11, s19, $0xb8;
	[tilespmem:$0x1DE00] =	vst v63  }
0x62: {  	_ = 	snop  }
0x63: {  	[tilespmem:s21], [sflag:$0x2] =	stream.indirect.gather [hbm4b:s4+s19], $0x80, s20, s19, $0xb8;
	[tilespmem:$0x1DE00] =	vst v63  }
0x64: {  	_ = 	snop  }
0x65: {  	[tilespmem:s22], [sflag:$0x4] =	stream.linear.gather [hbm4b:s12+s3], $0x900, $0x38;
	[tilespmem:$0x1DE00] =	vst v63  }
0x66: {  	_ =	swait.ge [sflag:s23], $0x3000  }
0x67: {  	[sflag:s23] =	ssyncset.done $0x0  }
0x68: {  	s15 =	rddreg [dreg:$0x4];
	[sflag:s23] =	ssyncadd.s32 $0xFFFFD000  }
0x69: {  	[tilespmem:s24], [sflag:$0x3] =	stream.indirect.gather [hbm4b:s4+s19], $0x80, s15, s19, $0xb8;
	[tilespmem:$0x1DE00] =	vst v63  }
0x6a: {  	s16 =	rddreg [dreg:$0x5]  }
0x6b: {  	[spmem:s2] =	stream.indirect.scatter.add.f32 [tilespmem:s17], [sflag:$0x5], $0x80, s16, s19, $0xb8;
	[tilespmem:$0x1DE00] =	vst v63  }
0x6c: {  	_ =	swait.ge [sflag:s18], $0x3000  }
0x6d: {  	[sflag:s18] =	ssyncset.done $0x0  }
0x6e: {  	[sflag:s18] =	ssyncadd.s32 $0xFFFFD000  }
0x6f: {  	_ =	swait.ge [sflag:s25], $0x3000  }
0x70: {  	[sflag:s25] =	ssyncset.done $0x0  }
0x71: {  	s14 =	rddreg [dreg:$0x6];
	[sflag:s25] =	ssyncadd.s32 $0xFFFFD000  }
0x72: {  	[tilespmem:s17], [sflag:$0x1] =	stream.indirect.gather [hbm4b:s4+s19], $0x80, s14, s19, $0xb8;
	[tilespmem:$0x1DE00] =	vst v63  }
0x73: {  	s15 =	rddreg [dreg:$0x7]  }
0x74: {  	[spmem:s2] =	stream.indirect.scatter.add.f32 [tilespmem:s21], [sflag:$0x5], $0x80, s15, s19, $0xb8;
	[tilespmem:$0x1DE00] =	vst v63  }
0x75: {  	_ =	swait.ge [sflag:s18], $0x3000  }
0x76: {  	[sflag:s18] =	ssyncset.done $0x0  }
0x77: {  	[sflag:s18] =	ssyncadd.s32 $0xFFFFD000  }
0x78: {  	_ =	swait.ge [sflag:s26], $0x3000  }
0x79: {  	[sflag:s26] =	ssyncset.done $0x0  }
0x7a: {  	s14 =	rddreg [dreg:$0x8];
	[sflag:s26] =	ssyncadd.s32 $0xFFFFD000  }
0x7b: {  	[tilespmem:s21], [sflag:$0x2] =	stream.indirect.gather [hbm4b:s4+s19], $0x80, s14, s19, $0xb8;
	[tilespmem:$0x1DE00] =	vst v63  }
0x7c: {  	s15 =	rddreg [dreg:$0x9]  }
0x7d: {  	[spmem:s2] =	stream.indirect.scatter.add.f32 [tilespmem:s24], [sflag:$0x5], $0x80, s15, s19, $0xb8;
	[tilespmem:$0x1DE00] =	vst v63  }
0x7e: {  	_ =	swait.ge [sflag:s18], $0x3000  }
0x7f: {  	[sflag:s18] =	ssyncset.done $0x0  }
0x80: {  	[sflag:s18] =	ssyncadd.s32 $0xFFFFD000  }
0x81: {  	_ =	swait.ge [sflag:s23], $0x3000  }
0x82: {  	[sflag:s23] =	ssyncset.done $0x0  }
0x83: {  	s14 =	rddreg [dreg:$0xa];
	[sflag:s23] =	ssyncadd.s32 $0xFFFFD000  }
0x84: {  	[tilespmem:s24], [sflag:$0x3] =	stream.indirect.gather [hbm4b:s4+s19], $0x80, s14, s19, $0xb8;
	[tilespmem:$0x1DE00] =	vst v63  }
0x85: {  	s15 =	rddreg [dreg:$0xb]  }
0x86: {  	[spmem:s2] =	stream.indirect.scatter.add.f32 [tilespmem:s17], [sflag:$0x5], $0x80, s15, s19, $0xb8;
	[tilespmem:$0x1DE00] =	vst v63  }
0x87: {  	_ =	swait.ge [sflag:s18], $0x3000  }
0x88: {  	[sflag:s18] =	ssyncset.done $0x0  }
0x89: {  	[sflag:s18] =	ssyncadd.s32 $0xFFFFD000  }
0x8a: {  	_ =	swait.ge [sflag:s25], $0x3000  }
0x8b: {  	[sflag:s25] =	ssyncset.done $0x0  }
0x8c: {  	s14 =	rddreg [dreg:$0xc];
	[sflag:s25] =	ssyncadd.s32 $0xFFFFD000  }
0x8d: {  	[tilespmem:s17], [sflag:$0x1] =	stream.indirect.gather [hbm4b:s4+s19], $0x80, s14, s19, $0xb8;
	[tilespmem:$0x1DE00] =	vst v63  }
0x8e: {  	s15 =	rddreg [dreg:$0xd]  }
0x8f: {  	[spmem:s2] =	stream.indirect.scatter.add.f32 [tilespmem:s21], [sflag:$0x5], $0x80, s15, s19, $0xb8;
	[tilespmem:$0x1DE00] =	vst v63  }
0x90: {  	_ =	swait.ge [sflag:s18], $0x3000  }
0x91: {  	[sflag:s18] =	ssyncset.done $0x0  }
0x92: {  	[sflag:s18] =	ssyncadd.s32 $0xFFFFD000  }
0x93: {  	_ =	swait.ge [sflag:s26], $0x3000  }
0x94: {  	[sflag:s26] =	ssyncset.done $0x0  }
0x95: {  	s14 =	rddreg [dreg:$0xe];
	[sflag:s26] =	ssyncadd.s32 $0xFFFFD000  }
0x96: {  	[tilespmem:s21], [sflag:$0x2] =	stream.indirect.gather [hbm4b:s4+s19], $0x80, s14, s19, $0xb8;
	[tilespmem:$0x1DE00] =	vst v63  }
0x97: {  	s15 =	rddreg [dreg:$0xf]  }
0x98: {  	[spmem:s2] =	stream.indirect.scatter.add.f32 [tilespmem:s24], [sflag:$0x5], $0x80, s15, s19, $0xb8;
	[tilespmem:$0x1DE00] =	vst v63  }
0x99: {  	_ =	swait.ge [sflag:s18], $0x3000  }
0x9a: {  	[sflag:s18] =	ssyncset.done $0x0  }
0x9b: {  	[sflag:s18] =	ssyncadd.s32 $0xFFFFD000  }
0x9c: {  	_ =	swait.ge [sflag:s23], $0x3000  }
0x9d: {  	[sflag:s23] =	ssyncset.done $0x0  }
0x9e: {  	s14 =	rddreg [dreg:$0x10];
	[sflag:s23] =	ssyncadd.s32 $0xFFFFD000  }
0x9f: {  	[tilespmem:s24], [sflag:$0x3] =	stream.indirect.gather [hbm4b:s4+s19], $0x80, s14, s19, $0xb8;
	[tilespmem:$0x1DE00] =	vst v63  }
0xa0: {  	s15 =	rddreg [dreg:$0x11]  }
0xa1: {  	[spmem:s2] =	stream.indirect.scatter.add.f32 [tilespmem:s17], [sflag:$0x5], $0x80, s15, s19, $0xb8;
	[tilespmem:$0x1DE00] =	vst v63  }
0xa2: {  	_ =	swait.ge [sflag:s18], $0x3000  }
0xa3: {  	[sflag:s18] =	ssyncset.done $0x0  }
0xa4: {  	[sflag:s18] =	ssyncadd.s32 $0xFFFFD000  }
0xa5: {  	_ =	swait.ge [sflag:s28], $0x900  }
0xa6: {  	[sflag:s28] =	ssyncset.done $0x0  }
0xa7: {  	[sflag:s28] =	ssyncadd.s32 $0xFFFFF700  }
0xa8: {  	_ =	swait.ge [sflag:s25], $0x3000  }
0xa9: {  	[sflag:s25] =	ssyncset.done $0x0  }
0xaa: {  	[sflag:s25] =	ssyncadd.s32 $0xFFFFD000  }
0xab: {  	[tilespmem:s17], [sflag:$0x1] =	stream.indirect.gather [hbm4b:s4+s19], $0x80, s22, s19, $0xb8;
	[tilespmem:$0x1DE00] =	vst v63  }
0xac: {  	s16 =	rddreg [dreg:$0x12]  }
0xad: {  	[spmem:s2] =	stream.indirect.scatter.add.f32 [tilespmem:s21], [sflag:$0x5], $0x80, s16, s19, $0xb8;
	[tilespmem:$0x1DE00] =	vst v63  }
0xae: {  	_ =	swait.ge [sflag:s18], $0x3000  }
0xaf: {  	[sflag:s18] =	ssyncset.done $0x0  }
0xb0: {  	[sflag:s18] =	ssyncadd.s32 $0xFFFFD000  }
0xb1: {  	_ =	swait.ge [sflag:s26], $0x3000  }
0xb2: {  	[sflag:s26] =	ssyncset.done $0x0  }
0xb3: {  	s14 =	rddreg [dreg:$0x13];
	[sflag:s26] =	ssyncadd.s32 $0xFFFFD000  }
0xb4: {  	[tilespmem:s21], [sflag:$0x2] =	stream.indirect.gather [hbm4b:s4+s19], $0x80, s14, s19, $0xb8;
	[tilespmem:$0x1DE00] =	vst v63  }
0xb5: {  	s11 =	smin.u32 s11, $0x9;
	s15 =	rddreg [dreg:$0x14]  }
0xb6: {  	[spmem:s2] =	stream.indirect.scatter.add.f32 [tilespmem:s24], [sflag:$0x5], $0x80, s15, s19, $0xb8;
	[tilespmem:$0x1DE00] =	vst v63  }
0xb7: {  	s11 =	smul.u32 $0x900, s11;
	_ =	swait.ge [sflag:s18], $0x3000  }
0xb8: {  	s16 =	rddreg [dreg:$0x3]  }
0xb9: {  	s11 =	sadd.s32 s11, s16  }
0xba: {  	[sflag:s18] =	ssyncset.done $0x0;
	s11 =	sshrl.u32 s11, $0x3  }
0xbb: {  	[sflag:s18] =	ssyncadd.s32 $0xFFFFD000;
	s11 =	sadd.s32 s5, s11  }
0xbc: {  	[tilespmem:s3], [sflag:$0x4] =	stream.linear.gather [hbm4b:s11+s3], $0x900, $0x38;
	[tilespmem:$0x1DE00] =	vst v63  }
0xbd: {  	_ =	swait.ge [sflag:s23], $0x3000  }
0xbe: {  	[sflag:s23] =	ssyncset.done $0x0  }
0xbf: {  	s13 =	rddreg [dreg:$0x15];
	[sflag:s23] =	ssyncadd.s32 $0xFFFFD000  }
0xc0: {  	[tilespmem:s24], [sflag:$0x3] =	stream.indirect.gather [hbm4b:s4+s19], $0x80, s13, s19, $0xb8;
	[tilespmem:$0x1DE00] =	vst v63  }
0xc1: {  	s14 =	rddreg [dreg:$0x16]  }
0xc2: {  	[spmem:s2] =	stream.indirect.scatter.add.f32 [tilespmem:s17], [sflag:$0x5], $0x80, s14, s19, $0xb8;
	[tilespmem:$0x1DE00] =	vst v63  }
0xc3: {  	_ =	swait.ge [sflag:s18], $0x3000  }
0xc4: {  	[sflag:s18] =	ssyncset.done $0x0  }
0xc5: {  	[sflag:s18] =	ssyncadd.s32 $0xFFFFD000  }
0xc6: {  	_ =	swait.ge [sflag:s25], $0x3000  }
0xc7: {  	[sflag:s25] =	ssyncset.done $0x0  }
0xc8: {  	s15 =	rddreg [dreg:$0x17];
	[sflag:s25] =	ssyncadd.s32 $0xFFFFD000  }
0xc9: {  	[tilespmem:s17], [sflag:$0x1] =	stream.indirect.gather [hbm4b:s4+s19], $0x80, s15, s19, $0xb8;
	[tilespmem:$0x1DE00] =	vst v63  }
0xca: {  	s16 =	rddreg [dreg:$0x18]  }
0xcb: {  	[spmem:s2] =	stream.indirect.scatter.add.f32 [tilespmem:s21], [sflag:$0x5], $0x80, s16, s19, $0xb8;
	[tilespmem:$0x1DE00] =	vst v63  }
0xcc: {  	_ =	swait.ge [sflag:s18], $0x3000  }
0xcd: {  	[sflag:s18] =	ssyncset.done $0x0  }
0xce: {  	[sflag:s18] =	ssyncadd.s32 $0xFFFFD000  }
0xcf: {  	_ =	swait.ge [sflag:s26], $0x3000  }
0xd0: {  	[sflag:s26] =	ssyncset.done $0x0  }
0xd1: {  	s13 =	rddreg [dreg:$0x19];
	[sflag:s26] =	ssyncadd.s32 $0xFFFFD000  }
0xd2: {  	[tilespmem:s21], [sflag:$0x2] =	stream.indirect.gather [hbm4b:s4+s19], $0x80, s13, s19, $0xb8;
	[tilespmem:$0x1DE00] =	vst v63  }
0xd3: {  	s14 =	rddreg [dreg:$0x1a]  }
0xd4: {  	[spmem:s2] =	stream.indirect.scatter.add.f32 [tilespmem:s24], [sflag:$0x5], $0x80, s14, s19, $0xb8;
	[tilespmem:$0x1DE00] =	vst v63  }
0xd5: {  	_ =	swait.ge [sflag:s18], $0x3000  }
0xd6: {  	[sflag:s18] =	ssyncset.done $0x0  }
0xd7: {  	[sflag:s18] =	ssyncadd.s32 $0xFFFFD000  }
0xd8: {  	_ =	swait.ge [sflag:s23], $0x3000  }
0xd9: {  	[sflag:s23] =	ssyncset.done $0x0  }
0xda: {  	s15 =	rddreg [dreg:$0x1b];
	[sflag:s23] =	ssyncadd.s32 $0xFFFFD000  }
0xdb: {  	[tilespmem:s24], [sflag:$0x3] =	stream.indirect.gather [hbm4b:s4+s19], $0x80, s15, s19, $0xb8;
	[tilespmem:$0x1DE00] =	vst v63  }
0xdc: {  	s16 =	rddreg [dreg:$0x1c]  }
0xdd: {  	[spmem:s2] =	stream.indirect.scatter.add.f32 [tilespmem:s17], [sflag:$0x5], $0x80, s16, s19, $0xb8;
	[tilespmem:$0x1DE00] =	vst v63  }
0xde: {  	_ =	swait.ge [sflag:s18], $0x3000  }
0xdf: {  	[sflag:s18] =	ssyncset.done $0x0  }
0xe0: {  	[sflag:s18] =	ssyncadd.s32 $0xFFFFD000  }
0xe1: {  	_ =	swait.ge [sflag:s25], $0x3000  }
0xe2: {  	[sflag:s25] =	ssyncset.done $0x0  }
0xe3: {  	[sflag:s25] =	ssyncadd.s32 $0xFFFFD000  }
0xe4: {  	[tilespmem:s17], [sflag:$0x1] =	stream.indirect.gather [hbm4b:s4+s19], $0x80, s29, s19, $0xb8;
	[tilespmem:$0x1DE00] =	vst v63  }
0xe5: {  	_ = 	snop  }
0xe6: {  	[spmem:s2] =	stream.indirect.scatter.add.f32 [tilespmem:s21], [sflag:$0x5], $0x80, s30, s19, $0xb8;
	[tilespmem:$0x1DE00] =	vst v63  }
0xe7: {  	_ =	swait.ge [sflag:s18], $0x3000  }
0xe8: {  	[sflag:s18] =	ssyncset.done $0x0  }
0xe9: {  	[sflag:s18] =	ssyncadd.s32 $0xFFFFD000  }
0xea: {  	_ =	swait.ge [sflag:s26], $0x3000  }
0xeb: {  	[sflag:s26] =	ssyncset.done $0x0  }
0xec: {  	[sflag:s26] =	ssyncadd.s32 $0xFFFFD000  }
0xed: {  	[tilespmem:s21], [sflag:$0x2] =	stream.indirect.gather [hbm4b:s4+s19], $0x80, s31, s19, $0xb8;
	[tilespmem:$0x1DE00] =	vst v63  }
0xee: {  	_ = 	snop  }
0xef: {  	[spmem:s2] =	stream.indirect.scatter.add.f32 [tilespmem:s24], [sflag:$0x5], $0x80, s1, s19, $0xb8;
	[tilespmem:$0x1DE00] =	vst v63  }
0xf0: {  	_ =	swait.ge [sflag:s18], $0x3000  }
0xf1: {  	[sflag:s18] =	ssyncset.done $0x0  }
0xf2: {  	[sflag:s18] =	ssyncadd.s32 $0xFFFFD000  }
0xf3: {  	_ =	swait.ge [sflag:s23], $0x3000  }
0xf4: {  	[sflag:s23] =	ssyncset.done $0x0  }
0xf5: {  	[sflag:s23] =	ssyncadd.s32 $0xFFFFD000  }
0xf6: {  	[tilespmem:s24], [sflag:$0x3] =	stream.indirect.gather [hbm4b:s4+s19], $0x80, s0, s19, $0xb8;
	[tilespmem:$0x1DE00] =	vst v63  }
0xf7: {  	_ = 	snop  }
0xf8: {  	[spmem:s2] =	stream.indirect.scatter.add.f32 [tilespmem:s17], [sflag:$0x5], $0x80, s7, s19, $0xb8;
	[tilespmem:$0x1DE00] =	vst v63  }
0xf9: {  	_ =	swait.ge [sflag:s18], $0x3000  }
0xfa: {  	[sflag:s18] =	ssyncset.done $0x0  }
0xfb: {  	[sflag:s18] =	ssyncadd.s32 $0xFFFFD000  }
0xfc: {  	_ =	swait.ge [sflag:s28], $0x900  }
0xfd: {  	[sflag:s28] =	ssyncset.done $0x0  }
0xfe: {  	[sflag:s28] =	ssyncadd.s32 $0xFFFFF700  }
0xff: {  	_ =	swait.ge [sflag:s25], $0x3000  }
0x100: {  	[sflag:s25] =	ssyncset.done $0x0  }
0x101: {  	[sflag:s25] =	ssyncadd.s32 $0xFFFFD000  }
0x102: {  	[tilespmem:s17], [sflag:$0x1] =	stream.indirect.gather [hbm4b:s4+s19], $0x80, s3, s19, $0xb8;
	[tilespmem:$0x1DE00] =	vst v63  }
0x103: {  	_ = 	snop  }
0x104: {  	[spmem:s2] =	stream.indirect.scatter.add.f32 [tilespmem:s21], [sflag:$0x5], $0x80, s8, s19, $0xb8;
	[tilespmem:$0x1DE00] =	vst v63  }
0x105: {  	_ =	swait.ge [sflag:s18], $0x3000  }
0x106: {  	[sflag:s18] =	ssyncset.done $0x0  }
0x107: {  	[sflag:s18] =	ssyncadd.s32 $0xFFFFD000  }
0x108: {  	_ =	swait.ge [sflag:s26], $0x3000  }
0x109: {  	[sflag:s26] =	ssyncset.done $0x0  }
0x10a: {  	[sflag:s26] =	ssyncadd.s32 $0xFFFFD000  }
0x10b: {  	[tilespmem:s21], [sflag:$0x2] =	stream.indirect.gather [hbm4b:s4+s19], $0x80, s20, s19, $0xb8;
	[tilespmem:$0x1DE00] =	vst v63  }
0x10c: {  	_ = 	snop  }
0x10d: {  	[spmem:s2] =	stream.indirect.scatter.add.f32 [tilespmem:s24], [sflag:$0x5], $0x80, s9, s19, $0xb8;
	[tilespmem:$0x1DE00] =	vst v63  }
0x10e: {  	_ =	swait.ge [sflag:s18], $0x3000  }
0x10f: {  	s11 =	simm.s32 $0x2;
	s16 =	smov.u32 s12;
	[sflag:s18] =	ssyncset.done $0x0  }
.LBB2_4:
0x110: {  	[sflag:s18] =	ssyncadd.s32 $0xFFFFD000;
	s16 =	sadd.s32 $0x240, s16  }
0x111: {  	[tilespmem:s22], [sflag:$0x4] =	stream.linear.gather [hbm4b:s16+s3], $0x900, $0x38;
	[tilespmem:$0x1DE00] =	vst v63  }
0x112: {  	_ =	swait.ge [sflag:s23], $0x3000  }
0x113: {  	[sflag:s23] =	ssyncset.done $0x0  }
0x114: {  	s14 =	rddreg [dreg:$0x4];
	[sflag:s23] =	ssyncadd.s32 $0xFFFFD000  }
0x115: {  	[tilespmem:s24], [sflag:$0x3] =	stream.indirect.gather [hbm4b:s4+s19], $0x80, s14, s19, $0xb8;
	[tilespmem:$0x1DE00] =	vst v63  }
0x116: {  	s15 =	rddreg [dreg:$0x5]  }
0x117: {  	[spmem:s2] =	stream.indirect.scatter.add.f32 [tilespmem:s17], [sflag:$0x5], $0x80, s15, s19, $0xb8;
	[tilespmem:$0x1DE00] =	vst v63  }
0x118: {  	_ =	swait.ge [sflag:s18], $0x3000  }
0x119: {  	[sflag:s18] =	ssyncset.done $0x0  }
0x11a: {  	[sflag:s18] =	ssyncadd.s32 $0xFFFFD000  }
0x11b: {  	_ =	swait.ge [sflag:s25], $0x3000  }
0x11c: {  	[sflag:s25] =	ssyncset.done $0x0  }
0x11d: {  	s14 =	rddreg [dreg:$0x6];
	[sflag:s25] =	ssyncadd.s32 $0xFFFFD000  }
0x11e: {  	[tilespmem:s17], [sflag:$0x1] =	stream.indirect.gather [hbm4b:s4+s19], $0x80, s14, s19, $0xb8;
	[tilespmem:$0x1DE00] =	vst v63  }
0x11f: {  	s15 =	rddreg [dreg:$0x7]  }
0x120: {  	[spmem:s2] =	stream.indirect.scatter.add.f32 [tilespmem:s21], [sflag:$0x5], $0x80, s15, s19, $0xb8;
	[tilespmem:$0x1DE00] =	vst v63  }
0x121: {  	_ =	swait.ge [sflag:s18], $0x3000  }
0x122: {  	[sflag:s18] =	ssyncset.done $0x0  }
0x123: {  	[sflag:s18] =	ssyncadd.s32 $0xFFFFD000  }
0x124: {  	_ =	swait.ge [sflag:s26], $0x3000  }
0x125: {  	[sflag:s26] =	ssyncset.done $0x0  }
0x126: {  	s14 =	rddreg [dreg:$0x8];
	[sflag:s26] =	ssyncadd.s32 $0xFFFFD000  }
0x127: {  	[tilespmem:s21], [sflag:$0x2] =	stream.indirect.gather [hbm4b:s4+s19], $0x80, s14, s19, $0xb8;
	[tilespmem:$0x1DE00] =	vst v63  }
0x128: {  	s15 =	rddreg [dreg:$0x9]  }
0x129: {  	[spmem:s2] =	stream.indirect.scatter.add.f32 [tilespmem:s24], [sflag:$0x5], $0x80, s15, s19, $0xb8;
	[tilespmem:$0x1DE00] =	vst v63  }
0x12a: {  	_ =	swait.ge [sflag:s18], $0x3000  }
0x12b: {  	[sflag:s18] =	ssyncset.done $0x0  }
0x12c: {  	[sflag:s18] =	ssyncadd.s32 $0xFFFFD000  }
0x12d: {  	_ =	swait.ge [sflag:s23], $0x3000  }
0x12e: {  	[sflag:s23] =	ssyncset.done $0x0  }
0x12f: {  	s14 =	rddreg [dreg:$0xa];
	[sflag:s23] =	ssyncadd.s32 $0xFFFFD000  }
0x130: {  	[tilespmem:s24], [sflag:$0x3] =	stream.indirect.gather [hbm4b:s4+s19], $0x80, s14, s19, $0xb8;
	[tilespmem:$0x1DE00] =	vst v63  }
0x131: {  	s15 =	rddreg [dreg:$0xb]  }
0x132: {  	[spmem:s2] =	stream.indirect.scatter.add.f32 [tilespmem:s17], [sflag:$0x5], $0x80, s15, s19, $0xb8;
	[tilespmem:$0x1DE00] =	vst v63  }
0x133: {  	_ =	swait.ge [sflag:s18], $0x3000  }
0x134: {  	[sflag:s18] =	ssyncset.done $0x0  }
0x135: {  	[sflag:s18] =	ssyncadd.s32 $0xFFFFD000  }
0x136: {  	_ =	swait.ge [sflag:s25], $0x3000  }
0x137: {  	[sflag:s25] =	ssyncset.done $0x0  }
0x138: {  	s14 =	rddreg [dreg:$0xc];
	[sflag:s25] =	ssyncadd.s32 $0xFFFFD000  }
0x139: {  	[tilespmem:s17], [sflag:$0x1] =	stream.indirect.gather [hbm4b:s4+s19], $0x80, s14, s19, $0xb8;
	[tilespmem:$0x1DE00] =	vst v63  }
0x13a: {  	s15 =	rddreg [dreg:$0xd]  }
0x13b: {  	[spmem:s2] =	stream.indirect.scatter.add.f32 [tilespmem:s21], [sflag:$0x5], $0x80, s15, s19, $0xb8;
	[tilespmem:$0x1DE00] =	vst v63  }
0x13c: {  	_ =	swait.ge [sflag:s18], $0x3000  }
0x13d: {  	[sflag:s18] =	ssyncset.done $0x0  }
0x13e: {  	[sflag:s18] =	ssyncadd.s32 $0xFFFFD000  }
0x13f: {  	_ =	swait.ge [sflag:s26], $0x3000  }
0x140: {  	[sflag:s26] =	ssyncset.done $0x0  }
0x141: {  	s14 =	rddreg [dreg:$0xe];
	[sflag:s26] =	ssyncadd.s32 $0xFFFFD000  }
0x142: {  	[tilespmem:s21], [sflag:$0x2] =	stream.indirect.gather [hbm4b:s4+s19], $0x80, s14, s19, $0xb8;
	[tilespmem:$0x1DE00] =	vst v63  }
0x143: {  	s15 =	rddreg [dreg:$0xf]  }
0x144: {  	[spmem:s2] =	stream.indirect.scatter.add.f32 [tilespmem:s24], [sflag:$0x5], $0x80, s15, s19, $0xb8;
	[tilespmem:$0x1DE00] =	vst v63  }
0x145: {  	_ =	swait.ge [sflag:s18], $0x3000  }
0x146: {  	[sflag:s18] =	ssyncset.done $0x0  }
0x147: {  	[sflag:s18] =	ssyncadd.s32 $0xFFFFD000  }
0x148: {  	_ =	swait.ge [sflag:s23], $0x3000  }
0x149: {  	[sflag:s23] =	ssyncset.done $0x0  }
0x14a: {  	s14 =	rddreg [dreg:$0x10];
	[sflag:s23] =	ssyncadd.s32 $0xFFFFD000  }
0x14b: {  	[tilespmem:s24], [sflag:$0x3] =	stream.indirect.gather [hbm4b:s4+s19], $0x80, s14, s19, $0xb8;
	[tilespmem:$0x1DE00] =	vst v63  }
0x14c: {  	s15 =	rddreg [dreg:$0x11]  }
0x14d: {  	[spmem:s2] =	stream.indirect.scatter.add.f32 [tilespmem:s17], [sflag:$0x5], $0x80, s15, s19, $0xb8;
	[tilespmem:$0x1DE00] =	vst v63  }
0x14e: {  	_ =	swait.ge [sflag:s18], $0x3000  }
0x14f: {  	[sflag:s18] =	ssyncset.done $0x0  }
0x150: {  	[sflag:s18] =	ssyncadd.s32 $0xFFFFD000  }
0x151: {  	_ =	swait.ge [sflag:s28], $0x900  }
0x152: {  	[sflag:s28] =	ssyncset.done $0x0  }
0x153: {  	[sflag:s28] =	ssyncadd.s32 $0xFFFFF700  }
0x154: {  	_ =	swait.ge [sflag:s25], $0x3000  }
0x155: {  	[sflag:s25] =	ssyncset.done $0x0  }
0x156: {  	[sflag:s25] =	ssyncadd.s32 $0xFFFFD000  }
0x157: {  	[tilespmem:s17], [sflag:$0x1] =	stream.indirect.gather [hbm4b:s4+s19], $0x80, s22, s19, $0xb8;
	[tilespmem:$0x1DE00] =	vst v63  }
0x158: {  	s15 =	rddreg [dreg:$0x12]  }
0x159: {  	[spmem:s2] =	stream.indirect.scatter.add.f32 [tilespmem:s21], [sflag:$0x5], $0x80, s15, s19, $0xb8;
	[tilespmem:$0x1DE00] =	vst v63  }
0x15a: {  	_ =	swait.ge [sflag:s18], $0x3000  }
0x15b: {  	[sflag:s18] =	ssyncset.done $0x0  }
0x15c: {  	[sflag:s18] =	ssyncadd.s32 $0xFFFFD000  }
0x15d: {  	_ =	swait.ge [sflag:s26], $0x3000  }
0x15e: {  	[sflag:s26] =	ssyncset.done $0x0  }
0x15f: {  	s13 =	smov.u32 s11;
	s14 =	rddreg [dreg:$0x13];
	[sflag:s26] =	ssyncadd.s32 $0xFFFFD000  }
0x160: {  	[tilespmem:s21], [sflag:$0x2] =	stream.indirect.gather [hbm4b:s4+s19], $0x80, s14, s19, $0xb8;
	[tilespmem:$0x1DE00] =	vst v63  }
0x161: {  	s13 =	smin.u32 s13, $0x9;
	s15 =	rddreg [dreg:$0x14]  }
0x162: {  	[spmem:s2] =	stream.indirect.scatter.add.f32 [tilespmem:s24], [sflag:$0x5], $0x80, s15, s19, $0xb8;
	[tilespmem:$0x1DE00] =	vst v63  }
0x163: {  	s13 =	smul.u32 $0x900, s13;
	_ =	swait.ge [sflag:s18], $0x3000  }
0x164: {  	s15 =	rddreg [dreg:$0x3]  }
0x165: {  	s13 =	sadd.s32 s13, s15  }
0x166: {  	[sflag:s18] =	ssyncset.done $0x0;
	s13 =	sshrl.u32 s13, $0x3  }
0x167: {  	[sflag:s18] =	ssyncadd.s32 $0xFFFFD000;
	s13 =	sadd.s32 s5, s13  }
0x168: {  	[tilespmem:s3], [sflag:$0x4] =	stream.linear.gather [hbm4b:s13+s3], $0x900, $0x38;
	[tilespmem:$0x1DE00] =	vst v63  }
0x169: {  	_ =	swait.ge [sflag:s23], $0x3000  }
0x16a: {  	[sflag:s23] =	ssyncset.done $0x0  }
0x16b: {  	s14 =	rddreg [dreg:$0x15];
	[sflag:s23] =	ssyncadd.s32 $0xFFFFD000  }
0x16c: {  	[tilespmem:s24], [sflag:$0x3] =	stream.indirect.gather [hbm4b:s4+s19], $0x80, s14, s19, $0xb8;
	[tilespmem:$0x1DE00] =	vst v63  }
0x16d: {  	s15 =	rddreg [dreg:$0x16]  }
0x16e: {  	[spmem:s2] =	stream.indirect.scatter.add.f32 [tilespmem:s17], [sflag:$0x5], $0x80, s15, s19, $0xb8;
	[tilespmem:$0x1DE00] =	vst v63  }
0x16f: {  	_ =	swait.ge [sflag:s18], $0x3000  }
0x170: {  	[sflag:s18] =	ssyncset.done $0x0  }
0x171: {  	[sflag:s18] =	ssyncadd.s32 $0xFFFFD000  }
0x172: {  	_ =	swait.ge [sflag:s25], $0x3000  }
0x173: {  	[sflag:s25] =	ssyncset.done $0x0  }
0x174: {  	s14 =	rddreg [dreg:$0x17];
	[sflag:s25] =	ssyncadd.s32 $0xFFFFD000  }
0x175: {  	[tilespmem:s17], [sflag:$0x1] =	stream.indirect.gather [hbm4b:s4+s19], $0x80, s14, s19, $0xb8;
	[tilespmem:$0x1DE00] =	vst v63  }
0x176: {  	s15 =	rddreg [dreg:$0x18]  }
0x177: {  	[spmem:s2] =	stream.indirect.scatter.add.f32 [tilespmem:s21], [sflag:$0x5], $0x80, s15, s19, $0xb8;
	[tilespmem:$0x1DE00] =	vst v63  }
0x178: {  	_ =	swait.ge [sflag:s18], $0x3000  }
0x179: {  	[sflag:s18] =	ssyncset.done $0x0  }
0x17a: {  	[sflag:s18] =	ssyncadd.s32 $0xFFFFD000  }
0x17b: {  	_ =	swait.ge [sflag:s26], $0x3000  }
0x17c: {  	[sflag:s26] =	ssyncset.done $0x0  }
0x17d: {  	s14 =	rddreg [dreg:$0x19];
	[sflag:s26] =	ssyncadd.s32 $0xFFFFD000  }
0x17e: {  	[tilespmem:s21], [sflag:$0x2] =	stream.indirect.gather [hbm4b:s4+s19], $0x80, s14, s19, $0xb8;
	[tilespmem:$0x1DE00] =	vst v63  }
0x17f: {  	s15 =	rddreg [dreg:$0x1a]  }
0x180: {  	[spmem:s2] =	stream.indirect.scatter.add.f32 [tilespmem:s24], [sflag:$0x5], $0x80, s15, s19, $0xb8;
	[tilespmem:$0x1DE00] =	vst v63  }
0x181: {  	_ =	swait.ge [sflag:s18], $0x3000  }
0x182: {  	[sflag:s18] =	ssyncset.done $0x0  }
0x183: {  	[sflag:s18] =	ssyncadd.s32 $0xFFFFD000  }
0x184: {  	_ =	swait.ge [sflag:s23], $0x3000  }
0x185: {  	[sflag:s23] =	ssyncset.done $0x0  }
0x186: {  	s14 =	rddreg [dreg:$0x1b];
	[sflag:s23] =	ssyncadd.s32 $0xFFFFD000  }
0x187: {  	[tilespmem:s24], [sflag:$0x3] =	stream.indirect.gather [hbm4b:s4+s19], $0x80, s14, s19, $0xb8;
	[tilespmem:$0x1DE00] =	vst v63  }
0x188: {  	s15 =	rddreg [dreg:$0x1c]  }
0x189: {  	[spmem:s2] =	stream.indirect.scatter.add.f32 [tilespmem:s17], [sflag:$0x5], $0x80, s15, s19, $0xb8;
	[tilespmem:$0x1DE00] =	vst v63  }
0x18a: {  	_ =	swait.ge [sflag:s18], $0x3000  }
0x18b: {  	[sflag:s18] =	ssyncset.done $0x0  }
0x18c: {  	[sflag:s18] =	ssyncadd.s32 $0xFFFFD000  }
0x18d: {  	_ =	swait.ge [sflag:s25], $0x3000  }
0x18e: {  	[sflag:s25] =	ssyncset.done $0x0  }
0x18f: {  	[sflag:s25] =	ssyncadd.s32 $0xFFFFD000  }
0x190: {  	[tilespmem:s17], [sflag:$0x1] =	stream.indirect.gather [hbm4b:s4+s19], $0x80, s29, s19, $0xb8;
	[tilespmem:$0x1DE00] =	vst v63  }
0x191: {  	_ = 	snop  }
0x192: {  	[spmem:s2] =	stream.indirect.scatter.add.f32 [tilespmem:s21], [sflag:$0x5], $0x80, s30, s19, $0xb8;
	[tilespmem:$0x1DE00] =	vst v63  }
0x193: {  	_ =	swait.ge [sflag:s18], $0x3000  }
0x194: {  	[sflag:s18] =	ssyncset.done $0x0  }
0x195: {  	[sflag:s18] =	ssyncadd.s32 $0xFFFFD000  }
0x196: {  	_ =	swait.ge [sflag:s26], $0x3000  }
0x197: {  	[sflag:s26] =	ssyncset.done $0x0  }
0x198: {  	[sflag:s26] =	ssyncadd.s32 $0xFFFFD000  }
0x199: {  	[tilespmem:s21], [sflag:$0x2] =	stream.indirect.gather [hbm4b:s4+s19], $0x80, s31, s19, $0xb8;
	[tilespmem:$0x1DE00] =	vst v63  }
0x19a: {  	_ = 	snop  }
0x19b: {  	[spmem:s2] =	stream.indirect.scatter.add.f32 [tilespmem:s24], [sflag:$0x5], $0x80, s1, s19, $0xb8;
	[tilespmem:$0x1DE00] =	vst v63  }
0x19c: {  	_ =	swait.ge [sflag:s18], $0x3000  }
0x19d: {  	[sflag:s18] =	ssyncset.done $0x0  }
0x19e: {  	[sflag:s18] =	ssyncadd.s32 $0xFFFFD000  }
0x19f: {  	_ =	swait.ge [sflag:s23], $0x3000  }
0x1a0: {  	[sflag:s23] =	ssyncset.done $0x0  }
0x1a1: {  	[sflag:s23] =	ssyncadd.s32 $0xFFFFD000  }
0x1a2: {  	[tilespmem:s24], [sflag:$0x3] =	stream.indirect.gather [hbm4b:s4+s19], $0x80, s0, s19, $0xb8;
	[tilespmem:$0x1DE00] =	vst v63  }
0x1a3: {  	_ = 	snop  }
0x1a4: {  	[spmem:s2] =	stream.indirect.scatter.add.f32 [tilespmem:s17], [sflag:$0x5], $0x80, s7, s19, $0xb8;
	[tilespmem:$0x1DE00] =	vst v63  }
0x1a5: {  	_ =	swait.ge [sflag:s18], $0x3000  }
0x1a6: {  	[sflag:s18] =	ssyncset.done $0x0  }
0x1a7: {  	[sflag:s18] =	ssyncadd.s32 $0xFFFFD000  }
0x1a8: {  	_ =	swait.ge [sflag:s28], $0x900  }
0x1a9: {  	[sflag:s28] =	ssyncset.done $0x0  }
0x1aa: {  	[sflag:s28] =	ssyncadd.s32 $0xFFFFF700  }
0x1ab: {  	_ =	swait.ge [sflag:s25], $0x3000  }
0x1ac: {  	[sflag:s25] =	ssyncset.done $0x0  }
0x1ad: {  	[sflag:s25] =	ssyncadd.s32 $0xFFFFD000  }
0x1ae: {  	[tilespmem:s17], [sflag:$0x1] =	stream.indirect.gather [hbm4b:s4+s19], $0x80, s3, s19, $0xb8;
	[tilespmem:$0x1DE00] =	vst v63  }
0x1af: {  	_ = 	snop  }
0x1b0: {  	[spmem:s2] =	stream.indirect.scatter.add.f32 [tilespmem:s21], [sflag:$0x5], $0x80, s8, s19, $0xb8;
	[tilespmem:$0x1DE00] =	vst v63  }
0x1b1: {  	_ =	swait.ge [sflag:s18], $0x3000  }
0x1b2: {  	[sflag:s18] =	ssyncset.done $0x0  }
0x1b3: {  	[sflag:s18] =	ssyncadd.s32 $0xFFFFD000  }
0x1b4: {  	_ =	swait.ge [sflag:s26], $0x3000  }
0x1b5: {  	[sflag:s26] =	ssyncset.done $0x0  }
0x1b6: {  	p0 =	sne.s32 s11, $0xA;
	[sflag:s26] =	ssyncadd.s32 $0xFFFFD000  }
0x1b7: {  	[tilespmem:s21], [sflag:$0x2] =	stream.indirect.gather [hbm4b:s4+s19], $0x80, s20, s19, $0xb8;
	[tilespmem:$0x1DE00] =	vst v63  }
.Ltmp1:
0x1b8: {  	_ = 	snop;
	(pc) =	sbr.rel @p0 .LBB2_4-.Ltmp1, $4  }
0x1b9: {  	_ = 	snop  }
0x1ba: {  	[spmem:s2] =	stream.indirect.scatter.add.f32 [tilespmem:s24], [sflag:$0x5], $0x80, s9, s19, $0xb8;
	[tilespmem:$0x1DE00] =	vst v63  }
0x1bb: {  	_ =	swait.ge [sflag:s18], $0x3000  }
0x1bc: {  	s11 =	sadd.s32 $0x2, s11;
	[sflag:s18] =	ssyncset.done $0x0  }
0x1bd: {  	[sflag:s18] =	ssyncadd.s32 $0xFFFFD000  }
0x1be: {  	_ =	swait.ge [sflag:s23], $0x3000  }
0x1bf: {  	[sflag:s23] =	ssyncset.done $0x0  }
0x1c0: {  	[sflag:s23] =	ssyncadd.s32 $0xFFFFD000  }
0x1c1: {  	_ =	swait.ge [sflag:s25], $0x3000  }
0x1c2: {  	[sflag:s25] =	ssyncset.done $0x0  }
0x1c3: {  	s11 =	stileid.u32;
	[sflag:s25] =	ssyncadd.s32 $0xFFFFD000  }
0x1c4: {  	s11 =	sshll.u32 s11, $0x6;
	[bflag:$0x0] =	sbarrier.arrive $0xFFFF  }
0x1c5: {  	s13 =	sshrl.u32 s6, $0x3;
	s11 =	sor.u32 $0x1C05, s11;
	s14 =	rddreg [dreg:$0x1f]  }
0x1c6: {  	[hbm:s14], [sflag:s11] =	dma.local [spmem:s13], $0x2780  }
0x1c7: {  	_ =	swait.ge [sflag:s18], $0x2780  }
0x1c8: {  	s16 =	sld [smem:$0x7F8];
	_ =	sdelay $0x1  }
0x1c9: {  	s10 =	sadd.s32 $0x1, s10  }
0x1ca: {  	p0 =	sne.s32 s10, s16  }
.Ltmp2:
0x1cb: {  	_ = 	snop;
	(pc) =	sbr.rel @p0 .LBB2_1-.Ltmp2, $3  }
0x1cc: {  	_ =	sdelay $0x1  }
0x1cd: {  	[sflag:s18] =	ssyncset.done $0x0  }
0x1ce: {  	[sflag:s18] =	ssyncadd.s32 $0xFFFFD880  }
0x1cf: {  	_ =	sfence.sel $0x180000  }
0x1d0: {  	[bflag:$0x0] =	sbarrier.arrive $0xFFFF  }
0x1d1: {  	_ =	strace $0x9000004A  }
0x1d2: {  	s0 =	stileid.u32;
	[bflag:$0x2] =	sbarrier.arrive $0xFFFF  }
0x1d3: {  	p0 =	sne.s32 s0, $0x0;
	s0 =	rddreg [dreg:$0x2]  }
0x1d4: {  	s0 =	sadd.s32 @!p0 $0x100000, s0  }
0x1d5: {  	[sflag:s0] =	ssyncadd.tile.s32 @!p0 $0x1;
	_ =	shalt  }
.Lfunc_end2:
_tile_overlayer_lowered:
.L_overlay_start_2:
0x1d6: {  	(tag) =	ssettag $0x2  }
0x1d7: {  	s0 =	rddreg [dreg:$0x0];
	s2 =	stileid.u32  }
0x1d8: {  	s1 =	rddreg [dreg:$0x1];
	p0 =	sne.s32 s2, $0x0  }
0x1d9: {  	s3 =	rddreg [dreg:$0x2];
	[bflag:$0x3] =	sbarrier.arrive $0xFFFF;
	s2 =	simm.s32 @!p0 $0x1C05  }
0x1da: {  	[timem:s3], [sflag:s2] =	dma.local @!p0 [hbm:s0], s1  }
0x1db: {  	s0 =	simm.s32 @!p0 $0x5  }
0x1dc: {  	_ =	swait.ge @!p0 [sflag:s0], s1  }
0x1dd: {  	s1 =	ssub.s32 @!p0 $0x0, s1;
	[sflag:s0] =	ssyncset.done @!p0 $0x0  }
0x1de: {  	[sflag:s0] =	ssyncadd.s32 @!p0 s1  }
0x1df: {  	[bflag:$0x3] =	sbarrier.arrive $0xFFFF  }
0x1e0: {  	_ =	shalt  }

// kernel: kernel.15.cloned.1.call-start
scs
__scs_entry_jumppad:
0x0: {  	(pc) =	sbr.rel $0x88, $3  }
0x1: {  	(tag) =	ssettag $0x0;
	lr =	simm.s32 $0x1  }
0x2: {  	[smem:$0x3F99] =	sst lr;
	_ =	strace $0xD0000000  }
0x3: {  	_ = 	snop  }
0x4: {  	_ = 	snop  }
0x5: {  	_ = 	snop  }
0x6: {  	_ = 	snop  }
0x7: {  	_ = 	snop  }
__scs_overlays_trampoline_lowered:
0x8: {  	[smem:$0x3FA8] =	sst s0  }
0x9: {  	[smem:$0x3FA9] =	sst s1  }
0xa: {  	[smem:$0x3FAA] =	sst s2  }
0xb: {  	[smem:$0x3FAB] =	sst s3  }
0xc: {  	[smem:$0x3FAC] =	sst s4  }
0xd: {  	[smem:$0x3FAD] =	sst s5  }
0xe: {  	[smem:$0x3FAE] =	sst s6  }
0xf: {  	[smem:$0x3FAF] =	sst s7  }
0x10: {  	[smem:$0x3FB0] =	sst s8  }
0x11: {  	[smem:$0x3FB1] =	sst s9;
	s0 =	simm.s32 @!p0 $0x0  }
0x12: {  	s1 =	sld [smem:$0x3F97];
	s0 =	simm.s32 @p0 $0x1  }
0x13: {  	[smem:$0x3FB2] =	sst s0;
	s0 =	simm.s32 @!p1 $0x0  }
0x14: {  	s2 =	sld [smem:$0x3F96];
	s0 =	simm.s32 @p1 $0x1  }
0x15: {  	[smem:$0x3FB3] =	sst s0;
	s0 =	simm.s32 @!p2 $0x0  }
0x16: {  	s3 =	sld [smem:$0x3FDB];
	s0 =	simm.s32 @p2 $0x1  }
0x17: {  	s4 =	simm.s32 $0x1BF5;
	[smem:$0x3FB5] =	sst s0  }
0x18: {  	s0 =	sld [smem:$0x3F98];
	_ =	swait.ge [sflag:s4], $0x0  }
0x19: {  	s7 =	sld [smem:$0x3F99]  }
0x1a: {  	s8 =	sadd.s32 $0xFFFFE003, lr  }
0x1b: {  	s9 =	sadd.s32 $0xFFFFFEF7, lr;
	s5 =	simm.s32 $0xFFFFFFFF;
	p2 =	slt.u32 s8, $0xFFFFF086  }
0x1c: {  	p1 =	slt.u32 s9, $0xF7A;
	s5 =	simm.s32 @!p2 $0x0  }
0x1d: {  	s5 =	simm.s32 @p1 $0x1;
	p0 =	seq.s32 s7, s2  }
0x1e: {  	s7 =	smul.u32 @!p0 $0xF7A, s2;
	p2 =	seq.s32 @!p0 s5, $0x0  }
0x1f: {  	s9 =	smul.u32 $0xF7A, s1;
	s8 =	simm.s32 @!p0 $0x1BF5;
	p2 =	por !p2, p0  }
0x20: {  	[sflag:s8] =	ssyncset.s32 @!p0 $0xFFFFF086;
	s6 =	sadd.s32 @!p0 s3, s7;
	s7 =	simm.s32 @!p0 $0x108  }
0x21: {  	s3 =	sadd.s32 s3, s9;
	s6 =	sadd.s32 @!p0 $0x88, s6;
	s7 =	simm.s32 @p2 $0x1082  }
0x22: {  	[simem:s7], [sflag:s8] =	dma.local @!p0 [hbm:s6], $0xF7A  }
0x23: {  	s9 =	sor.u32 $0xD0000000, s2;
	s6 =	simm.s32 $0x108;
	_ =	swait.ge @!p0 [sflag:s8], $0x0  }
0x24: {  	s3 =	sadd.s32 $0x88, s3;
	s6 =	simm.s32 @!p1 $0x1082;
	[sflag:s4] =	ssyncset.s32 $0xFFFFF086  }
0x25: {  	[simem:s6], [sflag:s4] =	dma.local [hbm:s3], $0xF7A  }
0x26: {  	[smem:$0x3F99] =	sst s1;
	(tag) =	ssettag s2;
	_ =	strace s9  }
0x27: {  	s1 =	sld [smem:$0x3FA9]  }
0x28: {  	s2 =	sld [smem:$0x3FAA]  }
0x29: {  	s4 =	sld [smem:$0x3FAC]  }
0x2a: {  	p0 =	seq.s32 s5, $0x0;
	s5 =	sld [smem:$0x3FAD]  }
0x2b: {  	s6 =	sld [smem:$0x3FAE]  }
0x2c: {  	s7 =	sld [smem:$0x3FAF]  }
0x2d: {  	s3 =	simm.s32 $0x108;
	s8 =	sld [smem:$0x3FB0]  }
0x2e: {  	s3 =	simm.s32 @!p0 $0x1082;
	s9 =	sld [smem:$0x3FB1]  }
0x2f: {  	lr =	sadd.s32 s0, s3;
	s0 =	sld [smem:$0x3FA8]  }
0x30: {  	s3 =	sld [smem:$0x3FAB]  }
0x31: {  	[smem:$0x3FB4] =	sst s10  }
0x32: {  	s10 =	sld [smem:$0x3FB2];
	_ =	sdelay $0x3  }
0x33: {  	p0 =	seq.s32 s10, $0x1;
	s10 =	sld [smem:$0x3FB4];
	_ =	sdelay $0x3  }
0x34: {  	[smem:$0x3FB4] =	sst s10  }
0x35: {  	s10 =	sld [smem:$0x3FB3];
	_ =	sdelay $0x3  }
0x36: {  	p1 =	seq.s32 s10, $0x1;
	s10 =	sld [smem:$0x3FB4];
	_ =	sdelay $0x3  }
0x37: {  	[smem:$0x3FB4] =	sst s10  }
0x38: {  	s10 =	sld [smem:$0x3FB5]  }
0x39: {  	_ = 	snop;
	(pc) =	sbr.ind lr, $3  }
0x3a: {  	_ = 	snop  }
0x3b: {  	_ = 	snop  }
0x3c: {  	p2 =	seq.s32 s10, $0x1;
	s10 =	sld [smem:$0x3FB4]  }
0x3d: {  	_ =	shalt  }
0x3e: {  	_ =	shalt  }
0x3f: {  	_ =	shalt  }
0x40: {  	_ =	shalt  }
0x41: {  	_ =	shalt  }
0x42: {  	_ =	shalt  }
0x43: {  	_ =	shalt  }
0x44: {  	_ =	shalt  }
0x45: {  	_ =	shalt  }
0x46: {  	_ =	shalt  }
0x47: {  	_ =	shalt  }
0x48: {  	_ =	shalt  }
0x49: {  	_ =	shalt  }
0x4a: {  	_ =	shalt  }
0x4b: {  	_ =	shalt  }
0x4c: {  	_ =	shalt  }
0x4d: {  	_ =	shalt  }
0x4e: {  	_ =	shalt  }
0x4f: {  	_ =	shalt  }
0x50: {  	_ =	shalt  }
0x51: {  	_ =	shalt  }
0x52: {  	_ =	shalt  }
0x53: {  	_ =	shalt  }
0x54: {  	_ =	shalt  }
0x55: {  	_ =	shalt  }
0x56: {  	_ =	shalt  }
0x57: {  	_ =	shalt  }
0x58: {  	_ =	shalt  }
0x59: {  	_ =	shalt  }
0x5a: {  	_ =	shalt  }
0x5b: {  	_ =	shalt  }
0x5c: {  	_ =	shalt  }
0x5d: {  	_ =	shalt  }
0x5e: {  	_ =	shalt  }
0x5f: {  	_ =	shalt  }
0x60: {  	_ =	shalt  }
0x61: {  	_ =	shalt  }
0x62: {  	_ =	shalt  }
0x63: {  	_ =	shalt  }
0x64: {  	_ =	shalt  }
0x65: {  	_ =	shalt  }
0x66: {  	_ =	shalt  }
0x67: {  	_ =	shalt  }
0x68: {  	_ =	shalt  }
0x69: {  	_ =	shalt  }
0x6a: {  	_ =	shalt  }
0x6b: {  	_ =	shalt  }
0x6c: {  	_ =	shalt  }
0x6d: {  	_ =	shalt  }
0x6e: {  	_ =	shalt  }
0x6f: {  	_ =	shalt  }
0x70: {  	_ =	shalt  }
0x71: {  	_ =	shalt  }
0x72: {  	_ =	shalt  }
0x73: {  	_ =	shalt  }
0x74: {  	_ =	shalt  }
0x75: {  	_ =	shalt  }
0x76: {  	_ =	shalt  }
0x77: {  	_ =	shalt  }
0x78: {  	_ =	shalt  }
0x79: {  	_ =	shalt  }
0x7a: {  	_ =	shalt  }
0x7b: {  	_ =	shalt  }
0x7c: {  	_ =	shalt  }
0x7d: {  	_ =	shalt  }
0x7e: {  	_ =	shalt  }
0x7f: {  	_ =	shalt  }
0x80: {  	_ =	shalt  }
0x81: {  	_ =	shalt  }
0x82: {  	_ =	shalt  }
0x83: {  	_ =	shalt  }
0x84: {  	_ =	shalt  }
0x85: {  	_ =	shalt  }
0x86: {  	_ =	shalt  }
0x87: {  	_ =	shalt  }
.Lfunc_end0:
.L_simem_size_0:
called_computation.2_lowered:
.L_overlay_start_0:
0x88: {  	s2 =	sld [smem:$0x3FD9]  }
0x89: {  	s3 =	sld [smem:$0x3FFE];
	_ =	sdelay $0x1  }
0x8a: {  	s1 =	srdreg.scid  }
0x8b: {  	s0 =	sand.u32 $0x1, s1  }
0x8c: {  	s16 =	sshll.u32 s0, $0xA;
	s2 =	sadd.s32 s3, s2  }
0x8d: {  	s2 =	sadd.s32 s2, s16  }
0x8e: {  	[smem:$0x3FC0] =	sst s2  }
0x8f: {  	_ = 	snop  }
0x90: {  	(tm) =	ssettm $0x1  }
0x91: {  	s17 =	sld [smem:$0x3FFB];
	_ =	sdelay $0x3  }
0x92: {  	_ =	strace s17  }
0x93: {  	s2 =	sld [smem:$0x3FFC];
	_ =	sdelay $0x3  }
0x94: {  	_ =	strace s2  }
0x95: {  	s2 =	sld [smem:$0x3FFD];
	_ =	sdelay $0x3  }
0x96: {  	_ =	strace s2  }
0x97: {  	_ =	strace $0x8FFFFFFF  }
0x98: {  	s18 =	sld [smem:$0x3FDB];
	_ =	sdelay $0x1  }
0x99: {  	s19 =	simm.s32 $_scs_section_size  }
0x9a: {  	s4 =	simm.s32 $_size__tile_overlayer_lowered;
	s5 =	simm.s32 $_tile_overlayer_lowered  }
0x9b: {  	s22 =	simm.s32 $0x1BFF;
	s21 =	sshll.u32 s5, $0x1;
	s2 =	sadd.s32 s19, s18  }
0x9c: {  	s6 =	simm.s32 $0x0;
	s20 =	sshll.u32 s4, $0x1;
	s4 =	sadd.s32 s21, s2  }
0x9d: {  	[timem:s6], [sflag:s22] =	dma.local [hbm:s4], s20  }
0x9e: {  	_ =	swait.ge [sflag:s22], s20  }
0x9f: {  	s3 =	ssub.s32 $0x0, s20;
	[sflag:s22] =	ssyncset.done $0x0  }
0xa0: {  	[sflag:s22] =	ssyncadd.s32 s3;
	_ =	sdelay $0x1  }
0xa1: {  	s23 =	simm.s32 $0x1B8B  }
0xa2: {  	_ =	swait.ge [sflag:s23], $0x1  }
0xa3: {  	[sflag:s23] =	ssyncset.done $0x0  }
0xa4: {  	s25 =	simm.s32 $0x1B8E;
	s24 =	sld [smem:$0x3FFE];
	[sflag:s23] =	ssyncadd.s32 $0xFFFFFFFF  }
0xa5: {  	s26 =	simm.s32 $execute0_lowered;
	[smem:$0x3FD2] =	sst s25  }
0xa6: {  	s4 =	sshll.u32 s26, $0x1;
	_ =	strace $0x8000004C;
	[dreg:$0x1] =	wrdreg $0xFFFFFFFF  }
0xa7: {  	s28 =	simm.s32 $_size_execute0_lowered;
	s2 =	sadd.s32 s2, s4;
	[dreg:$0x0] =	wrdreg $0x0  }
0xa8: {  	s4 =	sshll.u32 s28, $0x1;
	[dreg:$0x2] =	wrdreg s2  }
0xa9: {  	[dreg:$0x3] =	wrdreg s4  }
0xaa: {  	[dreg:$0x4] =	wrdreg $0xC0  }
0xab: {  	_ =	task [dreg:s6], $0x5FFFF  }
0xac: {  	[dreg:$0x1] =	wrdreg $0xFFFFFFFF  }
0xad: {  	[dreg:$0x0] =	wrdreg $0x60  }
0xae: {  	[dreg:$0x2] =	wrdreg s24  }
0xaf: {  	[dreg:$0x3] =	wrdreg $0xA2000  }
0xb0: {  	[dreg:$0x4] =	wrdreg $0x9  }
0xb1: {  	_ =	task.clear_ibuf [dreg:s6], $0x5FFFF;
	_ =	strace $0x9000004C  }
0xb2: {  	s29 =	simm.s32 $0x9;
	_ =	strace $0x8000004E  }
0xb3: {  	_ =	swait.ge [sflag:s29], $0x1  }
0xb4: {  	[sflag:s29] =	ssyncadd.s32 $0xFFFFFFFF  }
0xb5: {  	_ =	strace $0x9000004E  }
0xb6: {  	_ =	sfence  }
0xb7: {  	s30 =	sld [smem:$0x0];
	_ =	sdelay $0x2  }
0xb8: {  	s31 =	sshll.u32 s1, $0xD;
	s1 =	sshrl.u32 s1, $0x2  }
0xb9: {  	s3 =	sand.u32 $0x4000, s31;
	s1 =	sadd.s32 s1, s30  }
0xba: {  	s0 =	sor.u32 s3, s0;
	s1 =	sshll.u32 s1, $0x11  }
0xbb: {  	s0 =	sor.u32 s1, s0  }
0xbc: {  	s0 =	sadd.s32 $0x8F2B, s0  }
0xbd: {  	[sflag:s0] =	ssyncadd.remote.s32 $0x1  }
0xbe: {  	_ =	sfence.sel $0xFFFF  }
0xbf: {  	[dreg:$0x0] =	wrdreg $0xFFFFFFFF;
	(pc) =	sbr.abs _section_cstart, $3  }
0xc0: {  	[dreg:$0x1] =	wrdreg $0xFFFFFFFF  }
0xc1: {  	_ =	task.clear_ibuf [dreg:s6], $0x2FFFF;
	_ =	strace $0x9FFFFFFF  }
0xc2: {  	(tm) =	ssettm $0x7FFFFFFF  }
0xc3: {  	_ =	shalt  }
tec
execute0_lowered:
.L_overlay_start_1:
0x0: {  	(tag) =	ssettag $0x1  }
0x1: {  	s1 =	rddreg [dreg:$0x0]  }
0x2: {  	s0 =	srdreg.scid;
	s2 =	rddreg [dreg:$0x1];
	s3 =	simm.s32 $0x0  }
0x3: {  	s9 =	stileid.u32;
	s11 =	simm.s32 $0x200;
	[smem:$0x7FF] =	sst s3  }
0x4: {  	s13 =	simm.s32 $0x80;
	_ =	strace $0x8000004D;
	[dreg:$0x4] =	wrdreg s11  }
0x5: {  	s14 =	simm.s32 $0x300;
	s15 =	simm.s32 $0x180;
	[dreg:$0x5] =	wrdreg s13  }
0x6: {  	s17 =	simm.s32 $0x400;
	s18 =	simm.s32 $0x280;
	[dreg:$0x6] =	wrdreg s14  }
0x7: {  	s20 =	simm.s32 $0x500;
	s22 =	simm.s32 $0x380;
	[dreg:$0x7] =	wrdreg s15  }
0x8: {  	s23 =	simm.s32 $0x600;
	s24 =	simm.s32 $0x480;
	[dreg:$0x8] =	wrdreg s17  }
0x9: {  	s25 =	simm.s32 $0x700;
	s10 =	simm.s32 $0x800;
	[dreg:$0x9] =	wrdreg s18  }
0xa: {  	s28 =	simm.s32 $0x4;
	s5 =	smul.u32 $0x13C00, s9;
	[dreg:$0xa] =	wrdreg s20  }
0xb: {  	s29 =	simm.s32 $0xF00;
	s7 =	smul.u32 $0x6C00, s9;
	[dreg:$0xb] =	wrdreg s22  }
0xc: {  	s0 =	sand.u32 $0x1, s0;
	s9 =	smul.u32 $0x4F000, s9;
	[dreg:$0xc] =	wrdreg s23  }
0xd: {  	s30 =	simm.s32 $0xD80;
	s4 =	smul.u32 $0x13C000, s0;
	[dreg:$0xd] =	wrdreg s24  }
0xe: {  	s31 =	simm.s32 $0x1000;
	s6 =	smul.u32 $0x6C000, s0;
	[dreg:$0xe] =	wrdreg s25  }
0xf: {  	s0 =	ssub.s32 $0x2, s0;
	[dreg:$0x10] =	wrdreg s10;
	s14 =	simm.s32 $0x780  }
0x10: {  	s18 =	simm.s32 $0x880;
	s20 =	simm.s32 $0x980;
	[dreg:$0x12] =	wrdreg s14  }
0x11: {  	s22 =	simm.s32 $0xA80;
	s23 =	simm.s32 $0xD00;
	[dreg:$0x14] =	wrdreg s18  }
0x12: {  	s24 =	simm.s32 $0xB80;
	s25 =	simm.s32 $0xE00;
	[dreg:$0x16] =	wrdreg s20  }
0x13: {  	s10 =	simm.s32 $0x0;
	s12 =	sshrl.u32 s0, $0x1;
	[dreg:$0x18] =	wrdreg s22  }
0x14: {  	s16 =	sshrl.u32 s9, $0x2;
	s18 =	simm.s32 $0x5;
	[dreg:$0x19] =	wrdreg s23  }
0x15: {  	s20 =	simm.s32 $0x100;
	[dreg:$0x1a] =	wrdreg s24;
	s22 =	simm.s32 $0x900  }
0x16: {  	[dreg:$0x1b] =	wrdreg s25;
	s5 =	sadd.s32 s5, s4;
	s7 =	sadd.s32 s7, s6  }
0x17: {  	s0 =	ssub.s32 s0, s12;
	s12 =	simm.s32 $0x680;
	s8 =	sshrl.u32 s5, $0x3  }
0x18: {  	s5 =	sadd.s32 $0x11600, s1;
	s6 =	sadd.s32 $0x1200, s7;
	[dreg:$0x11] =	wrdreg s12  }
0x19: {  	s21 =	sshrl.u32 s7, $0x3;
	s0 =	smax.u32 s0, $0x1;
	[dreg:$0x3] =	wrdreg s6  }
0x1a: {  	s4 =	sadd.s32 $0x2C600, s1;
	s9 =	sadd.s32 s5, s21;
	[smem:$0x7F8] =	sst s0  }
0x1b: {  	s1 =	sadd.s32 s8, s1;
	s8 =	simm.s32 $0x580;
	[dreg:$0x1e] =	wrdreg s9  }
0x1c: {  	s6 =	sadd.s32 s16, s2;
	s16 =	simm.s32 $0xA00;
	[dreg:$0xf] =	wrdreg s8  }
0x1d: {  	s23 =	simm.s32 $0x1;
	s21 =	simm.s32 $0xC00;
	[dreg:$0x13] =	wrdreg s16  }
0x1e: {  	s24 =	simm.s32 $0x7200;
	s19 =	sadd.s32 $0x12000, s6;
	[dreg:$0x17] =	wrdreg s21  }
0x1f: {  	s25 =	simm.s32 $0x2;
	s1 =	sadd.s32 $0x53800, s1;
	[dreg:$0x1d] =	wrdreg s19  }
0x20: {  	s17 =	sadd.s32 $0x900, s7;
	s26 =	sadd.s32 $0x3000, s6;
	[dreg:$0x1f] =	wrdreg s1  }
0x21: {  	s7 =	simm.s32 $0xF80;
	s9 =	sadd.s32 $0x6000, s6;
	[smem:$0x7F9] =	sst s26  }
0x22: {  	s0 =	simm.s32 $0x1100;
	s11 =	sadd.s32 $0x9000, s6;
	[smem:$0x7FA] =	sst s9  }
0x23: {  	s13 =	sadd.s32 $0xC000, s6;
	s15 =	sadd.s32 $0xF000, s6;
	[smem:$0x7FB] =	sst s11  }
0x24: {  	s21 =	simm.s32 $0x4200;
	s8 =	simm.s32 $0x1080;
	[smem:$0x7FC] =	sst s13  }
0x25: {  	[smem:$0x7FD] =	sst s15;
	s1 =	sshrl.u32 s17, $0x3;
	s19 =	simm.s32 $0xB00  }
0x26: {  	s17 =	simm.s32 $0x1200;
	s26 =	simm.s32 $0xC80;
	s9 =	simm.s32 $0x1180  }
0x27: {  	s12 =	sadd.s32 s1, s5;
	[dreg:$0x15] =	wrdreg s19;
	s19 =	simm.s32 $0x60  }
0x28: {  	v0 =	vimm.f32 $0.0e+00;
	[dreg:$0x1c] =	wrdreg s26;
	s26 =	simm.s32 $0x3;
	s1 =	simm.s32 $0xE80  }
.LBB2_1:
0x29: {  	s11 =	simm.s32 $0x70;
	s13 =	simm.s32 $0x3C0  }
.LBB2_2:
0x2a: {  	p0 =	sne.s32 s13, $0xBFC0;
	[tilespmem:s11+$0x1200] =	vst v0  }
0x2b: {  	[tilespmem:s11+$0x1190] =	vst v0  }
0x2c: {  	[tilespmem:s11+$0x11A0] =	vst v0  }
.Ltmp0:
0x2d: {  	[tilespmem:s11+$0x11B0] =	vst v0;
	(pc) =	sbr.rel @p0 .LBB2_2-.Ltmp0, $4  }
0x2e: {  	[tilespmem:s11+$0x11C0] =	vst v0  }
0x2f: {  	[tilespmem:s11+$0x11D0] =	vst v0  }
0x30: {  	[tilespmem:s11+$0x11E0] =	vst v0  }
0x31: {  	[tilespmem:s11+$0x11F0] =	vst v0;
	s11 =	sshra.s32 s13, $0x2;
	s13 =	sadd.s32 $0x200, s13  }
0x32: {  	[tilespmem:s11+$0x1200] =	vst v0  }
0x33: {  	[tilespmem:s11+$0x1190] =	vst v0  }
0x34: {  	[tilespmem:s11+$0x11A0] =	vst v0  }
0x35: {  	[tilespmem:s11+$0x11B0] =	vst v0  }
0x36: {  	[tilespmem:s11+$0x11C0] =	vst v0  }
0x37: {  	[tilespmem:s11+$0x11D0] =	vst v0  }
0x38: {  	[tilespmem:s11+$0x11E0] =	vst v0  }
0x39: {  	[tilespmem:s11+$0x11F0] =	vst v0  }
0x3a: {  	[spmem:s6] =	stream.linear.scatter [tilespmem:s17], [sflag:$0x5], $0x3000, $0x38;
	[tilespmem:$0x1DE00] =	vst v63  }
0x3b: {  	_ =	swait.ge [sflag:s18], $0x3000  }
0x3c: {  	s13 =	sld [smem:$0x7F9]  }
0x3d: {  	[sflag:s18] =	ssyncset.done $0x0  }
0x3e: {  	[sflag:s18] =	ssyncadd.s32 $0xFFFFD000  }
0x3f: {  	[spmem:s13] =	stream.linear.scatter [tilespmem:s17], [sflag:$0x5], $0x3000, $0x38;
	[tilespmem:$0x1DE00] =	vst v63  }
0x40: {  	_ =	swait.ge [sflag:s18], $0x3000  }
0x41: {  	s14 =	sld [smem:$0x7FA]  }
0x42: {  	[sflag:s18] =	ssyncset.done $0x0  }
0x43: {  	[sflag:s18] =	ssyncadd.s32 $0xFFFFD000  }
0x44: {  	[spmem:s14] =	stream.linear.scatter [tilespmem:s17], [sflag:$0x5], $0x3000, $0x38;
	[tilespmem:$0x1DE00] =	vst v63  }
0x45: {  	_ =	swait.ge [sflag:s18], $0x3000  }
0x46: {  	s15 =	sld [smem:$0x7FB]  }
0x47: {  	[sflag:s18] =	ssyncset.done $0x0  }
0x48: {  	[sflag:s18] =	ssyncadd.s32 $0xFFFFD000  }
0x49: {  	[spmem:s15] =	stream.linear.scatter [tilespmem:s17], [sflag:$0x5], $0x3000, $0x38;
	[tilespmem:$0x1DE00] =	vst v63  }
0x4a: {  	_ =	swait.ge [sflag:s18], $0x3000  }
0x4b: {  	s16 =	sld [smem:$0x7FC]  }
0x4c: {  	[sflag:s18] =	ssyncset.done $0x0  }
0x4d: {  	[sflag:s18] =	ssyncadd.s32 $0xFFFFD000  }
0x4e: {  	[spmem:s16] =	stream.linear.scatter [tilespmem:s17], [sflag:$0x5], $0x3000, $0x38;
	[tilespmem:$0x1DE00] =	vst v63  }
0x4f: {  	_ =	swait.ge [sflag:s18], $0x3000  }
0x50: {  	s13 =	sld [smem:$0x7FD]  }
0x51: {  	[sflag:s18] =	ssyncset.done $0x0  }
0x52: {  	[sflag:s18] =	ssyncadd.s32 $0xFFFFD000  }
0x53: {  	[spmem:s13] =	stream.linear.scatter [tilespmem:s17], [sflag:$0x5], $0x3000, $0x38;
	[tilespmem:$0x1DE00] =	vst v63  }
0x54: {  	_ =	swait.ge [sflag:s18], $0x3000  }
0x55: {  	[sflag:s18] =	ssyncset.done $0x0  }
0x56: {  	s14 =	rddreg [dreg:$0x1d];
	[sflag:s18] =	ssyncadd.s32 $0xFFFFD000  }
0x57: {  	[spmem:s14] =	stream.linear.scatter [tilespmem:s17], [sflag:$0x5], $0x1C00, $0x38;
	[tilespmem:$0x1DE00] =	vst v63  }
0x58: {  	_ =	swait.ge [sflag:s18], $0x1C00  }
0x59: {  	[sflag:s18] =	ssyncset.done $0x0  }
0x5a: {  	[sflag:s18] =	ssyncadd.s32 $0xFFFFE400  }
0x5b: {  	[bflag:$0x0] =	sbarrier.arrive $0xFFFF  }
0x5c: {  	s11 =	simm.s32 $0x0;
	s13 =	rddreg [dreg:$0x1e]  }
0x5d: {  	[tilespmem:s11], [sflag:$0x5] =	stream.linear.gather [hbm4b:s13+s11], $0x900, $0x38;
	[tilespmem:$0x1DE00] =	vst v63  }
0x5e: {  	_ =	swait.ge [sflag:s18], $0x900  }
0x5f: {  	[sflag:s18] =	ssyncset.done $0x0  }
0x60: {  	[sflag:s18] =	ssyncadd.s32 $0xFFFFF700  }
0x61: {  	[tilespmem:s17], [sflag:$0x1] =	stream.indirect.gather [hbm4b:s4+s19], $0x80, s11, s19, $0xb8;
	[tilespmem:$0x1DE00] =	vst v63  }
0x62: {  	_ = 	snop  }
0x63: {  	[tilespmem:s21], [sflag:$0x2] =	stream.indirect.gather [hbm4b:s4+s19], $0x80, s20, s19, $0xb8;
	[tilespmem:$0x1DE00] =	vst v63  }
0x64: {  	_ = 	snop  }
0x65: {  	[tilespmem:s22], [sflag:$0x4] =	stream.linear.gather [hbm4b:s12+s3], $0x900, $0x38;
	[tilespmem:$0x1DE00] =	vst v63  }
0x66: {  	_ =	swait.ge [sflag:s23], $0x3000  }
0x67: {  	[sflag:s23] =	ssyncset.done $0x0  }
0x68: {  	s15 =	rddreg [dreg:$0x4];
	[sflag:s23] =	ssyncadd.s32 $0xFFFFD000  }
0x69: {  	[tilespmem:s24], [sflag:$0x3] =	stream.indirect.gather [hbm4b:s4+s19], $0x80, s15, s19, $0xb8;
	[tilespmem:$0x1DE00] =	vst v63  }
0x6a: {  	s16 =	rddreg [dreg:$0x5]  }
0x6b: {  	[spmem:s2] =	stream.indirect.scatter.add.f32 [tilespmem:s17], [sflag:$0x5], $0x80, s16, s19, $0xb8;
	[tilespmem:$0x1DE00] =	vst v63  }
0x6c: {  	_ =	swait.ge [sflag:s18], $0x3000  }
0x6d: {  	[sflag:s18] =	ssyncset.done $0x0  }
0x6e: {  	[sflag:s18] =	ssyncadd.s32 $0xFFFFD000  }
0x6f: {  	_ =	swait.ge [sflag:s25], $0x3000  }
0x70: {  	[sflag:s25] =	ssyncset.done $0x0  }
0x71: {  	s14 =	rddreg [dreg:$0x6];
	[sflag:s25] =	ssyncadd.s32 $0xFFFFD000  }
0x72: {  	[tilespmem:s17], [sflag:$0x1] =	stream.indirect.gather [hbm4b:s4+s19], $0x80, s14, s19, $0xb8;
	[tilespmem:$0x1DE00] =	vst v63  }
0x73: {  	s15 =	rddreg [dreg:$0x7]  }
0x74: {  	[spmem:s2] =	stream.indirect.scatter.add.f32 [tilespmem:s21], [sflag:$0x5], $0x80, s15, s19, $0xb8;
	[tilespmem:$0x1DE00] =	vst v63  }
0x75: {  	_ =	swait.ge [sflag:s18], $0x3000  }
0x76: {  	[sflag:s18] =	ssyncset.done $0x0  }
0x77: {  	[sflag:s18] =	ssyncadd.s32 $0xFFFFD000  }
0x78: {  	_ =	swait.ge [sflag:s26], $0x3000  }
0x79: {  	[sflag:s26] =	ssyncset.done $0x0  }
0x7a: {  	s14 =	rddreg [dreg:$0x8];
	[sflag:s26] =	ssyncadd.s32 $0xFFFFD000  }
0x7b: {  	[tilespmem:s21], [sflag:$0x2] =	stream.indirect.gather [hbm4b:s4+s19], $0x80, s14, s19, $0xb8;
	[tilespmem:$0x1DE00] =	vst v63  }
0x7c: {  	s15 =	rddreg [dreg:$0x9]  }
0x7d: {  	[spmem:s2] =	stream.indirect.scatter.add.f32 [tilespmem:s24], [sflag:$0x5], $0x80, s15, s19, $0xb8;
	[tilespmem:$0x1DE00] =	vst v63  }
0x7e: {  	_ =	swait.ge [sflag:s18], $0x3000  }
0x7f: {  	[sflag:s18] =	ssyncset.done $0x0  }
0x80: {  	[sflag:s18] =	ssyncadd.s32 $0xFFFFD000  }
0x81: {  	_ =	swait.ge [sflag:s23], $0x3000  }
0x82: {  	[sflag:s23] =	ssyncset.done $0x0  }
0x83: {  	s14 =	rddreg [dreg:$0xa];
	[sflag:s23] =	ssyncadd.s32 $0xFFFFD000  }
0x84: {  	[tilespmem:s24], [sflag:$0x3] =	stream.indirect.gather [hbm4b:s4+s19], $0x80, s14, s19, $0xb8;
	[tilespmem:$0x1DE00] =	vst v63  }
0x85: {  	s15 =	rddreg [dreg:$0xb]  }
0x86: {  	[spmem:s2] =	stream.indirect.scatter.add.f32 [tilespmem:s17], [sflag:$0x5], $0x80, s15, s19, $0xb8;
	[tilespmem:$0x1DE00] =	vst v63  }
0x87: {  	_ =	swait.ge [sflag:s18], $0x3000  }
0x88: {  	[sflag:s18] =	ssyncset.done $0x0  }
0x89: {  	[sflag:s18] =	ssyncadd.s32 $0xFFFFD000  }
0x8a: {  	_ =	swait.ge [sflag:s25], $0x3000  }
0x8b: {  	[sflag:s25] =	ssyncset.done $0x0  }
0x8c: {  	s14 =	rddreg [dreg:$0xc];
	[sflag:s25] =	ssyncadd.s32 $0xFFFFD000  }
0x8d: {  	[tilespmem:s17], [sflag:$0x1] =	stream.indirect.gather [hbm4b:s4+s19], $0x80, s14, s19, $0xb8;
	[tilespmem:$0x1DE00] =	vst v63  }
0x8e: {  	s15 =	rddreg [dreg:$0xd]  }
0x8f: {  	[spmem:s2] =	stream.indirect.scatter.add.f32 [tilespmem:s21], [sflag:$0x5], $0x80, s15, s19, $0xb8;
	[tilespmem:$0x1DE00] =	vst v63  }
0x90: {  	_ =	swait.ge [sflag:s18], $0x3000  }
0x91: {  	[sflag:s18] =	ssyncset.done $0x0  }
0x92: {  	[sflag:s18] =	ssyncadd.s32 $0xFFFFD000  }
0x93: {  	_ =	swait.ge [sflag:s26], $0x3000  }
0x94: {  	[sflag:s26] =	ssyncset.done $0x0  }
0x95: {  	s14 =	rddreg [dreg:$0xe];
	[sflag:s26] =	ssyncadd.s32 $0xFFFFD000  }
0x96: {  	[tilespmem:s21], [sflag:$0x2] =	stream.indirect.gather [hbm4b:s4+s19], $0x80, s14, s19, $0xb8;
	[tilespmem:$0x1DE00] =	vst v63  }
0x97: {  	s15 =	rddreg [dreg:$0xf]  }
0x98: {  	[spmem:s2] =	stream.indirect.scatter.add.f32 [tilespmem:s24], [sflag:$0x5], $0x80, s15, s19, $0xb8;
	[tilespmem:$0x1DE00] =	vst v63  }
0x99: {  	_ =	swait.ge [sflag:s18], $0x3000  }
0x9a: {  	[sflag:s18] =	ssyncset.done $0x0  }
0x9b: {  	[sflag:s18] =	ssyncadd.s32 $0xFFFFD000  }
0x9c: {  	_ =	swait.ge [sflag:s23], $0x3000  }
0x9d: {  	[sflag:s23] =	ssyncset.done $0x0  }
0x9e: {  	s14 =	rddreg [dreg:$0x10];
	[sflag:s23] =	ssyncadd.s32 $0xFFFFD000  }
0x9f: {  	[tilespmem:s24], [sflag:$0x3] =	stream.indirect.gather [hbm4b:s4+s19], $0x80, s14, s19, $0xb8;
	[tilespmem:$0x1DE00] =	vst v63  }
0xa0: {  	s15 =	rddreg [dreg:$0x11]  }
0xa1: {  	[spmem:s2] =	stream.indirect.scatter.add.f32 [tilespmem:s17], [sflag:$0x5], $0x80, s15, s19, $0xb8;
	[tilespmem:$0x1DE00] =	vst v63  }
0xa2: {  	_ =	swait.ge [sflag:s18], $0x3000  }
0xa3: {  	[sflag:s18] =	ssyncset.done $0x0  }
0xa4: {  	[sflag:s18] =	ssyncadd.s32 $0xFFFFD000  }
0xa5: {  	_ =	swait.ge [sflag:s28], $0x900  }
0xa6: {  	[sflag:s28] =	ssyncset.done $0x0  }
0xa7: {  	[sflag:s28] =	ssyncadd.s32 $0xFFFFF700  }
0xa8: {  	_ =	swait.ge [sflag:s25], $0x3000  }
0xa9: {  	[sflag:s25] =	ssyncset.done $0x0  }
0xaa: {  	[sflag:s25] =	ssyncadd.s32 $0xFFFFD000  }
0xab: {  	[tilespmem:s17], [sflag:$0x1] =	stream.indirect.gather [hbm4b:s4+s19], $0x80, s22, s19, $0xb8;
	[tilespmem:$0x1DE00] =	vst v63  }
0xac: {  	s16 =	rddreg [dreg:$0x12]  }
0xad: {  	[spmem:s2] =	stream.indirect.scatter.add.f32 [tilespmem:s21], [sflag:$0x5], $0x80, s16, s19, $0xb8;
	[tilespmem:$0x1DE00] =	vst v63  }
0xae: {  	_ =	swait.ge [sflag:s18], $0x3000  }
0xaf: {  	[sflag:s18] =	ssyncset.done $0x0  }
0xb0: {  	[sflag:s18] =	ssyncadd.s32 $0xFFFFD000  }
0xb1: {  	_ =	swait.ge [sflag:s26], $0x3000  }
0xb2: {  	[sflag:s26] =	ssyncset.done $0x0  }
0xb3: {  	s14 =	rddreg [dreg:$0x13];
	[sflag:s26] =	ssyncadd.s32 $0xFFFFD000  }
0xb4: {  	[tilespmem:s21], [sflag:$0x2] =	stream.indirect.gather [hbm4b:s4+s19], $0x80, s14, s19, $0xb8;
	[tilespmem:$0x1DE00] =	vst v63  }
0xb5: {  	s11 =	smin.u32 s11, $0x9;
	s15 =	rddreg [dreg:$0x14]  }
0xb6: {  	[spmem:s2] =	stream.indirect.scatter.add.f32 [tilespmem:s24], [sflag:$0x5], $0x80, s15, s19, $0xb8;
	[tilespmem:$0x1DE00] =	vst v63  }
0xb7: {  	s11 =	smul.u32 $0x900, s11;
	_ =	swait.ge [sflag:s18], $0x3000  }
0xb8: {  	s16 =	rddreg [dreg:$0x3]  }
0xb9: {  	s11 =	sadd.s32 s11, s16  }
0xba: {  	[sflag:s18] =	ssyncset.done $0x0;
	s11 =	sshrl.u32 s11, $0x3  }
0xbb: {  	[sflag:s18] =	ssyncadd.s32 $0xFFFFD000;
	s11 =	sadd.s32 s5, s11  }
0xbc: {  	[tilespmem:s3], [sflag:$0x4] =	stream.linear.gather [hbm4b:s11+s3], $0x900, $0x38;
	[tilespmem:$0x1DE00] =	vst v63  }
0xbd: {  	_ =	swait.ge [sflag:s23], $0x3000  }
0xbe: {  	[sflag:s23] =	ssyncset.done $0x0  }
0xbf: {  	s13 =	rddreg [dreg:$0x15];
	[sflag:s23] =	ssyncadd.s32 $0xFFFFD000  }
0xc0: {  	[tilespmem:s24], [sflag:$0x3] =	stream.indirect.gather [hbm4b:s4+s19], $0x80, s13, s19, $0xb8;
	[tilespmem:$0x1DE00] =	vst v63  }
0xc1: {  	s14 =	rddreg [dreg:$0x16]  }
0xc2: {  	[spmem:s2] =	stream.indirect.scatter.add.f32 [tilespmem:s17], [sflag:$0x5], $0x80, s14, s19, $0xb8;
	[tilespmem:$0x1DE00] =	vst v63  }
0xc3: {  	_ =	swait.ge [sflag:s18], $0x3000  }
0xc4: {  	[sflag:s18] =	ssyncset.done $0x0  }
0xc5: {  	[sflag:s18] =	ssyncadd.s32 $0xFFFFD000  }
0xc6: {  	_ =	swait.ge [sflag:s25], $0x3000  }
0xc7: {  	[sflag:s25] =	ssyncset.done $0x0  }
0xc8: {  	s15 =	rddreg [dreg:$0x17];
	[sflag:s25] =	ssyncadd.s32 $0xFFFFD000  }
0xc9: {  	[tilespmem:s17], [sflag:$0x1] =	stream.indirect.gather [hbm4b:s4+s19], $0x80, s15, s19, $0xb8;
	[tilespmem:$0x1DE00] =	vst v63  }
0xca: {  	s16 =	rddreg [dreg:$0x18]  }
0xcb: {  	[spmem:s2] =	stream.indirect.scatter.add.f32 [tilespmem:s21], [sflag:$0x5], $0x80, s16, s19, $0xb8;
	[tilespmem:$0x1DE00] =	vst v63  }
0xcc: {  	_ =	swait.ge [sflag:s18], $0x3000  }
0xcd: {  	[sflag:s18] =	ssyncset.done $0x0  }
0xce: {  	[sflag:s18] =	ssyncadd.s32 $0xFFFFD000  }
0xcf: {  	_ =	swait.ge [sflag:s26], $0x3000  }
0xd0: {  	[sflag:s26] =	ssyncset.done $0x0  }
0xd1: {  	s13 =	rddreg [dreg:$0x19];
	[sflag:s26] =	ssyncadd.s32 $0xFFFFD000  }
0xd2: {  	[tilespmem:s21], [sflag:$0x2] =	stream.indirect.gather [hbm4b:s4+s19], $0x80, s13, s19, $0xb8;
	[tilespmem:$0x1DE00] =	vst v63  }
0xd3: {  	s14 =	rddreg [dreg:$0x1a]  }
0xd4: {  	[spmem:s2] =	stream.indirect.scatter.add.f32 [tilespmem:s24], [sflag:$0x5], $0x80, s14, s19, $0xb8;
	[tilespmem:$0x1DE00] =	vst v63  }
0xd5: {  	_ =	swait.ge [sflag:s18], $0x3000  }
0xd6: {  	[sflag:s18] =	ssyncset.done $0x0  }
0xd7: {  	[sflag:s18] =	ssyncadd.s32 $0xFFFFD000  }
0xd8: {  	_ =	swait.ge [sflag:s23], $0x3000  }
0xd9: {  	[sflag:s23] =	ssyncset.done $0x0  }
0xda: {  	s15 =	rddreg [dreg:$0x1b];
	[sflag:s23] =	ssyncadd.s32 $0xFFFFD000  }
0xdb: {  	[tilespmem:s24], [sflag:$0x3] =	stream.indirect.gather [hbm4b:s4+s19], $0x80, s15, s19, $0xb8;
	[tilespmem:$0x1DE00] =	vst v63  }
0xdc: {  	s16 =	rddreg [dreg:$0x1c]  }
0xdd: {  	[spmem:s2] =	stream.indirect.scatter.add.f32 [tilespmem:s17], [sflag:$0x5], $0x80, s16, s19, $0xb8;
	[tilespmem:$0x1DE00] =	vst v63  }
0xde: {  	_ =	swait.ge [sflag:s18], $0x3000  }
0xdf: {  	[sflag:s18] =	ssyncset.done $0x0  }
0xe0: {  	[sflag:s18] =	ssyncadd.s32 $0xFFFFD000  }
0xe1: {  	_ =	swait.ge [sflag:s25], $0x3000  }
0xe2: {  	[sflag:s25] =	ssyncset.done $0x0  }
0xe3: {  	[sflag:s25] =	ssyncadd.s32 $0xFFFFD000  }
0xe4: {  	[tilespmem:s17], [sflag:$0x1] =	stream.indirect.gather [hbm4b:s4+s19], $0x80, s29, s19, $0xb8;
	[tilespmem:$0x1DE00] =	vst v63  }
0xe5: {  	_ = 	snop  }
0xe6: {  	[spmem:s2] =	stream.indirect.scatter.add.f32 [tilespmem:s21], [sflag:$0x5], $0x80, s30, s19, $0xb8;
	[tilespmem:$0x1DE00] =	vst v63  }
0xe7: {  	_ =	swait.ge [sflag:s18], $0x3000  }
0xe8: {  	[sflag:s18] =	ssyncset.done $0x0  }
0xe9: {  	[sflag:s18] =	ssyncadd.s32 $0xFFFFD000  }
0xea: {  	_ =	swait.ge [sflag:s26], $0x3000  }
0xeb: {  	[sflag:s26] =	ssyncset.done $0x0  }
0xec: {  	[sflag:s26] =	ssyncadd.s32 $0xFFFFD000  }
0xed: {  	[tilespmem:s21], [sflag:$0x2] =	stream.indirect.gather [hbm4b:s4+s19], $0x80, s31, s19, $0xb8;
	[tilespmem:$0x1DE00] =	vst v63  }
0xee: {  	_ = 	snop  }
0xef: {  	[spmem:s2] =	stream.indirect.scatter.add.f32 [tilespmem:s24], [sflag:$0x5], $0x80, s1, s19, $0xb8;
	[tilespmem:$0x1DE00] =	vst v63  }
0xf0: {  	_ =	swait.ge [sflag:s18], $0x3000  }
0xf1: {  	[sflag:s18] =	ssyncset.done $0x0  }
0xf2: {  	[sflag:s18] =	ssyncadd.s32 $0xFFFFD000  }
0xf3: {  	_ =	swait.ge [sflag:s23], $0x3000  }
0xf4: {  	[sflag:s23] =	ssyncset.done $0x0  }
0xf5: {  	[sflag:s23] =	ssyncadd.s32 $0xFFFFD000  }
0xf6: {  	[tilespmem:s24], [sflag:$0x3] =	stream.indirect.gather [hbm4b:s4+s19], $0x80, s0, s19, $0xb8;
	[tilespmem:$0x1DE00] =	vst v63  }
0xf7: {  	_ = 	snop  }
0xf8: {  	[spmem:s2] =	stream.indirect.scatter.add.f32 [tilespmem:s17], [sflag:$0x5], $0x80, s7, s19, $0xb8;
	[tilespmem:$0x1DE00] =	vst v63  }
0xf9: {  	_ =	swait.ge [sflag:s18], $0x3000  }
0xfa: {  	[sflag:s18] =	ssyncset.done $0x0  }
0xfb: {  	[sflag:s18] =	ssyncadd.s32 $0xFFFFD000  }
0xfc: {  	_ =	swait.ge [sflag:s28], $0x900  }
0xfd: {  	[sflag:s28] =	ssyncset.done $0x0  }
0xfe: {  	[sflag:s28] =	ssyncadd.s32 $0xFFFFF700  }
0xff: {  	_ =	swait.ge [sflag:s25], $0x3000  }
0x100: {  	[sflag:s25] =	ssyncset.done $0x0  }
0x101: {  	[sflag:s25] =	ssyncadd.s32 $0xFFFFD000  }
0x102: {  	[tilespmem:s17], [sflag:$0x1] =	stream.indirect.gather [hbm4b:s4+s19], $0x80, s3, s19, $0xb8;
	[tilespmem:$0x1DE00] =	vst v63  }
0x103: {  	_ = 	snop  }
0x104: {  	[spmem:s2] =	stream.indirect.scatter.add.f32 [tilespmem:s21], [sflag:$0x5], $0x80, s8, s19, $0xb8;
	[tilespmem:$0x1DE00] =	vst v63  }
0x105: {  	_ =	swait.ge [sflag:s18], $0x3000  }
0x106: {  	[sflag:s18] =	ssyncset.done $0x0  }
0x107: {  	[sflag:s18] =	ssyncadd.s32 $0xFFFFD000  }
0x108: {  	_ =	swait.ge [sflag:s26], $0x3000  }
0x109: {  	[sflag:s26] =	ssyncset.done $0x0  }
0x10a: {  	[sflag:s26] =	ssyncadd.s32 $0xFFFFD000  }
0x10b: {  	[tilespmem:s21], [sflag:$0x2] =	stream.indirect.gather [hbm4b:s4+s19], $0x80, s20, s19, $0xb8;
	[tilespmem:$0x1DE00] =	vst v63  }
0x10c: {  	_ = 	snop  }
0x10d: {  	[spmem:s2] =	stream.indirect.scatter.add.f32 [tilespmem:s24], [sflag:$0x5], $0x80, s9, s19, $0xb8;
	[tilespmem:$0x1DE00] =	vst v63  }
0x10e: {  	_ =	swait.ge [sflag:s18], $0x3000  }
0x10f: {  	s11 =	simm.s32 $0x2;
	s16 =	smov.u32 s12;
	[sflag:s18] =	ssyncset.done $0x0  }
.LBB2_4:
0x110: {  	[sflag:s18] =	ssyncadd.s32 $0xFFFFD000;
	s16 =	sadd.s32 $0x240, s16  }
0x111: {  	[tilespmem:s22], [sflag:$0x4] =	stream.linear.gather [hbm4b:s16+s3], $0x900, $0x38;
	[tilespmem:$0x1DE00] =	vst v63  }
0x112: {  	_ =	swait.ge [sflag:s23], $0x3000  }
0x113: {  	[sflag:s23] =	ssyncset.done $0x0  }
0x114: {  	s14 =	rddreg [dreg:$0x4];
	[sflag:s23] =	ssyncadd.s32 $0xFFFFD000  }
0x115: {  	[tilespmem:s24], [sflag:$0x3] =	stream.indirect.gather [hbm4b:s4+s19], $0x80, s14, s19, $0xb8;
	[tilespmem:$0x1DE00] =	vst v63  }
0x116: {  	s15 =	rddreg [dreg:$0x5]  }
0x117: {  	[spmem:s2] =	stream.indirect.scatter.add.f32 [tilespmem:s17], [sflag:$0x5], $0x80, s15, s19, $0xb8;
	[tilespmem:$0x1DE00] =	vst v63  }
0x118: {  	_ =	swait.ge [sflag:s18], $0x3000  }
0x119: {  	[sflag:s18] =	ssyncset.done $0x0  }
0x11a: {  	[sflag:s18] =	ssyncadd.s32 $0xFFFFD000  }
0x11b: {  	_ =	swait.ge [sflag:s25], $0x3000  }
0x11c: {  	[sflag:s25] =	ssyncset.done $0x0  }
0x11d: {  	s14 =	rddreg [dreg:$0x6];
	[sflag:s25] =	ssyncadd.s32 $0xFFFFD000  }
0x11e: {  	[tilespmem:s17], [sflag:$0x1] =	stream.indirect.gather [hbm4b:s4+s19], $0x80, s14, s19, $0xb8;
	[tilespmem:$0x1DE00] =	vst v63  }
0x11f: {  	s15 =	rddreg [dreg:$0x7]  }
0x120: {  	[spmem:s2] =	stream.indirect.scatter.add.f32 [tilespmem:s21], [sflag:$0x5], $0x80, s15, s19, $0xb8;
	[tilespmem:$0x1DE00] =	vst v63  }
0x121: {  	_ =	swait.ge [sflag:s18], $0x3000  }
0x122: {  	[sflag:s18] =	ssyncset.done $0x0  }
0x123: {  	[sflag:s18] =	ssyncadd.s32 $0xFFFFD000  }
0x124: {  	_ =	swait.ge [sflag:s26], $0x3000  }
0x125: {  	[sflag:s26] =	ssyncset.done $0x0  }
0x126: {  	s14 =	rddreg [dreg:$0x8];
	[sflag:s26] =	ssyncadd.s32 $0xFFFFD000  }
0x127: {  	[tilespmem:s21], [sflag:$0x2] =	stream.indirect.gather [hbm4b:s4+s19], $0x80, s14, s19, $0xb8;
	[tilespmem:$0x1DE00] =	vst v63  }
0x128: {  	s15 =	rddreg [dreg:$0x9]  }
0x129: {  	[spmem:s2] =	stream.indirect.scatter.add.f32 [tilespmem:s24], [sflag:$0x5], $0x80, s15, s19, $0xb8;
	[tilespmem:$0x1DE00] =	vst v63  }
0x12a: {  	_ =	swait.ge [sflag:s18], $0x3000  }
0x12b: {  	[sflag:s18] =	ssyncset.done $0x0  }
0x12c: {  	[sflag:s18] =	ssyncadd.s32 $0xFFFFD000  }
0x12d: {  	_ =	swait.ge [sflag:s23], $0x3000  }
0x12e: {  	[sflag:s23] =	ssyncset.done $0x0  }
0x12f: {  	s14 =	rddreg [dreg:$0xa];
	[sflag:s23] =	ssyncadd.s32 $0xFFFFD000  }
0x130: {  	[tilespmem:s24], [sflag:$0x3] =	stream.indirect.gather [hbm4b:s4+s19], $0x80, s14, s19, $0xb8;
	[tilespmem:$0x1DE00] =	vst v63  }
0x131: {  	s15 =	rddreg [dreg:$0xb]  }
0x132: {  	[spmem:s2] =	stream.indirect.scatter.add.f32 [tilespmem:s17], [sflag:$0x5], $0x80, s15, s19, $0xb8;
	[tilespmem:$0x1DE00] =	vst v63  }
0x133: {  	_ =	swait.ge [sflag:s18], $0x3000  }
0x134: {  	[sflag:s18] =	ssyncset.done $0x0  }
0x135: {  	[sflag:s18] =	ssyncadd.s32 $0xFFFFD000  }
0x136: {  	_ =	swait.ge [sflag:s25], $0x3000  }
0x137: {  	[sflag:s25] =	ssyncset.done $0x0  }
0x138: {  	s14 =	rddreg [dreg:$0xc];
	[sflag:s25] =	ssyncadd.s32 $0xFFFFD000  }
0x139: {  	[tilespmem:s17], [sflag:$0x1] =	stream.indirect.gather [hbm4b:s4+s19], $0x80, s14, s19, $0xb8;
	[tilespmem:$0x1DE00] =	vst v63  }
0x13a: {  	s15 =	rddreg [dreg:$0xd]  }
0x13b: {  	[spmem:s2] =	stream.indirect.scatter.add.f32 [tilespmem:s21], [sflag:$0x5], $0x80, s15, s19, $0xb8;
	[tilespmem:$0x1DE00] =	vst v63  }
0x13c: {  	_ =	swait.ge [sflag:s18], $0x3000  }
0x13d: {  	[sflag:s18] =	ssyncset.done $0x0  }
0x13e: {  	[sflag:s18] =	ssyncadd.s32 $0xFFFFD000  }
0x13f: {  	_ =	swait.ge [sflag:s26], $0x3000  }
0x140: {  	[sflag:s26] =	ssyncset.done $0x0  }
0x141: {  	s14 =	rddreg [dreg:$0xe];
	[sflag:s26] =	ssyncadd.s32 $0xFFFFD000  }
0x142: {  	[tilespmem:s21], [sflag:$0x2] =	stream.indirect.gather [hbm4b:s4+s19], $0x80, s14, s19, $0xb8;
	[tilespmem:$0x1DE00] =	vst v63  }
0x143: {  	s15 =	rddreg [dreg:$0xf]  }
0x144: {  	[spmem:s2] =	stream.indirect.scatter.add.f32 [tilespmem:s24], [sflag:$0x5], $0x80, s15, s19, $0xb8;
	[tilespmem:$0x1DE00] =	vst v63  }
0x145: {  	_ =	swait.ge [sflag:s18], $0x3000  }
0x146: {  	[sflag:s18] =	ssyncset.done $0x0  }
0x147: {  	[sflag:s18] =	ssyncadd.s32 $0xFFFFD000  }
0x148: {  	_ =	swait.ge [sflag:s23], $0x3000  }
0x149: {  	[sflag:s23] =	ssyncset.done $0x0  }
0x14a: {  	s14 =	rddreg [dreg:$0x10];
	[sflag:s23] =	ssyncadd.s32 $0xFFFFD000  }
0x14b: {  	[tilespmem:s24], [sflag:$0x3] =	stream.indirect.gather [hbm4b:s4+s19], $0x80, s14, s19, $0xb8;
	[tilespmem:$0x1DE00] =	vst v63  }
0x14c: {  	s15 =	rddreg [dreg:$0x11]  }
0x14d: {  	[spmem:s2] =	stream.indirect.scatter.add.f32 [tilespmem:s17], [sflag:$0x5], $0x80, s15, s19, $0xb8;
	[tilespmem:$0x1DE00] =	vst v63  }
0x14e: {  	_ =	swait.ge [sflag:s18], $0x3000  }
0x14f: {  	[sflag:s18] =	ssyncset.done $0x0  }
0x150: {  	[sflag:s18] =	ssyncadd.s32 $0xFFFFD000  }
0x151: {  	_ =	swait.ge [sflag:s28], $0x900  }
0x152: {  	[sflag:s28] =	ssyncset.done $0x0  }
0x153: {  	[sflag:s28] =	ssyncadd.s32 $0xFFFFF700  }
0x154: {  	_ =	swait.ge [sflag:s25], $0x3000  }
0x155: {  	[sflag:s25] =	ssyncset.done $0x0  }
0x156: {  	[sflag:s25] =	ssyncadd.s32 $0xFFFFD000  }
0x157: {  	[tilespmem:s17], [sflag:$0x1] =	stream.indirect.gather [hbm4b:s4+s19], $0x80, s22, s19, $0xb8;
	[tilespmem:$0x1DE00] =	vst v63  }
0x158: {  	s15 =	rddreg [dreg:$0x12]  }
0x159: {  	[spmem:s2] =	stream.indirect.scatter.add.f32 [tilespmem:s21], [sflag:$0x5], $0x80, s15, s19, $0xb8;
	[tilespmem:$0x1DE00] =	vst v63  }
0x15a: {  	_ =	swait.ge [sflag:s18], $0x3000  }
0x15b: {  	[sflag:s18] =	ssyncset.done $0x0  }
0x15c: {  	[sflag:s18] =	ssyncadd.s32 $0xFFFFD000  }
0x15d: {  	_ =	swait.ge [sflag:s26], $0x3000  }
0x15e: {  	[sflag:s26] =	ssyncset.done $0x0  }
0x15f: {  	s13 =	smov.u32 s11;
	s14 =	rddreg [dreg:$0x13];
	[sflag:s26] =	ssyncadd.s32 $0xFFFFD000  }
0x160: {  	[tilespmem:s21], [sflag:$0x2] =	stream.indirect.gather [hbm4b:s4+s19], $0x80, s14, s19, $0xb8;
	[tilespmem:$0x1DE00] =	vst v63  }
0x161: {  	s13 =	smin.u32 s13, $0x9;
	s15 =	rddreg [dreg:$0x14]  }
0x162: {  	[spmem:s2] =	stream.indirect.scatter.add.f32 [tilespmem:s24], [sflag:$0x5], $0x80, s15, s19, $0xb8;
	[tilespmem:$0x1DE00] =	vst v63  }
0x163: {  	s13 =	smul.u32 $0x900, s13;
	_ =	swait.ge [sflag:s18], $0x3000  }
0x164: {  	s15 =	rddreg [dreg:$0x3]  }
0x165: {  	s13 =	sadd.s32 s13, s15  }
0x166: {  	[sflag:s18] =	ssyncset.done $0x0;
	s13 =	sshrl.u32 s13, $0x3  }
0x167: {  	[sflag:s18] =	ssyncadd.s32 $0xFFFFD000;
	s13 =	sadd.s32 s5, s13  }
0x168: {  	[tilespmem:s3], [sflag:$0x4] =	stream.linear.gather [hbm4b:s13+s3], $0x900, $0x38;
	[tilespmem:$0x1DE00] =	vst v63  }
0x169: {  	_ =	swait.ge [sflag:s23], $0x3000  }
0x16a: {  	[sflag:s23] =	ssyncset.done $0x0  }
0x16b: {  	s14 =	rddreg [dreg:$0x15];
	[sflag:s23] =	ssyncadd.s32 $0xFFFFD000  }
0x16c: {  	[tilespmem:s24], [sflag:$0x3] =	stream.indirect.gather [hbm4b:s4+s19], $0x80, s14, s19, $0xb8;
	[tilespmem:$0x1DE00] =	vst v63  }
0x16d: {  	s15 =	rddreg [dreg:$0x16]  }
0x16e: {  	[spmem:s2] =	stream.indirect.scatter.add.f32 [tilespmem:s17], [sflag:$0x5], $0x80, s15, s19, $0xb8;
	[tilespmem:$0x1DE00] =	vst v63  }
0x16f: {  	_ =	swait.ge [sflag:s18], $0x3000  }
0x170: {  	[sflag:s18] =	ssyncset.done $0x0  }
0x171: {  	[sflag:s18] =	ssyncadd.s32 $0xFFFFD000  }
0x172: {  	_ =	swait.ge [sflag:s25], $0x3000  }
0x173: {  	[sflag:s25] =	ssyncset.done $0x0  }
0x174: {  	s14 =	rddreg [dreg:$0x17];
	[sflag:s25] =	ssyncadd.s32 $0xFFFFD000  }
0x175: {  	[tilespmem:s17], [sflag:$0x1] =	stream.indirect.gather [hbm4b:s4+s19], $0x80, s14, s19, $0xb8;
	[tilespmem:$0x1DE00] =	vst v63  }
0x176: {  	s15 =	rddreg [dreg:$0x18]  }
0x177: {  	[spmem:s2] =	stream.indirect.scatter.add.f32 [tilespmem:s21], [sflag:$0x5], $0x80, s15, s19, $0xb8;
	[tilespmem:$0x1DE00] =	vst v63  }
0x178: {  	_ =	swait.ge [sflag:s18], $0x3000  }
0x179: {  	[sflag:s18] =	ssyncset.done $0x0  }
0x17a: {  	[sflag:s18] =	ssyncadd.s32 $0xFFFFD000  }
0x17b: {  	_ =	swait.ge [sflag:s26], $0x3000  }
0x17c: {  	[sflag:s26] =	ssyncset.done $0x0  }
0x17d: {  	s14 =	rddreg [dreg:$0x19];
	[sflag:s26] =	ssyncadd.s32 $0xFFFFD000  }
0x17e: {  	[tilespmem:s21], [sflag:$0x2] =	stream.indirect.gather [hbm4b:s4+s19], $0x80, s14, s19, $0xb8;
	[tilespmem:$0x1DE00] =	vst v63  }
0x17f: {  	s15 =	rddreg [dreg:$0x1a]  }
0x180: {  	[spmem:s2] =	stream.indirect.scatter.add.f32 [tilespmem:s24], [sflag:$0x5], $0x80, s15, s19, $0xb8;
	[tilespmem:$0x1DE00] =	vst v63  }
0x181: {  	_ =	swait.ge [sflag:s18], $0x3000  }
0x182: {  	[sflag:s18] =	ssyncset.done $0x0  }
0x183: {  	[sflag:s18] =	ssyncadd.s32 $0xFFFFD000  }
0x184: {  	_ =	swait.ge [sflag:s23], $0x3000  }
0x185: {  	[sflag:s23] =	ssyncset.done $0x0  }
0x186: {  	s14 =	rddreg [dreg:$0x1b];
	[sflag:s23] =	ssyncadd.s32 $0xFFFFD000  }
0x187: {  	[tilespmem:s24], [sflag:$0x3] =	stream.indirect.gather [hbm4b:s4+s19], $0x80, s14, s19, $0xb8;
	[tilespmem:$0x1DE00] =	vst v63  }
0x188: {  	s15 =	rddreg [dreg:$0x1c]  }
0x189: {  	[spmem:s2] =	stream.indirect.scatter.add.f32 [tilespmem:s17], [sflag:$0x5], $0x80, s15, s19, $0xb8;
	[tilespmem:$0x1DE00] =	vst v63  }
0x18a: {  	_ =	swait.ge [sflag:s18], $0x3000  }
0x18b: {  	[sflag:s18] =	ssyncset.done $0x0  }
0x18c: {  	[sflag:s18] =	ssyncadd.s32 $0xFFFFD000  }
0x18d: {  	_ =	swait.ge [sflag:s25], $0x3000  }
0x18e: {  	[sflag:s25] =	ssyncset.done $0x0  }
0x18f: {  	[sflag:s25] =	ssyncadd.s32 $0xFFFFD000  }
0x190: {  	[tilespmem:s17], [sflag:$0x1] =	stream.indirect.gather [hbm4b:s4+s19], $0x80, s29, s19, $0xb8;
	[tilespmem:$0x1DE00] =	vst v63  }
0x191: {  	_ = 	snop  }
0x192: {  	[spmem:s2] =	stream.indirect.scatter.add.f32 [tilespmem:s21], [sflag:$0x5], $0x80, s30, s19, $0xb8;
	[tilespmem:$0x1DE00] =	vst v63  }
0x193: {  	_ =	swait.ge [sflag:s18], $0x3000  }
0x194: {  	[sflag:s18] =	ssyncset.done $0x0  }
0x195: {  	[sflag:s18] =	ssyncadd.s32 $0xFFFFD000  }
0x196: {  	_ =	swait.ge [sflag:s26], $0x3000  }
0x197: {  	[sflag:s26] =	ssyncset.done $0x0  }
0x198: {  	[sflag:s26] =	ssyncadd.s32 $0xFFFFD000  }
0x199: {  	[tilespmem:s21], [sflag:$0x2] =	stream.indirect.gather [hbm4b:s4+s19], $0x80, s31, s19, $0xb8;
	[tilespmem:$0x1DE00] =	vst v63  }
0x19a: {  	_ = 	snop  }
0x19b: {  	[spmem:s2] =	stream.indirect.scatter.add.f32 [tilespmem:s24], [sflag:$0x5], $0x80, s1, s19, $0xb8;
	[tilespmem:$0x1DE00] =	vst v63  }
0x19c: {  	_ =	swait.ge [sflag:s18], $0x3000  }
0x19d: {  	[sflag:s18] =	ssyncset.done $0x0  }
0x19e: {  	[sflag:s18] =	ssyncadd.s32 $0xFFFFD000  }
0x19f: {  	_ =	swait.ge [sflag:s23], $0x3000  }
0x1a0: {  	[sflag:s23] =	ssyncset.done $0x0  }
0x1a1: {  	[sflag:s23] =	ssyncadd.s32 $0xFFFFD000  }
0x1a2: {  	[tilespmem:s24], [sflag:$0x3] =	stream.indirect.gather [hbm4b:s4+s19], $0x80, s0, s19, $0xb8;
	[tilespmem:$0x1DE00] =	vst v63  }
0x1a3: {  	_ = 	snop  }
0x1a4: {  	[spmem:s2] =	stream.indirect.scatter.add.f32 [tilespmem:s17], [sflag:$0x5], $0x80, s7, s19, $0xb8;
	[tilespmem:$0x1DE00] =	vst v63  }
0x1a5: {  	_ =	swait.ge [sflag:s18], $0x3000  }
0x1a6: {  	[sflag:s18] =	ssyncset.done $0x0  }
0x1a7: {  	[sflag:s18] =	ssyncadd.s32 $0xFFFFD000  }
0x1a8: {  	_ =	swait.ge [sflag:s28], $0x900  }
0x1a9: {  	[sflag:s28] =	ssyncset.done $0x0  }
0x1aa: {  	[sflag:s28] =	ssyncadd.s32 $0xFFFFF700  }
0x1ab: {  	_ =	swait.ge [sflag:s25], $0x3000  }
0x1ac: {  	[sflag:s25] =	ssyncset.done $0x0  }
0x1ad: {  	[sflag:s25] =	ssyncadd.s32 $0xFFFFD000  }
0x1ae: {  	[tilespmem:s17], [sflag:$0x1] =	stream.indirect.gather [hbm4b:s4+s19], $0x80, s3, s19, $0xb8;
	[tilespmem:$0x1DE00] =	vst v63  }
0x1af: {  	_ = 	snop  }
0x1b0: {  	[spmem:s2] =	stream.indirect.scatter.add.f32 [tilespmem:s21], [sflag:$0x5], $0x80, s8, s19, $0xb8;
	[tilespmem:$0x1DE00] =	vst v63  }
0x1b1: {  	_ =	swait.ge [sflag:s18], $0x3000  }
0x1b2: {  	[sflag:s18] =	ssyncset.done $0x0  }
0x1b3: {  	[sflag:s18] =	ssyncadd.s32 $0xFFFFD000  }
0x1b4: {  	_ =	swait.ge [sflag:s26], $0x3000  }
0x1b5: {  	[sflag:s26] =	ssyncset.done $0x0  }
0x1b6: {  	p0 =	sne.s32 s11, $0xA;
	[sflag:s26] =	ssyncadd.s32 $0xFFFFD000  }
0x1b7: {  	[tilespmem:s21], [sflag:$0x2] =	stream.indirect.gather [hbm4b:s4+s19], $0x80, s20, s19, $0xb8;
	[tilespmem:$0x1DE00] =	vst v63  }
.Ltmp1:
0x1b8: {  	_ = 	snop;
	(pc) =	sbr.rel @p0 .LBB2_4-.Ltmp1, $4  }
0x1b9: {  	_ = 	snop  }
0x1ba: {  	[spmem:s2] =	stream.indirect.scatter.add.f32 [tilespmem:s24], [sflag:$0x5], $0x80, s9, s19, $0xb8;
	[tilespmem:$0x1DE00] =	vst v63  }
0x1bb: {  	_ =	swait.ge [sflag:s18], $0x3000  }
0x1bc: {  	s11 =	sadd.s32 $0x2, s11;
	[sflag:s18] =	ssyncset.done $0x0  }
0x1bd: {  	[sflag:s18] =	ssyncadd.s32 $0xFFFFD000  }
0x1be: {  	_ =	swait.ge [sflag:s23], $0x3000  }
0x1bf: {  	[sflag:s23] =	ssyncset.done $0x0  }
0x1c0: {  	[sflag:s23] =	ssyncadd.s32 $0xFFFFD000  }
0x1c1: {  	_ =	swait.ge [sflag:s25], $0x3000  }
0x1c2: {  	[sflag:s25] =	ssyncset.done $0x0  }
0x1c3: {  	s11 =	stileid.u32;
	[sflag:s25] =	ssyncadd.s32 $0xFFFFD000  }
0x1c4: {  	s11 =	sshll.u32 s11, $0x6;
	[bflag:$0x0] =	sbarrier.arrive $0xFFFF  }
0x1c5: {  	s13 =	sshrl.u32 s6, $0x3;
	s11 =	sor.u32 $0x1C05, s11;
	s14 =	rddreg [dreg:$0x1f]  }
0x1c6: {  	[hbm:s14], [sflag:s11] =	dma.local [spmem:s13], $0x2780  }
0x1c7: {  	_ =	swait.ge [sflag:s18], $0x2780  }
0x1c8: {  	s16 =	sld [smem:$0x7F8];
	_ =	sdelay $0x1  }
0x1c9: {  	s10 =	sadd.s32 $0x1, s10  }
0x1ca: {  	p0 =	sne.s32 s10, s16  }
.Ltmp2:
0x1cb: {  	_ = 	snop;
	(pc) =	sbr.rel @p0 .LBB2_1-.Ltmp2, $3  }
0x1cc: {  	_ =	sdelay $0x1  }
0x1cd: {  	[sflag:s18] =	ssyncset.done $0x0  }
0x1ce: {  	[sflag:s18] =	ssyncadd.s32 $0xFFFFD880  }
0x1cf: {  	_ =	sfence.sel $0x180000  }
0x1d0: {  	[bflag:$0x0] =	sbarrier.arrive $0xFFFF  }
0x1d1: {  	_ =	strace $0x9000004D  }
0x1d2: {  	s0 =	stileid.u32;
	[bflag:$0x2] =	sbarrier.arrive $0xFFFF  }
0x1d3: {  	p0 =	sne.s32 s0, $0x0;
	s0 =	rddreg [dreg:$0x2]  }
0x1d4: {  	s0 =	sadd.s32 @!p0 $0x100000, s0  }
0x1d5: {  	[sflag:s0] =	ssyncadd.tile.s32 @!p0 $0x1;
	_ =	shalt  }
.Lfunc_end2:
_tile_overlayer_lowered:
.L_overlay_start_2:
0x1d6: {  	(tag) =	ssettag $0x2  }
0x1d7: {  	s0 =	rddreg [dreg:$0x0];
	s2 =	stileid.u32  }
0x1d8: {  	s1 =	rddreg [dreg:$0x1];
	p0 =	sne.s32 s2, $0x0  }
0x1d9: {  	s3 =	rddreg [dreg:$0x2];
	[bflag:$0x3] =	sbarrier.arrive $0xFFFF;
	s2 =	simm.s32 @!p0 $0x1C05  }
0x1da: {  	[timem:s3], [sflag:s2] =	dma.local @!p0 [hbm:s0], s1  }
0x1db: {  	s0 =	simm.s32 @!p0 $0x5  }
0x1dc: {  	_ =	swait.ge @!p0 [sflag:s0], s1  }
0x1dd: {  	s1 =	ssub.s32 @!p0 $0x0, s1;
	[sflag:s0] =	ssyncset.done @!p0 $0x0  }
0x1de: {  	[sflag:s0] =	ssyncadd.s32 @!p0 s1  }
0x1df: {  	[bflag:$0x3] =	sbarrier.arrive $0xFFFF  }
0x1e0: {  	_ =	shalt  }

// kernel: kernel.9.cloned.1.call-start
scs
__scs_entry_jumppad:
0x0: {  	(pc) =	sbr.rel $0x88, $3  }
0x1: {  	(tag) =	ssettag $0x0;
	lr =	simm.s32 $0x1  }
0x2: {  	[smem:$0x3F99] =	sst lr;
	_ =	strace $0xD0000000  }
0x3: {  	_ = 	snop  }
0x4: {  	_ = 	snop  }
0x5: {  	_ = 	snop  }
0x6: {  	_ = 	snop  }
0x7: {  	_ = 	snop  }
__scs_overlays_trampoline_lowered:
0x8: {  	[smem:$0x3FA8] =	sst s0  }
0x9: {  	[smem:$0x3FA9] =	sst s1  }
0xa: {  	[smem:$0x3FAA] =	sst s2  }
0xb: {  	[smem:$0x3FAB] =	sst s3  }
0xc: {  	[smem:$0x3FAC] =	sst s4  }
0xd: {  	[smem:$0x3FAD] =	sst s5  }
0xe: {  	[smem:$0x3FAE] =	sst s6  }
0xf: {  	[smem:$0x3FAF] =	sst s7  }
0x10: {  	[smem:$0x3FB0] =	sst s8  }
0x11: {  	[smem:$0x3FB1] =	sst s9;
	s0 =	simm.s32 @!p0 $0x0  }
0x12: {  	s1 =	sld [smem:$0x3F97];
	s0 =	simm.s32 @p0 $0x1  }
0x13: {  	[smem:$0x3FB2] =	sst s0;
	s0 =	simm.s32 @!p1 $0x0  }
0x14: {  	s2 =	sld [smem:$0x3F96];
	s0 =	simm.s32 @p1 $0x1  }
0x15: {  	[smem:$0x3FB3] =	sst s0;
	s0 =	simm.s32 @!p2 $0x0  }
0x16: {  	s3 =	sld [smem:$0x3FDB];
	s0 =	simm.s32 @p2 $0x1  }
0x17: {  	s4 =	simm.s32 $0x1BF5;
	[smem:$0x3FB5] =	sst s0  }
0x18: {  	s0 =	sld [smem:$0x3F98];
	_ =	swait.ge [sflag:s4], $0x0  }
0x19: {  	s7 =	sld [smem:$0x3F99]  }
0x1a: {  	s8 =	sadd.s32 $0xFFFFE003, lr  }
0x1b: {  	s9 =	sadd.s32 $0xFFFFFEF7, lr;
	s5 =	simm.s32 $0xFFFFFFFF;
	p2 =	slt.u32 s8, $0xFFFFF086  }
0x1c: {  	p1 =	slt.u32 s9, $0xF7A;
	s5 =	simm.s32 @!p2 $0x0  }
0x1d: {  	s5 =	simm.s32 @p1 $0x1;
	p0 =	seq.s32 s7, s2  }
0x1e: {  	s7 =	smul.u32 @!p0 $0xF7A, s2;
	p2 =	seq.s32 @!p0 s5, $0x0  }
0x1f: {  	s9 =	smul.u32 $0xF7A, s1;
	s8 =	simm.s32 @!p0 $0x1BF5;
	p2 =	por !p2, p0  }
0x20: {  	[sflag:s8] =	ssyncset.s32 @!p0 $0xFFFFF086;
	s6 =	sadd.s32 @!p0 s3, s7;
	s7 =	simm.s32 @!p0 $0x108  }
0x21: {  	s3 =	sadd.s32 s3, s9;
	s6 =	sadd.s32 @!p0 $0x88, s6;
	s7 =	simm.s32 @p2 $0x1082  }
0x22: {  	[simem:s7], [sflag:s8] =	dma.local @!p0 [hbm:s6], $0xF7A  }
0x23: {  	s9 =	sor.u32 $0xD0000000, s2;
	s6 =	simm.s32 $0x108;
	_ =	swait.ge @!p0 [sflag:s8], $0x0  }
0x24: {  	s3 =	sadd.s32 $0x88, s3;
	s6 =	simm.s32 @!p1 $0x1082;
	[sflag:s4] =	ssyncset.s32 $0xFFFFF086  }
0x25: {  	[simem:s6], [sflag:s4] =	dma.local [hbm:s3], $0xF7A  }
0x26: {  	[smem:$0x3F99] =	sst s1;
	(tag) =	ssettag s2;
	_ =	strace s9  }
0x27: {  	s1 =	sld [smem:$0x3FA9]  }
0x28: {  	s2 =	sld [smem:$0x3FAA]  }
0x29: {  	s4 =	sld [smem:$0x3FAC]  }
0x2a: {  	p0 =	seq.s32 s5, $0x0;
	s5 =	sld [smem:$0x3FAD]  }
0x2b: {  	s6 =	sld [smem:$0x3FAE]  }
0x2c: {  	s7 =	sld [smem:$0x3FAF]  }
0x2d: {  	s3 =	simm.s32 $0x108;
	s8 =	sld [smem:$0x3FB0]  }
0x2e: {  	s3 =	simm.s32 @!p0 $0x1082;
	s9 =	sld [smem:$0x3FB1]  }
0x2f: {  	lr =	sadd.s32 s0, s3;
	s0 =	sld [smem:$0x3FA8]  }
0x30: {  	s3 =	sld [smem:$0x3FAB]  }
0x31: {  	[smem:$0x3FB4] =	sst s10  }
0x32: {  	s10 =	sld [smem:$0x3FB2];
	_ =	sdelay $0x3  }
0x33: {  	p0 =	seq.s32 s10, $0x1;
	s10 =	sld [smem:$0x3FB4];
	_ =	sdelay $0x3  }
0x34: {  	[smem:$0x3FB4] =	sst s10  }
0x35: {  	s10 =	sld [smem:$0x3FB3];
	_ =	sdelay $0x3  }
0x36: {  	p1 =	seq.s32 s10, $0x1;
	s10 =	sld [smem:$0x3FB4];
	_ =	sdelay $0x3  }
0x37: {  	[smem:$0x3FB4] =	sst s10  }
0x38: {  	s10 =	sld [smem:$0x3FB5]  }
0x39: {  	_ = 	snop;
	(pc) =	sbr.ind lr, $3  }
0x3a: {  	_ = 	snop  }
0x3b: {  	_ = 	snop  }
0x3c: {  	p2 =	seq.s32 s10, $0x1;
	s10 =	sld [smem:$0x3FB4]  }
0x3d: {  	_ =	shalt  }
0x3e: {  	_ =	shalt  }
0x3f: {  	_ =	shalt  }
0x40: {  	_ =	shalt  }
0x41: {  	_ =	shalt  }
0x42: {  	_ =	shalt  }
0x43: {  	_ =	shalt  }
0x44: {  	_ =	shalt  }
0x45: {  	_ =	shalt  }
0x46: {  	_ =	shalt  }
0x47: {  	_ =	shalt  }
0x48: {  	_ =	shalt  }
0x49: {  	_ =	shalt  }
0x4a: {  	_ =	shalt  }
0x4b: {  	_ =	shalt  }
0x4c: {  	_ =	shalt  }
0x4d: {  	_ =	shalt  }
0x4e: {  	_ =	shalt  }
0x4f: {  	_ =	shalt  }
0x50: {  	_ =	shalt  }
0x51: {  	_ =	shalt  }
0x52: {  	_ =	shalt  }
0x53: {  	_ =	shalt  }
0x54: {  	_ =	shalt  }
0x55: {  	_ =	shalt  }
0x56: {  	_ =	shalt  }
0x57: {  	_ =	shalt  }
0x58: {  	_ =	shalt  }
0x59: {  	_ =	shalt  }
0x5a: {  	_ =	shalt  }
0x5b: {  	_ =	shalt  }
0x5c: {  	_ =	shalt  }
0x5d: {  	_ =	shalt  }
0x5e: {  	_ =	shalt  }
0x5f: {  	_ =	shalt  }
0x60: {  	_ =	shalt  }
0x61: {  	_ =	shalt  }
0x62: {  	_ =	shalt  }
0x63: {  	_ =	shalt  }
0x64: {  	_ =	shalt  }
0x65: {  	_ =	shalt  }
0x66: {  	_ =	shalt  }
0x67: {  	_ =	shalt  }
0x68: {  	_ =	shalt  }
0x69: {  	_ =	shalt  }
0x6a: {  	_ =	shalt  }
0x6b: {  	_ =	shalt  }
0x6c: {  	_ =	shalt  }
0x6d: {  	_ =	shalt  }
0x6e: {  	_ =	shalt  }
0x6f: {  	_ =	shalt  }
0x70: {  	_ =	shalt  }
0x71: {  	_ =	shalt  }
0x72: {  	_ =	shalt  }
0x73: {  	_ =	shalt  }
0x74: {  	_ =	shalt  }
0x75: {  	_ =	shalt  }
0x76: {  	_ =	shalt  }
0x77: {  	_ =	shalt  }
0x78: {  	_ =	shalt  }
0x79: {  	_ =	shalt  }
0x7a: {  	_ =	shalt  }
0x7b: {  	_ =	shalt  }
0x7c: {  	_ =	shalt  }
0x7d: {  	_ =	shalt  }
0x7e: {  	_ =	shalt  }
0x7f: {  	_ =	shalt  }
0x80: {  	_ =	shalt  }
0x81: {  	_ =	shalt  }
0x82: {  	_ =	shalt  }
0x83: {  	_ =	shalt  }
0x84: {  	_ =	shalt  }
0x85: {  	_ =	shalt  }
0x86: {  	_ =	shalt  }
0x87: {  	_ =	shalt  }
.Lfunc_end0:
.L_simem_size_0:
called_computation_lowered:
.L_overlay_start_0:
0x88: {  	s2 =	sld [smem:$0x3FD9]  }
0x89: {  	s3 =	sld [smem:$0x3FFE];
	_ =	sdelay $0x1  }
0x8a: {  	s1 =	srdreg.scid  }
0x8b: {  	s0 =	sand.u32 $0x1, s1  }
0x8c: {  	s16 =	sshll.u32 s0, $0xA;
	s2 =	sadd.s32 s3, s2  }
0x8d: {  	s2 =	sadd.s32 s2, s16  }
0x8e: {  	[smem:$0x3FC0] =	sst s2  }
0x8f: {  	_ = 	snop  }
0x90: {  	(tm) =	ssettm $0x1  }
0x91: {  	s17 =	sld [smem:$0x3FFB];
	_ =	sdelay $0x3  }
0x92: {  	_ =	strace s17  }
0x93: {  	s2 =	sld [smem:$0x3FFC];
	_ =	sdelay $0x3  }
0x94: {  	_ =	strace s2  }
0x95: {  	s2 =	sld [smem:$0x3FFD];
	_ =	sdelay $0x3  }
0x96: {  	_ =	strace s2  }
0x97: {  	_ =	strace $0x8FFFFFFF  }
0x98: {  	s18 =	sld [smem:$0x3FDB];
	_ =	sdelay $0x1  }
0x99: {  	s19 =	simm.s32 $_scs_section_size  }
0x9a: {  	s4 =	simm.s32 $_size__tile_overlayer_lowered;
	s5 =	simm.s32 $_tile_overlayer_lowered  }
0x9b: {  	s22 =	simm.s32 $0x1BFF;
	s21 =	sshll.u32 s5, $0x1;
	s2 =	sadd.s32 s19, s18  }
0x9c: {  	s6 =	simm.s32 $0x0;
	s20 =	sshll.u32 s4, $0x1;
	s4 =	sadd.s32 s21, s2  }
0x9d: {  	[timem:s6], [sflag:s22] =	dma.local [hbm:s4], s20  }
0x9e: {  	_ =	swait.ge [sflag:s22], s20  }
0x9f: {  	s3 =	ssub.s32 $0x0, s20;
	[sflag:s22] =	ssyncset.done $0x0  }
0xa0: {  	[sflag:s22] =	ssyncadd.s32 s3;
	_ =	sdelay $0x1  }
0xa1: {  	s23 =	simm.s32 $0x1B8B  }
0xa2: {  	_ =	swait.ge [sflag:s23], $0x1  }
0xa3: {  	[sflag:s23] =	ssyncset.done $0x0  }
0xa4: {  	s25 =	simm.s32 $0x1B8E;
	s24 =	sld [smem:$0x3FFE];
	[sflag:s23] =	ssyncadd.s32 $0xFFFFFFFF  }
0xa5: {  	s26 =	simm.s32 $execute0_lowered;
	[smem:$0x3FD2] =	sst s25  }
0xa6: {  	s4 =	sshll.u32 s26, $0x1;
	_ =	strace $0x80000046;
	[dreg:$0x1] =	wrdreg $0xFFFFFFFF  }
0xa7: {  	s28 =	simm.s32 $_size_execute0_lowered;
	s2 =	sadd.s32 s2, s4;
	[dreg:$0x0] =	wrdreg $0x0  }
0xa8: {  	s4 =	sshll.u32 s28, $0x1;
	[dreg:$0x2] =	wrdreg s2  }
0xa9: {  	[dreg:$0x3] =	wrdreg s4  }
0xaa: {  	[dreg:$0x4] =	wrdreg $0xC0  }
0xab: {  	_ =	task [dreg:s6], $0x5FFFF  }
0xac: {  	[dreg:$0x1] =	wrdreg $0xFFFFFFFF  }
0xad: {  	[dreg:$0x0] =	wrdreg $0x60  }
0xae: {  	[dreg:$0x2] =	wrdreg s24  }
0xaf: {  	[dreg:$0x3] =	wrdreg $0x3B000  }
0xb0: {  	[dreg:$0x4] =	wrdreg $0x9  }
0xb1: {  	_ =	task.clear_ibuf [dreg:s6], $0x5FFFF;
	_ =	strace $0x90000046  }
0xb2: {  	s29 =	simm.s32 $0x9;
	_ =	strace $0x80000048  }
0xb3: {  	_ =	swait.ge [sflag:s29], $0x1  }
0xb4: {  	[sflag:s29] =	ssyncadd.s32 $0xFFFFFFFF  }
0xb5: {  	_ =	strace $0x90000048  }
0xb6: {  	_ =	sfence  }
0xb7: {  	s30 =	sld [smem:$0x0];
	_ =	sdelay $0x2  }
0xb8: {  	s31 =	sshll.u32 s1, $0xD;
	s1 =	sshrl.u32 s1, $0x2  }
0xb9: {  	s3 =	sand.u32 $0x4000, s31;
	s1 =	sadd.s32 s1, s30  }
0xba: {  	s0 =	sor.u32 s3, s0;
	s1 =	sshll.u32 s1, $0x11  }
0xbb: {  	s0 =	sor.u32 s1, s0  }
0xbc: {  	s0 =	sadd.s32 $0x8F2B, s0  }
0xbd: {  	[sflag:s0] =	ssyncadd.remote.s32 $0x1  }
0xbe: {  	_ =	sfence.sel $0xFFFF  }
0xbf: {  	[dreg:$0x0] =	wrdreg $0xFFFFFFFF;
	(pc) =	sbr.abs _section_cstart, $3  }
0xc0: {  	[dreg:$0x1] =	wrdreg $0xFFFFFFFF  }
0xc1: {  	_ =	task.clear_ibuf [dreg:s6], $0x2FFFF;
	_ =	strace $0x9FFFFFFF  }
0xc2: {  	(tm) =	ssettm $0x7FFFFFFF  }
0xc3: {  	_ =	shalt  }
tec
execute0_lowered:
.L_overlay_start_1:
0x0: {  	(tag) =	ssettag $0x1  }
0x1: {  	s4 =	rddreg [dreg:$0x0];
	s0 =	srdreg.scid  }
0x2: {  	s2 =	rddreg [dreg:$0x1];
	s1 =	stileid.u32;
	s3 =	simm.s32 $0x0  }
0x3: {  	s10 =	simm.s32 $0x60;
	s11 =	simm.s32 $0x3800;
	s14 =	simm.s32 $0x20  }
0x4: {  	s15 =	simm.s32 $0x10;
	s16 =	simm.s32 $0x0;
	s7 =	smul.u32 $0x3800, s1  }
0x5: {  	s5 =	sand.u32 $0x1, s0;
	s0 =	rddreg [dreg:$0x2];
	s8 =	smul.u32 $0x500, s1  }
0x6: {  	[smem:$0x7FF] =	sst s3;
	s30 =	smul.u32 $0xA00, s1;
	s12 =	sshll.u32 s1, $0x6  }
0x7: {  	s6 =	smul.u32 $0x38000, s5;
	s29 =	sshll.u32 s5, $0x7;
	s5 =	ssub.s32 $0x2, s5  }
0x8: {  	_ =	strace $0x80000047;
	s12 =	sor.u32 $0x1C01, s12;
	s31 =	sshrl.u32 s5, $0x1  }
0x9: {  	s6 =	sadd.s32 s7, s6;
	s7 =	sor.u32 s29, s8;
	s8 =	sshrl.u32 s30, $0x2  }
0xa: {  	s9 =	ssub.s32 s5, s31;
	s6 =	sshrl.u32 s6, $0x3;
	s7 =	sshrl.u32 s7, $0x3  }
0xb: {  	s5 =	sadd.s32 s8, s2;
	s8 =	simm.s32 $0x1;
	s6 =	sadd.s32 s6, s4  }
0xc: {  	s7 =	sadd.s32 s7, s4;
	s13 =	sshrl.u32 s5, $0x3;
	s4 =	sadd.s32 $0x2C00, s6  }
0xd: {  	v0 =	vimm.f32 $1.000000000e+00;
	v1 =	vimm.f32 $0.0e+00;
	s6 =	sadd.s32 $0x10C00, s7;
	s7 =	smax.u32 s9, $0x1;
	s9 =	simm.s32 $0x3880  }
.LBB2_1:
0xe: {  	[tilespmem:s3], [sflag:$0x1] =	stream.linear.gather [hbm4b:s4+s3], $0x3600, $0x38;
	[tilespmem:$0x3D80] =	vst v63  }
0xf: {  	_ =	swait.ge [sflag:s8], $0x3600  }
0x10: {  	[sflag:s8] =	ssyncset.done $0x0  }
0x11: {  	[sflag:s8] =	ssyncadd.s32 $0xFFFFCA00  }
0x12: {  	[tilespmem:$0x3800] =	vst v0  }
0x13: {  	[tilespmem:$0x3810] =	vst v0  }
0x14: {  	[tilespmem:$0x3820] =	vst v0  }
0x15: {  	[tilespmem:$0x3830] =	vst v0  }
0x16: {  	[tilespmem:$0x3840] =	vst v0  }
0x17: {  	[tilespmem:$0x3850] =	vst v0  }
0x18: {  	[tilespmem:$0x3880] =	vst v1  }
0x19: {  	[tilespmem:$0x3890] =	vst v1  }
0x1a: {  	[tilespmem:$0x38A0] =	vst v1  }
0x1b: {  	[tilespmem:$0x38B0] =	vst v1  }
0x1c: {  	[tilespmem:$0x38C0] =	vst v1  }
0x1d: {  	[tilespmem:$0x38D0] =	vst v1  }
0x1e: {  	[tilespmem:$0x38E0] =	vst v1  }
0x1f: {  	[tilespmem:$0x38F0] =	vst v1  }
0x20: {  	[tilespmem:$0x3900] =	vst v1  }
0x21: {  	[tilespmem:$0x3910] =	vst v1  }
0x22: {  	[tilespmem:$0x3920] =	vst v1  }
0x23: {  	[tilespmem:$0x3930] =	vst v1  }
0x24: {  	[tilespmem:$0x3940] =	vst v1  }
0x25: {  	[tilespmem:$0x3950] =	vst v1  }
0x26: {  	[tilespmem:$0x3960] =	vst v1  }
0x27: {  	[tilespmem:$0x3970] =	vst v1  }
0x28: {  	[tilespmem:$0x3980] =	vst v1  }
0x29: {  	[tilespmem:$0x3990] =	vst v1  }
0x2a: {  	[tilespmem:$0x39A0] =	vst v1  }
0x2b: {  	[tilespmem:$0x39B0] =	vst v1  }
0x2c: {  	[tilespmem:$0x39C0] =	vst v1  }
0x2d: {  	[tilespmem:$0x39D0] =	vst v1  }
0x2e: {  	[tilespmem:$0x39E0] =	vst v1  }
0x2f: {  	[tilespmem:$0x39F0] =	vst v1  }
0x30: {  	[tilespmem:$0x3A00] =	vst v1  }
0x31: {  	[tilespmem:$0x3A10] =	vst v1  }
0x32: {  	[tilespmem:$0x3A20] =	vst v1  }
0x33: {  	[tilespmem:$0x3A30] =	vst v1  }
0x34: {  	[tilespmem:$0x3A40] =	vst v1  }
0x35: {  	[tilespmem:$0x3A50] =	vst v1  }
0x36: {  	[tilespmem:$0x3A60] =	vst v1  }
0x37: {  	[tilespmem:$0x3A70] =	vst v1  }
0x38: {  	[tilespmem:$0x3A80] =	vst v1  }
0x39: {  	[tilespmem:$0x3A90] =	vst v1  }
0x3a: {  	[tilespmem:$0x3AA0] =	vst v1  }
0x3b: {  	[tilespmem:$0x3AB0] =	vst v1  }
0x3c: {  	[tilespmem:$0x3AC0] =	vst v1  }
0x3d: {  	[tilespmem:$0x3AD0] =	vst v1  }
0x3e: {  	[tilespmem:$0x3AE0] =	vst v1  }
0x3f: {  	[tilespmem:$0x3AF0] =	vst v1  }
0x40: {  	[spmem:s5] =	stream.linear.scatter [tilespmem:s9], [sflag:$0x1], $0x280, $0x38;
	[tilespmem:$0x3D80] =	vst v63  }
0x41: {  	_ =	swait.ge [sflag:s8], $0x280  }
0x42: {  	[sflag:s8] =	ssyncset.done $0x0  }
0x43: {  	[sflag:s8] =	ssyncadd.s32 $0xFFFFFD80  }
0x44: {  	s17 =	simm.s32 $0x0;
	[bflag:$0x0] =	sbarrier.arrive $0xFFFF  }
0x45: {  	[spmem:s2] =	stream.indirect.scatter.add.f32 [tilespmem:s11], [sflag:$0x1], $0x1, s17, s10, $0xb8;
	[tilespmem:$0x3D80] =	vst v63  }
0x46: {  	_ =	swait.ge [sflag:s8], $0x60  }
0x47: {  	s17 =	simm.s32 $0x200;
	[sflag:s8] =	ssyncset.done $0x0  }
.LBB2_2:
0x48: {  	s18 =	sshra.s32 s17, $0x2;
	[sflag:s8] =	ssyncadd.s32 $0xFFFFFFA0;
	p0 =	sne.s32 s17, $0xD600  }
0x49: {  	[spmem:s2] =	stream.indirect.scatter.add.f32 [tilespmem:s11], [sflag:$0x1], $0x1, s18, s10, $0xb8;
	[tilespmem:$0x3D80] =	vst v63  }
.Ltmp0:
0x4a: {  	_ = 	snop;
	(pc) =	sbr.rel @p0 .LBB2_2-.Ltmp0, $4  }
0x4b: {  	_ = 	snop  }
0x4c: {  	s17 =	sadd.s32 $0x200, s17  }
0x4d: {  	_ =	swait.ge [sflag:s8], $0x60  }
0x4e: {  	[sflag:s8] =	ssyncset.done $0x0  }
0x4f: {  	s16 =	sadd.s32 $0x1, s16  }
0x50: {  	[sflag:s8] =	ssyncadd.s32 $0xFFFFFFA0;
	p0 =	sne.s32 s16, s7  }
.Ltmp1:
0x51: {  	[bflag:$0x0] =	sbarrier.arrive $0xFFFF;
	(pc) =	sbr.rel @p0 .LBB2_1-.Ltmp1, $4  }
0x52: {  	[hbm:s6@s14], [sflag:s12] =	dma.strided [spmem:s13@s15], $0x50, s8, $0x10   }
0x53: {  	_ =	swait.ge [sflag:s8], $0x50  }
0x54: {  	[sflag:s8] =	ssyncset.done $0x0  }
0x55: {  	[sflag:s8] =	ssyncadd.s32 $0xFFFFFFB0  }
0x56: {  	_ =	sfence.sel $0x180000  }
0x57: {  	[bflag:$0x0] =	sbarrier.arrive $0xFFFF  }
0x58: {  	p0 =	sne.s32 s1, $0x0;
	_ =	strace $0x90000047  }
0x59: {  	s0 =	sadd.s32 @!p0 $0x100000, s0;
	[bflag:$0x2] =	sbarrier.arrive $0xFFFF  }
0x5a: {  	[sflag:s0] =	ssyncadd.tile.s32 @!p0 $0x1;
	_ =	shalt  }
.Lfunc_end2:
_tile_overlayer_lowered:
.L_overlay_start_2:
0x5b: {  	(tag) =	ssettag $0x2  }
0x5c: {  	s0 =	rddreg [dreg:$0x0];
	s2 =	stileid.u32  }
0x5d: {  	s1 =	rddreg [dreg:$0x1];
	p0 =	sne.s32 s2, $0x0  }
0x5e: {  	s3 =	rddreg [dreg:$0x2];
	[bflag:$0x3] =	sbarrier.arrive $0xFFFF;
	s2 =	simm.s32 @!p0 $0x1C01  }
0x5f: {  	[timem:s3], [sflag:s2] =	dma.local @!p0 [hbm:s0], s1  }
0x60: {  	s0 =	simm.s32 @!p0 $0x1  }
0x61: {  	_ =	swait.ge @!p0 [sflag:s0], s1  }
0x62: {  	s1 =	ssub.s32 @!p0 $0x0, s1;
	[sflag:s0] =	ssyncset.done @!p0 $0x0  }
0x63: {  	[sflag:s0] =	ssyncadd.s32 @!p0 s1  }
0x64: {  	[bflag:$0x3] =	sbarrier.arrive $0xFFFF  }
0x65: {  	_ =	shalt  }

</sc_bundles>
